<compile_context>
chip_gen: v7x
topology: tpu7x:2x2x1
jax: 0.10.2.dev20260603
libtpu: 0.0.44.dev20260713+nightly
codegen_flags: <defaults>
</compile_context>

<pallas_src>
import functools

import jax
import jax.numpy as jnp
from jax import lax
from jax.experimental import pallas as pl
from jax.experimental.pallas import tpu as pltpu
from jax.experimental.pallas import tpu_sc as plsc

_N = 10000
_E = 320000
_F = 128
_LANES = 16
_NC = 2
_NS = 16
_NW = _NC * _NS

_EPT = _E // _NW
_K = 40
_NCHUNK = _EPT // _K
_NBUF = 5
_NP = 10240
_RPT = _NP // _NS
_KD = 80


def _sc_mesh():
    return plsc.VectorSubcoreMesh(core_axis_name="c", subcore_axis_name="s")


def _sc_degrees(eidx):

    ept = _E // _NS
    nchunk = ept // _KD

    @functools.partial(
        pl.kernel,
        out_type=jax.ShapeDtypeStruct((_NC, _NP, _F), jnp.float32),
        mesh=_sc_mesh(),
        scratch_types=[
            pltpu.VMEM((ept,), jnp.int32),
            pltpu.VMEM((_KD, _F), jnp.float32),
            pltpu.SemaphoreType.DMA,
            pltpu.SemaphoreType.DMA,
            pltpu.VMEM_SHARED((_NP, _F), jnp.float32),
        ],
    )
    def k(eidx_h, out_h, idx_v, ones_v, sem, ssem, cnt_sh):
        c = lax.axis_index("c")
        s = lax.axis_index("s")

        cp = pltpu.async_copy(eidx_h.at[pl.ds(c * _E + s * ept, ept)],
                              idx_v, sem)

        def fill(val):
            def f(i, _):
                ones_v[i // (_F // _LANES),
                       pl.ds((i % (_F // _LANES)) * _LANES, _LANES)] = (
                           jnp.full((_LANES,), val, jnp.float32))
                return 0
            lax.fori_loop(0, _KD * (_F // _LANES), f, 0)

        fill(0.0)
        for t in range(_RPT // _KD):
            pltpu.sync_copy(ones_v,
                            cnt_sh.at[pl.ds(s * _RPT + t * _KD, _KD)])
        fill(1.0)
        cp.wait()
        plsc.subcore_barrier()

        def body(o, _):
            for b in range(5):
                j = o * 5 + b
                pltpu.async_copy(ones_v,
                                 cnt_sh.at[idx_v.at[pl.ds(j * _KD, _KD)]],
                                 ssem, add=True)
            for b in range(5):
                pltpu.make_async_copy(ones_v,
                                      cnt_sh.at[idx_v.at[pl.ds(0, _KD)]],
                                      ssem).wait()
            return 0

        lax.fori_loop(0, nchunk // 5, body, 0)
        plsc.subcore_barrier()

        pltpu.sync_copy(cnt_sh.at[pl.ds(s * _RPT, _RPT)],
                        out_h.at[c, pl.ds(s * _RPT, _RPT)])

    return k(eidx)


def _sc_agg(p, src, dst):

    @functools.partial(
        pl.kernel,
        out_type=jax.ShapeDtypeStruct((_NC, _NP, _F), jnp.float32),
        mesh=_sc_mesh(),
        scratch_types=[
            pltpu.VMEM((_EPT,), jnp.int32),
            pltpu.VMEM((_EPT,), jnp.int32),
            [pltpu.VMEM((_K, _F), jnp.float32) for _ in range(_NBUF)],
            [pltpu.SemaphoreType.DMA for _ in range(_NBUF)],
            pltpu.VMEM_SHARED((_NP, _F), jnp.float32),
        ],
    )
    def k(p_h, src_h, dst_h, out_h, sidx, didx, rows, gsem, agg_sh):
        c = lax.axis_index("c")
        s = lax.axis_index("s")
        tbase = c * (_E // _NC) + s * _EPT

        cps = pltpu.async_copy(src_h.at[pl.ds(tbase, _EPT)], sidx, gsem[0])
        cpd = pltpu.async_copy(dst_h.at[pl.ds(tbase, _EPT)], didx, gsem[1])

        def zrow(i, _):
            rows[0][i // (_F // _LANES),
                    pl.ds((i % (_F // _LANES)) * _LANES, _LANES)] = (
                        jnp.zeros((_LANES,), jnp.float32))
            return 0

        lax.fori_loop(0, _K * (_F // _LANES), zrow, 0)
        for t in range(_RPT // _K):
            pltpu.sync_copy(rows[0],
                            agg_sh.at[pl.ds(s * _RPT + t * _K, _K)])
        cps.wait()
        cpd.wait()
        plsc.subcore_barrier()

        for b in range(_NBUF):
            pltpu.async_copy(p_h.at[sidx.at[pl.ds(b * _K, _K)]], rows[b],
                             gsem[b])

        def outer(o, _):
            for b in range(_NBUF):
                j = o * _NBUF + b
                pltpu.make_async_copy(p_h.at[sidx.at[pl.ds(0, _K)]],
                                      rows[b], gsem[b]).wait()
                pltpu.sync_copy(rows[b],
                                agg_sh.at[didx.at[pl.ds(j * _K, _K)]],
                                add=True)

                @pl.when(j + _NBUF < _NCHUNK)
                def _():
                    pltpu.async_copy(
                        p_h.at[sidx.at[pl.ds((j + _NBUF) * _K, _K)]],
                        rows[b], gsem[b])
            return 0

        nmain = (_NCHUNK // _NBUF) * _NBUF
        lax.fori_loop(0, _NCHUNK // _NBUF, outer, 0)
        for j in range(nmain, _NCHUNK):
            b = j % _NBUF
            pltpu.make_async_copy(p_h.at[sidx.at[pl.ds(0, _K)]],
                                  rows[b], gsem[b]).wait()
            pltpu.sync_copy(rows[b],
                            agg_sh.at[didx.at[pl.ds(j * _K, _K)]],
                            add=True)
        plsc.subcore_barrier()

        pltpu.sync_copy(agg_sh.at[pl.ds(s * _RPT, _RPT)],
                        out_h.at[c, pl.ds(s * _RPT, _RPT)])

    return k(p, src, dst)


def _tc_prep(feat, deg):

    def body(feat_r, deg_r, hn_r, ns_r, nd_r):
        sdeg = deg_r[0, 0:_N, 0:1]
        ddeg = deg_r[1, 0:_N, 0:1]
        ns = lax.rsqrt(jnp.maximum(sdeg, 1.0))
        nd = lax.rsqrt(jnp.maximum(ddeg, 1.0))
        ns_r[...] = ns
        nd_r[...] = nd
        hn_r[...] = feat_r[...] * ns

    return pl.pallas_call(
        body,
        out_shape=[
            jax.ShapeDtypeStruct((_N, _F), jnp.float32),
            jax.ShapeDtypeStruct((_N, 1), jnp.float32),
            jax.ShapeDtypeStruct((_N, 1), jnp.float32),
        ],
    )(feat, deg)


def _tc_layer(parts, h, ns, nd, w, l, g, be):

    def body(parts_r, h_r, ns_r, nd_r, w_r, l_r, g_r, be_r, out_r, hn_r):
        agg = (parts_r[0, 0:_N] + parts_r[1, 0:_N]) * nd_r[...]
        pre = jnp.dot(agg, w_r[...], preferred_element_type=jnp.float32)
        pre = pre + jnp.dot(h_r[...], l_r[...],
                            preferred_element_type=jnp.float32)
        m = jnp.mean(pre, axis=0, keepdims=True)
        d = pre - m
        v = jnp.mean(d * d, axis=0, keepdims=True)
        y = d * lax.rsqrt(v + 1e-5) * g_r[...] + be_r[...]
        y = jnp.maximum(y, 0.0)
        out_r[...] = y
        hn_r[...] = y * ns_r[...]

    return pl.pallas_call(
        body,
        out_shape=[
            jax.ShapeDtypeStruct((_N, _F), jnp.float32),
            jax.ShapeDtypeStruct((_N, _F), jnp.float32),
        ],
    )(parts, h, ns, nd, w, l, g, be)


def _tc_final(parts, h, nd, w, b, l):

    def body(parts_r, h_r, nd_r, w_r, b_r, l_r, out_r):
        agg = (parts_r[0, 0:_N] + parts_r[1, 0:_N]) * nd_r[...]
        out = jnp.dot(agg, w_r[...], preferred_element_type=jnp.float32)
        out = out + jnp.dot(h_r[...], l_r[...],
                            preferred_element_type=jnp.float32)
        out_r[...] = out + b_r[...]

    c = w.shape[1]
    return pl.pallas_call(
        body,
        out_shape=jax.ShapeDtypeStruct((_N, c), jnp.float32),
    )(parts, h, nd, w, b, l)


def kernel(feat, edge_index, W0, W1, W2, b2, L0, L1, L2, g0, be0, g1, be1):
    src = edge_index[0]
    dst = edge_index[1]

    deg = _sc_degrees(edge_index.reshape(-1))
    hn0, ns, nd = _tc_prep(feat, deg)

    parts0 = _sc_agg(hn0, src, dst)
    h1, hn1 = _tc_layer(parts0, feat, ns, nd, W0, L0,
                        g0.reshape(1, -1), be0.reshape(1, -1))

    parts1 = _sc_agg(hn1, src, dst)
    h2, hn2 = _tc_layer(parts1, h1, ns, nd, W1, L1,
                        g1.reshape(1, -1), be1.reshape(1, -1))

    parts2 = _sc_agg(hn2, src, dst)
    return _tc_final(parts2, h2, nd, W2, b2.reshape(1, -1), L2)

# --- scband reference (transcript-rebuilt; emitter-appended) ---
"""Pipeline reference for scband-gcn-17721035063721 (READ-ONLY COPY).

The authoritative reference and input builder live on the scoring server;
editing this copy changes nothing except your own understanding.
"""

import jax, jax.numpy as jnp
import numpy as np

N = 10000
E = 320000
D = 128
H = 128
C = 40


def setup_inputs(seed: int = 0) -> dict:
    key = jax.random.key(seed)
    ks = jax.random.split(key, 16)
    feat = jax.random.normal(ks[0], (N, D), dtype=jnp.float32)
    edge_index = jax.random.randint(ks[1], (2, E), 0, N, dtype=jnp.int32)
    s = 0.05
    W0 = jax.random.normal(ks[2], (D, H), dtype=jnp.float32) * s
    W1 = jax.random.normal(ks[3], (H, H), dtype=jnp.float32) * s
    W2 = jax.random.normal(ks[4], (H, C), dtype=jnp.float32) * s
    b2 = jnp.zeros((C,), dtype=jnp.float32)
    L0 = jax.random.normal(ks[5], (D, H), dtype=jnp.float32) * s
    L1 = jax.random.normal(ks[6], (H, H), dtype=jnp.float32) * s
    L2 = jax.random.normal(ks[7], (H, C), dtype=jnp.float32) * s
    g0 = jnp.ones((H,), dtype=jnp.float32)
    be0 = jnp.zeros((H,), dtype=jnp.float32)
    g1 = jnp.ones((H,), dtype=jnp.float32)
    be1 = jnp.zeros((H,), dtype=jnp.float32)
    return {"feat": feat, "edge_index": edge_index, "W0": W0, "W1": W1, "W2": W2,
            "b2": b2, "L0": L0, "L1": L1, "L2": L2, "g0": g0, "be0": be0,
            "g1": g1, "be1": be1}


def _bn(h, g, b):
    m = jnp.mean(h, axis=0)
    v = jnp.var(h, axis=0)
    return (h - m) / jnp.sqrt(v + 1e-5) * g + b


def reference(feat, edge_index, W0, W1, W2, b2, L0, L1, L2, g0, be0, g1, be1):
    src = edge_index[0]
    dst = edge_index[1]
    out_deg = jnp.clip(jnp.bincount(src, length=N), 1)
    in_deg = jnp.clip(jnp.bincount(dst, length=N), 1)
    ns = out_deg.astype(jnp.float32) ** -0.5
    nd = in_deg.astype(jnp.float32) ** -0.5

    def conv(h, W, bias=None):
        hn = h * ns[:, None]
        agg = jax.ops.segment_sum(hn[src], dst, num_segments=N)
        agg = agg * nd[:, None]
        out = agg @ W
        if bias is not None:
            out = out + bias
        return out

    h = feat  # dropout0 is identity in eval mode
    h = conv(h, W0) + h @ L0
    h = jax.nn.relu(_bn(h, g0, be0))
    h = conv(h, W1) + h @ L1
    h = jax.nn.relu(_bn(h, g1, be1))
    h = conv(h, W2, b2) + h @ L2
    return h

if __name__ == "__main__":
    import jax
    _d = setup_inputs()
    print(jax.jit(kernel)(*tuple(_d.values())))

</pallas_src>

<mosaic_0001>
#map = affine_map<(d0, d1) -> (0, 0)>
#map1 = affine_map<(d0, d1) -> (0)>
#map2 = affine_map<(d0, d1) -> (0, 0, 0)>
module attributes {stable_mosaic.version = 14 : i64} {
  func.func @k(%arg0: i32, %arg1: i32, %arg2: memref<10000x128xf32, #tpu.memory_space<hbm>>, %arg3: memref<320000xi32, #tpu.memory_space<hbm>>, %arg4: memref<320000xi32, #tpu.memory_space<hbm>>, %arg5: memref<2x10240x128xf32, #tpu.memory_space<hbm>>, %arg6: memref<10000xi32, #tpu.memory_space<vmem>>, %arg7: memref<10000xi32, #tpu.memory_space<vmem>>, %arg8: memref<40x128xf32, #tpu.memory_space<vmem>>, %arg9: memref<40x128xf32, #tpu.memory_space<vmem>>, %arg10: memref<40x128xf32, #tpu.memory_space<vmem>>, %arg11: memref<40x128xf32, #tpu.memory_space<vmem>>, %arg12: memref<40x128xf32, #tpu.memory_space<vmem>>, %arg13: memref<!tpu.dma_semaphore, #tpu.memory_space<semaphore_mem>>, %arg14: memref<!tpu.dma_semaphore, #tpu.memory_space<semaphore_mem>>, %arg15: memref<!tpu.dma_semaphore, #tpu.memory_space<semaphore_mem>>, %arg16: memref<!tpu.dma_semaphore, #tpu.memory_space<semaphore_mem>>, %arg17: memref<!tpu.dma_semaphore, #tpu.memory_space<semaphore_mem>>, %arg18: memref<10240x128xf32, #tpu.memory_space<vmem_shared>>) attributes {dimension_semantics = [#tpu.dimension_semantics<core_parallel>, #tpu.dimension_semantics<subcore_parallel>], iteration_bounds = array<i64: 2, 16>, scalar_prefetch = 0 : i64, scratch_operands = 13 : i64, tpu.core_type = #tpu.core_type<sc_vector_subcore>, window_params = [{transform_indices = #map}, {transform_indices = #map1}, {transform_indices = #map1}, {transform_indices = #map2}]} {
    %mul3A = arith.constant 160000 : i32
    %mul3A_0 = arith.muli %arg0, %mul3A : i32
    %mul3A_1 = arith.constant 10000 : i32
    %mul3A_2 = arith.muli %arg1, %mul3A_1 : i32
    %add3A = arith.addi %mul3A_0, %mul3A_2 : i32
    %dma_start3A = tpu.memref_slice %arg3[%add3A] : memref<320000xi32, #tpu.memory_space<hbm>> -> memref<10000xi32, #tpu.memory_space<hbm>>
    %dma_start3A_3 = tpu.memref_slice %arg3[%add3A] : memref<320000xi32, #tpu.memory_space<hbm>> -> memref<10000xi32, #tpu.memory_space<hbm>>
    tpu.enqueue_dma source(%dma_start3A_3 : memref<10000xi32, #tpu.memory_space<hbm>>) target(%arg6 : memref<10000xi32, #tpu.memory_space<vmem>>) target_semaphore(%arg13 : memref<!tpu.dma_semaphore, #tpu.memory_space<semaphore_mem>>)
    %dma_start3A_4 = tpu.memref_slice %arg4[%add3A] : memref<320000xi32, #tpu.memory_space<hbm>> -> memref<10000xi32, #tpu.memory_space<hbm>>
    %dma_start3A_5 = tpu.memref_slice %arg4[%add3A] : memref<320000xi32, #tpu.memory_space<hbm>> -> memref<10000xi32, #tpu.memory_space<hbm>>
    tpu.enqueue_dma source(%dma_start3A_5 : memref<10000xi32, #tpu.memory_space<hbm>>) target(%arg7 : memref<10000xi32, #tpu.memory_space<vmem>>) target_semaphore(%arg14 : memref<!tpu.dma_semaphore, #tpu.memory_space<semaphore_mem>>)
    %scan3A = arith.constant 0 : i32
    %scan3A_6 = arith.constant 0 : i32
    %scan3A_7 = arith.constant 320 : i32
    %scan3A_8 = arith.addi %scan3A_6, %scan3A_7 : i32
    %scan3A_9 = arith.constant 1 : i32
    %scan3A_10 = scf.for %scan3A_116 = %scan3A_6 to %scan3A_8 step %scan3A_9 iter_args(%scan3A_117 = %scan3A) -> (i32)  : i32 {
      %broadcast_in_dim3A = arith.constant 0.000000e+00 : f32
      %broadcast_in_dim3A_118 = vector.broadcast %broadcast_in_dim3A : f32 to vector<16xf32>
      %jit3A = arith.constant 8 : i32
      %div3A = arith.divsi %scan3A_116, %jit3A : i32
      %sign3A = arith.constant 0 : i32
      %sign3A_119 = arith.cmpi sgt, %scan3A_116, %sign3A : i32
      %sign3A_120 = arith.extui %sign3A_119 : i1 to i32
      %sign3A_121 = arith.constant 0 : i32
      %sign3A_122 = arith.cmpi slt, %scan3A_116, %sign3A_121 : i32
      %sign3A_123 = arith.extui %sign3A_122 : i1 to i32
      %sign3A_124 = arith.subi %sign3A_120, %sign3A_123 : i32
      %sign3A_125 = arith.constant 0 : i32
      %sign3A_126 = arith.cmpi sgt, %jit3A, %sign3A_125 : i32
      %sign3A_127 = arith.extui %sign3A_126 : i1 to i32
      %sign3A_128 = arith.constant 0 : i32
      %sign3A_129 = arith.cmpi slt, %jit3A, %sign3A_128 : i32
      %sign3A_130 = arith.extui %sign3A_129 : i1 to i32
      %sign3A_131 = arith.subi %sign3A_127, %sign3A_130 : i32
      %ne3A = arith.cmpi ne, %sign3A_124, %sign3A_131 : i32
      %rem3A = arith.remsi %scan3A_116, %jit3A : i32
      %ne3A_132 = arith.constant 0 : i32
      %ne3A_133 = arith.cmpi ne, %rem3A, %ne3A_132 : i32
      %and3A = arith.andi %ne3A, %ne3A_133 : i1
      %sub3A = arith.constant 1 : i32
      %sub3A_134 = arith.subi %div3A, %sub3A : i32
      %select_n3A = arith.select %and3A, %sub3A_134, %div3A : i32
      %jit3A_135 = arith.constant 8 : i32
      %eq3A = arith.constant 0 : i32
      %eq3A_136 = arith.cmpi eq, %jit3A_135, %eq3A : i32
      %jit3A_137 = arith.constant 1 : i32
      %select_n3A_138 = arith.select %eq3A_136, %jit3A_137, %jit3A_135 : i32
      %rem3A_139 = arith.remsi %scan3A_116, %select_n3A_138 : i32
      %ne3A_140 = arith.constant 0 : i32
      %ne3A_141 = arith.cmpi ne, %rem3A_139, %ne3A_140 : i32
      %lt3A = arith.constant 0 : i32
      %lt3A_142 = arith.cmpi slt, %rem3A_139, %lt3A : i32
      %lt3A_143 = arith.constant 0 : i32
      %lt3A_144 = arith.cmpi slt, %select_n3A_138, %lt3A_143 : i32
      %ne3A_145 = arith.xori %lt3A_142, %lt3A_144 : i1
      %and3A_146 = arith.andi %ne3A_145, %ne3A_141 : i1
      %add3A_147 = arith.addi %rem3A_139, %select_n3A_138 : i32
      %select_n3A_148 = arith.select %and3A_146, %add3A_147, %rem3A_139 : i32
      %mul3A_149 = arith.constant 16 : i32
      %mul3A_150 = arith.muli %select_n3A_148, %mul3A_149 : i32
      %swap3A = arith.index_cast %select_n3A : i32 to index
      %swap3A_151 = arith.index_cast %mul3A_150 : i32 to index
      %swap3A_152 = tpu.vector_load %arg8[%swap3A, %swap3A_151] {strides = array<i32>} : memref<40x128xf32, #tpu.memory_space<vmem>>, vector<1x16xf32>,
      %swap3A_153 = vector.shape_cast %swap3A_152 : vector<1x16xf32> to vector<16xf32>
      %swap3A_154 = vector.shape_cast %broadcast_in_dim3A_118 : vector<16xf32> to vector<1x16xf32>
      tpu.vector_store %arg8[%swap3A, %swap3A_151], %swap3A_154 {strides = array<i32>} : memref<40x128xf32, #tpu.memory_space<vmem>>, vector<1x16xf32>,
      %scan3A_155 = arith.constant 0 : i32
      scf.yield %scan3A_155 : i32
    }
    %scan3A_11 = arith.constant 320 : i32
    %mul3A_12 = arith.constant 640 : i32
    %mul3A_13 = arith.muli %arg1, %mul3A_12 : i32
    %add3A_14 = arith.constant 0 : i32
    %add3A_15 = arith.addi %mul3A_13, %add3A_14 : i32
    "tpu.region"() ({
      %run_scoped3A = tpu.sem_alloc : memref<!tpu.dma_semaphore, #tpu.memory_space<semaphore_mem>>
      %dma_start3A_116 = arith.constant 0 : i32
      %dma_start3A_117 = tpu.memref_slice %arg18[%add3A_15, %dma_start3A_116] : memref<10240x128xf32, #tpu.memory_space<vmem_shared>> -> memref<40x128xf32, #tpu.memory_space<vmem_shared>>
      %dma_start3A_118 = arith.constant 0 : i32
      %dma_start3A_119 = tpu.memref_slice %arg18[%add3A_15, %dma_start3A_118] : memref<10240x128xf32, #tpu.memory_space<vmem_shared>> -> memref<40x128xf32, #tpu.memory_space<vmem_shared>>
      tpu.enqueue_dma source(%arg8 : memref<40x128xf32, #tpu.memory_space<vmem>>) target(%dma_start3A_119 : memref<40x128xf32, #tpu.memory_space<vmem_shared>>) target_semaphore(%run_scoped3A : memref<!tpu.dma_semaphore, #tpu.memory_space<semaphore_mem>>)
      %dma_wait3A_120 = arith.constant 0 : i32
      %dma_wait3A_121 = tpu.memref_slice %arg18[%add3A_15, %dma_wait3A_120] : memref<10240x128xf32, #tpu.memory_space<vmem_shared>> -> memref<40x128xf32, #tpu.memory_space<vmem_shared>>
      %dma_wait3A_122 = arith.constant 0 : i32
      %dma_wait3A_123 = tpu.memref_slice %arg18[%add3A_15, %dma_wait3A_122] : memref<10240x128xf32, #tpu.memory_space<vmem_shared>> -> memref<40x128xf32, #tpu.memory_space<vmem_shared>>
      tpu.wait_dma2 semaphore(%run_scoped3A : memref<!tpu.dma_semaphore, #tpu.memory_space<semaphore_mem>>) src(%arg8 : memref<40x128xf32, #tpu.memory_space<vmem>>) dst(%dma_wait3A_123 : memref<40x128xf32, #tpu.memory_space<vmem_shared>>)
      tpu.yield
    }) : () -> ()
    %mul3A_16 = arith.constant 640 : i32
    %mul3A_17 = arith.muli %arg1, %mul3A_16 : i32
    %add3A_18 = arith.constant 40 : i32
    %add3A_19 = arith.addi %mul3A_17, %add3A_18 : i32
    "tpu.region"() ({
      %run_scoped3A = tpu.sem_alloc : memref<!tpu.dma_semaphore, #tpu.memory_space<semaphore_mem>>
      %dma_start3A_116 = arith.constant 0 : i32
      %dma_start3A_117 = tpu.memref_slice %arg18[%add3A_19, %dma_start3A_116] : memref<10240x128xf32, #tpu.memory_space<vmem_shared>> -> memref<40x128xf32, #tpu.memory_space<vmem_shared>>
      %dma_start3A_118 = arith.constant 0 : i32
      %dma_start3A_119 = tpu.memref_slice %arg18[%add3A_19, %dma_start3A_118] : memref<10240x128xf32, #tpu.memory_space<vmem_shared>> -> memref<40x128xf32, #tpu.memory_space<vmem_shared>>
      tpu.enqueue_dma source(%arg8 : memref<40x128xf32, #tpu.memory_space<vmem>>) target(%dma_start3A_119 : memref<40x128xf32, #tpu.memory_space<vmem_shared>>) target_semaphore(%run_scoped3A : memref<!tpu.dma_semaphore, #tpu.memory_space<semaphore_mem>>)
      %dma_wait3A_120 = arith.constant 0 : i32
      %dma_wait3A_121 = tpu.memref_slice %arg18[%add3A_19, %dma_wait3A_120] : memref<10240x128xf32, #tpu.memory_space<vmem_shared>> -> memref<40x128xf32, #tpu.memory_space<vmem_shared>>
      %dma_wait3A_122 = arith.constant 0 : i32
      %dma_wait3A_123 = tpu.memref_slice %arg18[%add3A_19, %dma_wait3A_122] : memref<10240x128xf32, #tpu.memory_space<vmem_shared>> -> memref<40x128xf32, #tpu.memory_space<vmem_shared>>
      tpu.wait_dma2 semaphore(%run_scoped3A : memref<!tpu.dma_semaphore, #tpu.memory_space<semaphore_mem>>) src(%arg8 : memref<40x128xf32, #tpu.memory_space<vmem>>) dst(%dma_wait3A_123 : memref<40x128xf32, #tpu.memory_space<vmem_shared>>)
      tpu.yield
    }) : () -> ()
    %mul3A_20 = arith.constant 640 : i32
    %mul3A_21 = arith.muli %arg1, %mul3A_20 : i32
    %add3A_22 = arith.constant 80 : i32
    %add3A_23 = arith.addi %mul3A_21, %add3A_22 : i32
    "tpu.region"() ({
      %run_scoped3A = tpu.sem_alloc : memref<!tpu.dma_semaphore, #tpu.memory_space<semaphore_mem>>
      %dma_start3A_116 = arith.constant 0 : i32
      %dma_start3A_117 = tpu.memref_slice %arg18[%add3A_23, %dma_start3A_116] : memref<10240x128xf32, #tpu.memory_space<vmem_shared>> -> memref<40x128xf32, #tpu.memory_space<vmem_shared>>
      %dma_start3A_118 = arith.constant 0 : i32
      %dma_start3A_119 = tpu.memref_slice %arg18[%add3A_23, %dma_start3A_118] : memref<10240x128xf32, #tpu.memory_space<vmem_shared>> -> memref<40x128xf32, #tpu.memory_space<vmem_shared>>
      tpu.enqueue_dma source(%arg8 : memref<40x128xf32, #tpu.memory_space<vmem>>) target(%dma_start3A_119 : memref<40x128xf32, #tpu.memory_space<vmem_shared>>) target_semaphore(%run_scoped3A : memref<!tpu.dma_semaphore, #tpu.memory_space<semaphore_mem>>)
      %dma_wait3A_120 = arith.constant 0 : i32
      %dma_wait3A_121 = tpu.memref_slice %arg18[%add3A_23, %dma_wait3A_120] : memref<10240x128xf32, #tpu.memory_space<vmem_shared>> -> memref<40x128xf32, #tpu.memory_space<vmem_shared>>
      %dma_wait3A_122 = arith.constant 0 : i32
      %dma_wait3A_123 = tpu.memref_slice %arg18[%add3A_23, %dma_wait3A_122] : memref<10240x128xf32, #tpu.memory_space<vmem_shared>> -> memref<40x128xf32, #tpu.memory_space<vmem_shared>>
      tpu.wait_dma2 semaphore(%run_scoped3A : memref<!tpu.dma_semaphore, #tpu.memory_space<semaphore_mem>>) src(%arg8 : memref<40x128xf32, #tpu.memory_space<vmem>>) dst(%dma_wait3A_123 : memref<40x128xf32, #tpu.memory_space<vmem_shared>>)
      tpu.yield
    }) : () -> ()
    %mul3A_24 = arith.constant 640 : i32
    %mul3A_25 = arith.muli %arg1, %mul3A_24 : i32
    %add3A_26 = arith.constant 120 : i32
    %add3A_27 = arith.addi %mul3A_25, %add3A_26 : i32
    "tpu.region"() ({
      %run_scoped3A = tpu.sem_alloc : memref<!tpu.dma_semaphore, #tpu.memory_space<semaphore_mem>>
      %dma_start3A_116 = arith.constant 0 : i32
      %dma_start3A_117 = tpu.memref_slice %arg18[%add3A_27, %dma_start3A_116] : memref<10240x128xf32, #tpu.memory_space<vmem_shared>> -> memref<40x128xf32, #tpu.memory_space<vmem_shared>>
      %dma_start3A_118 = arith.constant 0 : i32
      %dma_start3A_119 = tpu.memref_slice %arg18[%add3A_27, %dma_start3A_118] : memref<10240x128xf32, #tpu.memory_space<vmem_shared>> -> memref<40x128xf32, #tpu.memory_space<vmem_shared>>
      tpu.enqueue_dma source(%arg8 : memref<40x128xf32, #tpu.memory_space<vmem>>) target(%dma_start3A_119 : memref<40x128xf32, #tpu.memory_space<vmem_shared>>) target_semaphore(%run_scoped3A : memref<!tpu.dma_semaphore, #tpu.memory_space<semaphore_mem>>)
      %dma_wait3A_120 = arith.constant 0 : i32
      %dma_wait3A_121 = tpu.memref_slice %arg18[%add3A_27, %dma_wait3A_120] : memref<10240x128xf32, #tpu.memory_space<vmem_shared>> -> memref<40x128xf32, #tpu.memory_space<vmem_shared>>
      %dma_wait3A_122 = arith.constant 0 : i32
      %dma_wait3A_123 = tpu.memref_slice %arg18[%add3A_27, %dma_wait3A_122] : memref<10240x128xf32, #tpu.memory_space<vmem_shared>> -> memref<40x128xf32, #tpu.memory_space<vmem_shared>>
      tpu.wait_dma2 semaphore(%run_scoped3A : memref<!tpu.dma_semaphore, #tpu.memory_space<semaphore_mem>>) src(%arg8 : memref<40x128xf32, #tpu.memory_space<vmem>>) dst(%dma_wait3A_123 : memref<40x128xf32, #tpu.memory_space<vmem_shared>>)
      tpu.yield
    }) : () -> ()
    %mul3A_28 = arith.constant 640 : i32
    %mul3A_29 = arith.muli %arg1, %mul3A_28 : i32
    %add3A_30 = arith.constant 160 : i32
    %add3A_31 = arith.addi %mul3A_29, %add3A_30 : i32
    "tpu.region"() ({
      %run_scoped3A = tpu.sem_alloc : memref<!tpu.dma_semaphore, #tpu.memory_space<semaphore_mem>>
      %dma_start3A_116 = arith.constant 0 : i32
      %dma_start3A_117 = tpu.memref_slice %arg18[%add3A_31, %dma_start3A_116] : memref<10240x128xf32, #tpu.memory_space<vmem_shared>> -> memref<40x128xf32, #tpu.memory_space<vmem_shared>>
      %dma_start3A_118 = arith.constant 0 : i32
      %dma_start3A_119 = tpu.memref_slice %arg18[%add3A_31, %dma_start3A_118] : memref<10240x128xf32, #tpu.memory_space<vmem_shared>> -> memref<40x128xf32, #tpu.memory_space<vmem_shared>>
      tpu.enqueue_dma source(%arg8 : memref<40x128xf32, #tpu.memory_space<vmem>>) target(%dma_start3A_119 : memref<40x128xf32, #tpu.memory_space<vmem_shared>>) target_semaphore(%run_scoped3A : memref<!tpu.dma_semaphore, #tpu.memory_space<semaphore_mem>>)
      %dma_wait3A_120 = arith.constant 0 : i32
      %dma_wait3A_121 = tpu.memref_slice %arg18[%add3A_31, %dma_wait3A_120] : memref<10240x128xf32, #tpu.memory_space<vmem_shared>> -> memref<40x128xf32, #tpu.memory_space<vmem_shared>>
      %dma_wait3A_122 = arith.constant 0 : i32
      %dma_wait3A_123 = tpu.memref_slice %arg18[%add3A_31, %dma_wait3A_122] : memref<10240x128xf32, #tpu.memory_space<vmem_shared>> -> memref<40x128xf32, #tpu.memory_space<vmem_shared>>
      tpu.wait_dma2 semaphore(%run_scoped3A : memref<!tpu.dma_semaphore, #tpu.memory_space<semaphore_mem>>) src(%arg8 : memref<40x128xf32, #tpu.memory_space<vmem>>) dst(%dma_wait3A_123 : memref<40x128xf32, #tpu.memory_space<vmem_shared>>)
      tpu.yield
    }) : () -> ()
    %mul3A_32 = arith.constant 640 : i32
    %mul3A_33 = arith.muli %arg1, %mul3A_32 : i32
    %add3A_34 = arith.constant 200 : i32
    %add3A_35 = arith.addi %mul3A_33, %add3A_34 : i32
    "tpu.region"() ({
      %run_scoped3A = tpu.sem_alloc : memref<!tpu.dma_semaphore, #tpu.memory_space<semaphore_mem>>
      %dma_start3A_116 = arith.constant 0 : i32
      %dma_start3A_117 = tpu.memref_slice %arg18[%add3A_35, %dma_start3A_116] : memref<10240x128xf32, #tpu.memory_space<vmem_shared>> -> memref<40x128xf32, #tpu.memory_space<vmem_shared>>
      %dma_start3A_118 = arith.constant 0 : i32
      %dma_start3A_119 = tpu.memref_slice %arg18[%add3A_35, %dma_start3A_118] : memref<10240x128xf32, #tpu.memory_space<vmem_shared>> -> memref<40x128xf32, #tpu.memory_space<vmem_shared>>
      tpu.enqueue_dma source(%arg8 : memref<40x128xf32, #tpu.memory_space<vmem>>) target(%dma_start3A_119 : memref<40x128xf32, #tpu.memory_space<vmem_shared>>) target_semaphore(%run_scoped3A : memref<!tpu.dma_semaphore, #tpu.memory_space<semaphore_mem>>)
      %dma_wait3A_120 = arith.constant 0 : i32
      %dma_wait3A_121 = tpu.memref_slice %arg18[%add3A_35, %dma_wait3A_120] : memref<10240x128xf32, #tpu.memory_space<vmem_shared>> -> memref<40x128xf32, #tpu.memory_space<vmem_shared>>
      %dma_wait3A_122 = arith.constant 0 : i32
      %dma_wait3A_123 = tpu.memref_slice %arg18[%add3A_35, %dma_wait3A_122] : memref<10240x128xf32, #tpu.memory_space<vmem_shared>> -> memref<40x128xf32, #tpu.memory_space<vmem_shared>>
      tpu.wait_dma2 semaphore(%run_scoped3A : memref<!tpu.dma_semaphore, #tpu.memory_space<semaphore_mem>>) src(%arg8 : memref<40x128xf32, #tpu.memory_space<vmem>>) dst(%dma_wait3A_123 : memref<40x128xf32, #tpu.memory_space<vmem_shared>>)
      tpu.yield
    }) : () -> ()
    %mul3A_36 = arith.constant 640 : i32
    %mul3A_37 = arith.muli %arg1, %mul3A_36 : i32
    %add3A_38 = arith.constant 240 : i32
    %add3A_39 = arith.addi %mul3A_37, %add3A_38 : i32
    "tpu.region"() ({
      %run_scoped3A = tpu.sem_alloc : memref<!tpu.dma_semaphore, #tpu.memory_space<semaphore_mem>>
      %dma_start3A_116 = arith.constant 0 : i32
      %dma_start3A_117 = tpu.memref_slice %arg18[%add3A_39, %dma_start3A_116] : memref<10240x128xf32, #tpu.memory_space<vmem_shared>> -> memref<40x128xf32, #tpu.memory_space<vmem_shared>>
      %dma_start3A_118 = arith.constant 0 : i32
      %dma_start3A_119 = tpu.memref_slice %arg18[%add3A_39, %dma_start3A_118] : memref<10240x128xf32, #tpu.memory_space<vmem_shared>> -> memref<40x128xf32, #tpu.memory_space<vmem_shared>>
      tpu.enqueue_dma source(%arg8 : memref<40x128xf32, #tpu.memory_space<vmem>>) target(%dma_start3A_119 : memref<40x128xf32, #tpu.memory_space<vmem_shared>>) target_semaphore(%run_scoped3A : memref<!tpu.dma_semaphore, #tpu.memory_space<semaphore_mem>>)
      %dma_wait3A_120 = arith.constant 0 : i32
      %dma_wait3A_121 = tpu.memref_slice %arg18[%add3A_39, %dma_wait3A_120] : memref<10240x128xf32, #tpu.memory_space<vmem_shared>> -> memref<40x128xf32, #tpu.memory_space<vmem_shared>>
      %dma_wait3A_122 = arith.constant 0 : i32
      %dma_wait3A_123 = tpu.memref_slice %arg18[%add3A_39, %dma_wait3A_122] : memref<10240x128xf32, #tpu.memory_space<vmem_shared>> -> memref<40x128xf32, #tpu.memory_space<vmem_shared>>
      tpu.wait_dma2 semaphore(%run_scoped3A : memref<!tpu.dma_semaphore, #tpu.memory_space<semaphore_mem>>) src(%arg8 : memref<40x128xf32, #tpu.memory_space<vmem>>) dst(%dma_wait3A_123 : memref<40x128xf32, #tpu.memory_space<vmem_shared>>)
      tpu.yield
    }) : () -> ()
    %mul3A_40 = arith.constant 640 : i32
    %mul3A_41 = arith.muli %arg1, %mul3A_40 : i32
    %add3A_42 = arith.constant 280 : i32
    %add3A_43 = arith.addi %mul3A_41, %add3A_42 : i32
    "tpu.region"() ({
      %run_scoped3A = tpu.sem_alloc : memref<!tpu.dma_semaphore, #tpu.memory_space<semaphore_mem>>
      %dma_start3A_116 = arith.constant 0 : i32
      %dma_start3A_117 = tpu.memref_slice %arg18[%add3A_43, %dma_start3A_116] : memref<10240x128xf32, #tpu.memory_space<vmem_shared>> -> memref<40x128xf32, #tpu.memory_space<vmem_shared>>
      %dma_start3A_118 = arith.constant 0 : i32
      %dma_start3A_119 = tpu.memref_slice %arg18[%add3A_43, %dma_start3A_118] : memref<10240x128xf32, #tpu.memory_space<vmem_shared>> -> memref<40x128xf32, #tpu.memory_space<vmem_shared>>
      tpu.enqueue_dma source(%arg8 : memref<40x128xf32, #tpu.memory_space<vmem>>) target(%dma_start3A_119 : memref<40x128xf32, #tpu.memory_space<vmem_shared>>) target_semaphore(%run_scoped3A : memref<!tpu.dma_semaphore, #tpu.memory_space<semaphore_mem>>)
      %dma_wait3A_120 = arith.constant 0 : i32
      %dma_wait3A_121 = tpu.memref_slice %arg18[%add3A_43, %dma_wait3A_120] : memref<10240x128xf32, #tpu.memory_space<vmem_shared>> -> memref<40x128xf32, #tpu.memory_space<vmem_shared>>
      %dma_wait3A_122 = arith.constant 0 : i32
      %dma_wait3A_123 = tpu.memref_slice %arg18[%add3A_43, %dma_wait3A_122] : memref<10240x128xf32, #tpu.memory_space<vmem_shared>> -> memref<40x128xf32, #tpu.memory_space<vmem_shared>>
      tpu.wait_dma2 semaphore(%run_scoped3A : memref<!tpu.dma_semaphore, #tpu.memory_space<semaphore_mem>>) src(%arg8 : memref<40x128xf32, #tpu.memory_space<vmem>>) dst(%dma_wait3A_123 : memref<40x128xf32, #tpu.memory_space<vmem_shared>>)
      tpu.yield
    }) : () -> ()
    %mul3A_44 = arith.constant 640 : i32
    %mul3A_45 = arith.muli %arg1, %mul3A_44 : i32
    %add3A_46 = arith.constant 320 : i32
    %add3A_47 = arith.addi %mul3A_45, %add3A_46 : i32
    "tpu.region"() ({
      %run_scoped3A = tpu.sem_alloc : memref<!tpu.dma_semaphore, #tpu.memory_space<semaphore_mem>>
      %dma_start3A_116 = arith.constant 0 : i32
      %dma_start3A_117 = tpu.memref_slice %arg18[%add3A_47, %dma_start3A_116] : memref<10240x128xf32, #tpu.memory_space<vmem_shared>> -> memref<40x128xf32, #tpu.memory_space<vmem_shared>>
      %dma_start3A_118 = arith.constant 0 : i32
      %dma_start3A_119 = tpu.memref_slice %arg18[%add3A_47, %dma_start3A_118] : memref<10240x128xf32, #tpu.memory_space<vmem_shared>> -> memref<40x128xf32, #tpu.memory_space<vmem_shared>>
      tpu.enqueue_dma source(%arg8 : memref<40x128xf32, #tpu.memory_space<vmem>>) target(%dma_start3A_119 : memref<40x128xf32, #tpu.memory_space<vmem_shared>>) target_semaphore(%run_scoped3A : memref<!tpu.dma_semaphore, #tpu.memory_space<semaphore_mem>>)
      %dma_wait3A_120 = arith.constant 0 : i32
      %dma_wait3A_121 = tpu.memref_slice %arg18[%add3A_47, %dma_wait3A_120] : memref<10240x128xf32, #tpu.memory_space<vmem_shared>> -> memref<40x128xf32, #tpu.memory_space<vmem_shared>>
      %dma_wait3A_122 = arith.constant 0 : i32
      %dma_wait3A_123 = tpu.memref_slice %arg18[%add3A_47, %dma_wait3A_122] : memref<10240x128xf32, #tpu.memory_space<vmem_shared>> -> memref<40x128xf32, #tpu.memory_space<vmem_shared>>
      tpu.wait_dma2 semaphore(%run_scoped3A : memref<!tpu.dma_semaphore, #tpu.memory_space<semaphore_mem>>) src(%arg8 : memref<40x128xf32, #tpu.memory_space<vmem>>) dst(%dma_wait3A_123 : memref<40x128xf32, #tpu.memory_space<vmem_shared>>)
      tpu.yield
    }) : () -> ()
    %mul3A_48 = arith.constant 640 : i32
    %mul3A_49 = arith.muli %arg1, %mul3A_48 : i32
    %add3A_50 = arith.constant 360 : i32
    %add3A_51 = arith.addi %mul3A_49, %add3A_50 : i32
    "tpu.region"() ({
      %run_scoped3A = tpu.sem_alloc : memref<!tpu.dma_semaphore, #tpu.memory_space<semaphore_mem>>
      %dma_start3A_116 = arith.constant 0 : i32
      %dma_start3A_117 = tpu.memref_slice %arg18[%add3A_51, %dma_start3A_116] : memref<10240x128xf32, #tpu.memory_space<vmem_shared>> -> memref<40x128xf32, #tpu.memory_space<vmem_shared>>
      %dma_start3A_118 = arith.constant 0 : i32
      %dma_start3A_119 = tpu.memref_slice %arg18[%add3A_51, %dma_start3A_118] : memref<10240x128xf32, #tpu.memory_space<vmem_shared>> -> memref<40x128xf32, #tpu.memory_space<vmem_shared>>
      tpu.enqueue_dma source(%arg8 : memref<40x128xf32, #tpu.memory_space<vmem>>) target(%dma_start3A_119 : memref<40x128xf32, #tpu.memory_space<vmem_shared>>) target_semaphore(%run_scoped3A : memref<!tpu.dma_semaphore, #tpu.memory_space<semaphore_mem>>)
      %dma_wait3A_120 = arith.constant 0 : i32
      %dma_wait3A_121 = tpu.memref_slice %arg18[%add3A_51, %dma_wait3A_120] : memref<10240x128xf32, #tpu.memory_space<vmem_shared>> -> memref<40x128xf32, #tpu.memory_space<vmem_shared>>
      %dma_wait3A_122 = arith.constant 0 : i32
      %dma_wait3A_123 = tpu.memref_slice %arg18[%add3A_51, %dma_wait3A_122] : memref<10240x128xf32, #tpu.memory_space<vmem_shared>> -> memref<40x128xf32, #tpu.memory_space<vmem_shared>>
      tpu.wait_dma2 semaphore(%run_scoped3A : memref<!tpu.dma_semaphore, #tpu.memory_space<semaphore_mem>>) src(%arg8 : memref<40x128xf32, #tpu.memory_space<vmem>>) dst(%dma_wait3A_123 : memref<40x128xf32, #tpu.memory_space<vmem_shared>>)
      tpu.yield
    }) : () -> ()
    %mul3A_52 = arith.constant 640 : i32
    %mul3A_53 = arith.muli %arg1, %mul3A_52 : i32
    %add3A_54 = arith.constant 400 : i32
    %add3A_55 = arith.addi %mul3A_53, %add3A_54 : i32
    "tpu.region"() ({
      %run_scoped3A = tpu.sem_alloc : memref<!tpu.dma_semaphore, #tpu.memory_space<semaphore_mem>>
      %dma_start3A_116 = arith.constant 0 : i32
      %dma_start3A_117 = tpu.memref_slice %arg18[%add3A_55, %dma_start3A_116] : memref<10240x128xf32, #tpu.memory_space<vmem_shared>> -> memref<40x128xf32, #tpu.memory_space<vmem_shared>>
      %dma_start3A_118 = arith.constant 0 : i32
      %dma_start3A_119 = tpu.memref_slice %arg18[%add3A_55, %dma_start3A_118] : memref<10240x128xf32, #tpu.memory_space<vmem_shared>> -> memref<40x128xf32, #tpu.memory_space<vmem_shared>>
      tpu.enqueue_dma source(%arg8 : memref<40x128xf32, #tpu.memory_space<vmem>>) target(%dma_start3A_119 : memref<40x128xf32, #tpu.memory_space<vmem_shared>>) target_semaphore(%run_scoped3A : memref<!tpu.dma_semaphore, #tpu.memory_space<semaphore_mem>>)
      %dma_wait3A_120 = arith.constant 0 : i32
      %dma_wait3A_121 = tpu.memref_slice %arg18[%add3A_55, %dma_wait3A_120] : memref<10240x128xf32, #tpu.memory_space<vmem_shared>> -> memref<40x128xf32, #tpu.memory_space<vmem_shared>>
      %dma_wait3A_122 = arith.constant 0 : i32
      %dma_wait3A_123 = tpu.memref_slice %arg18[%add3A_55, %dma_wait3A_122] : memref<10240x128xf32, #tpu.memory_space<vmem_shared>> -> memref<40x128xf32, #tpu.memory_space<vmem_shared>>
      tpu.wait_dma2 semaphore(%run_scoped3A : memref<!tpu.dma_semaphore, #tpu.memory_space<semaphore_mem>>) src(%arg8 : memref<40x128xf32, #tpu.memory_space<vmem>>) dst(%dma_wait3A_123 : memref<40x128xf32, #tpu.memory_space<vmem_shared>>)
      tpu.yield
    }) : () -> ()
    %mul3A_56 = arith.constant 640 : i32
    %mul3A_57 = arith.muli %arg1, %mul3A_56 : i32
    %add3A_58 = arith.constant 440 : i32
    %add3A_59 = arith.addi %mul3A_57, %add3A_58 : i32
    "tpu.region"() ({
      %run_scoped3A = tpu.sem_alloc : memref<!tpu.dma_semaphore, #tpu.memory_space<semaphore_mem>>
      %dma_start3A_116 = arith.constant 0 : i32
      %dma_start3A_117 = tpu.memref_slice %arg18[%add3A_59, %dma_start3A_116] : memref<10240x128xf32, #tpu.memory_space<vmem_shared>> -> memref<40x128xf32, #tpu.memory_space<vmem_shared>>
      %dma_start3A_118 = arith.constant 0 : i32
      %dma_start3A_119 = tpu.memref_slice %arg18[%add3A_59, %dma_start3A_118] : memref<10240x128xf32, #tpu.memory_space<vmem_shared>> -> memref<40x128xf32, #tpu.memory_space<vmem_shared>>
      tpu.enqueue_dma source(%arg8 : memref<40x128xf32, #tpu.memory_space<vmem>>) target(%dma_start3A_119 : memref<40x128xf32, #tpu.memory_space<vmem_shared>>) target_semaphore(%run_scoped3A : memref<!tpu.dma_semaphore, #tpu.memory_space<semaphore_mem>>)
      %dma_wait3A_120 = arith.constant 0 : i32
      %dma_wait3A_121 = tpu.memref_slice %arg18[%add3A_59, %dma_wait3A_120] : memref<10240x128xf32, #tpu.memory_space<vmem_shared>> -> memref<40x128xf32, #tpu.memory_space<vmem_shared>>
      %dma_wait3A_122 = arith.constant 0 : i32
      %dma_wait3A_123 = tpu.memref_slice %arg18[%add3A_59, %dma_wait3A_122] : memref<10240x128xf32, #tpu.memory_space<vmem_shared>> -> memref<40x128xf32, #tpu.memory_space<vmem_shared>>
      tpu.wait_dma2 semaphore(%run_scoped3A : memref<!tpu.dma_semaphore, #tpu.memory_space<semaphore_mem>>) src(%arg8 : memref<40x128xf32, #tpu.memory_space<vmem>>) dst(%dma_wait3A_123 : memref<40x128xf32, #tpu.memory_space<vmem_shared>>)
      tpu.yield
    }) : () -> ()
    %mul3A_60 = arith.constant 640 : i32
    %mul3A_61 = arith.muli %arg1, %mul3A_60 : i32
    %add3A_62 = arith.constant 480 : i32
    %add3A_63 = arith.addi %mul3A_61, %add3A_62 : i32
    "tpu.region"() ({
      %run_scoped3A = tpu.sem_alloc : memref<!tpu.dma_semaphore, #tpu.memory_space<semaphore_mem>>
      %dma_start3A_116 = arith.constant 0 : i32
      %dma_start3A_117 = tpu.memref_slice %arg18[%add3A_63, %dma_start3A_116] : memref<10240x128xf32, #tpu.memory_space<vmem_shared>> -> memref<40x128xf32, #tpu.memory_space<vmem_shared>>
      %dma_start3A_118 = arith.constant 0 : i32
      %dma_start3A_119 = tpu.memref_slice %arg18[%add3A_63, %dma_start3A_118] : memref<10240x128xf32, #tpu.memory_space<vmem_shared>> -> memref<40x128xf32, #tpu.memory_space<vmem_shared>>
      tpu.enqueue_dma source(%arg8 : memref<40x128xf32, #tpu.memory_space<vmem>>) target(%dma_start3A_119 : memref<40x128xf32, #tpu.memory_space<vmem_shared>>) target_semaphore(%run_scoped3A : memref<!tpu.dma_semaphore, #tpu.memory_space<semaphore_mem>>)
      %dma_wait3A_120 = arith.constant 0 : i32
      %dma_wait3A_121 = tpu.memref_slice %arg18[%add3A_63, %dma_wait3A_120] : memref<10240x128xf32, #tpu.memory_space<vmem_shared>> -> memref<40x128xf32, #tpu.memory_space<vmem_shared>>
      %dma_wait3A_122 = arith.constant 0 : i32
      %dma_wait3A_123 = tpu.memref_slice %arg18[%add3A_63, %dma_wait3A_122] : memref<10240x128xf32, #tpu.memory_space<vmem_shared>> -> memref<40x128xf32, #tpu.memory_space<vmem_shared>>
      tpu.wait_dma2 semaphore(%run_scoped3A : memref<!tpu.dma_semaphore, #tpu.memory_space<semaphore_mem>>) src(%arg8 : memref<40x128xf32, #tpu.memory_space<vmem>>) dst(%dma_wait3A_123 : memref<40x128xf32, #tpu.memory_space<vmem_shared>>)
      tpu.yield
    }) : () -> ()
    %mul3A_64 = arith.constant 640 : i32
    %mul3A_65 = arith.muli %arg1, %mul3A_64 : i32
    %add3A_66 = arith.constant 520 : i32
    %add3A_67 = arith.addi %mul3A_65, %add3A_66 : i32
    "tpu.region"() ({
      %run_scoped3A = tpu.sem_alloc : memref<!tpu.dma_semaphore, #tpu.memory_space<semaphore_mem>>
      %dma_start3A_116 = arith.constant 0 : i32
      %dma_start3A_117 = tpu.memref_slice %arg18[%add3A_67, %dma_start3A_116] : memref<10240x128xf32, #tpu.memory_space<vmem_shared>> -> memref<40x128xf32, #tpu.memory_space<vmem_shared>>
      %dma_start3A_118 = arith.constant 0 : i32
      %dma_start3A_119 = tpu.memref_slice %arg18[%add3A_67, %dma_start3A_118] : memref<10240x128xf32, #tpu.memory_space<vmem_shared>> -> memref<40x128xf32, #tpu.memory_space<vmem_shared>>
      tpu.enqueue_dma source(%arg8 : memref<40x128xf32, #tpu.memory_space<vmem>>) target(%dma_start3A_119 : memref<40x128xf32, #tpu.memory_space<vmem_shared>>) target_semaphore(%run_scoped3A : memref<!tpu.dma_semaphore, #tpu.memory_space<semaphore_mem>>)
      %dma_wait3A_120 = arith.constant 0 : i32
      %dma_wait3A_121 = tpu.memref_slice %arg18[%add3A_67, %dma_wait3A_120] : memref<10240x128xf32, #tpu.memory_space<vmem_shared>> -> memref<40x128xf32, #tpu.memory_space<vmem_shared>>
      %dma_wait3A_122 = arith.constant 0 : i32
      %dma_wait3A_123 = tpu.memref_slice %arg18[%add3A_67, %dma_wait3A_122] : memref<10240x128xf32, #tpu.memory_space<vmem_shared>> -> memref<40x128xf32, #tpu.memory_space<vmem_shared>>
      tpu.wait_dma2 semaphore(%run_scoped3A : memref<!tpu.dma_semaphore, #tpu.memory_space<semaphore_mem>>) src(%arg8 : memref<40x128xf32, #tpu.memory_space<vmem>>) dst(%dma_wait3A_123 : memref<40x128xf32, #tpu.memory_space<vmem_shared>>)
      tpu.yield
    }) : () -> ()
    %mul3A_68 = arith.constant 640 : i32
    %mul3A_69 = arith.muli %arg1, %mul3A_68 : i32
    %add3A_70 = arith.constant 560 : i32
    %add3A_71 = arith.addi %mul3A_69, %add3A_70 : i32
    "tpu.region"() ({
      %run_scoped3A = tpu.sem_alloc : memref<!tpu.dma_semaphore, #tpu.memory_space<semaphore_mem>>
      %dma_start3A_116 = arith.constant 0 : i32
      %dma_start3A_117 = tpu.memref_slice %arg18[%add3A_71, %dma_start3A_116] : memref<10240x128xf32, #tpu.memory_space<vmem_shared>> -> memref<40x128xf32, #tpu.memory_space<vmem_shared>>
      %dma_start3A_118 = arith.constant 0 : i32
      %dma_start3A_119 = tpu.memref_slice %arg18[%add3A_71, %dma_start3A_118] : memref<10240x128xf32, #tpu.memory_space<vmem_shared>> -> memref<40x128xf32, #tpu.memory_space<vmem_shared>>
      tpu.enqueue_dma source(%arg8 : memref<40x128xf32, #tpu.memory_space<vmem>>) target(%dma_start3A_119 : memref<40x128xf32, #tpu.memory_space<vmem_shared>>) target_semaphore(%run_scoped3A : memref<!tpu.dma_semaphore, #tpu.memory_space<semaphore_mem>>)
      %dma_wait3A_120 = arith.constant 0 : i32
      %dma_wait3A_121 = tpu.memref_slice %arg18[%add3A_71, %dma_wait3A_120] : memref<10240x128xf32, #tpu.memory_space<vmem_shared>> -> memref<40x128xf32, #tpu.memory_space<vmem_shared>>
      %dma_wait3A_122 = arith.constant 0 : i32
      %dma_wait3A_123 = tpu.memref_slice %arg18[%add3A_71, %dma_wait3A_122] : memref<10240x128xf32, #tpu.memory_space<vmem_shared>> -> memref<40x128xf32, #tpu.memory_space<vmem_shared>>
      tpu.wait_dma2 semaphore(%run_scoped3A : memref<!tpu.dma_semaphore, #tpu.memory_space<semaphore_mem>>) src(%arg8 : memref<40x128xf32, #tpu.memory_space<vmem>>) dst(%dma_wait3A_123 : memref<40x128xf32, #tpu.memory_space<vmem_shared>>)
      tpu.yield
    }) : () -> ()
    %mul3A_72 = arith.constant 640 : i32
    %mul3A_73 = arith.muli %arg1, %mul3A_72 : i32
    %add3A_74 = arith.constant 600 : i32
    %add3A_75 = arith.addi %mul3A_73, %add3A_74 : i32
    "tpu.region"() ({
      %run_scoped3A = tpu.sem_alloc : memref<!tpu.dma_semaphore, #tpu.memory_space<semaphore_mem>>
      %dma_start3A_116 = arith.constant 0 : i32
      %dma_start3A_117 = tpu.memref_slice %arg18[%add3A_75, %dma_start3A_116] : memref<10240x128xf32, #tpu.memory_space<vmem_shared>> -> memref<40x128xf32, #tpu.memory_space<vmem_shared>>
      %dma_start3A_118 = arith.constant 0 : i32
      %dma_start3A_119 = tpu.memref_slice %arg18[%add3A_75, %dma_start3A_118] : memref<10240x128xf32, #tpu.memory_space<vmem_shared>> -> memref<40x128xf32, #tpu.memory_space<vmem_shared>>
      tpu.enqueue_dma source(%arg8 : memref<40x128xf32, #tpu.memory_space<vmem>>) target(%dma_start3A_119 : memref<40x128xf32, #tpu.memory_space<vmem_shared>>) target_semaphore(%run_scoped3A : memref<!tpu.dma_semaphore, #tpu.memory_space<semaphore_mem>>)
      %dma_wait3A_120 = arith.constant 0 : i32
      %dma_wait3A_121 = tpu.memref_slice %arg18[%add3A_75, %dma_wait3A_120] : memref<10240x128xf32, #tpu.memory_space<vmem_shared>> -> memref<40x128xf32, #tpu.memory_space<vmem_shared>>
      %dma_wait3A_122 = arith.constant 0 : i32
      %dma_wait3A_123 = tpu.memref_slice %arg18[%add3A_75, %dma_wait3A_122] : memref<10240x128xf32, #tpu.memory_space<vmem_shared>> -> memref<40x128xf32, #tpu.memory_space<vmem_shared>>
      tpu.wait_dma2 semaphore(%run_scoped3A : memref<!tpu.dma_semaphore, #tpu.memory_space<semaphore_mem>>) src(%arg8 : memref<40x128xf32, #tpu.memory_space<vmem>>) dst(%dma_wait3A_123 : memref<40x128xf32, #tpu.memory_space<vmem_shared>>)
      tpu.yield
    }) : () -> ()
    %dma_wait3A = tpu.memref_slice %arg3[%add3A] : memref<320000xi32, #tpu.memory_space<hbm>> -> memref<10000xi32, #tpu.memory_space<hbm>>
    %dma_wait3A_76 = tpu.memref_slice %arg3[%add3A] : memref<320000xi32, #tpu.memory_space<hbm>> -> memref<10000xi32, #tpu.memory_space<hbm>>
    tpu.wait_dma2 semaphore(%arg13 : memref<!tpu.dma_semaphore, #tpu.memory_space<semaphore_mem>>) src(%dma_wait3A_76 : memref<10000xi32, #tpu.memory_space<hbm>>) dst(%arg6 : memref<10000xi32, #tpu.memory_space<vmem>>)
    %dma_wait3A_77 = tpu.memref_slice %arg4[%add3A] : memref<320000xi32, #tpu.memory_space<hbm>> -> memref<10000xi32, #tpu.memory_space<hbm>>
    %dma_wait3A_78 = tpu.memref_slice %arg4[%add3A] : memref<320000xi32, #tpu.memory_space<hbm>> -> memref<10000xi32, #tpu.memory_space<hbm>>
    tpu.wait_dma2 semaphore(%arg14 : memref<!tpu.dma_semaphore, #tpu.memory_space<semaphore_mem>>) src(%dma_wait3A_78 : memref<10000xi32, #tpu.memory_space<hbm>>) dst(%arg7 : memref<10000xi32, #tpu.memory_space<vmem>>)
    %barrier3A = arith.constant 0 : index
    tpu.barrier barrier_id(%barrier3A)
    %dma_start3A_79 = arith.constant 0 : i32
    %dma_start3A_80 = tpu.memref_slice %arg6[%dma_start3A_79] : memref<10000xi32, #tpu.memory_space<vmem>> -> memref<40xi32, #tpu.memory_space<vmem>>
    %dma_start3A_81 = arith.constant 0 : i32
    %dma_start3A_82 = arith.constant 0 : i32
    %dma_start3A_83 = tpu.memref_slice %arg2[%dma_start3A_81, %dma_start3A_82] : memref<10000x128xf32, #tpu.memory_space<hbm>> -> memref<10000x128xf32, #tpu.memory_space<hbm>>
    tpu.enqueue_indirect_dma source(%dma_start3A_83 : memref<10000x128xf32, #tpu.memory_space<hbm>>) target(%arg8 : memref<40x128xf32, #tpu.memory_space<vmem>>) offsets(%dma_start3A_80 : memref<40xi32, #tpu.memory_space<vmem>>) semaphore(%arg13 : memref<!tpu.dma_semaphore, #tpu.memory_space<semaphore_mem>>)
    %dma_start3A_84 = arith.constant 40 : i32
    %dma_start3A_85 = tpu.memref_slice %arg6[%dma_start3A_84] : memref<10000xi32, #tpu.memory_space<vmem>> -> memref<40xi32, #tpu.memory_space<vmem>>
    %dma_start3A_86 = arith.constant 0 : i32
    %dma_start3A_87 = arith.constant 0 : i32
    %dma_start3A_88 = tpu.memref_slice %arg2[%dma_start3A_86, %dma_start3A_87] : memref<10000x128xf32, #tpu.memory_space<hbm>> -> memref<10000x128xf32, #tpu.memory_space<hbm>>
    tpu.enqueue_indirect_dma source(%dma_start3A_88 : memref<10000x128xf32, #tpu.memory_space<hbm>>) target(%arg9 : memref<40x128xf32, #tpu.memory_space<vmem>>) offsets(%dma_start3A_85 : memref<40xi32, #tpu.memory_space<vmem>>) semaphore(%arg14 : memref<!tpu.dma_semaphore, #tpu.memory_space<semaphore_mem>>)
    %dma_start3A_89 = arith.constant 80 : i32
    %dma_start3A_90 = tpu.memref_slice %arg6[%dma_start3A_89] : memref<10000xi32, #tpu.memory_space<vmem>> -> memref<40xi32, #tpu.memory_space<vmem>>
    %dma_start3A_91 = arith.constant 0 : i32
    %dma_start3A_92 = arith.constant 0 : i32
    %dma_start3A_93 = tpu.memref_slice %arg2[%dma_start3A_91, %dma_start3A_92] : memref<10000x128xf32, #tpu.memory_space<hbm>> -> memref<10000x128xf32, #tpu.memory_space<hbm>>
    tpu.enqueue_indirect_dma source(%dma_start3A_93 : memref<10000x128xf32, #tpu.memory_space<hbm>>) target(%arg10 : memref<40x128xf32, #tpu.memory_space<vmem>>) offsets(%dma_start3A_90 : memref<40xi32, #tpu.memory_space<vmem>>) semaphore(%arg15 : memref<!tpu.dma_semaphore, #tpu.memory_space<semaphore_mem>>)
    %dma_start3A_94 = arith.constant 120 : i32
    %dma_start3A_95 = tpu.memref_slice %arg6[%dma_start3A_94] : memref<10000xi32, #tpu.memory_space<vmem>> -> memref<40xi32, #tpu.memory_space<vmem>>
    %dma_start3A_96 = arith.constant 0 : i32
    %dma_start3A_97 = arith.constant 0 : i32
    %dma_start3A_98 = tpu.memref_slice %arg2[%dma_start3A_96, %dma_start3A_97] : memref<10000x128xf32, #tpu.memory_space<hbm>> -> memref<10000x128xf32, #tpu.memory_space<hbm>>
    tpu.enqueue_indirect_dma source(%dma_start3A_98 : memref<10000x128xf32, #tpu.memory_space<hbm>>) target(%arg11 : memref<40x128xf32, #tpu.memory_space<vmem>>) offsets(%dma_start3A_95 : memref<40xi32, #tpu.memory_space<vmem>>) semaphore(%arg16 : memref<!tpu.dma_semaphore, #tpu.memory_space<semaphore_mem>>)
    %dma_start3A_99 = arith.constant 160 : i32
    %dma_start3A_100 = tpu.memref_slice %arg6[%dma_start3A_99] : memref<10000xi32, #tpu.memory_space<vmem>> -> memref<40xi32, #tpu.memory_space<vmem>>
    %dma_start3A_101 = arith.constant 0 : i32
    %dma_start3A_102 = arith.constant 0 : i32
    %dma_start3A_103 = tpu.memref_slice %arg2[%dma_start3A_101, %dma_start3A_102] : memref<10000x128xf32, #tpu.memory_space<hbm>> -> memref<10000x128xf32, #tpu.memory_space<hbm>>
    tpu.enqueue_indirect_dma source(%dma_start3A_103 : memref<10000x128xf32, #tpu.memory_space<hbm>>) target(%arg12 : memref<40x128xf32, #tpu.memory_space<vmem>>) offsets(%dma_start3A_100 : memref<40xi32, #tpu.memory_space<vmem>>) semaphore(%arg17 : memref<!tpu.dma_semaphore, #tpu.memory_space<semaphore_mem>>)
    %scan3A_104 = arith.constant 0 : i32
    %scan3A_105 = arith.constant 0 : i32
    %scan3A_106 = arith.constant 50 : i32
    %scan3A_107 = arith.addi %scan3A_105, %scan3A_106 : i32
    %scan3A_108 = arith.constant 1 : i32
    %scan3A_109 = scf.for %scan3A_116 = %scan3A_105 to %scan3A_107 step %scan3A_108 iter_args(%scan3A_117 = %scan3A_104) -> (i32)  : i32 {
      %mul3A_118 = arith.constant 5 : i32
      %mul3A_119 = arith.muli %scan3A_116, %mul3A_118 : i32
      %add3A_120 = arith.constant 0 : i32
      %add3A_121 = arith.addi %mul3A_119, %add3A_120 : i32
      %dma_wait3A_122 = arith.constant 0 : i32
      %dma_wait3A_123 = tpu.memref_slice %arg6[%dma_wait3A_122] : memref<10000xi32, #tpu.memory_space<vmem>> -> memref<40xi32, #tpu.memory_space<vmem>>
      %dma_wait3A_124 = arith.constant 0 : i32
      %dma_wait3A_125 = arith.constant 0 : i32
      %dma_wait3A_126 = tpu.memref_slice %arg2[%dma_wait3A_124, %dma_wait3A_125] : memref<10000x128xf32, #tpu.memory_space<hbm>> -> memref<10000x128xf32, #tpu.memory_space<hbm>>
      tpu.wait_indirect_dma semaphore(%arg13 : memref<!tpu.dma_semaphore, #tpu.memory_space<semaphore_mem>>) src(%dma_wait3A_126 : memref<10000x128xf32, #tpu.memory_space<hbm>>) dst(%arg8 : memref<40x128xf32, #tpu.memory_space<vmem>>)
      %mul3A_127 = arith.constant 40 : i32
      %mul3A_128 = arith.muli %add3A_121, %mul3A_127 : i32
      "tpu.region"() ({
        %run_scoped3A = tpu.sem_alloc : memref<!tpu.dma_semaphore, #tpu.memory_space<semaphore_mem>>
        %dma_start3A_206 = tpu.memref_slice %arg7[%mul3A_128] : memref<10000xi32, #tpu.memory_space<vmem>> -> memref<40xi32, #tpu.memory_space<vmem>>
        %dma_start3A_207 = arith.constant 0 : i32
        %dma_start3A_208 = arith.constant 0 : i32
        %dma_start3A_209 = tpu.memref_slice %arg18[%dma_start3A_207, %dma_start3A_208] : memref<10240x128xf32, #tpu.memory_space<vmem_shared>> -> memref<10240x128xf32, #tpu.memory_space<vmem_shared>>
        tpu.enqueue_indirect_dma source(%arg8 : memref<40x128xf32, #tpu.memory_space<vmem>>) target(%dma_start3A_209 : memref<10240x128xf32, #tpu.memory_space<vmem_shared>>) offsets(%dma_start3A_206 : memref<40xi32, #tpu.memory_space<vmem>>) semaphore(%run_scoped3A : memref<!tpu.dma_semaphore, #tpu.memory_space<semaphore_mem>>) {add = true}
        %dma_wait3A_210 = tpu.memref_slice %arg7[%mul3A_128] : memref<10000xi32, #tpu.memory_space<vmem>> -> memref<40xi32, #tpu.memory_space<vmem>>
        %dma_wait3A_211 = arith.constant 0 : i32
        %dma_wait3A_212 = arith.constant 0 : i32
        %dma_wait3A_213 = tpu.memref_slice %arg18[%dma_wait3A_211, %dma_wait3A_212] : memref<10240x128xf32, #tpu.memory_space<vmem_shared>> -> memref<10240x128xf32, #tpu.memory_space<vmem_shared>>
        tpu.wait_indirect_dma semaphore(%run_scoped3A : memref<!tpu.dma_semaphore, #tpu.memory_space<semaphore_mem>>) src(%arg8 : memref<40x128xf32, #tpu.memory_space<vmem>>) dst(%dma_wait3A_213 : memref<10240x128xf32, #tpu.memory_space<vmem_shared>>)
        tpu.yield
      }) : () -> ()
      %add3A_129 = arith.constant 5 : i32
      %add3A_130 = arith.addi %add3A_121, %add3A_129 : i32
      %lt3A = arith.constant 250 : i32
      %lt3A_131 = arith.cmpi slt, %add3A_130, %lt3A : i32
      %convert_element_type3A = arith.extui %lt3A_131 : i1 to i32
      %cond3A = arith.constant 0 : i32
      %cond3A_132 = arith.cmpi ne, %convert_element_type3A, %cond3A : i32
      scf.if %cond3A_132 {
        %add3A_206 = arith.constant 5 : i32
        %add3A_207 = arith.addi %add3A_121, %add3A_206 : i32
        %mul3A_208 = arith.constant 40 : i32
        %mul3A_209 = arith.muli %add3A_207, %mul3A_208 : i32
        %dma_start3A_210 = tpu.memref_slice %arg6[%mul3A_209] : memref<10000xi32, #tpu.memory_space<vmem>> -> memref<40xi32, #tpu.memory_space<vmem>>
        %dma_start3A_211 = arith.constant 0 : i32
        %dma_start3A_212 = arith.constant 0 : i32
        %dma_start3A_213 = tpu.memref_slice %arg2[%dma_start3A_211, %dma_start3A_212] : memref<10000x128xf32, #tpu.memory_space<hbm>> -> memref<10000x128xf32, #tpu.memory_space<hbm>>
        tpu.enqueue_indirect_dma source(%dma_start3A_213 : memref<10000x128xf32, #tpu.memory_space<hbm>>) target(%arg8 : memref<40x128xf32, #tpu.memory_space<vmem>>) offsets(%dma_start3A_210 : memref<40xi32, #tpu.memory_space<vmem>>) semaphore(%arg13 : memref<!tpu.dma_semaphore, #tpu.memory_space<semaphore_mem>>)
      } else {
      }
      %mul3A_133 = arith.constant 5 : i32
      %mul3A_134 = arith.muli %scan3A_116, %mul3A_133 : i32
      %add3A_135 = arith.constant 1 : i32
      %add3A_136 = arith.addi %mul3A_134, %add3A_135 : i32
      %dma_wait3A_137 = arith.constant 0 : i32
      %dma_wait3A_138 = tpu.memref_slice %arg6[%dma_wait3A_137] : memref<10000xi32, #tpu.memory_space<vmem>> -> memref<40xi32, #tpu.memory_space<vmem>>
      %dma_wait3A_139 = arith.constant 0 : i32
      %dma_wait3A_140 = arith.constant 0 : i32
      %dma_wait3A_141 = tpu.memref_slice %arg2[%dma_wait3A_139, %dma_wait3A_140] : memref<10000x128xf32, #tpu.memory_space<hbm>> -> memref<10000x128xf32, #tpu.memory_space<hbm>>
      tpu.wait_indirect_dma semaphore(%arg14 : memref<!tpu.dma_semaphore, #tpu.memory_space<semaphore_mem>>) src(%dma_wait3A_141 : memref<10000x128xf32, #tpu.memory_space<hbm>>) dst(%arg9 : memref<40x128xf32, #tpu.memory_space<vmem>>)
      %mul3A_142 = arith.constant 40 : i32
      %mul3A_143 = arith.muli %add3A_136, %mul3A_142 : i32
      "tpu.region"() ({
        %run_scoped3A = tpu.sem_alloc : memref<!tpu.dma_semaphore, #tpu.memory_space<semaphore_mem>>
        %dma_start3A_206 = tpu.memref_slice %arg7[%mul3A_143] : memref<10000xi32, #tpu.memory_space<vmem>> -> memref<40xi32, #tpu.memory_space<vmem>>
        %dma_start3A_207 = arith.constant 0 : i32
        %dma_start3A_208 = arith.constant 0 : i32
        %dma_start3A_209 = tpu.memref_slice %arg18[%dma_start3A_207, %dma_start3A_208] : memref<10240x128xf32, #tpu.memory_space<vmem_shared>> -> memref<10240x128xf32, #tpu.memory_space<vmem_shared>>
        tpu.enqueue_indirect_dma source(%arg9 : memref<40x128xf32, #tpu.memory_space<vmem>>) target(%dma_start3A_209 : memref<10240x128xf32, #tpu.memory_space<vmem_shared>>) offsets(%dma_start3A_206 : memref<40xi32, #tpu.memory_space<vmem>>) semaphore(%run_scoped3A : memref<!tpu.dma_semaphore, #tpu.memory_space<semaphore_mem>>) {add = true}
        %dma_wait3A_210 = tpu.memref_slice %arg7[%mul3A_143] : memref<10000xi32, #tpu.memory_space<vmem>> -> memref<40xi32, #tpu.memory_space<vmem>>
        %dma_wait3A_211 = arith.constant 0 : i32
        %dma_wait3A_212 = arith.constant 0 : i32
        %dma_wait3A_213 = tpu.memref_slice %arg18[%dma_wait3A_211, %dma_wait3A_212] : memref<10240x128xf32, #tpu.memory_space<vmem_shared>> -> memref<10240x128xf32, #tpu.memory_space<vmem_shared>>
        tpu.wait_indirect_dma semaphore(%run_scoped3A : memref<!tpu.dma_semaphore, #tpu.memory_space<semaphore_mem>>) src(%arg9 : memref<40x128xf32, #tpu.memory_space<vmem>>) dst(%dma_wait3A_213 : memref<10240x128xf32, #tpu.memory_space<vmem_shared>>)
        tpu.yield
      }) : () -> ()
      %add3A_144 = arith.constant 5 : i32
      %add3A_145 = arith.addi %add3A_136, %add3A_144 : i32
      %lt3A_146 = arith.constant 250 : i32
      %lt3A_147 = arith.cmpi slt, %add3A_145, %lt3A_146 : i32
      %convert_element_type3A_148 = arith.extui %lt3A_147 : i1 to i32
      %cond3A_149 = arith.constant 0 : i32
      %cond3A_150 = arith.cmpi ne, %convert_element_type3A_148, %cond3A_149 : i32
      scf.if %cond3A_150 {
        %add3A_206 = arith.constant 5 : i32
        %add3A_207 = arith.addi %add3A_136, %add3A_206 : i32
        %mul3A_208 = arith.constant 40 : i32
        %mul3A_209 = arith.muli %add3A_207, %mul3A_208 : i32
        %dma_start3A_210 = tpu.memref_slice %arg6[%mul3A_209] : memref<10000xi32, #tpu.memory_space<vmem>> -> memref<40xi32, #tpu.memory_space<vmem>>
        %dma_start3A_211 = arith.constant 0 : i32
        %dma_start3A_212 = arith.constant 0 : i32
        %dma_start3A_213 = tpu.memref_slice %arg2[%dma_start3A_211, %dma_start3A_212] : memref<10000x128xf32, #tpu.memory_space<hbm>> -> memref<10000x128xf32, #tpu.memory_space<hbm>>
        tpu.enqueue_indirect_dma source(%dma_start3A_213 : memref<10000x128xf32, #tpu.memory_space<hbm>>) target(%arg9 : memref<40x128xf32, #tpu.memory_space<vmem>>) offsets(%dma_start3A_210 : memref<40xi32, #tpu.memory_space<vmem>>) semaphore(%arg14 : memref<!tpu.dma_semaphore, #tpu.memory_space<semaphore_mem>>)
      } else {
      }
      %mul3A_151 = arith.constant 5 : i32
      %mul3A_152 = arith.muli %scan3A_116, %mul3A_151 : i32
      %add3A_153 = arith.constant 2 : i32
      %add3A_154 = arith.addi %mul3A_152, %add3A_153 : i32
      %dma_wait3A_155 = arith.constant 0 : i32
      %dma_wait3A_156 = tpu.memref_slice %arg6[%dma_wait3A_155] : memref<10000xi32, #tpu.memory_space<vmem>> -> memref<40xi32, #tpu.memory_space<vmem>>
      %dma_wait3A_157 = arith.constant 0 : i32
      %dma_wait3A_158 = arith.constant 0 : i32
      %dma_wait3A_159 = tpu.memref_slice %arg2[%dma_wait3A_157, %dma_wait3A_158] : memref<10000x128xf32, #tpu.memory_space<hbm>> -> memref<10000x128xf32, #tpu.memory_space<hbm>>
      tpu.wait_indirect_dma semaphore(%arg15 : memref<!tpu.dma_semaphore, #tpu.memory_space<semaphore_mem>>) src(%dma_wait3A_159 : memref<10000x128xf32, #tpu.memory_space<hbm>>) dst(%arg10 : memref<40x128xf32, #tpu.memory_space<vmem>>)
      %mul3A_160 = arith.constant 40 : i32
      %mul3A_161 = arith.muli %add3A_154, %mul3A_160 : i32
      "tpu.region"() ({
        %run_scoped3A = tpu.sem_alloc : memref<!tpu.dma_semaphore, #tpu.memory_space<semaphore_mem>>
        %dma_start3A_206 = tpu.memref_slice %arg7[%mul3A_161] : memref<10000xi32, #tpu.memory_space<vmem>> -> memref<40xi32, #tpu.memory_space<vmem>>
        %dma_start3A_207 = arith.constant 0 : i32
        %dma_start3A_208 = arith.constant 0 : i32
        %dma_start3A_209 = tpu.memref_slice %arg18[%dma_start3A_207, %dma_start3A_208] : memref<10240x128xf32, #tpu.memory_space<vmem_shared>> -> memref<10240x128xf32, #tpu.memory_space<vmem_shared>>
        tpu.enqueue_indirect_dma source(%arg10 : memref<40x128xf32, #tpu.memory_space<vmem>>) target(%dma_start3A_209 : memref<10240x128xf32, #tpu.memory_space<vmem_shared>>) offsets(%dma_start3A_206 : memref<40xi32, #tpu.memory_space<vmem>>) semaphore(%run_scoped3A : memref<!tpu.dma_semaphore, #tpu.memory_space<semaphore_mem>>) {add = true}
        %dma_wait3A_210 = tpu.memref_slice %arg7[%mul3A_161] : memref<10000xi32, #tpu.memory_space<vmem>> -> memref<40xi32, #tpu.memory_space<vmem>>
        %dma_wait3A_211 = arith.constant 0 : i32
        %dma_wait3A_212 = arith.constant 0 : i32
        %dma_wait3A_213 = tpu.memref_slice %arg18[%dma_wait3A_211, %dma_wait3A_212] : memref<10240x128xf32, #tpu.memory_space<vmem_shared>> -> memref<10240x128xf32, #tpu.memory_space<vmem_shared>>
        tpu.wait_indirect_dma semaphore(%run_scoped3A : memref<!tpu.dma_semaphore, #tpu.memory_space<semaphore_mem>>) src(%arg10 : memref<40x128xf32, #tpu.memory_space<vmem>>) dst(%dma_wait3A_213 : memref<10240x128xf32, #tpu.memory_space<vmem_shared>>)
        tpu.yield
      }) : () -> ()
      %add3A_162 = arith.constant 5 : i32
      %add3A_163 = arith.addi %add3A_154, %add3A_162 : i32
      %lt3A_164 = arith.constant 250 : i32
      %lt3A_165 = arith.cmpi slt, %add3A_163, %lt3A_164 : i32
      %convert_element_type3A_166 = arith.extui %lt3A_165 : i1 to i32
      %cond3A_167 = arith.constant 0 : i32
      %cond3A_168 = arith.cmpi ne, %convert_element_type3A_166, %cond3A_167 : i32
      scf.if %cond3A_168 {
        %add3A_206 = arith.constant 5 : i32
        %add3A_207 = arith.addi %add3A_154, %add3A_206 : i32
        %mul3A_208 = arith.constant 40 : i32
        %mul3A_209 = arith.muli %add3A_207, %mul3A_208 : i32
        %dma_start3A_210 = tpu.memref_slice %arg6[%mul3A_209] : memref<10000xi32, #tpu.memory_space<vmem>> -> memref<40xi32, #tpu.memory_space<vmem>>
        %dma_start3A_211 = arith.constant 0 : i32
        %dma_start3A_212 = arith.constant 0 : i32
        %dma_start3A_213 = tpu.memref_slice %arg2[%dma_start3A_211, %dma_start3A_212] : memref<10000x128xf32, #tpu.memory_space<hbm>> -> memref<10000x128xf32, #tpu.memory_space<hbm>>
        tpu.enqueue_indirect_dma source(%dma_start3A_213 : memref<10000x128xf32, #tpu.memory_space<hbm>>) target(%arg10 : memref<40x128xf32, #tpu.memory_space<vmem>>) offsets(%dma_start3A_210 : memref<40xi32, #tpu.memory_space<vmem>>) semaphore(%arg15 : memref<!tpu.dma_semaphore, #tpu.memory_space<semaphore_mem>>)
      } else {
      }
      %mul3A_169 = arith.constant 5 : i32
      %mul3A_170 = arith.muli %scan3A_116, %mul3A_169 : i32
      %add3A_171 = arith.constant 3 : i32
      %add3A_172 = arith.addi %mul3A_170, %add3A_171 : i32
      %dma_wait3A_173 = arith.constant 0 : i32
      %dma_wait3A_174 = tpu.memref_slice %arg6[%dma_wait3A_173] : memref<10000xi32, #tpu.memory_space<vmem>> -> memref<40xi32, #tpu.memory_space<vmem>>
      %dma_wait3A_175 = arith.constant 0 : i32
      %dma_wait3A_176 = arith.constant 0 : i32
      %dma_wait3A_177 = tpu.memref_slice %arg2[%dma_wait3A_175, %dma_wait3A_176] : memref<10000x128xf32, #tpu.memory_space<hbm>> -> memref<10000x128xf32, #tpu.memory_space<hbm>>
      tpu.wait_indirect_dma semaphore(%arg16 : memref<!tpu.dma_semaphore, #tpu.memory_space<semaphore_mem>>) src(%dma_wait3A_177 : memref<10000x128xf32, #tpu.memory_space<hbm>>) dst(%arg11 : memref<40x128xf32, #tpu.memory_space<vmem>>)
      %mul3A_178 = arith.constant 40 : i32
      %mul3A_179 = arith.muli %add3A_172, %mul3A_178 : i32
      "tpu.region"() ({
        %run_scoped3A = tpu.sem_alloc : memref<!tpu.dma_semaphore, #tpu.memory_space<semaphore_mem>>
        %dma_start3A_206 = tpu.memref_slice %arg7[%mul3A_179] : memref<10000xi32, #tpu.memory_space<vmem>> -> memref<40xi32, #tpu.memory_space<vmem>>
        %dma_start3A_207 = arith.constant 0 : i32
        %dma_start3A_208 = arith.constant 0 : i32
        %dma_start3A_209 = tpu.memref_slice %arg18[%dma_start3A_207, %dma_start3A_208] : memref<10240x128xf32, #tpu.memory_space<vmem_shared>> -> memref<10240x128xf32, #tpu.memory_space<vmem_shared>>
        tpu.enqueue_indirect_dma source(%arg11 : memref<40x128xf32, #tpu.memory_space<vmem>>) target(%dma_start3A_209 : memref<10240x128xf32, #tpu.memory_space<vmem_shared>>) offsets(%dma_start3A_206 : memref<40xi32, #tpu.memory_space<vmem>>) semaphore(%run_scoped3A : memref<!tpu.dma_semaphore, #tpu.memory_space<semaphore_mem>>) {add = true}
        %dma_wait3A_210 = tpu.memref_slice %arg7[%mul3A_179] : memref<10000xi32, #tpu.memory_space<vmem>> -> memref<40xi32, #tpu.memory_space<vmem>>
        %dma_wait3A_211 = arith.constant 0 : i32
        %dma_wait3A_212 = arith.constant 0 : i32
        %dma_wait3A_213 = tpu.memref_slice %arg18[%dma_wait3A_211, %dma_wait3A_212] : memref<10240x128xf32, #tpu.memory_space<vmem_shared>> -> memref<10240x128xf32, #tpu.memory_space<vmem_shared>>
        tpu.wait_indirect_dma semaphore(%run_scoped3A : memref<!tpu.dma_semaphore, #tpu.memory_space<semaphore_mem>>) src(%arg11 : memref<40x128xf32, #tpu.memory_space<vmem>>) dst(%dma_wait3A_213 : memref<10240x128xf32, #tpu.memory_space<vmem_shared>>)
        tpu.yield
      }) : () -> ()
      %add3A_180 = arith.constant 5 : i32
      %add3A_181 = arith.addi %add3A_172, %add3A_180 : i32
      %lt3A_182 = arith.constant 250 : i32
      %lt3A_183 = arith.cmpi slt, %add3A_181, %lt3A_182 : i32
      %convert_element_type3A_184 = arith.extui %lt3A_183 : i1 to i32
      %cond3A_185 = arith.constant 0 : i32
      %cond3A_186 = arith.cmpi ne, %convert_element_type3A_184, %cond3A_185 : i32
      scf.if %cond3A_186 {
        %add3A_206 = arith.constant 5 : i32
        %add3A_207 = arith.addi %add3A_172, %add3A_206 : i32
        %mul3A_208 = arith.constant 40 : i32
        %mul3A_209 = arith.muli %add3A_207, %mul3A_208 : i32
        %dma_start3A_210 = tpu.memref_slice %arg6[%mul3A_209] : memref<10000xi32, #tpu.memory_space<vmem>> -> memref<40xi32, #tpu.memory_space<vmem>>
        %dma_start3A_211 = arith.constant 0 : i32
        %dma_start3A_212 = arith.constant 0 : i32
        %dma_start3A_213 = tpu.memref_slice %arg2[%dma_start3A_211, %dma_start3A_212] : memref<10000x128xf32, #tpu.memory_space<hbm>> -> memref<10000x128xf32, #tpu.memory_space<hbm>>
        tpu.enqueue_indirect_dma source(%dma_start3A_213 : memref<10000x128xf32, #tpu.memory_space<hbm>>) target(%arg11 : memref<40x128xf32, #tpu.memory_space<vmem>>) offsets(%dma_start3A_210 : memref<40xi32, #tpu.memory_space<vmem>>) semaphore(%arg16 : memref<!tpu.dma_semaphore, #tpu.memory_space<semaphore_mem>>)
      } else {
      }
      %mul3A_187 = arith.constant 5 : i32
      %mul3A_188 = arith.muli %scan3A_116, %mul3A_187 : i32
      %add3A_189 = arith.constant 4 : i32
      %add3A_190 = arith.addi %mul3A_188, %add3A_189 : i32
      %dma_wait3A_191 = arith.constant 0 : i32
      %dma_wait3A_192 = tpu.memref_slice %arg6[%dma_wait3A_191] : memref<10000xi32, #tpu.memory_space<vmem>> -> memref<40xi32, #tpu.memory_space<vmem>>
      %dma_wait3A_193 = arith.constant 0 : i32
      %dma_wait3A_194 = arith.constant 0 : i32
      %dma_wait3A_195 = tpu.memref_slice %arg2[%dma_wait3A_193, %dma_wait3A_194] : memref<10000x128xf32, #tpu.memory_space<hbm>> -> memref<10000x128xf32, #tpu.memory_space<hbm>>
      tpu.wait_indirect_dma semaphore(%arg17 : memref<!tpu.dma_semaphore, #tpu.memory_space<semaphore_mem>>) src(%dma_wait3A_195 : memref<10000x128xf32, #tpu.memory_space<hbm>>) dst(%arg12 : memref<40x128xf32, #tpu.memory_space<vmem>>)
      %mul3A_196 = arith.constant 40 : i32
      %mul3A_197 = arith.muli %add3A_190, %mul3A_196 : i32
      "tpu.region"() ({
        %run_scoped3A = tpu.sem_alloc : memref<!tpu.dma_semaphore, #tpu.memory_space<semaphore_mem>>
        %dma_start3A_206 = tpu.memref_slice %arg7[%mul3A_197] : memref<10000xi32, #tpu.memory_space<vmem>> -> memref<40xi32, #tpu.memory_space<vmem>>
        %dma_start3A_207 = arith.constant 0 : i32
        %dma_start3A_208 = arith.constant 0 : i32
        %dma_start3A_209 = tpu.memref_slice %arg18[%dma_start3A_207, %dma_start3A_208] : memref<10240x128xf32, #tpu.memory_space<vmem_shared>> -> memref<10240x128xf32, #tpu.memory_space<vmem_shared>>
        tpu.enqueue_indirect_dma source(%arg12 : memref<40x128xf32, #tpu.memory_space<vmem>>) target(%dma_start3A_209 : memref<10240x128xf32, #tpu.memory_space<vmem_shared>>) offsets(%dma_start3A_206 : memref<40xi32, #tpu.memory_space<vmem>>) semaphore(%run_scoped3A : memref<!tpu.dma_semaphore, #tpu.memory_space<semaphore_mem>>) {add = true}
        %dma_wait3A_210 = tpu.memref_slice %arg7[%mul3A_197] : memref<10000xi32, #tpu.memory_space<vmem>> -> memref<40xi32, #tpu.memory_space<vmem>>
        %dma_wait3A_211 = arith.constant 0 : i32
        %dma_wait3A_212 = arith.constant 0 : i32
        %dma_wait3A_213 = tpu.memref_slice %arg18[%dma_wait3A_211, %dma_wait3A_212] : memref<10240x128xf32, #tpu.memory_space<vmem_shared>> -> memref<10240x128xf32, #tpu.memory_space<vmem_shared>>
        tpu.wait_indirect_dma semaphore(%run_scoped3A : memref<!tpu.dma_semaphore, #tpu.memory_space<semaphore_mem>>) src(%arg12 : memref<40x128xf32, #tpu.memory_space<vmem>>) dst(%dma_wait3A_213 : memref<10240x128xf32, #tpu.memory_space<vmem_shared>>)
        tpu.yield
      }) : () -> ()
      %add3A_198 = arith.constant 5 : i32
      %add3A_199 = arith.addi %add3A_190, %add3A_198 : i32
      %lt3A_200 = arith.constant 250 : i32
      %lt3A_201 = arith.cmpi slt, %add3A_199, %lt3A_200 : i32
      %convert_element_type3A_202 = arith.extui %lt3A_201 : i1 to i32
      %cond3A_203 = arith.constant 0 : i32
      %cond3A_204 = arith.cmpi ne, %convert_element_type3A_202, %cond3A_203 : i32
      scf.if %cond3A_204 {
        %add3A_206 = arith.constant 5 : i32
        %add3A_207 = arith.addi %add3A_190, %add3A_206 : i32
        %mul3A_208 = arith.constant 40 : i32
        %mul3A_209 = arith.muli %add3A_207, %mul3A_208 : i32
        %dma_start3A_210 = tpu.memref_slice %arg6[%mul3A_209] : memref<10000xi32, #tpu.memory_space<vmem>> -> memref<40xi32, #tpu.memory_space<vmem>>
        %dma_start3A_211 = arith.constant 0 : i32
        %dma_start3A_212 = arith.constant 0 : i32
        %dma_start3A_213 = tpu.memref_slice %arg2[%dma_start3A_211, %dma_start3A_212] : memref<10000x128xf32, #tpu.memory_space<hbm>> -> memref<10000x128xf32, #tpu.memory_space<hbm>>
        tpu.enqueue_indirect_dma source(%dma_start3A_213 : memref<10000x128xf32, #tpu.memory_space<hbm>>) target(%arg12 : memref<40x128xf32, #tpu.memory_space<vmem>>) offsets(%dma_start3A_210 : memref<40xi32, #tpu.memory_space<vmem>>) semaphore(%arg17 : memref<!tpu.dma_semaphore, #tpu.memory_space<semaphore_mem>>)
      } else {
      }
      %scan3A_205 = arith.constant 0 : i32
      scf.yield %scan3A_205 : i32
    }
    %scan3A_110 = arith.constant 50 : i32
    %barrier3A_111 = arith.constant 0 : index
    tpu.barrier barrier_id(%barrier3A_111)
    %mul3A_112 = arith.constant 640 : i32
    %mul3A_113 = arith.muli %arg1, %mul3A_112 : i32
    %mul3A_114 = arith.constant 640 : i32
    %mul3A_115 = arith.muli %arg1, %mul3A_114 : i32
    "tpu.region"() ({
      %run_scoped3A = tpu.sem_alloc : memref<!tpu.dma_semaphore, #tpu.memory_space<semaphore_mem>>
      %dma_start3A_116 = arith.constant 0 : i32
      %dma_start3A_117 = tpu.memref_slice %arg5[%arg0, %mul3A_115, %dma_start3A_116] : memref<2x10240x128xf32, #tpu.memory_space<hbm>> -> memref<1x640x128xf32, #tpu.memory_space<hbm>>
      %dma_start3A_118 = tpu.memref_squeeze %dma_start3A_117 : memref<1x640x128xf32, #tpu.memory_space<hbm>> -> memref<640x128xf32, #tpu.memory_space<hbm>>
      %dma_start3A_119 = arith.constant 0 : i32
      %dma_start3A_120 = tpu.memref_slice %arg18[%mul3A_113, %dma_start3A_119] : memref<10240x128xf32, #tpu.memory_space<vmem_shared>> -> memref<640x128xf32, #tpu.memory_space<vmem_shared>>
      tpu.enqueue_dma source(%dma_start3A_120 : memref<640x128xf32, #tpu.memory_space<vmem_shared>>) target(%dma_start3A_118 : memref<640x128xf32, #tpu.memory_space<hbm>>) target_semaphore(%run_scoped3A : memref<!tpu.dma_semaphore, #tpu.memory_space<semaphore_mem>>)
      %dma_wait3A_121 = arith.constant 0 : i32
      %dma_wait3A_122 = tpu.memref_slice %arg5[%arg0, %mul3A_115, %dma_wait3A_121] : memref<2x10240x128xf32, #tpu.memory_space<hbm>> -> memref<1x640x128xf32, #tpu.memory_space<hbm>>
      %dma_wait3A_123 = tpu.memref_squeeze %dma_wait3A_122 : memref<1x640x128xf32, #tpu.memory_space<hbm>> -> memref<640x128xf32, #tpu.memory_space<hbm>>
      %dma_wait3A_124 = arith.constant 0 : i32
      %dma_wait3A_125 = tpu.memref_slice %arg18[%mul3A_113, %dma_wait3A_124] : memref<10240x128xf32, #tpu.memory_space<vmem_shared>> -> memref<640x128xf32, #tpu.memory_space<vmem_shared>>
      tpu.wait_dma2 semaphore(%run_scoped3A : memref<!tpu.dma_semaphore, #tpu.memory_space<semaphore_mem>>) src(%dma_wait3A_125 : memref<640x128xf32, #tpu.memory_space<vmem_shared>>) dst(%dma_wait3A_123 : memref<640x128xf32, #tpu.memory_space<hbm>>)
      tpu.yield
    }) : () -> ()
    return
  }
}

#map = affine_map<(d0, d1) -> (0, 0)>
#map1 = affine_map<(d0, d1) -> (0)>
#map2 = affine_map<(d0, d1) -> (0, 0, 0)>
module attributes {stable_mosaic.version = 14 : i64} {
  func.func @k(%arg0: i32, %arg1: i32, %arg2: memref<10000x128xf32, #tpu.memory_space<hbm>>, %arg3: memref<320000xi32, #tpu.memory_space<hbm>>, %arg4: memref<320000xi32, #tpu.memory_space<hbm>>, %arg5: memref<2x10240x128xf32, #tpu.memory_space<hbm>>, %arg6: memref<10000xi32, #tpu.memory_space<vmem>>, %arg7: memref<10000xi32, #tpu.memory_space<vmem>>, %arg8: memref<40x128xf32, #tpu.memory_space<vmem>>, %arg9: memref<40x128xf32, #tpu.memory_space<vmem>>, %arg10: memref<40x128xf32, #tpu.memory_space<vmem>>, %arg11: memref<40x128xf32, #tpu.memory_space<vmem>>, %arg12: memref<40x128xf32, #tpu.memory_space<vmem>>, %arg13: memref<!tpu.dma_semaphore, #tpu.memory_space<semaphore_mem>>, %arg14: memref<!tpu.dma_semaphore, #tpu.memory_space<semaphore_mem>>, %arg15: memref<!tpu.dma_semaphore, #tpu.memory_space<semaphore_mem>>, %arg16: memref<!tpu.dma_semaphore, #tpu.memory_space<semaphore_mem>>, %arg17: memref<!tpu.dma_semaphore, #tpu.memory_space<semaphore_mem>>, %arg18: memref<10240x128xf32, #tpu.memory_space<vmem_shared>>) attributes {dimension_semantics = [#tpu.dimension_semantics<core_parallel>, #tpu.dimension_semantics<subcore_parallel>], iteration_bounds = array<i64: 2, 16>, scalar_prefetch = 0 : i64, scratch_operands = 13 : i64, tpu.core_type = #tpu.core_type<sc_vector_subcore>, window_params = [{transform_indices = #map}, {transform_indices = #map1}, {transform_indices = #map1}, {transform_indices = #map2}]} {
    %mul3A = arith.constant 160000 : i32
    %mul3A_0 = arith.muli %arg0, %mul3A : i32
    %mul3A_1 = arith.constant 10000 : i32
    %mul3A_2 = arith.muli %arg1, %mul3A_1 : i32
    %add3A = arith.addi %mul3A_0, %mul3A_2 : i32
    %dma_start3A = tpu.memref_slice %arg3[%add3A] : memref<320000xi32, #tpu.memory_space<hbm>> -> memref<10000xi32, #tpu.memory_space<hbm>>
    %dma_start3A_3 = tpu.memref_slice %arg3[%add3A] : memref<320000xi32, #tpu.memory_space<hbm>> -> memref<10000xi32, #tpu.memory_space<hbm>>
    tpu.enqueue_dma source(%dma_start3A_3 : memref<10000xi32, #tpu.memory_space<hbm>>) target(%arg6 : memref<10000xi32, #tpu.memory_space<vmem>>) target_semaphore(%arg13 : memref<!tpu.dma_semaphore, #tpu.memory_space<semaphore_mem>>)
    %dma_start3A_4 = tpu.memref_slice %arg4[%add3A] : memref<320000xi32, #tpu.memory_space<hbm>> -> memref<10000xi32, #tpu.memory_space<hbm>>
    %dma_start3A_5 = tpu.memref_slice %arg4[%add3A] : memref<320000xi32, #tpu.memory_space<hbm>> -> memref<10000xi32, #tpu.memory_space<hbm>>
    tpu.enqueue_dma source(%dma_start3A_5 : memref<10000xi32, #tpu.memory_space<hbm>>) target(%arg7 : memref<10000xi32, #tpu.memory_space<vmem>>) target_semaphore(%arg14 : memref<!tpu.dma_semaphore, #tpu.memory_space<semaphore_mem>>)
    %scan3A = arith.constant 0 : i32
    %scan3A_6 = arith.constant 0 : i32
    %scan3A_7 = arith.constant 320 : i32
    %scan3A_8 = arith.addi %scan3A_6, %scan3A_7 : i32
    %scan3A_9 = arith.constant 1 : i32
    %scan3A_10 = scf.for %scan3A_116 = %scan3A_6 to %scan3A_8 step %scan3A_9 iter_args(%scan3A_117 = %scan3A) -> (i32)  : i32 {
      %broadcast_in_dim3A = arith.constant 0.000000e+00 : f32
      %broadcast_in_dim3A_118 = vector.broadcast %broadcast_in_dim3A : f32 to vector<16xf32>
      %jit3A = arith.constant 8 : i32
      %div3A = arith.divsi %scan3A_116, %jit3A : i32
      %sign3A = arith.constant 0 : i32
      %sign3A_119 = arith.cmpi sgt, %scan3A_116, %sign3A : i32
      %sign3A_120 = arith.extui %sign3A_119 : i1 to i32
      %sign3A_121 = arith.constant 0 : i32
      %sign3A_122 = arith.cmpi slt, %scan3A_116, %sign3A_121 : i32
      %sign3A_123 = arith.extui %sign3A_122 : i1 to i32
      %sign3A_124 = arith.subi %sign3A_120, %sign3A_123 : i32
      %sign3A_125 = arith.constant 0 : i32
      %sign3A_126 = arith.cmpi sgt, %jit3A, %sign3A_125 : i32
      %sign3A_127 = arith.extui %sign3A_126 : i1 to i32
      %sign3A_128 = arith.constant 0 : i32
      %sign3A_129 = arith.cmpi slt, %jit3A, %sign3A_128 : i32
      %sign3A_130 = arith.extui %sign3A_129 : i1 to i32
      %sign3A_131 = arith.subi %sign3A_127, %sign3A_130 : i32
      %ne3A = arith.cmpi ne, %sign3A_124, %sign3A_131 : i32
      %rem3A = arith.remsi %scan3A_116, %jit3A : i32
      %ne3A_132 = arith.constant 0 : i32
      %ne3A_133 = arith.cmpi ne, %rem3A, %ne3A_132 : i32
      %and3A = arith.andi %ne3A, %ne3A_133 : i1
      %sub3A = arith.constant 1 : i32
      %sub3A_134 = arith.subi %div3A, %sub3A : i32
      %select_n3A = arith.select %and3A, %sub3A_134, %div3A : i32
      %jit3A_135 = arith.constant 8 : i32
      %eq3A = arith.constant 0 : i32
      %eq3A_136 = arith.cmpi eq, %jit3A_135, %eq3A : i32
      %jit3A_137 = arith.constant 1 : i32
      %select_n3A_138 = arith.select %eq3A_136, %jit3A_137, %jit3A_135 : i32
      %rem3A_139 = arith.remsi %scan3A_116, %select_n3A_138 : i32
      %ne3A_140 = arith.constant 0 : i32
      %ne3A_141 = arith.cmpi ne, %rem3A_139, %ne3A_140 : i32
      %lt3A = arith.constant 0 : i32
      %lt3A_142 = arith.cmpi slt, %rem3A_139, %lt3A : i32
      %lt3A_143 = arith.constant 0 : i32
      %lt3A_144 = arith.cmpi slt, %select_n3A_138, %lt3A_143 : i32
      %ne3A_145 = arith.xori %lt3A_142, %lt3A_144 : i1
      %and3A_146 = arith.andi %ne3A_145, %ne3A_141 : i1
      %add3A_147 = arith.addi %rem3A_139, %select_n3A_138 : i32
      %select_n3A_148 = arith.select %and3A_146, %add3A_147, %rem3A_139 : i32
      %mul3A_149 = arith.constant 16 : i32
      %mul3A_150 = arith.muli %select_n3A_148, %mul3A_149 : i32
      %swap3A = arith.index_cast %select_n3A : i32 to index
      %swap3A_151 = arith.index_cast %mul3A_150 : i32 to index
      %swap3A_152 = tpu.vector_load %arg8[%swap3A, %swap3A_151] {strides = array<i32>} : memref<40x128xf32, #tpu.memory_space<vmem>>, vector<1x16xf32>,
      %swap3A_153 = vector.shape_cast %swap3A_152 : vector<1x16xf32> to vector<16xf32>
      %swap3A_154 = vector.shape_cast %broadcast_in_dim3A_118 : vector<16xf32> to vector<1x16xf32>
      tpu.vector_store %arg8[%swap3A, %swap3A_151], %swap3A_154 {strides = array<i32>} : memref<40x128xf32, #tpu.memory_space<vmem>>, vector<1x16xf32>,
      %scan3A_155 = arith.constant 0 : i32
      scf.yield %scan3A_155 : i32
    }
    %scan3A_11 = arith.constant 320 : i32
    %mul3A_12 = arith.constant 640 : i32
    %mul3A_13 = arith.muli %arg1, %mul3A_12 : i32
    %add3A_14 = arith.constant 0 : i32
    %add3A_15 = arith.addi %mul3A_13, %add3A_14 : i32
    "tpu.region"() ({
      %run_scoped3A = tpu.sem_alloc : memref<!tpu.dma_semaphore, #tpu.memory_space<semaphore_mem>>
      %dma_start3A_116 = arith.constant 0 : i32
      %dma_start3A_117 = tpu.memref_slice %arg18[%add3A_15, %dma_start3A_116] : memref<10240x128xf32, #tpu.memory_space<vmem_shared>> -> memref<40x128xf32, #tpu.memory_space<vmem_shared>>
      %dma_start3A_118 = arith.constant 0 : i32
      %dma_start3A_119 = tpu.memref_slice %arg18[%add3A_15, %dma_start3A_118] : memref<10240x128xf32, #tpu.memory_space<vmem_shared>> -> memref<40x128xf32, #tpu.memory_space<vmem_shared>>
      tpu.enqueue_dma source(%arg8 : memref<40x128xf32, #tpu.memory_space<vmem>>) target(%dma_start3A_119 : memref<40x128xf32, #tpu.memory_space<vmem_shared>>) target_semaphore(%run_scoped3A : memref<!tpu.dma_semaphore, #tpu.memory_space<semaphore_mem>>)
      %dma_wait3A_120 = arith.constant 0 : i32
      %dma_wait3A_121 = tpu.memref_slice %arg18[%add3A_15, %dma_wait3A_120] : memref<10240x128xf32, #tpu.memory_space<vmem_shared>> -> memref<40x128xf32, #tpu.memory_space<vmem_shared>>
      %dma_wait3A_122 = arith.constant 0 : i32
      %dma_wait3A_123 = tpu.memref_slice %arg18[%add3A_15, %dma_wait3A_122] : memref<10240x128xf32, #tpu.memory_space<vmem_shared>> -> memref<40x128xf32, #tpu.memory_space<vmem_shared>>
      tpu.wait_dma2 semaphore(%run_scoped3A : memref<!tpu.dma_semaphore, #tpu.memory_space<semaphore_mem>>) src(%arg8 : memref<40x128xf32, #tpu.memory_space<vmem>>) dst(%dma_wait3A_123 : memref<40x128xf32, #tpu.memory_space<vmem_shared>>)
      tpu.yield
    }) : () -> ()
    %mul3A_16 = arith.constant 640 : i32
    %mul3A_17 = arith.muli %arg1, %mul3A_16 : i32
    %add3A_18 = arith.constant 40 : i32
    %add3A_19 = arith.addi %mul3A_17, %add3A_18 : i32
    "tpu.region"() ({
      %run_scoped3A = tpu.sem_alloc : memref<!tpu.dma_semaphore, #tpu.memory_space<semaphore_mem>>
      %dma_start3A_116 = arith.constant 0 : i32
      %dma_start3A_117 = tpu.memref_slice %arg18[%add3A_19, %dma_start3A_116] : memref<10240x128xf32, #tpu.memory_space<vmem_shared>> -> memref<40x128xf32, #tpu.memory_space<vmem_shared>>
      %dma_start3A_118 = arith.constant 0 : i32
      %dma_start3A_119 = tpu.memref_slice %arg18[%add3A_19, %dma_start3A_118] : memref<10240x128xf32, #tpu.memory_space<vmem_shared>> -> memref<40x128xf32, #tpu.memory_space<vmem_shared>>
      tpu.enqueue_dma source(%arg8 : memref<40x128xf32, #tpu.memory_space<vmem>>) target(%dma_start3A_119 : memref<40x128xf32, #tpu.memory_space<vmem_shared>>) target_semaphore(%run_scoped3A : memref<!tpu.dma_semaphore, #tpu.memory_space<semaphore_mem>>)
      %dma_wait3A_120 = arith.constant 0 : i32
      %dma_wait3A_121 = tpu.memref_slice %arg18[%add3A_19, %dma_wait3A_120] : memref<10240x128xf32, #tpu.memory_space<vmem_shared>> -> memref<40x128xf32, #tpu.memory_space<vmem_shared>>
      %dma_wait3A_122 = arith.constant 0 : i32
      %dma_wait3A_123 = tpu.memref_slice %arg18[%add3A_19, %dma_wait3A_122] : memref<10240x128xf32, #tpu.memory_space<vmem_shared>> -> memref<40x128xf32, #tpu.memory_space<vmem_shared>>
      tpu.wait_dma2 semaphore(%run_scoped3A : memref<!tpu.dma_semaphore, #tpu.memory_space<semaphore_mem>>) src(%arg8 : memref<40x128xf32, #tpu.memory_space<vmem>>) dst(%dma_wait3A_123 : memref<40x128xf32, #tpu.memory_space<vmem_shared>>)
      tpu.yield
    }) : () -> ()
    %mul3A_20 = arith.constant 640 : i32
    %mul3A_21 = arith.muli %arg1, %mul3A_20 : i32
    %add3A_22 = arith.constant 80 : i32
    %add3A_23 = arith.addi %mul3A_21, %add3A_22 : i32
    "tpu.region"() ({
      %run_scoped3A = tpu.sem_alloc : memref<!tpu.dma_semaphore, #tpu.memory_space<semaphore_mem>>
      %dma_start3A_116 = arith.constant 0 : i32
      %dma_start3A_117 = tpu.memref_slice %arg18[%add3A_23, %dma_start3A_116] : memref<10240x128xf32, #tpu.memory_space<vmem_shared>> -> memref<40x128xf32, #tpu.memory_space<vmem_shared>>
      %dma_start3A_118 = arith.constant 0 : i32
      %dma_start3A_119 = tpu.memref_slice %arg18[%add3A_23, %dma_start3A_118] : memref<10240x128xf32, #tpu.memory_space<vmem_shared>> -> memref<40x128xf32, #tpu.memory_space<vmem_shared>>
      tpu.enqueue_dma source(%arg8 : memref<40x128xf32, #tpu.memory_space<vmem>>) target(%dma_start3A_119 : memref<40x128xf32, #tpu.memory_space<vmem_shared>>) target_semaphore(%run_scoped3A : memref<!tpu.dma_semaphore, #tpu.memory_space<semaphore_mem>>)
      %dma_wait3A_120 = arith.constant 0 : i32
      %dma_wait3A_121 = tpu.memref_slice %arg18[%add3A_23, %dma_wait3A_120] : memref<10240x128xf32, #tpu.memory_space<vmem_shared>> -> memref<40x128xf32, #tpu.memory_space<vmem_shared>>
      %dma_wait3A_122 = arith.constant 0 : i32
      %dma_wait3A_123 = tpu.memref_slice %arg18[%add3A_23, %dma_wait3A_122] : memref<10240x128xf32, #tpu.memory_space<vmem_shared>> -> memref<40x128xf32, #tpu.memory_space<vmem_shared>>
      tpu.wait_dma2 semaphore(%run_scoped3A : memref<!tpu.dma_semaphore, #tpu.memory_space<semaphore_mem>>) src(%arg8 : memref<40x128xf32, #tpu.memory_space<vmem>>) dst(%dma_wait3A_123 : memref<40x128xf32, #tpu.memory_space<vmem_shared>>)
      tpu.yield
    }) : () -> ()
    %mul3A_24 = arith.constant 640 : i32
    %mul3A_25 = arith.muli %arg1, %mul3A_24 : i32
    %add3A_26 = arith.constant 120 : i32
    %add3A_27 = arith.addi %mul3A_25, %add3A_26 : i32
    "tpu.region"() ({
      %run_scoped3A = tpu.sem_alloc : memref<!tpu.dma_semaphore, #tpu.memory_space<semaphore_mem>>
      %dma_start3A_116 = arith.constant 0 : i32
      %dma_start3A_117 = tpu.memref_slice %arg18[%add3A_27, %dma_start3A_116] : memref<10240x128xf32, #tpu.memory_space<vmem_shared>> -> memref<40x128xf32, #tpu.memory_space<vmem_shared>>
      %dma_start3A_118 = arith.constant 0 : i32
      %dma_start3A_119 = tpu.memref_slice %arg18[%add3A_27, %dma_start3A_118] : memref<10240x128xf32, #tpu.memory_space<vmem_shared>> -> memref<40x128xf32, #tpu.memory_space<vmem_shared>>
      tpu.enqueue_dma source(%arg8 : memref<40x128xf32, #tpu.memory_space<vmem>>) target(%dma_start3A_119 : memref<40x128xf32, #tpu.memory_space<vmem_shared>>) target_semaphore(%run_scoped3A : memref<!tpu.dma_semaphore, #tpu.memory_space<semaphore_mem>>)
      %dma_wait3A_120 = arith.constant 0 : i32
      %dma_wait3A_121 = tpu.memref_slice %arg18[%add3A_27, %dma_wait3A_120] : memref<10240x128xf32, #tpu.memory_space<vmem_shared>> -> memref<40x128xf32, #tpu.memory_space<vmem_shared>>
      %dma_wait3A_122 = arith.constant 0 : i32
      %dma_wait3A_123 = tpu.memref_slice %arg18[%add3A_27, %dma_wait3A_122] : memref<10240x128xf32, #tpu.memory_space<vmem_shared>> -> memref<40x128xf32, #tpu.memory_space<vmem_shared>>
      tpu.wait_dma2 semaphore(%run_scoped3A : memref<!tpu.dma_semaphore, #tpu.memory_space<semaphore_mem>>) src(%arg8 : memref<40x128xf32, #tpu.memory_space<vmem>>) dst(%dma_wait3A_123 : memref<40x128xf32, #tpu.memory_space<vmem_shared>>)
      tpu.yield
    }) : () -> ()
    %mul3A_28 = arith.constant 640 : i32
    %mul3A_29 = arith.muli %arg1, %mul3A_28 : i32
    %add3A_30 = arith.constant 160 : i32
    %add3A_31 = arith.addi %mul3A_29, %add3A_30 : i32
    "tpu.region"() ({
      %run_scoped3A = tpu.sem_alloc : memref<!tpu.dma_semaphore, #tpu.memory_space<semaphore_mem>>
      %dma_start3A_116 = arith.constant 0 : i32
      %dma_start3A_117 = tpu.memref_slice %arg18[%add3A_31, %dma_start3A_116] : memref<10240x128xf32, #tpu.memory_space<vmem_shared>> -> memref<40x128xf32, #tpu.memory_space<vmem_shared>>
      %dma_start3A_118 = arith.constant 0 : i32
      %dma_start3A_119 = tpu.memref_slice %arg18[%add3A_31, %dma_start3A_118] : memref<10240x128xf32, #tpu.memory_space<vmem_shared>> -> memref<40x128xf32, #tpu.memory_space<vmem_shared>>
      tpu.enqueue_dma source(%arg8 : memref<40x128xf32, #tpu.memory_space<vmem>>) target(%dma_start3A_119 : memref<40x128xf32, #tpu.memory_space<vmem_shared>>) target_semaphore(%run_scoped3A : memref<!tpu.dma_semaphore, #tpu.memory_space<semaphore_mem>>)
      %dma_wait3A_120 = arith.constant 0 : i32
      %dma_wait3A_121 = tpu.memref_slice %arg18[%add3A_31, %dma_wait3A_120] : memref<10240x128xf32, #tpu.memory_space<vmem_shared>> -> memref<40x128xf32, #tpu.memory_space<vmem_shared>>
      %dma_wait3A_122 = arith.constant 0 : i32
      %dma_wait3A_123 = tpu.memref_slice %arg18[%add3A_31, %dma_wait3A_122] : memref<10240x128xf32, #tpu.memory_space<vmem_shared>> -> memref<40x128xf32, #tpu.memory_space<vmem_shared>>
      tpu.wait_dma2 semaphore(%run_scoped3A : memref<!tpu.dma_semaphore, #tpu.memory_space<semaphore_mem>>) src(%arg8 : memref<40x128xf32, #tpu.memory_space<vmem>>) dst(%dma_wait3A_123 : memref<40x128xf32, #tpu.memory_space<vmem_shared>>)
      tpu.yield
    }) : () -> ()
    %mul3A_32 = arith.constant 640 : i32
    %mul3A_33 = arith.muli %arg1, %mul3A_32 : i32
    %add3A_34 = arith.constant 200 : i32
    %add3A_35 = arith.addi %mul3A_33, %add3A_34 : i32
    "tpu.region"() ({
      %run_scoped3A = tpu.sem_alloc : memref<!tpu.dma_semaphore, #tpu.memory_space<semaphore_mem>>
      %dma_start3A_116 = arith.constant 0 : i32
      %dma_start3A_117 = tpu.memref_slice %arg18[%add3A_35, %dma_start3A_116] : memref<10240x128xf32, #tpu.memory_space<vmem_shared>> -> memref<40x128xf32, #tpu.memory_space<vmem_shared>>
      %dma_start3A_118 = arith.constant 0 : i32
      %dma_start3A_119 = tpu.memref_slice %arg18[%add3A_35, %dma_start3A_118] : memref<10240x128xf32, #tpu.memory_space<vmem_shared>> -> memref<40x128xf32, #tpu.memory_space<vmem_shared>>
      tpu.enqueue_dma source(%arg8 : memref<40x128xf32, #tpu.memory_space<vmem>>) target(%dma_start3A_119 : memref<40x128xf32, #tpu.memory_space<vmem_shared>>) target_semaphore(%run_scoped3A : memref<!tpu.dma_semaphore, #tpu.memory_space<semaphore_mem>>)
      %dma_wait3A_120 = arith.constant 0 : i32
      %dma_wait3A_121 = tpu.memref_slice %arg18[%add3A_35, %dma_wait3A_120] : memref<10240x128xf32, #tpu.memory_space<vmem_shared>> -> memref<40x128xf32, #tpu.memory_space<vmem_shared>>
      %dma_wait3A_122 = arith.constant 0 : i32
      %dma_wait3A_123 = tpu.memref_slice %arg18[%add3A_35, %dma_wait3A_122] : memref<10240x128xf32, #tpu.memory_space<vmem_shared>> -> memref<40x128xf32, #tpu.memory_space<vmem_shared>>
      tpu.wait_dma2 semaphore(%run_scoped3A : memref<!tpu.dma_semaphore, #tpu.memory_space<semaphore_mem>>) src(%arg8 : memref<40x128xf32, #tpu.memory_space<vmem>>) dst(%dma_wait3A_123 : memref<40x128xf32, #tpu.memory_space<vmem_shared>>)
      tpu.yield
    }) : () -> ()
    %mul3A_36 = arith.constant 640 : i32
    %mul3A_37 = arith.muli %arg1, %mul3A_36 : i32
    %add3A_38 = arith.constant 240 : i32
    %add3A_39 = arith.addi %mul3A_37, %add3A_38 : i32
    "tpu.region"() ({
      %run_scoped3A = tpu.sem_alloc : memref<!tpu.dma_semaphore, #tpu.memory_space<semaphore_mem>>
      %dma_start3A_116 = arith.constant 0 : i32
      %dma_start3A_117 = tpu.memref_slice %arg18[%add3A_39, %dma_start3A_116] : memref<10240x128xf32, #tpu.memory_space<vmem_shared>> -> memref<40x128xf32, #tpu.memory_space<vmem_shared>>
      %dma_start3A_118 = arith.constant 0 : i32
      %dma_start3A_119 = tpu.memref_slice %arg18[%add3A_39, %dma_start3A_118] : memref<10240x128xf32, #tpu.memory_space<vmem_shared>> -> memref<40x128xf32, #tpu.memory_space<vmem_shared>>
      tpu.enqueue_dma source(%arg8 : memref<40x128xf32, #tpu.memory_space<vmem>>) target(%dma_start3A_119 : memref<40x128xf32, #tpu.memory_space<vmem_shared>>) target_semaphore(%run_scoped3A : memref<!tpu.dma_semaphore, #tpu.memory_space<semaphore_mem>>)
      %dma_wait3A_120 = arith.constant 0 : i32
      %dma_wait3A_121 = tpu.memref_slice %arg18[%add3A_39, %dma_wait3A_120] : memref<10240x128xf32, #tpu.memory_space<vmem_shared>> -> memref<40x128xf32, #tpu.memory_space<vmem_shared>>
      %dma_wait3A_122 = arith.constant 0 : i32
      %dma_wait3A_123 = tpu.memref_slice %arg18[%add3A_39, %dma_wait3A_122] : memref<10240x128xf32, #tpu.memory_space<vmem_shared>> -> memref<40x128xf32, #tpu.memory_space<vmem_shared>>
      tpu.wait_dma2 semaphore(%run_scoped3A : memref<!tpu.dma_semaphore, #tpu.memory_space<semaphore_mem>>) src(%arg8 : memref<40x128xf32, #tpu.memory_space<vmem>>) dst(%dma_wait3A_123 : memref<40x128xf32, #tpu.memory_space<vmem_shared>>)
      tpu.yield
    }) : () -> ()
    %mul3A_40 = arith.constant 640 : i32
    %mul3A_41 = arith.muli %arg1, %mul3A_40 : i32
    %add3A_42 = arith.constant 280 : i32
    %add3A_43 = arith.addi %mul3A_41, %add3A_42 : i32
    "tpu.region"() ({
      %run_scoped3A = tpu.sem_alloc : memref<!tpu.dma_semaphore, #tpu.memory_space<semaphore_mem>>
      %dma_start3A_116 = arith.constant 0 : i32
      %dma_start3A_117 = tpu.memref_slice %arg18[%add3A_43, %dma_start3A_116] : memref<10240x128xf32, #tpu.memory_space<vmem_shared>> -> memref<40x128xf32, #tpu.memory_space<vmem_shared>>
      %dma_start3A_118 = arith.constant 0 : i32
      %dma_start3A_119 = tpu.memref_slice %arg18[%add3A_43, %dma_start3A_118] : memref<10240x128xf32, #tpu.memory_space<vmem_shared>> -> memref<40x128xf32, #tpu.memory_space<vmem_shared>>
      tpu.enqueue_dma source(%arg8 : memref<40x128xf32, #tpu.memory_space<vmem>>) target(%dma_start3A_119 : memref<40x128xf32, #tpu.memory_space<vmem_shared>>) target_semaphore(%run_scoped3A : memref<!tpu.dma_semaphore, #tpu.memory_space<semaphore_mem>>)
      %dma_wait3A_120 = arith.constant 0 : i32
      %dma_wait3A_121 = tpu.memref_slice %arg18[%add3A_43, %dma_wait3A_120] : memref<10240x128xf32, #tpu.memory_space<vmem_shared>> -> memref<40x128xf32, #tpu.memory_space<vmem_shared>>
      %dma_wait3A_122 = arith.constant 0 : i32
      %dma_wait3A_123 = tpu.memref_slice %arg18[%add3A_43, %dma_wait3A_122] : memref<10240x128xf32, #tpu.memory_space<vmem_shared>> -> memref<40x128xf32, #tpu.memory_space<vmem_shared>>
      tpu.wait_dma2 semaphore(%run_scoped3A : memref<!tpu.dma_semaphore, #tpu.memory_space<semaphore_mem>>) src(%arg8 : memref<40x128xf32, #tpu.memory_space<vmem>>) dst(%dma_wait3A_123 : memref<40x128xf32, #tpu.memory_space<vmem_shared>>)
      tpu.yield
    }) : () -> ()
    %mul3A_44 = arith.constant 640 : i32
    %mul3A_45 = arith.muli %arg1, %mul3A_44 : i32
    %add3A_46 = arith.constant 320 : i32
    %add3A_47 = arith.addi %mul3A_45, %add3A_46 : i32
    "tpu.region"() ({
      %run_scoped3A = tpu.sem_alloc : memref<!tpu.dma_semaphore, #tpu.memory_space<semaphore_mem>>
      %dma_start3A_116 = arith.constant 0 : i32
      %dma_start3A_117 = tpu.memref_slice %arg18[%add3A_47, %dma_start3A_116] : memref<10240x128xf32, #tpu.memory_space<vmem_shared>> -> memref<40x128xf32, #tpu.memory_space<vmem_shared>>
      %dma_start3A_118 = arith.constant 0 : i32
      %dma_start3A_119 = tpu.memref_slice %arg18[%add3A_47, %dma_start3A_118] : memref<10240x128xf32, #tpu.memory_space<vmem_shared>> -> memref<40x128xf32, #tpu.memory_space<vmem_shared>>
      tpu.enqueue_dma source(%arg8 : memref<40x128xf32, #tpu.memory_space<vmem>>) target(%dma_start3A_119 : memref<40x128xf32, #tpu.memory_space<vmem_shared>>) target_semaphore(%run_scoped3A : memref<!tpu.dma_semaphore, #tpu.memory_space<semaphore_mem>>)
      %dma_wait3A_120 = arith.constant 0 : i32
      %dma_wait3A_121 = tpu.memref_slice %arg18[%add3A_47, %dma_wait3A_120] : memref<10240x128xf32, #tpu.memory_space<vmem_shared>> -> memref<40x128xf32, #tpu.memory_space<vmem_shared>>
      %dma_wait3A_122 = arith.constant 0 : i32
      %dma_wait3A_123 = tpu.memref_slice %arg18[%add3A_47, %dma_wait3A_122] : memref<10240x128xf32, #tpu.memory_space<vmem_shared>> -> memref<40x128xf32, #tpu.memory_space<vmem_shared>>
      tpu.wait_dma2 semaphore(%run_scoped3A : memref<!tpu.dma_semaphore, #tpu.memory_space<semaphore_mem>>) src(%arg8 : memref<40x128xf32, #tpu.memory_space<vmem>>) dst(%dma_wait3A_123 : memref<40x128xf32, #tpu.memory_space<vmem_shared>>)
      tpu.yield
    }) : () -> ()
    %mul3A_48 = arith.constant 640 : i32
    %mul3A_49 = arith.muli %arg1, %mul3A_48 : i32
    %add3A_50 = arith.constant 360 : i32
    %add3A_51 = arith.addi %mul3A_49, %add3A_50 : i32
    "tpu.region"() ({
      %run_scoped3A = tpu.sem_alloc : memref<!tpu.dma_semaphore, #tpu.memory_space<semaphore_mem>>
      %dma_start3A_116 = arith.constant 0 : i32
      %dma_start3A_117 = tpu.memref_slice %arg18[%add3A_51, %dma_start3A_116] : memref<10240x128xf32, #tpu.memory_space<vmem_shared>> -> memref<40x128xf32, #tpu.memory_space<vmem_shared>>
      %dma_start3A_118 = arith.constant 0 : i32
      %dma_start3A_119 = tpu.memref_slice %arg18[%add3A_51, %dma_start3A_118] : memref<10240x128xf32, #tpu.memory_space<vmem_shared>> -> memref<40x128xf32, #tpu.memory_space<vmem_shared>>
      tpu.enqueue_dma source(%arg8 : memref<40x128xf32, #tpu.memory_space<vmem>>) target(%dma_start3A_119 : memref<40x128xf32, #tpu.memory_space<vmem_shared>>) target_semaphore(%run_scoped3A : memref<!tpu.dma_semaphore, #tpu.memory_space<semaphore_mem>>)
      %dma_wait3A_120 = arith.constant 0 : i32
      %dma_wait3A_121 = tpu.memref_slice %arg18[%add3A_51, %dma_wait3A_120] : memref<10240x128xf32, #tpu.memory_space<vmem_shared>> -> memref<40x128xf32, #tpu.memory_space<vmem_shared>>
      %dma_wait3A_122 = arith.constant 0 : i32
      %dma_wait3A_123 = tpu.memref_slice %arg18[%add3A_51, %dma_wait3A_122] : memref<10240x128xf32, #tpu.memory_space<vmem_shared>> -> memref<40x128xf32, #tpu.memory_space<vmem_shared>>
      tpu.wait_dma2 semaphore(%run_scoped3A : memref<!tpu.dma_semaphore, #tpu.memory_space<semaphore_mem>>) src(%arg8 : memref<40x128xf32, #tpu.memory_space<vmem>>) dst(%dma_wait3A_123 : memref<40x128xf32, #tpu.memory_space<vmem_shared>>)
      tpu.yield
    }) : () -> ()
    %mul3A_52 = arith.constant 640 : i32
    %mul3A_53 = arith.muli %arg1, %mul3A_52 : i32
    %add3A_54 = arith.constant 400 : i32
    %add3A_55 = arith.addi %mul3A_53, %add3A_54 : i32
    "tpu.region"() ({
      %run_scoped3A = tpu.sem_alloc : memref<!tpu.dma_semaphore, #tpu.memory_space<semaphore_mem>>
      %dma_start3A_116 = arith.constant 0 : i32
      %dma_start3A_117 = tpu.memref_slice %arg18[%add3A_55, %dma_start3A_116] : memref<10240x128xf32, #tpu.memory_space<vmem_shared>> -> memref<40x128xf32, #tpu.memory_space<vmem_shared>>
      %dma_start3A_118 = arith.constant 0 : i32
      %dma_start3A_119 = tpu.memref_slice %arg18[%add3A_55, %dma_start3A_118] : memref<10240x128xf32, #tpu.memory_space<vmem_shared>> -> memref<40x128xf32, #tpu.memory_space<vmem_shared>>
      tpu.enqueue_dma source(%arg8 : memref<40x128xf32, #tpu.memory_space<vmem>>) target(%dma_start3A_119 : memref<40x128xf32, #tpu.memory_space<vmem_shared>>) target_semaphore(%run_scoped3A : memref<!tpu.dma_semaphore, #tpu.memory_space<semaphore_mem>>)
      %dma_wait3A_120 = arith.constant 0 : i32
      %dma_wait3A_121 = tpu.memref_slice %arg18[%add3A_55, %dma_wait3A_120] : memref<10240x128xf32, #tpu.memory_space<vmem_shared>> -> memref<40x128xf32, #tpu.memory_space<vmem_shared>>
      %dma_wait3A_122 = arith.constant 0 : i32
      %dma_wait3A_123 = tpu.memref_slice %arg18[%add3A_55, %dma_wait3A_122] : memref<10240x128xf32, #tpu.memory_space<vmem_shared>> -> memref<40x128xf32, #tpu.memory_space<vmem_shared>>
      tpu.wait_dma2 semaphore(%run_scoped3A : memref<!tpu.dma_semaphore, #tpu.memory_space<semaphore_mem>>) src(%arg8 : memref<40x128xf32, #tpu.memory_space<vmem>>) dst(%dma_wait3A_123 : memref<40x128xf32, #tpu.memory_space<vmem_shared>>)
      tpu.yield
    }) : () -> ()
    %mul3A_56 = arith.constant 640 : i32
    %mul3A_57 = arith.muli %arg1, %mul3A_56 : i32
    %add3A_58 = arith.constant 440 : i32
    %add3A_59 = arith.addi %mul3A_57, %add3A_58 : i32
    "tpu.region"() ({
      %run_scoped3A = tpu.sem_alloc : memref<!tpu.dma_semaphore, #tpu.memory_space<semaphore_mem>>
      %dma_start3A_116 = arith.constant 0 : i32
      %dma_start3A_117 = tpu.memref_slice %arg18[%add3A_59, %dma_start3A_116] : memref<10240x128xf32, #tpu.memory_space<vmem_shared>> -> memref<40x128xf32, #tpu.memory_space<vmem_shared>>
      %dma_start3A_118 = arith.constant 0 : i32
      %dma_start3A_119 = tpu.memref_slice %arg18[%add3A_59, %dma_start3A_118] : memref<10240x128xf32, #tpu.memory_space<vmem_shared>> -> memref<40x128xf32, #tpu.memory_space<vmem_shared>>
      tpu.enqueue_dma source(%arg8 : memref<40x128xf32, #tpu.memory_space<vmem>>) target(%dma_start3A_119 : memref<40x128xf32, #tpu.memory_space<vmem_shared>>) target_semaphore(%run_scoped3A : memref<!tpu.dma_semaphore, #tpu.memory_space<semaphore_mem>>)
      %dma_wait3A_120 = arith.constant 0 : i32
      %dma_wait3A_121 = tpu.memref_slice %arg18[%add3A_59, %dma_wait3A_120] : memref<10240x128xf32, #tpu.memory_space<vmem_shared>> -> memref<40x128xf32, #tpu.memory_space<vmem_shared>>
      %dma_wait3A_122 = arith.constant 0 : i32
      %dma_wait3A_123 = tpu.memref_slice %arg18[%add3A_59, %dma_wait3A_122] : memref<10240x128xf32, #tpu.memory_space<vmem_shared>> -> memref<40x128xf32, #tpu.memory_space<vmem_shared>>
      tpu.wait_dma2 semaphore(%run_scoped3A : memref<!tpu.dma_semaphore, #tpu.memory_space<semaphore_mem>>) src(%arg8 : memref<40x128xf32, #tpu.memory_space<vmem>>) dst(%dma_wait3A_123 : memref<40x128xf32, #tpu.memory_space<vmem_shared>>)
      tpu.yield
    }) : () -> ()
    %mul3A_60 = arith.constant 640 : i32
    %mul3A_61 = arith.muli %arg1, %mul3A_60 : i32
    %add3A_62 = arith.constant 480 : i32
    %add3A_63 = arith.addi %mul3A_61, %add3A_62 : i32
    "tpu.region"() ({
      %run_scoped3A = tpu.sem_alloc : memref<!tpu.dma_semaphore, #tpu.memory_space<semaphore_mem>>
      %dma_start3A_116 = arith.constant 0 : i32
      %dma_start3A_117 = tpu.memref_slice %arg18[%add3A_63, %dma_start3A_116] : memref<10240x128xf32, #tpu.memory_space<vmem_shared>> -> memref<40x128xf32, #tpu.memory_space<vmem_shared>>
      %dma_start3A_118 = arith.constant 0 : i32
      %dma_start3A_119 = tpu.memref_slice %arg18[%add3A_63, %dma_start3A_118] : memref<10240x128xf32, #tpu.memory_space<vmem_shared>> -> memref<40x128xf32, #tpu.memory_space<vmem_shared>>
      tpu.enqueue_dma source(%arg8 : memref<40x128xf32, #tpu.memory_space<vmem>>) target(%dma_start3A_119 : memref<40x128xf32, #tpu.memory_space<vmem_shared>>) target_semaphore(%run_scoped3A : memref<!tpu.dma_semaphore, #tpu.memory_space<semaphore_mem>>)
      %dma_wait3A_120 = arith.constant 0 : i32
      %dma_wait3A_121 = tpu.memref_slice %arg18[%add3A_63, %dma_wait3A_120] : memref<10240x128xf32, #tpu.memory_space<vmem_shared>> -> memref<40x128xf32, #tpu.memory_space<vmem_shared>>
      %dma_wait3A_122 = arith.constant 0 : i32
      %dma_wait3A_123 = tpu.memref_slice %arg18[%add3A_63, %dma_wait3A_122] : memref<10240x128xf32, #tpu.memory_space<vmem_shared>> -> memref<40x128xf32, #tpu.memory_space<vmem_shared>>
      tpu.wait_dma2 semaphore(%run_scoped3A : memref<!tpu.dma_semaphore, #tpu.memory_space<semaphore_mem>>) src(%arg8 : memref<40x128xf32, #tpu.memory_space<vmem>>) dst(%dma_wait3A_123 : memref<40x128xf32, #tpu.memory_space<vmem_shared>>)
      tpu.yield
    }) : () -> ()
    %mul3A_64 = arith.constant 640 : i32
    %mul3A_65 = arith.muli %arg1, %mul3A_64 : i32
    %add3A_66 = arith.constant 520 : i32
    %add3A_67 = arith.addi %mul3A_65, %add3A_66 : i32
    "tpu.region"() ({
      %run_scoped3A = tpu.sem_alloc : memref<!tpu.dma_semaphore, #tpu.memory_space<semaphore_mem>>
      %dma_start3A_116 = arith.constant 0 : i32
      %dma_start3A_117 = tpu.memref_slice %arg18[%add3A_67, %dma_start3A_116] : memref<10240x128xf32, #tpu.memory_space<vmem_shared>> -> memref<40x128xf32, #tpu.memory_space<vmem_shared>>
      %dma_start3A_118 = arith.constant 0 : i32
      %dma_start3A_119 = tpu.memref_slice %arg18[%add3A_67, %dma_start3A_118] : memref<10240x128xf32, #tpu.memory_space<vmem_shared>> -> memref<40x128xf32, #tpu.memory_space<vmem_shared>>
      tpu.enqueue_dma source(%arg8 : memref<40x128xf32, #tpu.memory_space<vmem>>) target(%dma_start3A_119 : memref<40x128xf32, #tpu.memory_space<vmem_shared>>) target_semaphore(%run_scoped3A : memref<!tpu.dma_semaphore, #tpu.memory_space<semaphore_mem>>)
      %dma_wait3A_120 = arith.constant 0 : i32
      %dma_wait3A_121 = tpu.memref_slice %arg18[%add3A_67, %dma_wait3A_120] : memref<10240x128xf32, #tpu.memory_space<vmem_shared>> -> memref<40x128xf32, #tpu.memory_space<vmem_shared>>
      %dma_wait3A_122 = arith.constant 0 : i32
      %dma_wait3A_123 = tpu.memref_slice %arg18[%add3A_67, %dma_wait3A_122] : memref<10240x128xf32, #tpu.memory_space<vmem_shared>> -> memref<40x128xf32, #tpu.memory_space<vmem_shared>>
      tpu.wait_dma2 semaphore(%run_scoped3A : memref<!tpu.dma_semaphore, #tpu.memory_space<semaphore_mem>>) src(%arg8 : memref<40x128xf32, #tpu.memory_space<vmem>>) dst(%dma_wait3A_123 : memref<40x128xf32, #tpu.memory_space<vmem_shared>>)
      tpu.yield
    }) : () -> ()
    %mul3A_68 = arith.constant 640 : i32
    %mul3A_69 = arith.muli %arg1, %mul3A_68 : i32
    %add3A_70 = arith.constant 560 : i32
    %add3A_71 = arith.addi %mul3A_69, %add3A_70 : i32
    "tpu.region"() ({
      %run_scoped3A = tpu.sem_alloc : memref<!tpu.dma_semaphore, #tpu.memory_space<semaphore_mem>>
      %dma_start3A_116 = arith.constant 0 : i32
      %dma_start3A_117 = tpu.memref_slice %arg18[%add3A_71, %dma_start3A_116] : memref<10240x128xf32, #tpu.memory_space<vmem_shared>> -> memref<40x128xf32, #tpu.memory_space<vmem_shared>>
      %dma_start3A_118 = arith.constant 0 : i32
      %dma_start3A_119 = tpu.memref_slice %arg18[%add3A_71, %dma_start3A_118] : memref<10240x128xf32, #tpu.memory_space<vmem_shared>> -> memref<40x128xf32, #tpu.memory_space<vmem_shared>>
      tpu.enqueue_dma source(%arg8 : memref<40x128xf32, #tpu.memory_space<vmem>>) target(%dma_start3A_119 : memref<40x128xf32, #tpu.memory_space<vmem_shared>>) target_semaphore(%run_scoped3A : memref<!tpu.dma_semaphore, #tpu.memory_space<semaphore_mem>>)
      %dma_wait3A_120 = arith.constant 0 : i32
      %dma_wait3A_121 = tpu.memref_slice %arg18[%add3A_71, %dma_wait3A_120] : memref<10240x128xf32, #tpu.memory_space<vmem_shared>> -> memref<40x128xf32, #tpu.memory_space<vmem_shared>>
      %dma_wait3A_122 = arith.constant 0 : i32
      %dma_wait3A_123 = tpu.memref_slice %arg18[%add3A_71, %dma_wait3A_122] : memref<10240x128xf32, #tpu.memory_space<vmem_shared>> -> memref<40x128xf32, #tpu.memory_space<vmem_shared>>
      tpu.wait_dma2 semaphore(%run_scoped3A : memref<!tpu.dma_semaphore, #tpu.memory_space<semaphore_mem>>) src(%arg8 : memref<40x128xf32, #tpu.memory_space<vmem>>) dst(%dma_wait3A_123 : memref<40x128xf32, #tpu.memory_space<vmem_shared>>)
      tpu.yield
    }) : () -> ()
    %mul3A_72 = arith.constant 640 : i32
    %mul3A_73 = arith.muli %arg1, %mul3A_72 : i32
    %add3A_74 = arith.constant 600 : i32
    %add3A_75 = arith.addi %mul3A_73, %add3A_74 : i32
    "tpu.region"() ({
      %run_scoped3A = tpu.sem_alloc : memref<!tpu.dma_semaphore, #tpu.memory_space<semaphore_mem>>
      %dma_start3A_116 = arith.constant 0 : i32
      %dma_start3A_117 = tpu.memref_slice %arg18[%add3A_75, %dma_start3A_116] : memref<10240x128xf32, #tpu.memory_space<vmem_shared>> -> memref<40x128xf32, #tpu.memory_space<vmem_shared>>
      %dma_start3A_118 = arith.constant 0 : i32
      %dma_start3A_119 = tpu.memref_slice %arg18[%add3A_75, %dma_start3A_118] : memref<10240x128xf32, #tpu.memory_space<vmem_shared>> -> memref<40x128xf32, #tpu.memory_space<vmem_shared>>
      tpu.enqueue_dma source(%arg8 : memref<40x128xf32, #tpu.memory_space<vmem>>) target(%dma_start3A_119 : memref<40x128xf32, #tpu.memory_space<vmem_shared>>) target_semaphore(%run_scoped3A : memref<!tpu.dma_semaphore, #tpu.memory_space<semaphore_mem>>)
      %dma_wait3A_120 = arith.constant 0 : i32
      %dma_wait3A_121 = tpu.memref_slice %arg18[%add3A_75, %dma_wait3A_120] : memref<10240x128xf32, #tpu.memory_space<vmem_shared>> -> memref<40x128xf32, #tpu.memory_space<vmem_shared>>
      %dma_wait3A_122 = arith.constant 0 : i32
      %dma_wait3A_123 = tpu.memref_slice %arg18[%add3A_75, %dma_wait3A_122] : memref<10240x128xf32, #tpu.memory_space<vmem_shared>> -> memref<40x128xf32, #tpu.memory_space<vmem_shared>>
      tpu.wait_dma2 semaphore(%run_scoped3A : memref<!tpu.dma_semaphore, #tpu.memory_space<semaphore_mem>>) src(%arg8 : memref<40x128xf32, #tpu.memory_space<vmem>>) dst(%dma_wait3A_123 : memref<40x128xf32, #tpu.memory_space<vmem_shared>>)
      tpu.yield
    }) : () -> ()
    %dma_wait3A = tpu.memref_slice %arg3[%add3A] : memref<320000xi32, #tpu.memory_space<hbm>> -> memref<10000xi32, #tpu.memory_space<hbm>>
    %dma_wait3A_76 = tpu.memref_slice %arg3[%add3A] : memref<320000xi32, #tpu.memory_space<hbm>> -> memref<10000xi32, #tpu.memory_space<hbm>>
    tpu.wait_dma2 semaphore(%arg13 : memref<!tpu.dma_semaphore, #tpu.memory_space<semaphore_mem>>) src(%dma_wait3A_76 : memref<10000xi32, #tpu.memory_space<hbm>>) dst(%arg6 : memref<10000xi32, #tpu.memory_space<vmem>>)
    %dma_wait3A_77 = tpu.memref_slice %arg4[%add3A] : memref<320000xi32, #tpu.memory_space<hbm>> -> memref<10000xi32, #tpu.memory_space<hbm>>
    %dma_wait3A_78 = tpu.memref_slice %arg4[%add3A] : memref<320000xi32, #tpu.memory_space<hbm>> -> memref<10000xi32, #tpu.memory_space<hbm>>
    tpu.wait_dma2 semaphore(%arg14 : memref<!tpu.dma_semaphore, #tpu.memory_space<semaphore_mem>>) src(%dma_wait3A_78 : memref<10000xi32, #tpu.memory_space<hbm>>) dst(%arg7 : memref<10000xi32, #tpu.memory_space<vmem>>)
    %barrier3A = arith.constant 0 : index
    tpu.barrier barrier_id(%barrier3A)
    %dma_start3A_79 = arith.constant 0 : i32
    %dma_start3A_80 = tpu.memref_slice %arg6[%dma_start3A_79] : memref<10000xi32, #tpu.memory_space<vmem>> -> memref<40xi32, #tpu.memory_space<vmem>>
    %dma_start3A_81 = arith.constant 0 : i32
    %dma_start3A_82 = arith.constant 0 : i32
    %dma_start3A_83 = tpu.memref_slice %arg2[%dma_start3A_81, %dma_start3A_82] : memref<10000x128xf32, #tpu.memory_space<hbm>> -> memref<10000x128xf32, #tpu.memory_space<hbm>>
    tpu.enqueue_indirect_dma source(%dma_start3A_83 : memref<10000x128xf32, #tpu.memory_space<hbm>>) target(%arg8 : memref<40x128xf32, #tpu.memory_space<vmem>>) offsets(%dma_start3A_80 : memref<40xi32, #tpu.memory_space<vmem>>) semaphore(%arg13 : memref<!tpu.dma_semaphore, #tpu.memory_space<semaphore_mem>>)
    %dma_start3A_84 = arith.constant 40 : i32
    %dma_start3A_85 = tpu.memref_slice %arg6[%dma_start3A_84] : memref<10000xi32, #tpu.memory_space<vmem>> -> memref<40xi32, #tpu.memory_space<vmem>>
    %dma_start3A_86 = arith.constant 0 : i32
    %dma_start3A_87 = arith.constant 0 : i32
    %dma_start3A_88 = tpu.memref_slice %arg2[%dma_start3A_86, %dma_start3A_87] : memref<10000x128xf32, #tpu.memory_space<hbm>> -> memref<10000x128xf32, #tpu.memory_space<hbm>>
    tpu.enqueue_indirect_dma source(%dma_start3A_88 : memref<10000x128xf32, #tpu.memory_space<hbm>>) target(%arg9 : memref<40x128xf32, #tpu.memory_space<vmem>>) offsets(%dma_start3A_85 : memref<40xi32, #tpu.memory_space<vmem>>) semaphore(%arg14 : memref<!tpu.dma_semaphore, #tpu.memory_space<semaphore_mem>>)
    %dma_start3A_89 = arith.constant 80 : i32
    %dma_start3A_90 = tpu.memref_slice %arg6[%dma_start3A_89] : memref<10000xi32, #tpu.memory_space<vmem>> -> memref<40xi32, #tpu.memory_space<vmem>>
    %dma_start3A_91 = arith.constant 0 : i32
    %dma_start3A_92 = arith.constant 0 : i32
    %dma_start3A_93 = tpu.memref_slice %arg2[%dma_start3A_91, %dma_start3A_92] : memref<10000x128xf32, #tpu.memory_space<hbm>> -> memref<10000x128xf32, #tpu.memory_space<hbm>>
    tpu.enqueue_indirect_dma source(%dma_start3A_93 : memref<10000x128xf32, #tpu.memory_space<hbm>>) target(%arg10 : memref<40x128xf32, #tpu.memory_space<vmem>>) offsets(%dma_start3A_90 : memref<40xi32, #tpu.memory_space<vmem>>) semaphore(%arg15 : memref<!tpu.dma_semaphore, #tpu.memory_space<semaphore_mem>>)
    %dma_start3A_94 = arith.constant 120 : i32
    %dma_start3A_95 = tpu.memref_slice %arg6[%dma_start3A_94] : memref<10000xi32, #tpu.memory_space<vmem>> -> memref<40xi32, #tpu.memory_space<vmem>>
    %dma_start3A_96 = arith.constant 0 : i32
    %dma_start3A_97 = arith.constant 0 : i32
    %dma_start3A_98 = tpu.memref_slice %arg2[%dma_start3A_96, %dma_start3A_97] : memref<10000x128xf32, #tpu.memory_space<hbm>> -> memref<10000x128xf32, #tpu.memory_space<hbm>>
    tpu.enqueue_indirect_dma source(%dma_start3A_98 : memref<10000x128xf32, #tpu.memory_space<hbm>>) target(%arg11 : memref<40x128xf32, #tpu.memory_space<vmem>>) offsets(%dma_start3A_95 : memref<40xi32, #tpu.memory_space<vmem>>) semaphore(%arg16 : memref<!tpu.dma_semaphore, #tpu.memory_space<semaphore_mem>>)
    %dma_start3A_99 = arith.constant 160 : i32
    %dma_start3A_100 = tpu.memref_slice %arg6[%dma_start3A_99] : memref<10000xi32, #tpu.memory_space<vmem>> -> memref<40xi32, #tpu.memory_space<vmem>>
    %dma_start3A_101 = arith.constant 0 : i32
    %dma_start3A_102 = arith.constant 0 : i32
    %dma_start3A_103 = tpu.memref_slice %arg2[%dma_start3A_101, %dma_start3A_102] : memref<10000x128xf32, #tpu.memory_space<hbm>> -> memref<10000x128xf32, #tpu.memory_space<hbm>>
    tpu.enqueue_indirect_dma source(%dma_start3A_103 : memref<10000x128xf32, #tpu.memory_space<hbm>>) target(%arg12 : memref<40x128xf32, #tpu.memory_space<vmem>>) offsets(%dma_start3A_100 : memref<40xi32, #tpu.memory_space<vmem>>) semaphore(%arg17 : memref<!tpu.dma_semaphore, #tpu.memory_space<semaphore_mem>>)
    %scan3A_104 = arith.constant 0 : i32
    %scan3A_105 = arith.constant 0 : i32
    %scan3A_106 = arith.constant 50 : i32
    %scan3A_107 = arith.addi %scan3A_105, %scan3A_106 : i32
    %scan3A_108 = arith.constant 1 : i32
    %scan3A_109 = scf.for %scan3A_116 = %scan3A_105 to %scan3A_107 step %scan3A_108 iter_args(%scan3A_117 = %scan3A_104) -> (i32)  : i32 {
      %mul3A_118 = arith.constant 5 : i32
      %mul3A_119 = arith.muli %scan3A_116, %mul3A_118 : i32
      %add3A_120 = arith.constant 0 : i32
      %add3A_121 = arith.addi %mul3A_119, %add3A_120 : i32
      %dma_wait3A_122 = arith.constant 0 : i32
      %dma_wait3A_123 = tpu.memref_slice %arg6[%dma_wait3A_122] : memref<10000xi32, #tpu.memory_space<vmem>> -> memref<40xi32, #tpu.memory_space<vmem>>
      %dma_wait3A_124 = arith.constant 0 : i32
      %dma_wait3A_125 = arith.constant 0 : i32
      %dma_wait3A_126 = tpu.memref_slice %arg2[%dma_wait3A_124, %dma_wait3A_125] : memref<10000x128xf32, #tpu.memory_space<hbm>> -> memref<10000x128xf32, #tpu.memory_space<hbm>>
      tpu.wait_indirect_dma semaphore(%arg13 : memref<!tpu.dma_semaphore, #tpu.memory_space<semaphore_mem>>) src(%dma_wait3A_126 : memref<10000x128xf32, #tpu.memory_space<hbm>>) dst(%arg8 : memref<40x128xf32, #tpu.memory_space<vmem>>)
      %mul3A_127 = arith.constant 40 : i32
      %mul3A_128 = arith.muli %add3A_121, %mul3A_127 : i32
      "tpu.region"() ({
        %run_scoped3A = tpu.sem_alloc : memref<!tpu.dma_semaphore, #tpu.memory_space<semaphore_mem>>
        %dma_start3A_206 = tpu.memref_slice %arg7[%mul3A_128] : memref<10000xi32, #tpu.memory_space<vmem>> -> memref<40xi32, #tpu.memory_space<vmem>>
        %dma_start3A_207 = arith.constant 0 : i32
        %dma_start3A_208 = arith.constant 0 : i32
        %dma_start3A_209 = tpu.memref_slice %arg18[%dma_start3A_207, %dma_start3A_208] : memref<10240x128xf32, #tpu.memory_space<vmem_shared>> -> memref<10240x128xf32, #tpu.memory_space<vmem_shared>>
        tpu.enqueue_indirect_dma source(%arg8 : memref<40x128xf32, #tpu.memory_space<vmem>>) target(%dma_start3A_209 : memref<10240x128xf32, #tpu.memory_space<vmem_shared>>) offsets(%dma_start3A_206 : memref<40xi32, #tpu.memory_space<vmem>>) semaphore(%run_scoped3A : memref<!tpu.dma_semaphore, #tpu.memory_space<semaphore_mem>>) {add = true}
        %dma_wait3A_210 = tpu.memref_slice %arg7[%mul3A_128] : memref<10000xi32, #tpu.memory_space<vmem>> -> memref<40xi32, #tpu.memory_space<vmem>>
        %dma_wait3A_211 = arith.constant 0 : i32
        %dma_wait3A_212 = arith.constant 0 : i32
        %dma_wait3A_213 = tpu.memref_slice %arg18[%dma_wait3A_211, %dma_wait3A_212] : memref<10240x128xf32, #tpu.memory_space<vmem_shared>> -> memref<10240x128xf32, #tpu.memory_space<vmem_shared>>
        tpu.wait_indirect_dma semaphore(%run_scoped3A : memref<!tpu.dma_semaphore, #tpu.memory_space<semaphore_mem>>) src(%arg8 : memref<40x128xf32, #tpu.memory_space<vmem>>) dst(%dma_wait3A_213 : memref<10240x128xf32, #tpu.memory_space<vmem_shared>>)
        tpu.yield
      }) : () -> ()
      %add3A_129 = arith.constant 5 : i32
      %add3A_130 = arith.addi %add3A_121, %add3A_129 : i32
      %lt3A = arith.constant 250 : i32
      %lt3A_131 = arith.cmpi slt, %add3A_130, %lt3A : i32
      %convert_element_type3A = arith.extui %lt3A_131 : i1 to i32
      %cond3A = arith.constant 0 : i32
      %cond3A_132 = arith.cmpi ne, %convert_element_type3A, %cond3A : i32
      scf.if %cond3A_132 {
        %add3A_206 = arith.constant 5 : i32
        %add3A_207 = arith.addi %add3A_121, %add3A_206 : i32
        %mul3A_208 = arith.constant 40 : i32
        %mul3A_209 = arith.muli %add3A_207, %mul3A_208 : i32
        %dma_start3A_210 = tpu.memref_slice %arg6[%mul3A_209] : memref<10000xi32, #tpu.memory_space<vmem>> -> memref<40xi32, #tpu.memory_space<vmem>>
        %dma_start3A_211 = arith.constant 0 : i32
        %dma_start3A_212 = arith.constant 0 : i32
        %dma_start3A_213 = tpu.memref_slice %arg2[%dma_start3A_211, %dma_start3A_212] : memref<10000x128xf32, #tpu.memory_space<hbm>> -> memref<10000x128xf32, #tpu.memory_space<hbm>>
        tpu.enqueue_indirect_dma source(%dma_start3A_213 : memref<10000x128xf32, #tpu.memory_space<hbm>>) target(%arg8 : memref<40x128xf32, #tpu.memory_space<vmem>>) offsets(%dma_start3A_210 : memref<40xi32, #tpu.memory_space<vmem>>) semaphore(%arg13 : memref<!tpu.dma_semaphore, #tpu.memory_space<semaphore_mem>>)
      } else {
      }
      %mul3A_133 = arith.constant 5 : i32
      %mul3A_134 = arith.muli %scan3A_116, %mul3A_133 : i32
      %add3A_135 = arith.constant 1 : i32
      %add3A_136 = arith.addi %mul3A_134, %add3A_135 : i32
      %dma_wait3A_137 = arith.constant 0 : i32
      %dma_wait3A_138 = tpu.memref_slice %arg6[%dma_wait3A_137] : memref<10000xi32, #tpu.memory_space<vmem>> -> memref<40xi32, #tpu.memory_space<vmem>>
      %dma_wait3A_139 = arith.constant 0 : i32
      %dma_wait3A_140 = arith.constant 0 : i32
      %dma_wait3A_141 = tpu.memref_slice %arg2[%dma_wait3A_139, %dma_wait3A_140] : memref<10000x128xf32, #tpu.memory_space<hbm>> -> memref<10000x128xf32, #tpu.memory_space<hbm>>
      tpu.wait_indirect_dma semaphore(%arg14 : memref<!tpu.dma_semaphore, #tpu.memory_space<semaphore_mem>>) src(%dma_wait3A_141 : memref<10000x128xf32, #tpu.memory_space<hbm>>) dst(%arg9 : memref<40x128xf32, #tpu.memory_space<vmem>>)
      %mul3A_142 = arith.constant 40 : i32
      %mul3A_143 = arith.muli %add3A_136, %mul3A_142 : i32
      "tpu.region"() ({
        %run_scoped3A = tpu.sem_alloc : memref<!tpu.dma_semaphore, #tpu.memory_space<semaphore_mem>>
        %dma_start3A_206 = tpu.memref_slice %arg7[%mul3A_143] : memref<10000xi32, #tpu.memory_space<vmem>> -> memref<40xi32, #tpu.memory_space<vmem>>
        %dma_start3A_207 = arith.constant 0 : i32
        %dma_start3A_208 = arith.constant 0 : i32
        %dma_start3A_209 = tpu.memref_slice %arg18[%dma_start3A_207, %dma_start3A_208] : memref<10240x128xf32, #tpu.memory_space<vmem_shared>> -> memref<10240x128xf32, #tpu.memory_space<vmem_shared>>
        tpu.enqueue_indirect_dma source(%arg9 : memref<40x128xf32, #tpu.memory_space<vmem>>) target(%dma_start3A_209 : memref<10240x128xf32, #tpu.memory_space<vmem_shared>>) offsets(%dma_start3A_206 : memref<40xi32, #tpu.memory_space<vmem>>) semaphore(%run_scoped3A : memref<!tpu.dma_semaphore, #tpu.memory_space<semaphore_mem>>) {add = true}
        %dma_wait3A_210 = tpu.memref_slice %arg7[%mul3A_143] : memref<10000xi32, #tpu.memory_space<vmem>> -> memref<40xi32, #tpu.memory_space<vmem>>
        %dma_wait3A_211 = arith.constant 0 : i32
        %dma_wait3A_212 = arith.constant 0 : i32
        %dma_wait3A_213 = tpu.memref_slice %arg18[%dma_wait3A_211, %dma_wait3A_212] : memref<10240x128xf32, #tpu.memory_space<vmem_shared>> -> memref<10240x128xf32, #tpu.memory_space<vmem_shared>>
        tpu.wait_indirect_dma semaphore(%run_scoped3A : memref<!tpu.dma_semaphore, #tpu.memory_space<semaphore_mem>>) src(%arg9 : memref<40x128xf32, #tpu.memory_space<vmem>>) dst(%dma_wait3A_213 : memref<10240x128xf32, #tpu.memory_space<vmem_shared>>)
        tpu.yield
      }) : () -> ()
      %add3A_144 = arith.constant 5 : i32
      %add3A_145 = arith.addi %add3A_136, %add3A_144 : i32
      %lt3A_146 = arith.constant 250 : i32
      %lt3A_147 = arith.cmpi slt, %add3A_145, %lt3A_146 : i32
      %convert_element_type3A_148 = arith.extui %lt3A_147 : i1 to i32
      %cond3A_149 = arith.constant 0 : i32
      %cond3A_150 = arith.cmpi ne, %convert_element_type3A_148, %cond3A_149 : i32
      scf.if %cond3A_150 {
        %add3A_206 = arith.constant 5 : i32
        %add3A_207 = arith.addi %add3A_136, %add3A_206 : i32
        %mul3A_208 = arith.constant 40 : i32
        %mul3A_209 = arith.muli %add3A_207, %mul3A_208 : i32
        %dma_start3A_210 = tpu.memref_slice %arg6[%mul3A_209] : memref<10000xi32, #tpu.memory_space<vmem>> -> memref<40xi32, #tpu.memory_space<vmem>>
        %dma_start3A_211 = arith.constant 0 : i32
        %dma_start3A_212 = arith.constant 0 : i32
        %dma_start3A_213 = tpu.memref_slice %arg2[%dma_start3A_211, %dma_start3A_212] : memref<10000x128xf32, #tpu.memory_space<hbm>> -> memref<10000x128xf32, #tpu.memory_space<hbm>>
        tpu.enqueue_indirect_dma source(%dma_start3A_213 : memref<10000x128xf32, #tpu.memory_space<hbm>>) target(%arg9 : memref<40x128xf32, #tpu.memory_space<vmem>>) offsets(%dma_start3A_210 : memref<40xi32, #tpu.memory_space<vmem>>) semaphore(%arg14 : memref<!tpu.dma_semaphore, #tpu.memory_space<semaphore_mem>>)
      } else {
      }
      %mul3A_151 = arith.constant 5 : i32
      %mul3A_152 = arith.muli %scan3A_116, %mul3A_151 : i32
      %add3A_153 = arith.constant 2 : i32
      %add3A_154 = arith.addi %mul3A_152, %add3A_153 : i32
      %dma_wait3A_155 = arith.constant 0 : i32
      %dma_wait3A_156 = tpu.memref_slice %arg6[%dma_wait3A_155] : memref<10000xi32, #tpu.memory_space<vmem>> -> memref<40xi32, #tpu.memory_space<vmem>>
      %dma_wait3A_157 = arith.constant 0 : i32
      %dma_wait3A_158 = arith.constant 0 : i32
      %dma_wait3A_159 = tpu.memref_slice %arg2[%dma_wait3A_157, %dma_wait3A_158] : memref<10000x128xf32, #tpu.memory_space<hbm>> -> memref<10000x128xf32, #tpu.memory_space<hbm>>
      tpu.wait_indirect_dma semaphore(%arg15 : memref<!tpu.dma_semaphore, #tpu.memory_space<semaphore_mem>>) src(%dma_wait3A_159 : memref<10000x128xf32, #tpu.memory_space<hbm>>) dst(%arg10 : memref<40x128xf32, #tpu.memory_space<vmem>>)
      %mul3A_160 = arith.constant 40 : i32
      %mul3A_161 = arith.muli %add3A_154, %mul3A_160 : i32
      "tpu.region"() ({
        %run_scoped3A = tpu.sem_alloc : memref<!tpu.dma_semaphore, #tpu.memory_space<semaphore_mem>>
        %dma_start3A_206 = tpu.memref_slice %arg7[%mul3A_161] : memref<10000xi32, #tpu.memory_space<vmem>> -> memref<40xi32, #tpu.memory_space<vmem>>
        %dma_start3A_207 = arith.constant 0 : i32
        %dma_start3A_208 = arith.constant 0 : i32
        %dma_start3A_209 = tpu.memref_slice %arg18[%dma_start3A_207, %dma_start3A_208] : memref<10240x128xf32, #tpu.memory_space<vmem_shared>> -> memref<10240x128xf32, #tpu.memory_space<vmem_shared>>
        tpu.enqueue_indirect_dma source(%arg10 : memref<40x128xf32, #tpu.memory_space<vmem>>) target(%dma_start3A_209 : memref<10240x128xf32, #tpu.memory_space<vmem_shared>>) offsets(%dma_start3A_206 : memref<40xi32, #tpu.memory_space<vmem>>) semaphore(%run_scoped3A : memref<!tpu.dma_semaphore, #tpu.memory_space<semaphore_mem>>) {add = true}
        %dma_wait3A_210 = tpu.memref_slice %arg7[%mul3A_161] : memref<10000xi32, #tpu.memory_space<vmem>> -> memref<40xi32, #tpu.memory_space<vmem>>
        %dma_wait3A_211 = arith.constant 0 : i32
        %dma_wait3A_212 = arith.constant 0 : i32
        %dma_wait3A_213 = tpu.memref_slice %arg18[%dma_wait3A_211, %dma_wait3A_212] : memref<10240x128xf32, #tpu.memory_space<vmem_shared>> -> memref<10240x128xf32, #tpu.memory_space<vmem_shared>>
        tpu.wait_indirect_dma semaphore(%run_scoped3A : memref<!tpu.dma_semaphore, #tpu.memory_space<semaphore_mem>>) src(%arg10 : memref<40x128xf32, #tpu.memory_space<vmem>>) dst(%dma_wait3A_213 : memref<10240x128xf32, #tpu.memory_space<vmem_shared>>)
        tpu.yield
      }) : () -> ()
      %add3A_162 = arith.constant 5 : i32
      %add3A_163 = arith.addi %add3A_154, %add3A_162 : i32
      %lt3A_164 = arith.constant 250 : i32
      %lt3A_165 = arith.cmpi slt, %add3A_163, %lt3A_164 : i32
      %convert_element_type3A_166 = arith.extui %lt3A_165 : i1 to i32
      %cond3A_167 = arith.constant 0 : i32
      %cond3A_168 = arith.cmpi ne, %convert_element_type3A_166, %cond3A_167 : i32
      scf.if %cond3A_168 {
        %add3A_206 = arith.constant 5 : i32
        %add3A_207 = arith.addi %add3A_154, %add3A_206 : i32
        %mul3A_208 = arith.constant 40 : i32
        %mul3A_209 = arith.muli %add3A_207, %mul3A_208 : i32
        %dma_start3A_210 = tpu.memref_slice %arg6[%mul3A_209] : memref<10000xi32, #tpu.memory_space<vmem>> -> memref<40xi32, #tpu.memory_space<vmem>>
        %dma_start3A_211 = arith.constant 0 : i32
        %dma_start3A_212 = arith.constant 0 : i32
        %dma_start3A_213 = tpu.memref_slice %arg2[%dma_start3A_211, %dma_start3A_212] : memref<10000x128xf32, #tpu.memory_space<hbm>> -> memref<10000x128xf32, #tpu.memory_space<hbm>>
        tpu.enqueue_indirect_dma source(%dma_start3A_213 : memref<10000x128xf32, #tpu.memory_space<hbm>>) target(%arg10 : memref<40x128xf32, #tpu.memory_space<vmem>>) offsets(%dma_start3A_210 : memref<40xi32, #tpu.memory_space<vmem>>) semaphore(%arg15 : memref<!tpu.dma_semaphore, #tpu.memory_space<semaphore_mem>>)
      } else {
      }
      %mul3A_169 = arith.constant 5 : i32
      %mul3A_170 = arith.muli %scan3A_116, %mul3A_169 : i32
      %add3A_171 = arith.constant 3 : i32
      %add3A_172 = arith.addi %mul3A_170, %add3A_171 : i32
      %dma_wait3A_173 = arith.constant 0 : i32
      %dma_wait3A_174 = tpu.memref_slice %arg6[%dma_wait3A_173] : memref<10000xi32, #tpu.memory_space<vmem>> -> memref<40xi32, #tpu.memory_space<vmem>>
      %dma_wait3A_175 = arith.constant 0 : i32
      %dma_wait3A_176 = arith.constant 0 : i32
      %dma_wait3A_177 = tpu.memref_slice %arg2[%dma_wait3A_175, %dma_wait3A_176] : memref<10000x128xf32, #tpu.memory_space<hbm>> -> memref<10000x128xf32, #tpu.memory_space<hbm>>
      tpu.wait_indirect_dma semaphore(%arg16 : memref<!tpu.dma_semaphore, #tpu.memory_space<semaphore_mem>>) src(%dma_wait3A_177 : memref<10000x128xf32, #tpu.memory_space<hbm>>) dst(%arg11 : memref<40x128xf32, #tpu.memory_space<vmem>>)
      %mul3A_178 = arith.constant 40 : i32
      %mul3A_179 = arith.muli %add3A_172, %mul3A_178 : i32
      "tpu.region"() ({
        %run_scoped3A = tpu.sem_alloc : memref<!tpu.dma_semaphore, #tpu.memory_space<semaphore_mem>>
        %dma_start3A_206 = tpu.memref_slice %arg7[%mul3A_179] : memref<10000xi32, #tpu.memory_space<vmem>> -> memref<40xi32, #tpu.memory_space<vmem>>
        %dma_start3A_207 = arith.constant 0 : i32
        %dma_start3A_208 = arith.constant 0 : i32
        %dma_start3A_209 = tpu.memref_slice %arg18[%dma_start3A_207, %dma_start3A_208] : memref<10240x128xf32, #tpu.memory_space<vmem_shared>> -> memref<10240x128xf32, #tpu.memory_space<vmem_shared>>
        tpu.enqueue_indirect_dma source(%arg11 : memref<40x128xf32, #tpu.memory_space<vmem>>) target(%dma_start3A_209 : memref<10240x128xf32, #tpu.memory_space<vmem_shared>>) offsets(%dma_start3A_206 : memref<40xi32, #tpu.memory_space<vmem>>) semaphore(%run_scoped3A : memref<!tpu.dma_semaphore, #tpu.memory_space<semaphore_mem>>) {add = true}
        %dma_wait3A_210 = tpu.memref_slice %arg7[%mul3A_179] : memref<10000xi32, #tpu.memory_space<vmem>> -> memref<40xi32, #tpu.memory_space<vmem>>
        %dma_wait3A_211 = arith.constant 0 : i32
        %dma_wait3A_212 = arith.constant 0 : i32
        %dma_wait3A_213 = tpu.memref_slice %arg18[%dma_wait3A_211, %dma_wait3A_212] : memref<10240x128xf32, #tpu.memory_space<vmem_shared>> -> memref<10240x128xf32, #tpu.memory_space<vmem_shared>>
        tpu.wait_indirect_dma semaphore(%run_scoped3A : memref<!tpu.dma_semaphore, #tpu.memory_space<semaphore_mem>>) src(%arg11 : memref<40x128xf32, #tpu.memory_space<vmem>>) dst(%dma_wait3A_213 : memref<10240x128xf32, #tpu.memory_space<vmem_shared>>)
        tpu.yield
      }) : () -> ()
      %add3A_180 = arith.constant 5 : i32
      %add3A_181 = arith.addi %add3A_172, %add3A_180 : i32
      %lt3A_182 = arith.constant 250 : i32
      %lt3A_183 = arith.cmpi slt, %add3A_181, %lt3A_182 : i32
      %convert_element_type3A_184 = arith.extui %lt3A_183 : i1 to i32
      %cond3A_185 = arith.constant 0 : i32
      %cond3A_186 = arith.cmpi ne, %convert_element_type3A_184, %cond3A_185 : i32
      scf.if %cond3A_186 {
        %add3A_206 = arith.constant 5 : i32
        %add3A_207 = arith.addi %add3A_172, %add3A_206 : i32
        %mul3A_208 = arith.constant 40 : i32
        %mul3A_209 = arith.muli %add3A_207, %mul3A_208 : i32
        %dma_start3A_210 = tpu.memref_slice %arg6[%mul3A_209] : memref<10000xi32, #tpu.memory_space<vmem>> -> memref<40xi32, #tpu.memory_space<vmem>>
        %dma_start3A_211 = arith.constant 0 : i32
        %dma_start3A_212 = arith.constant 0 : i32
        %dma_start3A_213 = tpu.memref_slice %arg2[%dma_start3A_211, %dma_start3A_212] : memref<10000x128xf32, #tpu.memory_space<hbm>> -> memref<10000x128xf32, #tpu.memory_space<hbm>>
        tpu.enqueue_indirect_dma source(%dma_start3A_213 : memref<10000x128xf32, #tpu.memory_space<hbm>>) target(%arg11 : memref<40x128xf32, #tpu.memory_space<vmem>>) offsets(%dma_start3A_210 : memref<40xi32, #tpu.memory_space<vmem>>) semaphore(%arg16 : memref<!tpu.dma_semaphore, #tpu.memory_space<semaphore_mem>>)
      } else {
      }
      %mul3A_187 = arith.constant 5 : i32
      %mul3A_188 = arith.muli %scan3A_116, %mul3A_187 : i32
      %add3A_189 = arith.constant 4 : i32
      %add3A_190 = arith.addi %mul3A_188, %add3A_189 : i32
      %dma_wait3A_191 = arith.constant 0 : i32
      %dma_wait3A_192 = tpu.memref_slice %arg6[%dma_wait3A_191] : memref<10000xi32, #tpu.memory_space<vmem>> -> memref<40xi32, #tpu.memory_space<vmem>>
      %dma_wait3A_193 = arith.constant 0 : i32
      %dma_wait3A_194 = arith.constant 0 : i32
      %dma_wait3A_195 = tpu.memref_slice %arg2[%dma_wait3A_193, %dma_wait3A_194] : memref<10000x128xf32, #tpu.memory_space<hbm>> -> memref<10000x128xf32, #tpu.memory_space<hbm>>
      tpu.wait_indirect_dma semaphore(%arg17 : memref<!tpu.dma_semaphore, #tpu.memory_space<semaphore_mem>>) src(%dma_wait3A_195 : memref<10000x128xf32, #tpu.memory_space<hbm>>) dst(%arg12 : memref<40x128xf32, #tpu.memory_space<vmem>>)
      %mul3A_196 = arith.constant 40 : i32
      %mul3A_197 = arith.muli %add3A_190, %mul3A_196 : i32
      "tpu.region"() ({
        %run_scoped3A = tpu.sem_alloc : memref<!tpu.dma_semaphore, #tpu.memory_space<semaphore_mem>>
        %dma_start3A_206 = tpu.memref_slice %arg7[%mul3A_197] : memref<10000xi32, #tpu.memory_space<vmem>> -> memref<40xi32, #tpu.memory_space<vmem>>
        %dma_start3A_207 = arith.constant 0 : i32
        %dma_start3A_208 = arith.constant 0 : i32
        %dma_start3A_209 = tpu.memref_slice %arg18[%dma_start3A_207, %dma_start3A_208] : memref<10240x128xf32, #tpu.memory_space<vmem_shared>> -> memref<10240x128xf32, #tpu.memory_space<vmem_shared>>
        tpu.enqueue_indirect_dma source(%arg12 : memref<40x128xf32, #tpu.memory_space<vmem>>) target(%dma_start3A_209 : memref<10240x128xf32, #tpu.memory_space<vmem_shared>>) offsets(%dma_start3A_206 : memref<40xi32, #tpu.memory_space<vmem>>) semaphore(%run_scoped3A : memref<!tpu.dma_semaphore, #tpu.memory_space<semaphore_mem>>) {add = true}
        %dma_wait3A_210 = tpu.memref_slice %arg7[%mul3A_197] : memref<10000xi32, #tpu.memory_space<vmem>> -> memref<40xi32, #tpu.memory_space<vmem>>
        %dma_wait3A_211 = arith.constant 0 : i32
        %dma_wait3A_212 = arith.constant 0 : i32
        %dma_wait3A_213 = tpu.memref_slice %arg18[%dma_wait3A_211, %dma_wait3A_212] : memref<10240x128xf32, #tpu.memory_space<vmem_shared>> -> memref<10240x128xf32, #tpu.memory_space<vmem_shared>>
        tpu.wait_indirect_dma semaphore(%run_scoped3A : memref<!tpu.dma_semaphore, #tpu.memory_space<semaphore_mem>>) src(%arg12 : memref<40x128xf32, #tpu.memory_space<vmem>>) dst(%dma_wait3A_213 : memref<10240x128xf32, #tpu.memory_space<vmem_shared>>)
        tpu.yield
      }) : () -> ()
      %add3A_198 = arith.constant 5 : i32
      %add3A_199 = arith.addi %add3A_190, %add3A_198 : i32
      %lt3A_200 = arith.constant 250 : i32
      %lt3A_201 = arith.cmpi slt, %add3A_199, %lt3A_200 : i32
      %convert_element_type3A_202 = arith.extui %lt3A_201 : i1 to i32
      %cond3A_203 = arith.constant 0 : i32
      %cond3A_204 = arith.cmpi ne, %convert_element_type3A_202, %cond3A_203 : i32
      scf.if %cond3A_204 {
        %add3A_206 = arith.constant 5 : i32
        %add3A_207 = arith.addi %add3A_190, %add3A_206 : i32
        %mul3A_208 = arith.constant 40 : i32
        %mul3A_209 = arith.muli %add3A_207, %mul3A_208 : i32
        %dma_start3A_210 = tpu.memref_slice %arg6[%mul3A_209] : memref<10000xi32, #tpu.memory_space<vmem>> -> memref<40xi32, #tpu.memory_space<vmem>>
        %dma_start3A_211 = arith.constant 0 : i32
        %dma_start3A_212 = arith.constant 0 : i32
        %dma_start3A_213 = tpu.memref_slice %arg2[%dma_start3A_211, %dma_start3A_212] : memref<10000x128xf32, #tpu.memory_space<hbm>> -> memref<10000x128xf32, #tpu.memory_space<hbm>>
        tpu.enqueue_indirect_dma source(%dma_start3A_213 : memref<10000x128xf32, #tpu.memory_space<hbm>>) target(%arg12 : memref<40x128xf32, #tpu.memory_space<vmem>>) offsets(%dma_start3A_210 : memref<40xi32, #tpu.memory_space<vmem>>) semaphore(%arg17 : memref<!tpu.dma_semaphore, #tpu.memory_space<semaphore_mem>>)
      } else {
      }
      %scan3A_205 = arith.constant 0 : i32
      scf.yield %scan3A_205 : i32
    }
    %scan3A_110 = arith.constant 50 : i32
    %barrier3A_111 = arith.constant 0 : index
    tpu.barrier barrier_id(%barrier3A_111)
    %mul3A_112 = arith.constant 640 : i32
    %mul3A_113 = arith.muli %arg1, %mul3A_112 : i32
    %mul3A_114 = arith.constant 640 : i32
    %mul3A_115 = arith.muli %arg1, %mul3A_114 : i32
    "tpu.region"() ({
      %run_scoped3A = tpu.sem_alloc : memref<!tpu.dma_semaphore, #tpu.memory_space<semaphore_mem>>
      %dma_start3A_116 = arith.constant 0 : i32
      %dma_start3A_117 = tpu.memref_slice %arg5[%arg0, %mul3A_115, %dma_start3A_116] : memref<2x10240x128xf32, #tpu.memory_space<hbm>> -> memref<1x640x128xf32, #tpu.memory_space<hbm>>
      %dma_start3A_118 = tpu.memref_squeeze %dma_start3A_117 : memref<1x640x128xf32, #tpu.memory_space<hbm>> -> memref<640x128xf32, #tpu.memory_space<hbm>>
      %dma_start3A_119 = arith.constant 0 : i32
      %dma_start3A_120 = tpu.memref_slice %arg18[%mul3A_113, %dma_start3A_119] : memref<10240x128xf32, #tpu.memory_space<vmem_shared>> -> memref<640x128xf32, #tpu.memory_space<vmem_shared>>
      tpu.enqueue_dma source(%dma_start3A_120 : memref<640x128xf32, #tpu.memory_space<vmem_shared>>) target(%dma_start3A_118 : memref<640x128xf32, #tpu.memory_space<hbm>>) target_semaphore(%run_scoped3A : memref<!tpu.dma_semaphore, #tpu.memory_space<semaphore_mem>>)
      %dma_wait3A_121 = arith.constant 0 : i32
      %dma_wait3A_122 = tpu.memref_slice %arg5[%arg0, %mul3A_115, %dma_wait3A_121] : memref<2x10240x128xf32, #tpu.memory_space<hbm>> -> memref<1x640x128xf32, #tpu.memory_space<hbm>>
      %dma_wait3A_123 = tpu.memref_squeeze %dma_wait3A_122 : memref<1x640x128xf32, #tpu.memory_space<hbm>> -> memref<640x128xf32, #tpu.memory_space<hbm>>
      %dma_wait3A_124 = arith.constant 0 : i32
      %dma_wait3A_125 = tpu.memref_slice %arg18[%mul3A_113, %dma_wait3A_124] : memref<10240x128xf32, #tpu.memory_space<vmem_shared>> -> memref<640x128xf32, #tpu.memory_space<vmem_shared>>
      tpu.wait_dma2 semaphore(%run_scoped3A : memref<!tpu.dma_semaphore, #tpu.memory_space<semaphore_mem>>) src(%dma_wait3A_125 : memref<640x128xf32, #tpu.memory_space<vmem_shared>>) dst(%dma_wait3A_123 : memref<640x128xf32, #tpu.memory_space<hbm>>)
      tpu.yield
    }) : () -> ()
    return
  }
}

#map = affine_map<(d0, d1) -> (0, 0)>
#map1 = affine_map<(d0, d1) -> (0)>
#map2 = affine_map<(d0, d1) -> (0, 0, 0)>
module attributes {stable_mosaic.version = 14 : i64} {
  func.func @k(%arg0: i32, %arg1: i32, %arg2: memref<10000x128xf32, #tpu.memory_space<hbm>>, %arg3: memref<320000xi32, #tpu.memory_space<hbm>>, %arg4: memref<320000xi32, #tpu.memory_space<hbm>>, %arg5: memref<2x10240x128xf32, #tpu.memory_space<hbm>>, %arg6: memref<10000xi32, #tpu.memory_space<vmem>>, %arg7: memref<10000xi32, #tpu.memory_space<vmem>>, %arg8: memref<40x128xf32, #tpu.memory_space<vmem>>, %arg9: memref<40x128xf32, #tpu.memory_space<vmem>>, %arg10: memref<40x128xf32, #tpu.memory_space<vmem>>, %arg11: memref<40x128xf32, #tpu.memory_space<vmem>>, %arg12: memref<40x128xf32, #tpu.memory_space<vmem>>, %arg13: memref<!tpu.dma_semaphore, #tpu.memory_space<semaphore_mem>>, %arg14: memref<!tpu.dma_semaphore, #tpu.memory_space<semaphore_mem>>, %arg15: memref<!tpu.dma_semaphore, #tpu.memory_space<semaphore_mem>>, %arg16: memref<!tpu.dma_semaphore, #tpu.memory_space<semaphore_mem>>, %arg17: memref<!tpu.dma_semaphore, #tpu.memory_space<semaphore_mem>>, %arg18: memref<10240x128xf32, #tpu.memory_space<vmem_shared>>) attributes {dimension_semantics = [#tpu.dimension_semantics<core_parallel>, #tpu.dimension_semantics<subcore_parallel>], iteration_bounds = array<i64: 2, 16>, scalar_prefetch = 0 : i64, scratch_operands = 13 : i64, tpu.core_type = #tpu.core_type<sc_vector_subcore>, window_params = [{transform_indices = #map}, {transform_indices = #map1}, {transform_indices = #map1}, {transform_indices = #map2}]} {
    %mul3A = arith.constant 160000 : i32
    %mul3A_0 = arith.muli %arg0, %mul3A : i32
    %mul3A_1 = arith.constant 10000 : i32
    %mul3A_2 = arith.muli %arg1, %mul3A_1 : i32
    %add3A = arith.addi %mul3A_0, %mul3A_2 : i32
    %dma_start3A = tpu.memref_slice %arg3[%add3A] : memref<320000xi32, #tpu.memory_space<hbm>> -> memref<10000xi32, #tpu.memory_space<hbm>>
    %dma_start3A_3 = tpu.memref_slice %arg3[%add3A] : memref<320000xi32, #tpu.memory_space<hbm>> -> memref<10000xi32, #tpu.memory_space<hbm>>
    tpu.enqueue_dma source(%dma_start3A_3 : memref<10000xi32, #tpu.memory_space<hbm>>) target(%arg6 : memref<10000xi32, #tpu.memory_space<vmem>>) target_semaphore(%arg13 : memref<!tpu.dma_semaphore, #tpu.memory_space<semaphore_mem>>)
    %dma_start3A_4 = tpu.memref_slice %arg4[%add3A] : memref<320000xi32, #tpu.memory_space<hbm>> -> memref<10000xi32, #tpu.memory_space<hbm>>
    %dma_start3A_5 = tpu.memref_slice %arg4[%add3A] : memref<320000xi32, #tpu.memory_space<hbm>> -> memref<10000xi32, #tpu.memory_space<hbm>>
    tpu.enqueue_dma source(%dma_start3A_5 : memref<10000xi32, #tpu.memory_space<hbm>>) target(%arg7 : memref<10000xi32, #tpu.memory_space<vmem>>) target_semaphore(%arg14 : memref<!tpu.dma_semaphore, #tpu.memory_space<semaphore_mem>>)
    %scan3A = arith.constant 0 : i32
    %scan3A_6 = arith.constant 0 : i32
    %scan3A_7 = arith.constant 320 : i32
    %scan3A_8 = arith.addi %scan3A_6, %scan3A_7 : i32
    %scan3A_9 = arith.constant 1 : i32
    %scan3A_10 = scf.for %scan3A_116 = %scan3A_6 to %scan3A_8 step %scan3A_9 iter_args(%scan3A_117 = %scan3A) -> (i32)  : i32 {
      %broadcast_in_dim3A = arith.constant 0.000000e+00 : f32
      %broadcast_in_dim3A_118 = vector.broadcast %broadcast_in_dim3A : f32 to vector<16xf32>
      %jit3A = arith.constant 8 : i32
      %div3A = arith.divsi %scan3A_116, %jit3A : i32
      %sign3A = arith.constant 0 : i32
      %sign3A_119 = arith.cmpi sgt, %scan3A_116, %sign3A : i32
      %sign3A_120 = arith.extui %sign3A_119 : i1 to i32
      %sign3A_121 = arith.constant 0 : i32
      %sign3A_122 = arith.cmpi slt, %scan3A_116, %sign3A_121 : i32
      %sign3A_123 = arith.extui %sign3A_122 : i1 to i32
      %sign3A_124 = arith.subi %sign3A_120, %sign3A_123 : i32
      %sign3A_125 = arith.constant 0 : i32
      %sign3A_126 = arith.cmpi sgt, %jit3A, %sign3A_125 : i32
      %sign3A_127 = arith.extui %sign3A_126 : i1 to i32
      %sign3A_128 = arith.constant 0 : i32
      %sign3A_129 = arith.cmpi slt, %jit3A, %sign3A_128 : i32
      %sign3A_130 = arith.extui %sign3A_129 : i1 to i32
      %sign3A_131 = arith.subi %sign3A_127, %sign3A_130 : i32
      %ne3A = arith.cmpi ne, %sign3A_124, %sign3A_131 : i32
      %rem3A = arith.remsi %scan3A_116, %jit3A : i32
      %ne3A_132 = arith.constant 0 : i32
      %ne3A_133 = arith.cmpi ne, %rem3A, %ne3A_132 : i32
      %and3A = arith.andi %ne3A, %ne3A_133 : i1
      %sub3A = arith.constant 1 : i32
      %sub3A_134 = arith.subi %div3A, %sub3A : i32
      %select_n3A = arith.select %and3A, %sub3A_134, %div3A : i32
      %jit3A_135 = arith.constant 8 : i32
      %eq3A = arith.constant 0 : i32
      %eq3A_136 = arith.cmpi eq, %jit3A_135, %eq3A : i32
      %jit3A_137 = arith.constant 1 : i32
      %select_n3A_138 = arith.select %eq3A_136, %jit3A_137, %jit3A_135 : i32
      %rem3A_139 = arith.remsi %scan3A_116, %select_n3A_138 : i32
      %ne3A_140 = arith.constant 0 : i32
      %ne3A_141 = arith.cmpi ne, %rem3A_139, %ne3A_140 : i32
      %lt3A = arith.constant 0 : i32
      %lt3A_142 = arith.cmpi slt, %rem3A_139, %lt3A : i32
      %lt3A_143 = arith.constant 0 : i32
      %lt3A_144 = arith.cmpi slt, %select_n3A_138, %lt3A_143 : i32
      %ne3A_145 = arith.xori %lt3A_142, %lt3A_144 : i1
      %and3A_146 = arith.andi %ne3A_145, %ne3A_141 : i1
      %add3A_147 = arith.addi %rem3A_139, %select_n3A_138 : i32
      %select_n3A_148 = arith.select %and3A_146, %add3A_147, %rem3A_139 : i32
      %mul3A_149 = arith.constant 16 : i32
      %mul3A_150 = arith.muli %select_n3A_148, %mul3A_149 : i32
      %swap3A = arith.index_cast %select_n3A : i32 to index
      %swap3A_151 = arith.index_cast %mul3A_150 : i32 to index
      %swap3A_152 = tpu.vector_load %arg8[%swap3A, %swap3A_151] {strides = array<i32>} : memref<40x128xf32, #tpu.memory_space<vmem>>, vector<1x16xf32>,
      %swap3A_153 = vector.shape_cast %swap3A_152 : vector<1x16xf32> to vector<16xf32>
      %swap3A_154 = vector.shape_cast %broadcast_in_dim3A_118 : vector<16xf32> to vector<1x16xf32>
      tpu.vector_store %arg8[%swap3A, %swap3A_151], %swap3A_154 {strides = array<i32>} : memref<40x128xf32, #tpu.memory_space<vmem>>, vector<1x16xf32>,
      %scan3A_155 = arith.constant 0 : i32
      scf.yield %scan3A_155 : i32
    }
    %scan3A_11 = arith.constant 320 : i32
    %mul3A_12 = arith.constant 640 : i32
    %mul3A_13 = arith.muli %arg1, %mul3A_12 : i32
    %add3A_14 = arith.constant 0 : i32
    %add3A_15 = arith.addi %mul3A_13, %add3A_14 : i32
    "tpu.region"() ({
      %run_scoped3A = tpu.sem_alloc : memref<!tpu.dma_semaphore, #tpu.memory_space<semaphore_mem>>
      %dma_start3A_116 = arith.constant 0 : i32
      %dma_start3A_117 = tpu.memref_slice %arg18[%add3A_15, %dma_start3A_116] : memref<10240x128xf32, #tpu.memory_space<vmem_shared>> -> memref<40x128xf32, #tpu.memory_space<vmem_shared>>
      %dma_start3A_118 = arith.constant 0 : i32
      %dma_start3A_119 = tpu.memref_slice %arg18[%add3A_15, %dma_start3A_118] : memref<10240x128xf32, #tpu.memory_space<vmem_shared>> -> memref<40x128xf32, #tpu.memory_space<vmem_shared>>
      tpu.enqueue_dma source(%arg8 : memref<40x128xf32, #tpu.memory_space<vmem>>) target(%dma_start3A_119 : memref<40x128xf32, #tpu.memory_space<vmem_shared>>) target_semaphore(%run_scoped3A : memref<!tpu.dma_semaphore, #tpu.memory_space<semaphore_mem>>)
      %dma_wait3A_120 = arith.constant 0 : i32
      %dma_wait3A_121 = tpu.memref_slice %arg18[%add3A_15, %dma_wait3A_120] : memref<10240x128xf32, #tpu.memory_space<vmem_shared>> -> memref<40x128xf32, #tpu.memory_space<vmem_shared>>
      %dma_wait3A_122 = arith.constant 0 : i32
      %dma_wait3A_123 = tpu.memref_slice %arg18[%add3A_15, %dma_wait3A_122] : memref<10240x128xf32, #tpu.memory_space<vmem_shared>> -> memref<40x128xf32, #tpu.memory_space<vmem_shared>>
      tpu.wait_dma2 semaphore(%run_scoped3A : memref<!tpu.dma_semaphore, #tpu.memory_space<semaphore_mem>>) src(%arg8 : memref<40x128xf32, #tpu.memory_space<vmem>>) dst(%dma_wait3A_123 : memref<40x128xf32, #tpu.memory_space<vmem_shared>>)
      tpu.yield
    }) : () -> ()
    %mul3A_16 = arith.constant 640 : i32
    %mul3A_17 = arith.muli %arg1, %mul3A_16 : i32
    %add3A_18 = arith.constant 40 : i32
    %add3A_19 = arith.addi %mul3A_17, %add3A_18 : i32
    "tpu.region"() ({
      %run_scoped3A = tpu.sem_alloc : memref<!tpu.dma_semaphore, #tpu.memory_space<semaphore_mem>>
      %dma_start3A_116 = arith.constant 0 : i32
      %dma_start3A_117 = tpu.memref_slice %arg18[%add3A_19, %dma_start3A_116] : memref<10240x128xf32, #tpu.memory_space<vmem_shared>> -> memref<40x128xf32, #tpu.memory_space<vmem_shared>>
      %dma_start3A_118 = arith.constant 0 : i32
      %dma_start3A_119 = tpu.memref_slice %arg18[%add3A_19, %dma_start3A_118] : memref<10240x128xf32, #tpu.memory_space<vmem_shared>> -> memref<40x128xf32, #tpu.memory_space<vmem_shared>>
      tpu.enqueue_dma source(%arg8 : memref<40x128xf32, #tpu.memory_space<vmem>>) target(%dma_start3A_119 : memref<40x128xf32, #tpu.memory_space<vmem_shared>>) target_semaphore(%run_scoped3A : memref<!tpu.dma_semaphore, #tpu.memory_space<semaphore_mem>>)
      %dma_wait3A_120 = arith.constant 0 : i32
      %dma_wait3A_121 = tpu.memref_slice %arg18[%add3A_19, %dma_wait3A_120] : memref<10240x128xf32, #tpu.memory_space<vmem_shared>> -> memref<40x128xf32, #tpu.memory_space<vmem_shared>>
      %dma_wait3A_122 = arith.constant 0 : i32
      %dma_wait3A_123 = tpu.memref_slice %arg18[%add3A_19, %dma_wait3A_122] : memref<10240x128xf32, #tpu.memory_space<vmem_shared>> -> memref<40x128xf32, #tpu.memory_space<vmem_shared>>
      tpu.wait_dma2 semaphore(%run_scoped3A : memref<!tpu.dma_semaphore, #tpu.memory_space<semaphore_mem>>) src(%arg8 : memref<40x128xf32, #tpu.memory_space<vmem>>) dst(%dma_wait3A_123 : memref<40x128xf32, #tpu.memory_space<vmem_shared>>)
      tpu.yield
    }) : () -> ()
    %mul3A_20 = arith.constant 640 : i32
    %mul3A_21 = arith.muli %arg1, %mul3A_20 : i32
    %add3A_22 = arith.constant 80 : i32
    %add3A_23 = arith.addi %mul3A_21, %add3A_22 : i32
    "tpu.region"() ({
      %run_scoped3A = tpu.sem_alloc : memref<!tpu.dma_semaphore, #tpu.memory_space<semaphore_mem>>
      %dma_start3A_116 = arith.constant 0 : i32
      %dma_start3A_117 = tpu.memref_slice %arg18[%add3A_23, %dma_start3A_116] : memref<10240x128xf32, #tpu.memory_space<vmem_shared>> -> memref<40x128xf32, #tpu.memory_space<vmem_shared>>
      %dma_start3A_118 = arith.constant 0 : i32
      %dma_start3A_119 = tpu.memref_slice %arg18[%add3A_23, %dma_start3A_118] : memref<10240x128xf32, #tpu.memory_space<vmem_shared>> -> memref<40x128xf32, #tpu.memory_space<vmem_shared>>
      tpu.enqueue_dma source(%arg8 : memref<40x128xf32, #tpu.memory_space<vmem>>) target(%dma_start3A_119 : memref<40x128xf32, #tpu.memory_space<vmem_shared>>) target_semaphore(%run_scoped3A : memref<!tpu.dma_semaphore, #tpu.memory_space<semaphore_mem>>)
      %dma_wait3A_120 = arith.constant 0 : i32
      %dma_wait3A_121 = tpu.memref_slice %arg18[%add3A_23, %dma_wait3A_120] : memref<10240x128xf32, #tpu.memory_space<vmem_shared>> -> memref<40x128xf32, #tpu.memory_space<vmem_shared>>
      %dma_wait3A_122 = arith.constant 0 : i32
      %dma_wait3A_123 = tpu.memref_slice %arg18[%add3A_23, %dma_wait3A_122] : memref<10240x128xf32, #tpu.memory_space<vmem_shared>> -> memref<40x128xf32, #tpu.memory_space<vmem_shared>>
      tpu.wait_dma2 semaphore(%run_scoped3A : memref<!tpu.dma_semaphore, #tpu.memory_space<semaphore_mem>>) src(%arg8 : memref<40x128xf32, #tpu.memory_space<vmem>>) dst(%dma_wait3A_123 : memref<40x128xf32, #tpu.memory_space<vmem_shared>>)
      tpu.yield
    }) : () -> ()
    %mul3A_24 = arith.constant 640 : i32
    %mul3A_25 = arith.muli %arg1, %mul3A_24 : i32
    %add3A_26 = arith.constant 120 : i32
    %add3A_27 = arith.addi %mul3A_25, %add3A_26 : i32
    "tpu.region"() ({
      %run_scoped3A = tpu.sem_alloc : memref<!tpu.dma_semaphore, #tpu.memory_space<semaphore_mem>>
      %dma_start3A_116 = arith.constant 0 : i32
      %dma_start3A_117 = tpu.memref_slice %arg18[%add3A_27, %dma_start3A_116] : memref<10240x128xf32, #tpu.memory_space<vmem_shared>> -> memref<40x128xf32, #tpu.memory_space<vmem_shared>>
      %dma_start3A_118 = arith.constant 0 : i32
      %dma_start3A_119 = tpu.memref_slice %arg18[%add3A_27, %dma_start3A_118] : memref<10240x128xf32, #tpu.memory_space<vmem_shared>> -> memref<40x128xf32, #tpu.memory_space<vmem_shared>>
      tpu.enqueue_dma source(%arg8 : memref<40x128xf32, #tpu.memory_space<vmem>>) target(%dma_start3A_119 : memref<40x128xf32, #tpu.memory_space<vmem_shared>>) target_semaphore(%run_scoped3A : memref<!tpu.dma_semaphore, #tpu.memory_space<semaphore_mem>>)
      %dma_wait3A_120 = arith.constant 0 : i32
      %dma_wait3A_121 = tpu.memref_slice %arg18[%add3A_27, %dma_wait3A_120] : memref<10240x128xf32, #tpu.memory_space<vmem_shared>> -> memref<40x128xf32, #tpu.memory_space<vmem_shared>>
      %dma_wait3A_122 = arith.constant 0 : i32
      %dma_wait3A_123 = tpu.memref_slice %arg18[%add3A_27, %dma_wait3A_122] : memref<10240x128xf32, #tpu.memory_space<vmem_shared>> -> memref<40x128xf32, #tpu.memory_space<vmem_shared>>
      tpu.wait_dma2 semaphore(%run_scoped3A : memref<!tpu.dma_semaphore, #tpu.memory_space<semaphore_mem>>) src(%arg8 : memref<40x128xf32, #tpu.memory_space<vmem>>) dst(%dma_wait3A_123 : memref<40x128xf32, #tpu.memory_space<vmem_shared>>)
      tpu.yield
    }) : () -> ()
    %mul3A_28 = arith.constant 640 : i32
    %mul3A_29 = arith.muli %arg1, %mul3A_28 : i32
    %add3A_30 = arith.constant 160 : i32
    %add3A_31 = arith.addi %mul3A_29, %add3A_30 : i32
    "tpu.region"() ({
      %run_scoped3A = tpu.sem_alloc : memref<!tpu.dma_semaphore, #tpu.memory_space<semaphore_mem>>
      %dma_start3A_116 = arith.constant 0 : i32
      %dma_start3A_117 = tpu.memref_slice %arg18[%add3A_31, %dma_start3A_116] : memref<10240x128xf32, #tpu.memory_space<vmem_shared>> -> memref<40x128xf32, #tpu.memory_space<vmem_shared>>
      %dma_start3A_118 = arith.constant 0 : i32
      %dma_start3A_119 = tpu.memref_slice %arg18[%add3A_31, %dma_start3A_118] : memref<10240x128xf32, #tpu.memory_space<vmem_shared>> -> memref<40x128xf32, #tpu.memory_space<vmem_shared>>
      tpu.enqueue_dma source(%arg8 : memref<40x128xf32, #tpu.memory_space<vmem>>) target(%dma_start3A_119 : memref<40x128xf32, #tpu.memory_space<vmem_shared>>) target_semaphore(%run_scoped3A : memref<!tpu.dma_semaphore, #tpu.memory_space<semaphore_mem>>)
      %dma_wait3A_120 = arith.constant 0 : i32
      %dma_wait3A_121 = tpu.memref_slice %arg18[%add3A_31, %dma_wait3A_120] : memref<10240x128xf32, #tpu.memory_space<vmem_shared>> -> memref<40x128xf32, #tpu.memory_space<vmem_shared>>
      %dma_wait3A_122 = arith.constant 0 : i32
      %dma_wait3A_123 = tpu.memref_slice %arg18[%add3A_31, %dma_wait3A_122] : memref<10240x128xf32, #tpu.memory_space<vmem_shared>> -> memref<40x128xf32, #tpu.memory_space<vmem_shared>>
      tpu.wait_dma2 semaphore(%run_scoped3A : memref<!tpu.dma_semaphore, #tpu.memory_space<semaphore_mem>>) src(%arg8 : memref<40x128xf32, #tpu.memory_space<vmem>>) dst(%dma_wait3A_123 : memref<40x128xf32, #tpu.memory_space<vmem_shared>>)
      tpu.yield
    }) : () -> ()
    %mul3A_32 = arith.constant 640 : i32
    %mul3A_33 = arith.muli %arg1, %mul3A_32 : i32
    %add3A_34 = arith.constant 200 : i32
    %add3A_35 = arith.addi %mul3A_33, %add3A_34 : i32
    "tpu.region"() ({
      %run_scoped3A = tpu.sem_alloc : memref<!tpu.dma_semaphore, #tpu.memory_space<semaphore_mem>>
      %dma_start3A_116 = arith.constant 0 : i32
      %dma_start3A_117 = tpu.memref_slice %arg18[%add3A_35, %dma_start3A_116] : memref<10240x128xf32, #tpu.memory_space<vmem_shared>> -> memref<40x128xf32, #tpu.memory_space<vmem_shared>>
      %dma_start3A_118 = arith.constant 0 : i32
      %dma_start3A_119 = tpu.memref_slice %arg18[%add3A_35, %dma_start3A_118] : memref<10240x128xf32, #tpu.memory_space<vmem_shared>> -> memref<40x128xf32, #tpu.memory_space<vmem_shared>>
      tpu.enqueue_dma source(%arg8 : memref<40x128xf32, #tpu.memory_space<vmem>>) target(%dma_start3A_119 : memref<40x128xf32, #tpu.memory_space<vmem_shared>>) target_semaphore(%run_scoped3A : memref<!tpu.dma_semaphore, #tpu.memory_space<semaphore_mem>>)
      %dma_wait3A_120 = arith.constant 0 : i32
      %dma_wait3A_121 = tpu.memref_slice %arg18[%add3A_35, %dma_wait3A_120] : memref<10240x128xf32, #tpu.memory_space<vmem_shared>> -> memref<40x128xf32, #tpu.memory_space<vmem_shared>>
      %dma_wait3A_122 = arith.constant 0 : i32
      %dma_wait3A_123 = tpu.memref_slice %arg18[%add3A_35, %dma_wait3A_122] : memref<10240x128xf32, #tpu.memory_space<vmem_shared>> -> memref<40x128xf32, #tpu.memory_space<vmem_shared>>
      tpu.wait_dma2 semaphore(%run_scoped3A : memref<!tpu.dma_semaphore, #tpu.memory_space<semaphore_mem>>) src(%arg8 : memref<40x128xf32, #tpu.memory_space<vmem>>) dst(%dma_wait3A_123 : memref<40x128xf32, #tpu.memory_space<vmem_shared>>)
      tpu.yield
    }) : () -> ()
    %mul3A_36 = arith.constant 640 : i32
    %mul3A_37 = arith.muli %arg1, %mul3A_36 : i32
    %add3A_38 = arith.constant 240 : i32
    %add3A_39 = arith.addi %mul3A_37, %add3A_38 : i32
    "tpu.region"() ({
      %run_scoped3A = tpu.sem_alloc : memref<!tpu.dma_semaphore, #tpu.memory_space<semaphore_mem>>
      %dma_start3A_116 = arith.constant 0 : i32
      %dma_start3A_117 = tpu.memref_slice %arg18[%add3A_39, %dma_start3A_116] : memref<10240x128xf32, #tpu.memory_space<vmem_shared>> -> memref<40x128xf32, #tpu.memory_space<vmem_shared>>
      %dma_start3A_118 = arith.constant 0 : i32
      %dma_start3A_119 = tpu.memref_slice %arg18[%add3A_39, %dma_start3A_118] : memref<10240x128xf32, #tpu.memory_space<vmem_shared>> -> memref<40x128xf32, #tpu.memory_space<vmem_shared>>
      tpu.enqueue_dma source(%arg8 : memref<40x128xf32, #tpu.memory_space<vmem>>) target(%dma_start3A_119 : memref<40x128xf32, #tpu.memory_space<vmem_shared>>) target_semaphore(%run_scoped3A : memref<!tpu.dma_semaphore, #tpu.memory_space<semaphore_mem>>)
      %dma_wait3A_120 = arith.constant 0 : i32
      %dma_wait3A_121 = tpu.memref_slice %arg18[%add3A_39, %dma_wait3A_120] : memref<10240x128xf32, #tpu.memory_space<vmem_shared>> -> memref<40x128xf32, #tpu.memory_space<vmem_shared>>
      %dma_wait3A_122 = arith.constant 0 : i32
      %dma_wait3A_123 = tpu.memref_slice %arg18[%add3A_39, %dma_wait3A_122] : memref<10240x128xf32, #tpu.memory_space<vmem_shared>> -> memref<40x128xf32, #tpu.memory_space<vmem_shared>>
      tpu.wait_dma2 semaphore(%run_scoped3A : memref<!tpu.dma_semaphore, #tpu.memory_space<semaphore_mem>>) src(%arg8 : memref<40x128xf32, #tpu.memory_space<vmem>>) dst(%dma_wait3A_123 : memref<40x128xf32, #tpu.memory_space<vmem_shared>>)
      tpu.yield
    }) : () -> ()
    %mul3A_40 = arith.constant 640 : i32
    %mul3A_41 = arith.muli %arg1, %mul3A_40 : i32
    %add3A_42 = arith.constant 280 : i32
    %add3A_43 = arith.addi %mul3A_41, %add3A_42 : i32
    "tpu.region"() ({
      %run_scoped3A = tpu.sem_alloc : memref<!tpu.dma_semaphore, #tpu.memory_space<semaphore_mem>>
      %dma_start3A_116 = arith.constant 0 : i32
      %dma_start3A_117 = tpu.memref_slice %arg18[%add3A_43, %dma_start3A_116] : memref<10240x128xf32, #tpu.memory_space<vmem_shared>> -> memref<40x128xf32, #tpu.memory_space<vmem_shared>>
      %dma_start3A_118 = arith.constant 0 : i32
      %dma_start3A_119 = tpu.memref_slice %arg18[%add3A_43, %dma_start3A_118] : memref<10240x128xf32, #tpu.memory_space<vmem_shared>> -> memref<40x128xf32, #tpu.memory_space<vmem_shared>>
      tpu.enqueue_dma source(%arg8 : memref<40x128xf32, #tpu.memory_space<vmem>>) target(%dma_start3A_119 : memref<40x128xf32, #tpu.memory_space<vmem_shared>>) target_semaphore(%run_scoped3A : memref<!tpu.dma_semaphore, #tpu.memory_space<semaphore_mem>>)
      %dma_wait3A_120 = arith.constant 0 : i32
      %dma_wait3A_121 = tpu.memref_slice %arg18[%add3A_43, %dma_wait3A_120] : memref<10240x128xf32, #tpu.memory_space<vmem_shared>> -> memref<40x128xf32, #tpu.memory_space<vmem_shared>>
      %dma_wait3A_122 = arith.constant 0 : i32
      %dma_wait3A_123 = tpu.memref_slice %arg18[%add3A_43, %dma_wait3A_122] : memref<10240x128xf32, #tpu.memory_space<vmem_shared>> -> memref<40x128xf32, #tpu.memory_space<vmem_shared>>
      tpu.wait_dma2 semaphore(%run_scoped3A : memref<!tpu.dma_semaphore, #tpu.memory_space<semaphore_mem>>) src(%arg8 : memref<40x128xf32, #tpu.memory_space<vmem>>) dst(%dma_wait3A_123 : memref<40x128xf32, #tpu.memory_space<vmem_shared>>)
      tpu.yield
    }) : () -> ()
    %mul3A_44 = arith.constant 640 : i32
    %mul3A_45 = arith.muli %arg1, %mul3A_44 : i32
    %add3A_46 = arith.constant 320 : i32
    %add3A_47 = arith.addi %mul3A_45, %add3A_46 : i32
    "tpu.region"() ({
      %run_scoped3A = tpu.sem_alloc : memref<!tpu.dma_semaphore, #tpu.memory_space<semaphore_mem>>
      %dma_start3A_116 = arith.constant 0 : i32
      %dma_start3A_117 = tpu.memref_slice %arg18[%add3A_47, %dma_start3A_116] : memref<10240x128xf32, #tpu.memory_space<vmem_shared>> -> memref<40x128xf32, #tpu.memory_space<vmem_shared>>
      %dma_start3A_118 = arith.constant 0 : i32
      %dma_start3A_119 = tpu.memref_slice %arg18[%add3A_47, %dma_start3A_118] : memref<10240x128xf32, #tpu.memory_space<vmem_shared>> -> memref<40x128xf32, #tpu.memory_space<vmem_shared>>
      tpu.enqueue_dma source(%arg8 : memref<40x128xf32, #tpu.memory_space<vmem>>) target(%dma_start3A_119 : memref<40x128xf32, #tpu.memory_space<vmem_shared>>) target_semaphore(%run_scoped3A : memref<!tpu.dma_semaphore, #tpu.memory_space<semaphore_mem>>)
      %dma_wait3A_120 = arith.constant 0 : i32
      %dma_wait3A_121 = tpu.memref_slice %arg18[%add3A_47, %dma_wait3A_120] : memref<10240x128xf32, #tpu.memory_space<vmem_shared>> -> memref<40x128xf32, #tpu.memory_space<vmem_shared>>
      %dma_wait3A_122 = arith.constant 0 : i32
      %dma_wait3A_123 = tpu.memref_slice %arg18[%add3A_47, %dma_wait3A_122] : memref<10240x128xf32, #tpu.memory_space<vmem_shared>> -> memref<40x128xf32, #tpu.memory_space<vmem_shared>>
      tpu.wait_dma2 semaphore(%run_scoped3A : memref<!tpu.dma_semaphore, #tpu.memory_space<semaphore_mem>>) src(%arg8 : memref<40x128xf32, #tpu.memory_space<vmem>>) dst(%dma_wait3A_123 : memref<40x128xf32, #tpu.memory_space<vmem_shared>>)
      tpu.yield
    }) : () -> ()
    %mul3A_48 = arith.constant 640 : i32
    %mul3A_49 = arith.muli %arg1, %mul3A_48 : i32
    %add3A_50 = arith.constant 360 : i32
    %add3A_51 = arith.addi %mul3A_49, %add3A_50 : i32
    "tpu.region"() ({
      %run_scoped3A = tpu.sem_alloc : memref<!tpu.dma_semaphore, #tpu.memory_space<semaphore_mem>>
      %dma_start3A_116 = arith.constant 0 : i32
      %dma_start3A_117 = tpu.memref_slice %arg18[%add3A_51, %dma_start3A_116] : memref<10240x128xf32, #tpu.memory_space<vmem_shared>> -> memref<40x128xf32, #tpu.memory_space<vmem_shared>>
      %dma_start3A_118 = arith.constant 0 : i32
      %dma_start3A_119 = tpu.memref_slice %arg18[%add3A_51, %dma_start3A_118] : memref<10240x128xf32, #tpu.memory_space<vmem_shared>> -> memref<40x128xf32, #tpu.memory_space<vmem_shared>>
      tpu.enqueue_dma source(%arg8 : memref<40x128xf32, #tpu.memory_space<vmem>>) target(%dma_start3A_119 : memref<40x128xf32, #tpu.memory_space<vmem_shared>>) target_semaphore(%run_scoped3A : memref<!tpu.dma_semaphore, #tpu.memory_space<semaphore_mem>>)
      %dma_wait3A_120 = arith.constant 0 : i32
      %dma_wait3A_121 = tpu.memref_slice %arg18[%add3A_51, %dma_wait3A_120] : memref<10240x128xf32, #tpu.memory_space<vmem_shared>> -> memref<40x128xf32, #tpu.memory_space<vmem_shared>>
      %dma_wait3A_122 = arith.constant 0 : i32
      %dma_wait3A_123 = tpu.memref_slice %arg18[%add3A_51, %dma_wait3A_122] : memref<10240x128xf32, #tpu.memory_space<vmem_shared>> -> memref<40x128xf32, #tpu.memory_space<vmem_shared>>
      tpu.wait_dma2 semaphore(%run_scoped3A : memref<!tpu.dma_semaphore, #tpu.memory_space<semaphore_mem>>) src(%arg8 : memref<40x128xf32, #tpu.memory_space<vmem>>) dst(%dma_wait3A_123 : memref<40x128xf32, #tpu.memory_space<vmem_shared>>)
      tpu.yield
    }) : () -> ()
    %mul3A_52 = arith.constant 640 : i32
    %mul3A_53 = arith.muli %arg1, %mul3A_52 : i32
    %add3A_54 = arith.constant 400 : i32
    %add3A_55 = arith.addi %mul3A_53, %add3A_54 : i32
    "tpu.region"() ({
      %run_scoped3A = tpu.sem_alloc : memref<!tpu.dma_semaphore, #tpu.memory_space<semaphore_mem>>
      %dma_start3A_116 = arith.constant 0 : i32
      %dma_start3A_117 = tpu.memref_slice %arg18[%add3A_55, %dma_start3A_116] : memref<10240x128xf32, #tpu.memory_space<vmem_shared>> -> memref<40x128xf32, #tpu.memory_space<vmem_shared>>
      %dma_start3A_118 = arith.constant 0 : i32
      %dma_start3A_119 = tpu.memref_slice %arg18[%add3A_55, %dma_start3A_118] : memref<10240x128xf32, #tpu.memory_space<vmem_shared>> -> memref<40x128xf32, #tpu.memory_space<vmem_shared>>
      tpu.enqueue_dma source(%arg8 : memref<40x128xf32, #tpu.memory_space<vmem>>) target(%dma_start3A_119 : memref<40x128xf32, #tpu.memory_space<vmem_shared>>) target_semaphore(%run_scoped3A : memref<!tpu.dma_semaphore, #tpu.memory_space<semaphore_mem>>)
      %dma_wait3A_120 = arith.constant 0 : i32
      %dma_wait3A_121 = tpu.memref_slice %arg18[%add3A_55, %dma_wait3A_120] : memref<10240x128xf32, #tpu.memory_space<vmem_shared>> -> memref<40x128xf32, #tpu.memory_space<vmem_shared>>
      %dma_wait3A_122 = arith.constant 0 : i32
      %dma_wait3A_123 = tpu.memref_slice %arg18[%add3A_55, %dma_wait3A_122] : memref<10240x128xf32, #tpu.memory_space<vmem_shared>> -> memref<40x128xf32, #tpu.memory_space<vmem_shared>>
      tpu.wait_dma2 semaphore(%run_scoped3A : memref<!tpu.dma_semaphore, #tpu.memory_space<semaphore_mem>>) src(%arg8 : memref<40x128xf32, #tpu.memory_space<vmem>>) dst(%dma_wait3A_123 : memref<40x128xf32, #tpu.memory_space<vmem_shared>>)
      tpu.yield
    }) : () -> ()
    %mul3A_56 = arith.constant 640 : i32
    %mul3A_57 = arith.muli %arg1, %mul3A_56 : i32
    %add3A_58 = arith.constant 440 : i32
    %add3A_59 = arith.addi %mul3A_57, %add3A_58 : i32
    "tpu.region"() ({
      %run_scoped3A = tpu.sem_alloc : memref<!tpu.dma_semaphore, #tpu.memory_space<semaphore_mem>>
      %dma_start3A_116 = arith.constant 0 : i32
      %dma_start3A_117 = tpu.memref_slice %arg18[%add3A_59, %dma_start3A_116] : memref<10240x128xf32, #tpu.memory_space<vmem_shared>> -> memref<40x128xf32, #tpu.memory_space<vmem_shared>>
      %dma_start3A_118 = arith.constant 0 : i32
      %dma_start3A_119 = tpu.memref_slice %arg18[%add3A_59, %dma_start3A_118] : memref<10240x128xf32, #tpu.memory_space<vmem_shared>> -> memref<40x128xf32, #tpu.memory_space<vmem_shared>>
      tpu.enqueue_dma source(%arg8 : memref<40x128xf32, #tpu.memory_space<vmem>>) target(%dma_start3A_119 : memref<40x128xf32, #tpu.memory_space<vmem_shared>>) target_semaphore(%run_scoped3A : memref<!tpu.dma_semaphore, #tpu.memory_space<semaphore_mem>>)
      %dma_wait3A_120 = arith.constant 0 : i32
      %dma_wait3A_121 = tpu.memref_slice %arg18[%add3A_59, %dma_wait3A_120] : memref<10240x128xf32, #tpu.memory_space<vmem_shared>> -> memref<40x128xf32, #tpu.memory_space<vmem_shared>>
      %dma_wait3A_122 = arith.constant 0 : i32
      %dma_wait3A_123 = tpu.memref_slice %arg18[%add3A_59, %dma_wait3A_122] : memref<10240x128xf32, #tpu.memory_space<vmem_shared>> -> memref<40x128xf32, #tpu.memory_space<vmem_shared>>
      tpu.wait_dma2 semaphore(%run_scoped3A : memref<!tpu.dma_semaphore, #tpu.memory_space<semaphore_mem>>) src(%arg8 : memref<40x128xf32, #tpu.memory_space<vmem>>) dst(%dma_wait3A_123 : memref<40x128xf32, #tpu.memory_space<vmem_shared>>)
      tpu.yield
    }) : () -> ()
    %mul3A_60 = arith.constant 640 : i32
    %mul3A_61 = arith.muli %arg1, %mul3A_60 : i32
    %add3A_62 = arith.constant 480 : i32
    %add3A_63 = arith.addi %mul3A_61, %add3A_62 : i32
    "tpu.region"() ({
      %run_scoped3A = tpu.sem_alloc : memref<!tpu.dma_semaphore, #tpu.memory_space<semaphore_mem>>
      %dma_start3A_116 = arith.constant 0 : i32
      %dma_start3A_117 = tpu.memref_slice %arg18[%add3A_63, %dma_start3A_116] : memref<10240x128xf32, #tpu.memory_space<vmem_shared>> -> memref<40x128xf32, #tpu.memory_space<vmem_shared>>
      %dma_start3A_118 = arith.constant 0 : i32
      %dma_start3A_119 = tpu.memref_slice %arg18[%add3A_63, %dma_start3A_118] : memref<10240x128xf32, #tpu.memory_space<vmem_shared>> -> memref<40x128xf32, #tpu.memory_space<vmem_shared>>
      tpu.enqueue_dma source(%arg8 : memref<40x128xf32, #tpu.memory_space<vmem>>) target(%dma_start3A_119 : memref<40x128xf32, #tpu.memory_space<vmem_shared>>) target_semaphore(%run_scoped3A : memref<!tpu.dma_semaphore, #tpu.memory_space<semaphore_mem>>)
      %dma_wait3A_120 = arith.constant 0 : i32
      %dma_wait3A_121 = tpu.memref_slice %arg18[%add3A_63, %dma_wait3A_120] : memref<10240x128xf32, #tpu.memory_space<vmem_shared>> -> memref<40x128xf32, #tpu.memory_space<vmem_shared>>
      %dma_wait3A_122 = arith.constant 0 : i32
      %dma_wait3A_123 = tpu.memref_slice %arg18[%add3A_63, %dma_wait3A_122] : memref<10240x128xf32, #tpu.memory_space<vmem_shared>> -> memref<40x128xf32, #tpu.memory_space<vmem_shared>>
      tpu.wait_dma2 semaphore(%run_scoped3A : memref<!tpu.dma_semaphore, #tpu.memory_space<semaphore_mem>>) src(%arg8 : memref<40x128xf32, #tpu.memory_space<vmem>>) dst(%dma_wait3A_123 : memref<40x128xf32, #tpu.memory_space<vmem_shared>>)
      tpu.yield
    }) : () -> ()
    %mul3A_64 = arith.constant 640 : i32
    %mul3A_65 = arith.muli %arg1, %mul3A_64 : i32
    %add3A_66 = arith.constant 520 : i32
    %add3A_67 = arith.addi %mul3A_65, %add3A_66 : i32
    "tpu.region"() ({
      %run_scoped3A = tpu.sem_alloc : memref<!tpu.dma_semaphore, #tpu.memory_space<semaphore_mem>>
      %dma_start3A_116 = arith.constant 0 : i32
      %dma_start3A_117 = tpu.memref_slice %arg18[%add3A_67, %dma_start3A_116] : memref<10240x128xf32, #tpu.memory_space<vmem_shared>> -> memref<40x128xf32, #tpu.memory_space<vmem_shared>>
      %dma_start3A_118 = arith.constant 0 : i32
      %dma_start3A_119 = tpu.memref_slice %arg18[%add3A_67, %dma_start3A_118] : memref<10240x128xf32, #tpu.memory_space<vmem_shared>> -> memref<40x128xf32, #tpu.memory_space<vmem_shared>>
      tpu.enqueue_dma source(%arg8 : memref<40x128xf32, #tpu.memory_space<vmem>>) target(%dma_start3A_119 : memref<40x128xf32, #tpu.memory_space<vmem_shared>>) target_semaphore(%run_scoped3A : memref<!tpu.dma_semaphore, #tpu.memory_space<semaphore_mem>>)
      %dma_wait3A_120 = arith.constant 0 : i32
      %dma_wait3A_121 = tpu.memref_slice %arg18[%add3A_67, %dma_wait3A_120] : memref<10240x128xf32, #tpu.memory_space<vmem_shared>> -> memref<40x128xf32, #tpu.memory_space<vmem_shared>>
      %dma_wait3A_122 = arith.constant 0 : i32
      %dma_wait3A_123 = tpu.memref_slice %arg18[%add3A_67, %dma_wait3A_122] : memref<10240x128xf32, #tpu.memory_space<vmem_shared>> -> memref<40x128xf32, #tpu.memory_space<vmem_shared>>
      tpu.wait_dma2 semaphore(%run_scoped3A : memref<!tpu.dma_semaphore, #tpu.memory_space<semaphore_mem>>) src(%arg8 : memref<40x128xf32, #tpu.memory_space<vmem>>) dst(%dma_wait3A_123 : memref<40x128xf32, #tpu.memory_space<vmem_shared>>)
      tpu.yield
    }) : () -> ()
    %mul3A_68 = arith.constant 640 : i32
    %mul3A_69 = arith.muli %arg1, %mul3A_68 : i32
    %add3A_70 = arith.constant 560 : i32
    %add3A_71 = arith.addi %mul3A_69, %add3A_70 : i32
    "tpu.region"() ({
      %run_scoped3A = tpu.sem_alloc : memref<!tpu.dma_semaphore, #tpu.memory_space<semaphore_mem>>
      %dma_start3A_116 = arith.constant 0 : i32
      %dma_start3A_117 = tpu.memref_slice %arg18[%add3A_71, %dma_start3A_116] : memref<10240x128xf32, #tpu.memory_space<vmem_shared>> -> memref<40x128xf32, #tpu.memory_space<vmem_shared>>
      %dma_start3A_118 = arith.constant 0 : i32
      %dma_start3A_119 = tpu.memref_slice %arg18[%add3A_71, %dma_start3A_118] : memref<10240x128xf32, #tpu.memory_space<vmem_shared>> -> memref<40x128xf32, #tpu.memory_space<vmem_shared>>
      tpu.enqueue_dma source(%arg8 : memref<40x128xf32, #tpu.memory_space<vmem>>) target(%dma_start3A_119 : memref<40x128xf32, #tpu.memory_space<vmem_shared>>) target_semaphore(%run_scoped3A : memref<!tpu.dma_semaphore, #tpu.memory_space<semaphore_mem>>)
      %dma_wait3A_120 = arith.constant 0 : i32
      %dma_wait3A_121 = tpu.memref_slice %arg18[%add3A_71, %dma_wait3A_120] : memref<10240x128xf32, #tpu.memory_space<vmem_shared>> -> memref<40x128xf32, #tpu.memory_space<vmem_shared>>
      %dma_wait3A_122 = arith.constant 0 : i32
      %dma_wait3A_123 = tpu.memref_slice %arg18[%add3A_71, %dma_wait3A_122] : memref<10240x128xf32, #tpu.memory_space<vmem_shared>> -> memref<40x128xf32, #tpu.memory_space<vmem_shared>>
      tpu.wait_dma2 semaphore(%run_scoped3A : memref<!tpu.dma_semaphore, #tpu.memory_space<semaphore_mem>>) src(%arg8 : memref<40x128xf32, #tpu.memory_space<vmem>>) dst(%dma_wait3A_123 : memref<40x128xf32, #tpu.memory_space<vmem_shared>>)
      tpu.yield
    }) : () -> ()
    %mul3A_72 = arith.constant 640 : i32
    %mul3A_73 = arith.muli %arg1, %mul3A_72 : i32
    %add3A_74 = arith.constant 600 : i32
    %add3A_75 = arith.addi %mul3A_73, %add3A_74 : i32
    "tpu.region"() ({
      %run_scoped3A = tpu.sem_alloc : memref<!tpu.dma_semaphore, #tpu.memory_space<semaphore_mem>>
      %dma_start3A_116 = arith.constant 0 : i32
      %dma_start3A_117 = tpu.memref_slice %arg18[%add3A_75, %dma_start3A_116] : memref<10240x128xf32, #tpu.memory_space<vmem_shared>> -> memref<40x128xf32, #tpu.memory_space<vmem_shared>>
      %dma_start3A_118 = arith.constant 0 : i32
      %dma_start3A_119 = tpu.memref_slice %arg18[%add3A_75, %dma_start3A_118] : memref<10240x128xf32, #tpu.memory_space<vmem_shared>> -> memref<40x128xf32, #tpu.memory_space<vmem_shared>>
      tpu.enqueue_dma source(%arg8 : memref<40x128xf32, #tpu.memory_space<vmem>>) target(%dma_start3A_119 : memref<40x128xf32, #tpu.memory_space<vmem_shared>>) target_semaphore(%run_scoped3A : memref<!tpu.dma_semaphore, #tpu.memory_space<semaphore_mem>>)
      %dma_wait3A_120 = arith.constant 0 : i32
      %dma_wait3A_121 = tpu.memref_slice %arg18[%add3A_75, %dma_wait3A_120] : memref<10240x128xf32, #tpu.memory_space<vmem_shared>> -> memref<40x128xf32, #tpu.memory_space<vmem_shared>>
      %dma_wait3A_122 = arith.constant 0 : i32
      %dma_wait3A_123 = tpu.memref_slice %arg18[%add3A_75, %dma_wait3A_122] : memref<10240x128xf32, #tpu.memory_space<vmem_shared>> -> memref<40x128xf32, #tpu.memory_space<vmem_shared>>
      tpu.wait_dma2 semaphore(%run_scoped3A : memref<!tpu.dma_semaphore, #tpu.memory_space<semaphore_mem>>) src(%arg8 : memref<40x128xf32, #tpu.memory_space<vmem>>) dst(%dma_wait3A_123 : memref<40x128xf32, #tpu.memory_space<vmem_shared>>)
      tpu.yield
    }) : () -> ()
    %dma_wait3A = tpu.memref_slice %arg3[%add3A] : memref<320000xi32, #tpu.memory_space<hbm>> -> memref<10000xi32, #tpu.memory_space<hbm>>
    %dma_wait3A_76 = tpu.memref_slice %arg3[%add3A] : memref<320000xi32, #tpu.memory_space<hbm>> -> memref<10000xi32, #tpu.memory_space<hbm>>
    tpu.wait_dma2 semaphore(%arg13 : memref<!tpu.dma_semaphore, #tpu.memory_space<semaphore_mem>>) src(%dma_wait3A_76 : memref<10000xi32, #tpu.memory_space<hbm>>) dst(%arg6 : memref<10000xi32, #tpu.memory_space<vmem>>)
    %dma_wait3A_77 = tpu.memref_slice %arg4[%add3A] : memref<320000xi32, #tpu.memory_space<hbm>> -> memref<10000xi32, #tpu.memory_space<hbm>>
    %dma_wait3A_78 = tpu.memref_slice %arg4[%add3A] : memref<320000xi32, #tpu.memory_space<hbm>> -> memref<10000xi32, #tpu.memory_space<hbm>>
    tpu.wait_dma2 semaphore(%arg14 : memref<!tpu.dma_semaphore, #tpu.memory_space<semaphore_mem>>) src(%dma_wait3A_78 : memref<10000xi32, #tpu.memory_space<hbm>>) dst(%arg7 : memref<10000xi32, #tpu.memory_space<vmem>>)
    %barrier3A = arith.constant 0 : index
    tpu.barrier barrier_id(%barrier3A)
    %dma_start3A_79 = arith.constant 0 : i32
    %dma_start3A_80 = tpu.memref_slice %arg6[%dma_start3A_79] : memref<10000xi32, #tpu.memory_space<vmem>> -> memref<40xi32, #tpu.memory_space<vmem>>
    %dma_start3A_81 = arith.constant 0 : i32
    %dma_start3A_82 = arith.constant 0 : i32
    %dma_start3A_83 = tpu.memref_slice %arg2[%dma_start3A_81, %dma_start3A_82] : memref<10000x128xf32, #tpu.memory_space<hbm>> -> memref<10000x128xf32, #tpu.memory_space<hbm>>
    tpu.enqueue_indirect_dma source(%dma_start3A_83 : memref<10000x128xf32, #tpu.memory_space<hbm>>) target(%arg8 : memref<40x128xf32, #tpu.memory_space<vmem>>) offsets(%dma_start3A_80 : memref<40xi32, #tpu.memory_space<vmem>>) semaphore(%arg13 : memref<!tpu.dma_semaphore, #tpu.memory_space<semaphore_mem>>)
    %dma_start3A_84 = arith.constant 40 : i32
    %dma_start3A_85 = tpu.memref_slice %arg6[%dma_start3A_84] : memref<10000xi32, #tpu.memory_space<vmem>> -> memref<40xi32, #tpu.memory_space<vmem>>
    %dma_start3A_86 = arith.constant 0 : i32
    %dma_start3A_87 = arith.constant 0 : i32
    %dma_start3A_88 = tpu.memref_slice %arg2[%dma_start3A_86, %dma_start3A_87] : memref<10000x128xf32, #tpu.memory_space<hbm>> -> memref<10000x128xf32, #tpu.memory_space<hbm>>
    tpu.enqueue_indirect_dma source(%dma_start3A_88 : memref<10000x128xf32, #tpu.memory_space<hbm>>) target(%arg9 : memref<40x128xf32, #tpu.memory_space<vmem>>) offsets(%dma_start3A_85 : memref<40xi32, #tpu.memory_space<vmem>>) semaphore(%arg14 : memref<!tpu.dma_semaphore, #tpu.memory_space<semaphore_mem>>)
    %dma_start3A_89 = arith.constant 80 : i32
    %dma_start3A_90 = tpu.memref_slice %arg6[%dma_start3A_89] : memref<10000xi32, #tpu.memory_space<vmem>> -> memref<40xi32, #tpu.memory_space<vmem>>
    %dma_start3A_91 = arith.constant 0 : i32
    %dma_start3A_92 = arith.constant 0 : i32
    %dma_start3A_93 = tpu.memref_slice %arg2[%dma_start3A_91, %dma_start3A_92] : memref<10000x128xf32, #tpu.memory_space<hbm>> -> memref<10000x128xf32, #tpu.memory_space<hbm>>
    tpu.enqueue_indirect_dma source(%dma_start3A_93 : memref<10000x128xf32, #tpu.memory_space<hbm>>) target(%arg10 : memref<40x128xf32, #tpu.memory_space<vmem>>) offsets(%dma_start3A_90 : memref<40xi32, #tpu.memory_space<vmem>>) semaphore(%arg15 : memref<!tpu.dma_semaphore, #tpu.memory_space<semaphore_mem>>)
    %dma_start3A_94 = arith.constant 120 : i32
    %dma_start3A_95 = tpu.memref_slice %arg6[%dma_start3A_94] : memref<10000xi32, #tpu.memory_space<vmem>> -> memref<40xi32, #tpu.memory_space<vmem>>
    %dma_start3A_96 = arith.constant 0 : i32
    %dma_start3A_97 = arith.constant 0 : i32
    %dma_start3A_98 = tpu.memref_slice %arg2[%dma_start3A_96, %dma_start3A_97] : memref<10000x128xf32, #tpu.memory_space<hbm>> -> memref<10000x128xf32, #tpu.memory_space<hbm>>
    tpu.enqueue_indirect_dma source(%dma_start3A_98 : memref<10000x128xf32, #tpu.memory_space<hbm>>) target(%arg11 : memref<40x128xf32, #tpu.memory_space<vmem>>) offsets(%dma_start3A_95 : memref<40xi32, #tpu.memory_space<vmem>>) semaphore(%arg16 : memref<!tpu.dma_semaphore, #tpu.memory_space<semaphore_mem>>)
    %dma_start3A_99 = arith.constant 160 : i32
    %dma_start3A_100 = tpu.memref_slice %arg6[%dma_start3A_99] : memref<10000xi32, #tpu.memory_space<vmem>> -> memref<40xi32, #tpu.memory_space<vmem>>
    %dma_start3A_101 = arith.constant 0 : i32
    %dma_start3A_102 = arith.constant 0 : i32
    %dma_start3A_103 = tpu.memref_slice %arg2[%dma_start3A_101, %dma_start3A_102] : memref<10000x128xf32, #tpu.memory_space<hbm>> -> memref<10000x128xf32, #tpu.memory_space<hbm>>
    tpu.enqueue_indirect_dma source(%dma_start3A_103 : memref<10000x128xf32, #tpu.memory_space<hbm>>) target(%arg12 : memref<40x128xf32, #tpu.memory_space<vmem>>) offsets(%dma_start3A_100 : memref<40xi32, #tpu.memory_space<vmem>>) semaphore(%arg17 : memref<!tpu.dma_semaphore, #tpu.memory_space<semaphore_mem>>)
    %scan3A_104 = arith.constant 0 : i32
    %scan3A_105 = arith.constant 0 : i32
    %scan3A_106 = arith.constant 50 : i32
    %scan3A_107 = arith.addi %scan3A_105, %scan3A_106 : i32
    %scan3A_108 = arith.constant 1 : i32
    %scan3A_109 = scf.for %scan3A_116 = %scan3A_105 to %scan3A_107 step %scan3A_108 iter_args(%scan3A_117 = %scan3A_104) -> (i32)  : i32 {
      %mul3A_118 = arith.constant 5 : i32
      %mul3A_119 = arith.muli %scan3A_116, %mul3A_118 : i32
      %add3A_120 = arith.constant 0 : i32
      %add3A_121 = arith.addi %mul3A_119, %add3A_120 : i32
      %dma_wait3A_122 = arith.constant 0 : i32
      %dma_wait3A_123 = tpu.memref_slice %arg6[%dma_wait3A_122] : memref<10000xi32, #tpu.memory_space<vmem>> -> memref<40xi32, #tpu.memory_space<vmem>>
      %dma_wait3A_124 = arith.constant 0 : i32
      %dma_wait3A_125 = arith.constant 0 : i32
      %dma_wait3A_126 = tpu.memref_slice %arg2[%dma_wait3A_124, %dma_wait3A_125] : memref<10000x128xf32, #tpu.memory_space<hbm>> -> memref<10000x128xf32, #tpu.memory_space<hbm>>
      tpu.wait_indirect_dma semaphore(%arg13 : memref<!tpu.dma_semaphore, #tpu.memory_space<semaphore_mem>>) src(%dma_wait3A_126 : memref<10000x128xf32, #tpu.memory_space<hbm>>) dst(%arg8 : memref<40x128xf32, #tpu.memory_space<vmem>>)
      %mul3A_127 = arith.constant 40 : i32
      %mul3A_128 = arith.muli %add3A_121, %mul3A_127 : i32
      "tpu.region"() ({
        %run_scoped3A = tpu.sem_alloc : memref<!tpu.dma_semaphore, #tpu.memory_space<semaphore_mem>>
        %dma_start3A_206 = tpu.memref_slice %arg7[%mul3A_128] : memref<10000xi32, #tpu.memory_space<vmem>> -> memref<40xi32, #tpu.memory_space<vmem>>
        %dma_start3A_207 = arith.constant 0 : i32
        %dma_start3A_208 = arith.constant 0 : i32
        %dma_start3A_209 = tpu.memref_slice %arg18[%dma_start3A_207, %dma_start3A_208] : memref<10240x128xf32, #tpu.memory_space<vmem_shared>> -> memref<10240x128xf32, #tpu.memory_space<vmem_shared>>
        tpu.enqueue_indirect_dma source(%arg8 : memref<40x128xf32, #tpu.memory_space<vmem>>) target(%dma_start3A_209 : memref<10240x128xf32, #tpu.memory_space<vmem_shared>>) offsets(%dma_start3A_206 : memref<40xi32, #tpu.memory_space<vmem>>) semaphore(%run_scoped3A : memref<!tpu.dma_semaphore, #tpu.memory_space<semaphore_mem>>) {add = true}
        %dma_wait3A_210 = tpu.memref_slice %arg7[%mul3A_128] : memref<10000xi32, #tpu.memory_space<vmem>> -> memref<40xi32, #tpu.memory_space<vmem>>
        %dma_wait3A_211 = arith.constant 0 : i32
        %dma_wait3A_212 = arith.constant 0 : i32
        %dma_wait3A_213 = tpu.memref_slice %arg18[%dma_wait3A_211, %dma_wait3A_212] : memref<10240x128xf32, #tpu.memory_space<vmem_shared>> -> memref<10240x128xf32, #tpu.memory_space<vmem_shared>>
        tpu.wait_indirect_dma semaphore(%run_scoped3A : memref<!tpu.dma_semaphore, #tpu.memory_space<semaphore_mem>>) src(%arg8 : memref<40x128xf32, #tpu.memory_space<vmem>>) dst(%dma_wait3A_213 : memref<10240x128xf32, #tpu.memory_space<vmem_shared>>)
        tpu.yield
      }) : () -> ()
      %add3A_129 = arith.constant 5 : i32
      %add3A_130 = arith.addi %add3A_121, %add3A_129 : i32
      %lt3A = arith.constant 250 : i32
      %lt3A_131 = arith.cmpi slt, %add3A_130, %lt3A : i32
      %convert_element_type3A = arith.extui %lt3A_131 : i1 to i32
      %cond3A = arith.constant 0 : i32
      %cond3A_132 = arith.cmpi ne, %convert_element_type3A, %cond3A : i32
      scf.if %cond3A_132 {
        %add3A_206 = arith.constant 5 : i32
        %add3A_207 = arith.addi %add3A_121, %add3A_206 : i32
        %mul3A_208 = arith.constant 40 : i32
        %mul3A_209 = arith.muli %add3A_207, %mul3A_208 : i32
        %dma_start3A_210 = tpu.memref_slice %arg6[%mul3A_209] : memref<10000xi32, #tpu.memory_space<vmem>> -> memref<40xi32, #tpu.memory_space<vmem>>
        %dma_start3A_211 = arith.constant 0 : i32
        %dma_start3A_212 = arith.constant 0 : i32
        %dma_start3A_213 = tpu.memref_slice %arg2[%dma_start3A_211, %dma_start3A_212] : memref<10000x128xf32, #tpu.memory_space<hbm>> -> memref<10000x128xf32, #tpu.memory_space<hbm>>
        tpu.enqueue_indirect_dma source(%dma_start3A_213 : memref<10000x128xf32, #tpu.memory_space<hbm>>) target(%arg8 : memref<40x128xf32, #tpu.memory_space<vmem>>) offsets(%dma_start3A_210 : memref<40xi32, #tpu.memory_space<vmem>>) semaphore(%arg13 : memref<!tpu.dma_semaphore, #tpu.memory_space<semaphore_mem>>)
      } else {
      }
      %mul3A_133 = arith.constant 5 : i32
      %mul3A_134 = arith.muli %scan3A_116, %mul3A_133 : i32
      %add3A_135 = arith.constant 1 : i32
      %add3A_136 = arith.addi %mul3A_134, %add3A_135 : i32
      %dma_wait3A_137 = arith.constant 0 : i32
      %dma_wait3A_138 = tpu.memref_slice %arg6[%dma_wait3A_137] : memref<10000xi32, #tpu.memory_space<vmem>> -> memref<40xi32, #tpu.memory_space<vmem>>
      %dma_wait3A_139 = arith.constant 0 : i32
      %dma_wait3A_140 = arith.constant 0 : i32
      %dma_wait3A_141 = tpu.memref_slice %arg2[%dma_wait3A_139, %dma_wait3A_140] : memref<10000x128xf32, #tpu.memory_space<hbm>> -> memref<10000x128xf32, #tpu.memory_space<hbm>>
      tpu.wait_indirect_dma semaphore(%arg14 : memref<!tpu.dma_semaphore, #tpu.memory_space<semaphore_mem>>) src(%dma_wait3A_141 : memref<10000x128xf32, #tpu.memory_space<hbm>>) dst(%arg9 : memref<40x128xf32, #tpu.memory_space<vmem>>)
      %mul3A_142 = arith.constant 40 : i32
      %mul3A_143 = arith.muli %add3A_136, %mul3A_142 : i32
      "tpu.region"() ({
        %run_scoped3A = tpu.sem_alloc : memref<!tpu.dma_semaphore, #tpu.memory_space<semaphore_mem>>
        %dma_start3A_206 = tpu.memref_slice %arg7[%mul3A_143] : memref<10000xi32, #tpu.memory_space<vmem>> -> memref<40xi32, #tpu.memory_space<vmem>>
        %dma_start3A_207 = arith.constant 0 : i32
        %dma_start3A_208 = arith.constant 0 : i32
        %dma_start3A_209 = tpu.memref_slice %arg18[%dma_start3A_207, %dma_start3A_208] : memref<10240x128xf32, #tpu.memory_space<vmem_shared>> -> memref<10240x128xf32, #tpu.memory_space<vmem_shared>>
        tpu.enqueue_indirect_dma source(%arg9 : memref<40x128xf32, #tpu.memory_space<vmem>>) target(%dma_start3A_209 : memref<10240x128xf32, #tpu.memory_space<vmem_shared>>) offsets(%dma_start3A_206 : memref<40xi32, #tpu.memory_space<vmem>>) semaphore(%run_scoped3A : memref<!tpu.dma_semaphore, #tpu.memory_space<semaphore_mem>>) {add = true}
        %dma_wait3A_210 = tpu.memref_slice %arg7[%mul3A_143] : memref<10000xi32, #tpu.memory_space<vmem>> -> memref<40xi32, #tpu.memory_space<vmem>>
        %dma_wait3A_211 = arith.constant 0 : i32
        %dma_wait3A_212 = arith.constant 0 : i32
        %dma_wait3A_213 = tpu.memref_slice %arg18[%dma_wait3A_211, %dma_wait3A_212] : memref<10240x128xf32, #tpu.memory_space<vmem_shared>> -> memref<10240x128xf32, #tpu.memory_space<vmem_shared>>
        tpu.wait_indirect_dma semaphore(%run_scoped3A : memref<!tpu.dma_semaphore, #tpu.memory_space<semaphore_mem>>) src(%arg9 : memref<40x128xf32, #tpu.memory_space<vmem>>) dst(%dma_wait3A_213 : memref<10240x128xf32, #tpu.memory_space<vmem_shared>>)
        tpu.yield
      }) : () -> ()
      %add3A_144 = arith.constant 5 : i32
      %add3A_145 = arith.addi %add3A_136, %add3A_144 : i32
      %lt3A_146 = arith.constant 250 : i32
      %lt3A_147 = arith.cmpi slt, %add3A_145, %lt3A_146 : i32
      %convert_element_type3A_148 = arith.extui %lt3A_147 : i1 to i32
      %cond3A_149 = arith.constant 0 : i32
      %cond3A_150 = arith.cmpi ne, %convert_element_type3A_148, %cond3A_149 : i32
      scf.if %cond3A_150 {
        %add3A_206 = arith.constant 5 : i32
        %add3A_207 = arith.addi %add3A_136, %add3A_206 : i32
        %mul3A_208 = arith.constant 40 : i32
        %mul3A_209 = arith.muli %add3A_207, %mul3A_208 : i32
        %dma_start3A_210 = tpu.memref_slice %arg6[%mul3A_209] : memref<10000xi32, #tpu.memory_space<vmem>> -> memref<40xi32, #tpu.memory_space<vmem>>
        %dma_start3A_211 = arith.constant 0 : i32
        %dma_start3A_212 = arith.constant 0 : i32
        %dma_start3A_213 = tpu.memref_slice %arg2[%dma_start3A_211, %dma_start3A_212] : memref<10000x128xf32, #tpu.memory_space<hbm>> -> memref<10000x128xf32, #tpu.memory_space<hbm>>
        tpu.enqueue_indirect_dma source(%dma_start3A_213 : memref<10000x128xf32, #tpu.memory_space<hbm>>) target(%arg9 : memref<40x128xf32, #tpu.memory_space<vmem>>) offsets(%dma_start3A_210 : memref<40xi32, #tpu.memory_space<vmem>>) semaphore(%arg14 : memref<!tpu.dma_semaphore, #tpu.memory_space<semaphore_mem>>)
      } else {
      }
      %mul3A_151 = arith.constant 5 : i32
      %mul3A_152 = arith.muli %scan3A_116, %mul3A_151 : i32
      %add3A_153 = arith.constant 2 : i32
      %add3A_154 = arith.addi %mul3A_152, %add3A_153 : i32
      %dma_wait3A_155 = arith.constant 0 : i32
      %dma_wait3A_156 = tpu.memref_slice %arg6[%dma_wait3A_155] : memref<10000xi32, #tpu.memory_space<vmem>> -> memref<40xi32, #tpu.memory_space<vmem>>
      %dma_wait3A_157 = arith.constant 0 : i32
      %dma_wait3A_158 = arith.constant 0 : i32
      %dma_wait3A_159 = tpu.memref_slice %arg2[%dma_wait3A_157, %dma_wait3A_158] : memref<10000x128xf32, #tpu.memory_space<hbm>> -> memref<10000x128xf32, #tpu.memory_space<hbm>>
      tpu.wait_indirect_dma semaphore(%arg15 : memref<!tpu.dma_semaphore, #tpu.memory_space<semaphore_mem>>) src(%dma_wait3A_159 : memref<10000x128xf32, #tpu.memory_space<hbm>>) dst(%arg10 : memref<40x128xf32, #tpu.memory_space<vmem>>)
      %mul3A_160 = arith.constant 40 : i32
      %mul3A_161 = arith.muli %add3A_154, %mul3A_160 : i32
      "tpu.region"() ({
        %run_scoped3A = tpu.sem_alloc : memref<!tpu.dma_semaphore, #tpu.memory_space<semaphore_mem>>
        %dma_start3A_206 = tpu.memref_slice %arg7[%mul3A_161] : memref<10000xi32, #tpu.memory_space<vmem>> -> memref<40xi32, #tpu.memory_space<vmem>>
        %dma_start3A_207 = arith.constant 0 : i32
        %dma_start3A_208 = arith.constant 0 : i32
        %dma_start3A_209 = tpu.memref_slice %arg18[%dma_start3A_207, %dma_start3A_208] : memref<10240x128xf32, #tpu.memory_space<vmem_shared>> -> memref<10240x128xf32, #tpu.memory_space<vmem_shared>>
        tpu.enqueue_indirect_dma source(%arg10 : memref<40x128xf32, #tpu.memory_space<vmem>>) target(%dma_start3A_209 : memref<10240x128xf32, #tpu.memory_space<vmem_shared>>) offsets(%dma_start3A_206 : memref<40xi32, #tpu.memory_space<vmem>>) semaphore(%run_scoped3A : memref<!tpu.dma_semaphore, #tpu.memory_space<semaphore_mem>>) {add = true}
        %dma_wait3A_210 = tpu.memref_slice %arg7[%mul3A_161] : memref<10000xi32, #tpu.memory_space<vmem>> -> memref<40xi32, #tpu.memory_space<vmem>>
        %dma_wait3A_211 = arith.constant 0 : i32
        %dma_wait3A_212 = arith.constant 0 : i32
        %dma_wait3A_213 = tpu.memref_slice %arg18[%dma_wait3A_211, %dma_wait3A_212] : memref<10240x128xf32, #tpu.memory_space<vmem_shared>> -> memref<10240x128xf32, #tpu.memory_space<vmem_shared>>
        tpu.wait_indirect_dma semaphore(%run_scoped3A : memref<!tpu.dma_semaphore, #tpu.memory_space<semaphore_mem>>) src(%arg10 : memref<40x128xf32, #tpu.memory_space<vmem>>) dst(%dma_wait3A_213 : memref<10240x128xf32, #tpu.memory_space<vmem_shared>>)
        tpu.yield
      }) : () -> ()
      %add3A_162 = arith.constant 5 : i32
      %add3A_163 = arith.addi %add3A_154, %add3A_162 : i32
      %lt3A_164 = arith.constant 250 : i32
      %lt3A_165 = arith.cmpi slt, %add3A_163, %lt3A_164 : i32
      %convert_element_type3A_166 = arith.extui %lt3A_165 : i1 to i32
      %cond3A_167 = arith.constant 0 : i32
      %cond3A_168 = arith.cmpi ne, %convert_element_type3A_166, %cond3A_167 : i32
      scf.if %cond3A_168 {
        %add3A_206 = arith.constant 5 : i32
        %add3A_207 = arith.addi %add3A_154, %add3A_206 : i32
        %mul3A_208 = arith.constant 40 : i32
        %mul3A_209 = arith.muli %add3A_207, %mul3A_208 : i32
        %dma_start3A_210 = tpu.memref_slice %arg6[%mul3A_209] : memref<10000xi32, #tpu.memory_space<vmem>> -> memref<40xi32, #tpu.memory_space<vmem>>
        %dma_start3A_211 = arith.constant 0 : i32
        %dma_start3A_212 = arith.constant 0 : i32
        %dma_start3A_213 = tpu.memref_slice %arg2[%dma_start3A_211, %dma_start3A_212] : memref<10000x128xf32, #tpu.memory_space<hbm>> -> memref<10000x128xf32, #tpu.memory_space<hbm>>
        tpu.enqueue_indirect_dma source(%dma_start3A_213 : memref<10000x128xf32, #tpu.memory_space<hbm>>) target(%arg10 : memref<40x128xf32, #tpu.memory_space<vmem>>) offsets(%dma_start3A_210 : memref<40xi32, #tpu.memory_space<vmem>>) semaphore(%arg15 : memref<!tpu.dma_semaphore, #tpu.memory_space<semaphore_mem>>)
      } else {
      }
      %mul3A_169 = arith.constant 5 : i32
      %mul3A_170 = arith.muli %scan3A_116, %mul3A_169 : i32
      %add3A_171 = arith.constant 3 : i32
      %add3A_172 = arith.addi %mul3A_170, %add3A_171 : i32
      %dma_wait3A_173 = arith.constant 0 : i32
      %dma_wait3A_174 = tpu.memref_slice %arg6[%dma_wait3A_173] : memref<10000xi32, #tpu.memory_space<vmem>> -> memref<40xi32, #tpu.memory_space<vmem>>
      %dma_wait3A_175 = arith.constant 0 : i32
      %dma_wait3A_176 = arith.constant 0 : i32
      %dma_wait3A_177 = tpu.memref_slice %arg2[%dma_wait3A_175, %dma_wait3A_176] : memref<10000x128xf32, #tpu.memory_space<hbm>> -> memref<10000x128xf32, #tpu.memory_space<hbm>>
      tpu.wait_indirect_dma semaphore(%arg16 : memref<!tpu.dma_semaphore, #tpu.memory_space<semaphore_mem>>) src(%dma_wait3A_177 : memref<10000x128xf32, #tpu.memory_space<hbm>>) dst(%arg11 : memref<40x128xf32, #tpu.memory_space<vmem>>)
      %mul3A_178 = arith.constant 40 : i32
      %mul3A_179 = arith.muli %add3A_172, %mul3A_178 : i32
      "tpu.region"() ({
        %run_scoped3A = tpu.sem_alloc : memref<!tpu.dma_semaphore, #tpu.memory_space<semaphore_mem>>
        %dma_start3A_206 = tpu.memref_slice %arg7[%mul3A_179] : memref<10000xi32, #tpu.memory_space<vmem>> -> memref<40xi32, #tpu.memory_space<vmem>>
        %dma_start3A_207 = arith.constant 0 : i32
        %dma_start3A_208 = arith.constant 0 : i32
        %dma_start3A_209 = tpu.memref_slice %arg18[%dma_start3A_207, %dma_start3A_208] : memref<10240x128xf32, #tpu.memory_space<vmem_shared>> -> memref<10240x128xf32, #tpu.memory_space<vmem_shared>>
        tpu.enqueue_indirect_dma source(%arg11 : memref<40x128xf32, #tpu.memory_space<vmem>>) target(%dma_start3A_209 : memref<10240x128xf32, #tpu.memory_space<vmem_shared>>) offsets(%dma_start3A_206 : memref<40xi32, #tpu.memory_space<vmem>>) semaphore(%run_scoped3A : memref<!tpu.dma_semaphore, #tpu.memory_space<semaphore_mem>>) {add = true}
        %dma_wait3A_210 = tpu.memref_slice %arg7[%mul3A_179] : memref<10000xi32, #tpu.memory_space<vmem>> -> memref<40xi32, #tpu.memory_space<vmem>>
        %dma_wait3A_211 = arith.constant 0 : i32
        %dma_wait3A_212 = arith.constant 0 : i32
        %dma_wait3A_213 = tpu.memref_slice %arg18[%dma_wait3A_211, %dma_wait3A_212] : memref<10240x128xf32, #tpu.memory_space<vmem_shared>> -> memref<10240x128xf32, #tpu.memory_space<vmem_shared>>
        tpu.wait_indirect_dma semaphore(%run_scoped3A : memref<!tpu.dma_semaphore, #tpu.memory_space<semaphore_mem>>) src(%arg11 : memref<40x128xf32, #tpu.memory_space<vmem>>) dst(%dma_wait3A_213 : memref<10240x128xf32, #tpu.memory_space<vmem_shared>>)
        tpu.yield
      }) : () -> ()
      %add3A_180 = arith.constant 5 : i32
      %add3A_181 = arith.addi %add3A_172, %add3A_180 : i32
      %lt3A_182 = arith.constant 250 : i32
      %lt3A_183 = arith.cmpi slt, %add3A_181, %lt3A_182 : i32
      %convert_element_type3A_184 = arith.extui %lt3A_183 : i1 to i32
      %cond3A_185 = arith.constant 0 : i32
      %cond3A_186 = arith.cmpi ne, %convert_element_type3A_184, %cond3A_185 : i32
      scf.if %cond3A_186 {
        %add3A_206 = arith.constant 5 : i32
        %add3A_207 = arith.addi %add3A_172, %add3A_206 : i32
        %mul3A_208 = arith.constant 40 : i32
        %mul3A_209 = arith.muli %add3A_207, %mul3A_208 : i32
        %dma_start3A_210 = tpu.memref_slice %arg6[%mul3A_209] : memref<10000xi32, #tpu.memory_space<vmem>> -> memref<40xi32, #tpu.memory_space<vmem>>
        %dma_start3A_211 = arith.constant 0 : i32
        %dma_start3A_212 = arith.constant 0 : i32
        %dma_start3A_213 = tpu.memref_slice %arg2[%dma_start3A_211, %dma_start3A_212] : memref<10000x128xf32, #tpu.memory_space<hbm>> -> memref<10000x128xf32, #tpu.memory_space<hbm>>
        tpu.enqueue_indirect_dma source(%dma_start3A_213 : memref<10000x128xf32, #tpu.memory_space<hbm>>) target(%arg11 : memref<40x128xf32, #tpu.memory_space<vmem>>) offsets(%dma_start3A_210 : memref<40xi32, #tpu.memory_space<vmem>>) semaphore(%arg16 : memref<!tpu.dma_semaphore, #tpu.memory_space<semaphore_mem>>)
      } else {
      }
      %mul3A_187 = arith.constant 5 : i32
      %mul3A_188 = arith.muli %scan3A_116, %mul3A_187 : i32
      %add3A_189 = arith.constant 4 : i32
      %add3A_190 = arith.addi %mul3A_188, %add3A_189 : i32
      %dma_wait3A_191 = arith.constant 0 : i32
      %dma_wait3A_192 = tpu.memref_slice %arg6[%dma_wait3A_191] : memref<10000xi32, #tpu.memory_space<vmem>> -> memref<40xi32, #tpu.memory_space<vmem>>
      %dma_wait3A_193 = arith.constant 0 : i32
      %dma_wait3A_194 = arith.constant 0 : i32
      %dma_wait3A_195 = tpu.memref_slice %arg2[%dma_wait3A_193, %dma_wait3A_194] : memref<10000x128xf32, #tpu.memory_space<hbm>> -> memref<10000x128xf32, #tpu.memory_space<hbm>>
      tpu.wait_indirect_dma semaphore(%arg17 : memref<!tpu.dma_semaphore, #tpu.memory_space<semaphore_mem>>) src(%dma_wait3A_195 : memref<10000x128xf32, #tpu.memory_space<hbm>>) dst(%arg12 : memref<40x128xf32, #tpu.memory_space<vmem>>)
      %mul3A_196 = arith.constant 40 : i32
      %mul3A_197 = arith.muli %add3A_190, %mul3A_196 : i32
      "tpu.region"() ({
        %run_scoped3A = tpu.sem_alloc : memref<!tpu.dma_semaphore, #tpu.memory_space<semaphore_mem>>
        %dma_start3A_206 = tpu.memref_slice %arg7[%mul3A_197] : memref<10000xi32, #tpu.memory_space<vmem>> -> memref<40xi32, #tpu.memory_space<vmem>>
        %dma_start3A_207 = arith.constant 0 : i32
        %dma_start3A_208 = arith.constant 0 : i32
        %dma_start3A_209 = tpu.memref_slice %arg18[%dma_start3A_207, %dma_start3A_208] : memref<10240x128xf32, #tpu.memory_space<vmem_shared>> -> memref<10240x128xf32, #tpu.memory_space<vmem_shared>>
        tpu.enqueue_indirect_dma source(%arg12 : memref<40x128xf32, #tpu.memory_space<vmem>>) target(%dma_start3A_209 : memref<10240x128xf32, #tpu.memory_space<vmem_shared>>) offsets(%dma_start3A_206 : memref<40xi32, #tpu.memory_space<vmem>>) semaphore(%run_scoped3A : memref<!tpu.dma_semaphore, #tpu.memory_space<semaphore_mem>>) {add = true}
        %dma_wait3A_210 = tpu.memref_slice %arg7[%mul3A_197] : memref<10000xi32, #tpu.memory_space<vmem>> -> memref<40xi32, #tpu.memory_space<vmem>>
        %dma_wait3A_211 = arith.constant 0 : i32
        %dma_wait3A_212 = arith.constant 0 : i32
        %dma_wait3A_213 = tpu.memref_slice %arg18[%dma_wait3A_211, %dma_wait3A_212] : memref<10240x128xf32, #tpu.memory_space<vmem_shared>> -> memref<10240x128xf32, #tpu.memory_space<vmem_shared>>
        tpu.wait_indirect_dma semaphore(%run_scoped3A : memref<!tpu.dma_semaphore, #tpu.memory_space<semaphore_mem>>) src(%arg12 : memref<40x128xf32, #tpu.memory_space<vmem>>) dst(%dma_wait3A_213 : memref<10240x128xf32, #tpu.memory_space<vmem_shared>>)
        tpu.yield
      }) : () -> ()
      %add3A_198 = arith.constant 5 : i32
      %add3A_199 = arith.addi %add3A_190, %add3A_198 : i32
      %lt3A_200 = arith.constant 250 : i32
      %lt3A_201 = arith.cmpi slt, %add3A_199, %lt3A_200 : i32
      %convert_element_type3A_202 = arith.extui %lt3A_201 : i1 to i32
      %cond3A_203 = arith.constant 0 : i32
      %cond3A_204 = arith.cmpi ne, %convert_element_type3A_202, %cond3A_203 : i32
      scf.if %cond3A_204 {
        %add3A_206 = arith.constant 5 : i32
        %add3A_207 = arith.addi %add3A_190, %add3A_206 : i32
        %mul3A_208 = arith.constant 40 : i32
        %mul3A_209 = arith.muli %add3A_207, %mul3A_208 : i32
        %dma_start3A_210 = tpu.memref_slice %arg6[%mul3A_209] : memref<10000xi32, #tpu.memory_space<vmem>> -> memref<40xi32, #tpu.memory_space<vmem>>
        %dma_start3A_211 = arith.constant 0 : i32
        %dma_start3A_212 = arith.constant 0 : i32
        %dma_start3A_213 = tpu.memref_slice %arg2[%dma_start3A_211, %dma_start3A_212] : memref<10000x128xf32, #tpu.memory_space<hbm>> -> memref<10000x128xf32, #tpu.memory_space<hbm>>
        tpu.enqueue_indirect_dma source(%dma_start3A_213 : memref<10000x128xf32, #tpu.memory_space<hbm>>) target(%arg12 : memref<40x128xf32, #tpu.memory_space<vmem>>) offsets(%dma_start3A_210 : memref<40xi32, #tpu.memory_space<vmem>>) semaphore(%arg17 : memref<!tpu.dma_semaphore, #tpu.memory_space<semaphore_mem>>)
      } else {
      }
      %scan3A_205 = arith.constant 0 : i32
      scf.yield %scan3A_205 : i32
    }
    %scan3A_110 = arith.constant 50 : i32
    %barrier3A_111 = arith.constant 0 : index
    tpu.barrier barrier_id(%barrier3A_111)
    %mul3A_112 = arith.constant 640 : i32
    %mul3A_113 = arith.muli %arg1, %mul3A_112 : i32
    %mul3A_114 = arith.constant 640 : i32
    %mul3A_115 = arith.muli %arg1, %mul3A_114 : i32
    "tpu.region"() ({
      %run_scoped3A = tpu.sem_alloc : memref<!tpu.dma_semaphore, #tpu.memory_space<semaphore_mem>>
      %dma_start3A_116 = arith.constant 0 : i32
      %dma_start3A_117 = tpu.memref_slice %arg5[%arg0, %mul3A_115, %dma_start3A_116] : memref<2x10240x128xf32, #tpu.memory_space<hbm>> -> memref<1x640x128xf32, #tpu.memory_space<hbm>>
      %dma_start3A_118 = tpu.memref_squeeze %dma_start3A_117 : memref<1x640x128xf32, #tpu.memory_space<hbm>> -> memref<640x128xf32, #tpu.memory_space<hbm>>
      %dma_start3A_119 = arith.constant 0 : i32
      %dma_start3A_120 = tpu.memref_slice %arg18[%mul3A_113, %dma_start3A_119] : memref<10240x128xf32, #tpu.memory_space<vmem_shared>> -> memref<640x128xf32, #tpu.memory_space<vmem_shared>>
      tpu.enqueue_dma source(%dma_start3A_120 : memref<640x128xf32, #tpu.memory_space<vmem_shared>>) target(%dma_start3A_118 : memref<640x128xf32, #tpu.memory_space<hbm>>) target_semaphore(%run_scoped3A : memref<!tpu.dma_semaphore, #tpu.memory_space<semaphore_mem>>)
      %dma_wait3A_121 = arith.constant 0 : i32
      %dma_wait3A_122 = tpu.memref_slice %arg5[%arg0, %mul3A_115, %dma_wait3A_121] : memref<2x10240x128xf32, #tpu.memory_space<hbm>> -> memref<1x640x128xf32, #tpu.memory_space<hbm>>
      %dma_wait3A_123 = tpu.memref_squeeze %dma_wait3A_122 : memref<1x640x128xf32, #tpu.memory_space<hbm>> -> memref<640x128xf32, #tpu.memory_space<hbm>>
      %dma_wait3A_124 = arith.constant 0 : i32
      %dma_wait3A_125 = tpu.memref_slice %arg18[%mul3A_113, %dma_wait3A_124] : memref<10240x128xf32, #tpu.memory_space<vmem_shared>> -> memref<640x128xf32, #tpu.memory_space<vmem_shared>>
      tpu.wait_dma2 semaphore(%run_scoped3A : memref<!tpu.dma_semaphore, #tpu.memory_space<semaphore_mem>>) src(%dma_wait3A_125 : memref<640x128xf32, #tpu.memory_space<vmem_shared>>) dst(%dma_wait3A_123 : memref<640x128xf32, #tpu.memory_space<hbm>>)
      tpu.yield
    }) : () -> ()
    return
  }
}

#map = affine_map<(d0, d1) -> (0)>
#map1 = affine_map<(d0, d1) -> (0, 0, 0)>
module attributes {stable_mosaic.version = 14 : i64} {
  func.func @k(%arg0: i32, %arg1: i32, %arg2: memref<640000xi32, #tpu.memory_space<hbm>>, %arg3: memref<2x10240x128xf32, #tpu.memory_space<hbm>>, %arg4: memref<20000xi32, #tpu.memory_space<vmem>>, %arg5: memref<80x128xf32, #tpu.memory_space<vmem>>, %arg6: memref<!tpu.dma_semaphore, #tpu.memory_space<semaphore_mem>>, %arg7: memref<!tpu.dma_semaphore, #tpu.memory_space<semaphore_mem>>, %arg8: memref<10240x128xf32, #tpu.memory_space<vmem_shared>>) attributes {dimension_semantics = [#tpu.dimension_semantics<core_parallel>, #tpu.dimension_semantics<subcore_parallel>], iteration_bounds = array<i64: 2, 16>, scalar_prefetch = 0 : i64, scratch_operands = 5 : i64, tpu.core_type = #tpu.core_type<sc_vector_subcore>, window_params = [{transform_indices = #map}, {transform_indices = #map1}]} {
    %mul3A = arith.constant 320000 : i32
    %mul3A_0 = arith.muli %arg0, %mul3A : i32
    %mul3A_1 = arith.constant 20000 : i32
    %mul3A_2 = arith.muli %arg1, %mul3A_1 : i32
    %add3A = arith.addi %mul3A_0, %mul3A_2 : i32
    %dma_start3A = tpu.memref_slice %arg2[%add3A] : memref<640000xi32, #tpu.memory_space<hbm>> -> memref<20000xi32, #tpu.memory_space<hbm>>
    %dma_start3A_3 = tpu.memref_slice %arg2[%add3A] : memref<640000xi32, #tpu.memory_space<hbm>> -> memref<20000xi32, #tpu.memory_space<hbm>>
    tpu.enqueue_dma source(%dma_start3A_3 : memref<20000xi32, #tpu.memory_space<hbm>>) target(%arg4 : memref<20000xi32, #tpu.memory_space<vmem>>) target_semaphore(%arg6 : memref<!tpu.dma_semaphore, #tpu.memory_space<semaphore_mem>>)
    %scan3A = arith.constant 0 : i32
    %scan3A_4 = arith.constant 0 : i32
    %scan3A_5 = arith.constant 640 : i32
    %scan3A_6 = arith.addi %scan3A_4, %scan3A_5 : i32
    %scan3A_7 = arith.constant 1 : i32
    %scan3A_8 = scf.for %scan3A_62 = %scan3A_4 to %scan3A_6 step %scan3A_7 iter_args(%scan3A_63 = %scan3A) -> (i32)  : i32 {
      %broadcast_in_dim3A = arith.constant 0.000000e+00 : f32
      %broadcast_in_dim3A_64 = vector.broadcast %broadcast_in_dim3A : f32 to vector<16xf32>
      %jit3A = arith.constant 8 : i32
      %div3A = arith.divsi %scan3A_62, %jit3A : i32
      %sign3A = arith.constant 0 : i32
      %sign3A_65 = arith.cmpi sgt, %scan3A_62, %sign3A : i32
      %sign3A_66 = arith.extui %sign3A_65 : i1 to i32
      %sign3A_67 = arith.constant 0 : i32
      %sign3A_68 = arith.cmpi slt, %scan3A_62, %sign3A_67 : i32
      %sign3A_69 = arith.extui %sign3A_68 : i1 to i32
      %sign3A_70 = arith.subi %sign3A_66, %sign3A_69 : i32
      %sign3A_71 = arith.constant 0 : i32
      %sign3A_72 = arith.cmpi sgt, %jit3A, %sign3A_71 : i32
      %sign3A_73 = arith.extui %sign3A_72 : i1 to i32
      %sign3A_74 = arith.constant 0 : i32
      %sign3A_75 = arith.cmpi slt, %jit3A, %sign3A_74 : i32
      %sign3A_76 = arith.extui %sign3A_75 : i1 to i32
      %sign3A_77 = arith.subi %sign3A_73, %sign3A_76 : i32
      %ne3A = arith.cmpi ne, %sign3A_70, %sign3A_77 : i32
      %rem3A = arith.remsi %scan3A_62, %jit3A : i32
      %ne3A_78 = arith.constant 0 : i32
      %ne3A_79 = arith.cmpi ne, %rem3A, %ne3A_78 : i32
      %and3A = arith.andi %ne3A, %ne3A_79 : i1
      %sub3A = arith.constant 1 : i32
      %sub3A_80 = arith.subi %div3A, %sub3A : i32
      %select_n3A = arith.select %and3A, %sub3A_80, %div3A : i32
      %jit3A_81 = arith.constant 8 : i32
      %eq3A = arith.constant 0 : i32
      %eq3A_82 = arith.cmpi eq, %jit3A_81, %eq3A : i32
      %jit3A_83 = arith.constant 1 : i32
      %select_n3A_84 = arith.select %eq3A_82, %jit3A_83, %jit3A_81 : i32
      %rem3A_85 = arith.remsi %scan3A_62, %select_n3A_84 : i32
      %ne3A_86 = arith.constant 0 : i32
      %ne3A_87 = arith.cmpi ne, %rem3A_85, %ne3A_86 : i32
      %lt3A = arith.constant 0 : i32
      %lt3A_88 = arith.cmpi slt, %rem3A_85, %lt3A : i32
      %lt3A_89 = arith.constant 0 : i32
      %lt3A_90 = arith.cmpi slt, %select_n3A_84, %lt3A_89 : i32
      %ne3A_91 = arith.xori %lt3A_88, %lt3A_90 : i1
      %and3A_92 = arith.andi %ne3A_91, %ne3A_87 : i1
      %add3A_93 = arith.addi %rem3A_85, %select_n3A_84 : i32
      %select_n3A_94 = arith.select %and3A_92, %add3A_93, %rem3A_85 : i32
      %mul3A_95 = arith.constant 16 : i32
      %mul3A_96 = arith.muli %select_n3A_94, %mul3A_95 : i32
      %swap3A = arith.index_cast %select_n3A : i32 to index
      %swap3A_97 = arith.index_cast %mul3A_96 : i32 to index
      %swap3A_98 = tpu.vector_load %arg5[%swap3A, %swap3A_97] {strides = array<i32>} : memref<80x128xf32, #tpu.memory_space<vmem>>, vector<1x16xf32>,
      %swap3A_99 = vector.shape_cast %swap3A_98 : vector<1x16xf32> to vector<16xf32>
      %swap3A_100 = vector.shape_cast %broadcast_in_dim3A_64 : vector<16xf32> to vector<1x16xf32>
      tpu.vector_store %arg5[%swap3A, %swap3A_97], %swap3A_100 {strides = array<i32>} : memref<80x128xf32, #tpu.memory_space<vmem>>, vector<1x16xf32>,
      %scan3A_101 = arith.constant 0 : i32
      scf.yield %scan3A_101 : i32
    }
    %scan3A_9 = arith.constant 640 : i32
    %mul3A_10 = arith.constant 640 : i32
    %mul3A_11 = arith.muli %arg1, %mul3A_10 : i32
    %add3A_12 = arith.constant 0 : i32
    %add3A_13 = arith.addi %mul3A_11, %add3A_12 : i32
    "tpu.region"() ({
      %run_scoped3A = tpu.sem_alloc : memref<!tpu.dma_semaphore, #tpu.memory_space<semaphore_mem>>
      %dma_start3A_62 = arith.constant 0 : i32
      %dma_start3A_63 = tpu.memref_slice %arg8[%add3A_13, %dma_start3A_62] : memref<10240x128xf32, #tpu.memory_space<vmem_shared>> -> memref<80x128xf32, #tpu.memory_space<vmem_shared>>
      %dma_start3A_64 = arith.constant 0 : i32
      %dma_start3A_65 = tpu.memref_slice %arg8[%add3A_13, %dma_start3A_64] : memref<10240x128xf32, #tpu.memory_space<vmem_shared>> -> memref<80x128xf32, #tpu.memory_space<vmem_shared>>
      tpu.enqueue_dma source(%arg5 : memref<80x128xf32, #tpu.memory_space<vmem>>) target(%dma_start3A_65 : memref<80x128xf32, #tpu.memory_space<vmem_shared>>) target_semaphore(%run_scoped3A : memref<!tpu.dma_semaphore, #tpu.memory_space<semaphore_mem>>)
      %dma_wait3A_66 = arith.constant 0 : i32
      %dma_wait3A_67 = tpu.memref_slice %arg8[%add3A_13, %dma_wait3A_66] : memref<10240x128xf32, #tpu.memory_space<vmem_shared>> -> memref<80x128xf32, #tpu.memory_space<vmem_shared>>
      %dma_wait3A_68 = arith.constant 0 : i32
      %dma_wait3A_69 = tpu.memref_slice %arg8[%add3A_13, %dma_wait3A_68] : memref<10240x128xf32, #tpu.memory_space<vmem_shared>> -> memref<80x128xf32, #tpu.memory_space<vmem_shared>>
      tpu.wait_dma2 semaphore(%run_scoped3A : memref<!tpu.dma_semaphore, #tpu.memory_space<semaphore_mem>>) src(%arg5 : memref<80x128xf32, #tpu.memory_space<vmem>>) dst(%dma_wait3A_69 : memref<80x128xf32, #tpu.memory_space<vmem_shared>>)
      tpu.yield
    }) : () -> ()
    %mul3A_14 = arith.constant 640 : i32
    %mul3A_15 = arith.muli %arg1, %mul3A_14 : i32
    %add3A_16 = arith.constant 80 : i32
    %add3A_17 = arith.addi %mul3A_15, %add3A_16 : i32
    "tpu.region"() ({
      %run_scoped3A = tpu.sem_alloc : memref<!tpu.dma_semaphore, #tpu.memory_space<semaphore_mem>>
      %dma_start3A_62 = arith.constant 0 : i32
      %dma_start3A_63 = tpu.memref_slice %arg8[%add3A_17, %dma_start3A_62] : memref<10240x128xf32, #tpu.memory_space<vmem_shared>> -> memref<80x128xf32, #tpu.memory_space<vmem_shared>>
      %dma_start3A_64 = arith.constant 0 : i32
      %dma_start3A_65 = tpu.memref_slice %arg8[%add3A_17, %dma_start3A_64] : memref<10240x128xf32, #tpu.memory_space<vmem_shared>> -> memref<80x128xf32, #tpu.memory_space<vmem_shared>>
      tpu.enqueue_dma source(%arg5 : memref<80x128xf32, #tpu.memory_space<vmem>>) target(%dma_start3A_65 : memref<80x128xf32, #tpu.memory_space<vmem_shared>>) target_semaphore(%run_scoped3A : memref<!tpu.dma_semaphore, #tpu.memory_space<semaphore_mem>>)
      %dma_wait3A_66 = arith.constant 0 : i32
      %dma_wait3A_67 = tpu.memref_slice %arg8[%add3A_17, %dma_wait3A_66] : memref<10240x128xf32, #tpu.memory_space<vmem_shared>> -> memref<80x128xf32, #tpu.memory_space<vmem_shared>>
      %dma_wait3A_68 = arith.constant 0 : i32
      %dma_wait3A_69 = tpu.memref_slice %arg8[%add3A_17, %dma_wait3A_68] : memref<10240x128xf32, #tpu.memory_space<vmem_shared>> -> memref<80x128xf32, #tpu.memory_space<vmem_shared>>
      tpu.wait_dma2 semaphore(%run_scoped3A : memref<!tpu.dma_semaphore, #tpu.memory_space<semaphore_mem>>) src(%arg5 : memref<80x128xf32, #tpu.memory_space<vmem>>) dst(%dma_wait3A_69 : memref<80x128xf32, #tpu.memory_space<vmem_shared>>)
      tpu.yield
    }) : () -> ()
    %mul3A_18 = arith.constant 640 : i32
    %mul3A_19 = arith.muli %arg1, %mul3A_18 : i32
    %add3A_20 = arith.constant 160 : i32
    %add3A_21 = arith.addi %mul3A_19, %add3A_20 : i32
    "tpu.region"() ({
      %run_scoped3A = tpu.sem_alloc : memref<!tpu.dma_semaphore, #tpu.memory_space<semaphore_mem>>
      %dma_start3A_62 = arith.constant 0 : i32
      %dma_start3A_63 = tpu.memref_slice %arg8[%add3A_21, %dma_start3A_62] : memref<10240x128xf32, #tpu.memory_space<vmem_shared>> -> memref<80x128xf32, #tpu.memory_space<vmem_shared>>
      %dma_start3A_64 = arith.constant 0 : i32
      %dma_start3A_65 = tpu.memref_slice %arg8[%add3A_21, %dma_start3A_64] : memref<10240x128xf32, #tpu.memory_space<vmem_shared>> -> memref<80x128xf32, #tpu.memory_space<vmem_shared>>
      tpu.enqueue_dma source(%arg5 : memref<80x128xf32, #tpu.memory_space<vmem>>) target(%dma_start3A_65 : memref<80x128xf32, #tpu.memory_space<vmem_shared>>) target_semaphore(%run_scoped3A : memref<!tpu.dma_semaphore, #tpu.memory_space<semaphore_mem>>)
      %dma_wait3A_66 = arith.constant 0 : i32
      %dma_wait3A_67 = tpu.memref_slice %arg8[%add3A_21, %dma_wait3A_66] : memref<10240x128xf32, #tpu.memory_space<vmem_shared>> -> memref<80x128xf32, #tpu.memory_space<vmem_shared>>
      %dma_wait3A_68 = arith.constant 0 : i32
      %dma_wait3A_69 = tpu.memref_slice %arg8[%add3A_21, %dma_wait3A_68] : memref<10240x128xf32, #tpu.memory_space<vmem_shared>> -> memref<80x128xf32, #tpu.memory_space<vmem_shared>>
      tpu.wait_dma2 semaphore(%run_scoped3A : memref<!tpu.dma_semaphore, #tpu.memory_space<semaphore_mem>>) src(%arg5 : memref<80x128xf32, #tpu.memory_space<vmem>>) dst(%dma_wait3A_69 : memref<80x128xf32, #tpu.memory_space<vmem_shared>>)
      tpu.yield
    }) : () -> ()
    %mul3A_22 = arith.constant 640 : i32
    %mul3A_23 = arith.muli %arg1, %mul3A_22 : i32
    %add3A_24 = arith.constant 240 : i32
    %add3A_25 = arith.addi %mul3A_23, %add3A_24 : i32
    "tpu.region"() ({
      %run_scoped3A = tpu.sem_alloc : memref<!tpu.dma_semaphore, #tpu.memory_space<semaphore_mem>>
      %dma_start3A_62 = arith.constant 0 : i32
      %dma_start3A_63 = tpu.memref_slice %arg8[%add3A_25, %dma_start3A_62] : memref<10240x128xf32, #tpu.memory_space<vmem_shared>> -> memref<80x128xf32, #tpu.memory_space<vmem_shared>>
      %dma_start3A_64 = arith.constant 0 : i32
      %dma_start3A_65 = tpu.memref_slice %arg8[%add3A_25, %dma_start3A_64] : memref<10240x128xf32, #tpu.memory_space<vmem_shared>> -> memref<80x128xf32, #tpu.memory_space<vmem_shared>>
      tpu.enqueue_dma source(%arg5 : memref<80x128xf32, #tpu.memory_space<vmem>>) target(%dma_start3A_65 : memref<80x128xf32, #tpu.memory_space<vmem_shared>>) target_semaphore(%run_scoped3A : memref<!tpu.dma_semaphore, #tpu.memory_space<semaphore_mem>>)
      %dma_wait3A_66 = arith.constant 0 : i32
      %dma_wait3A_67 = tpu.memref_slice %arg8[%add3A_25, %dma_wait3A_66] : memref<10240x128xf32, #tpu.memory_space<vmem_shared>> -> memref<80x128xf32, #tpu.memory_space<vmem_shared>>
      %dma_wait3A_68 = arith.constant 0 : i32
      %dma_wait3A_69 = tpu.memref_slice %arg8[%add3A_25, %dma_wait3A_68] : memref<10240x128xf32, #tpu.memory_space<vmem_shared>> -> memref<80x128xf32, #tpu.memory_space<vmem_shared>>
      tpu.wait_dma2 semaphore(%run_scoped3A : memref<!tpu.dma_semaphore, #tpu.memory_space<semaphore_mem>>) src(%arg5 : memref<80x128xf32, #tpu.memory_space<vmem>>) dst(%dma_wait3A_69 : memref<80x128xf32, #tpu.memory_space<vmem_shared>>)
      tpu.yield
    }) : () -> ()
    %mul3A_26 = arith.constant 640 : i32
    %mul3A_27 = arith.muli %arg1, %mul3A_26 : i32
    %add3A_28 = arith.constant 320 : i32
    %add3A_29 = arith.addi %mul3A_27, %add3A_28 : i32
    "tpu.region"() ({
      %run_scoped3A = tpu.sem_alloc : memref<!tpu.dma_semaphore, #tpu.memory_space<semaphore_mem>>
      %dma_start3A_62 = arith.constant 0 : i32
      %dma_start3A_63 = tpu.memref_slice %arg8[%add3A_29, %dma_start3A_62] : memref<10240x128xf32, #tpu.memory_space<vmem_shared>> -> memref<80x128xf32, #tpu.memory_space<vmem_shared>>
      %dma_start3A_64 = arith.constant 0 : i32
      %dma_start3A_65 = tpu.memref_slice %arg8[%add3A_29, %dma_start3A_64] : memref<10240x128xf32, #tpu.memory_space<vmem_shared>> -> memref<80x128xf32, #tpu.memory_space<vmem_shared>>
      tpu.enqueue_dma source(%arg5 : memref<80x128xf32, #tpu.memory_space<vmem>>) target(%dma_start3A_65 : memref<80x128xf32, #tpu.memory_space<vmem_shared>>) target_semaphore(%run_scoped3A : memref<!tpu.dma_semaphore, #tpu.memory_space<semaphore_mem>>)
      %dma_wait3A_66 = arith.constant 0 : i32
      %dma_wait3A_67 = tpu.memref_slice %arg8[%add3A_29, %dma_wait3A_66] : memref<10240x128xf32, #tpu.memory_space<vmem_shared>> -> memref<80x128xf32, #tpu.memory_space<vmem_shared>>
      %dma_wait3A_68 = arith.constant 0 : i32
      %dma_wait3A_69 = tpu.memref_slice %arg8[%add3A_29, %dma_wait3A_68] : memref<10240x128xf32, #tpu.memory_space<vmem_shared>> -> memref<80x128xf32, #tpu.memory_space<vmem_shared>>
      tpu.wait_dma2 semaphore(%run_scoped3A : memref<!tpu.dma_semaphore, #tpu.memory_space<semaphore_mem>>) src(%arg5 : memref<80x128xf32, #tpu.memory_space<vmem>>) dst(%dma_wait3A_69 : memref<80x128xf32, #tpu.memory_space<vmem_shared>>)
      tpu.yield
    }) : () -> ()
    %mul3A_30 = arith.constant 640 : i32
    %mul3A_31 = arith.muli %arg1, %mul3A_30 : i32
    %add3A_32 = arith.constant 400 : i32
    %add3A_33 = arith.addi %mul3A_31, %add3A_32 : i32
    "tpu.region"() ({
      %run_scoped3A = tpu.sem_alloc : memref<!tpu.dma_semaphore, #tpu.memory_space<semaphore_mem>>
      %dma_start3A_62 = arith.constant 0 : i32
      %dma_start3A_63 = tpu.memref_slice %arg8[%add3A_33, %dma_start3A_62] : memref<10240x128xf32, #tpu.memory_space<vmem_shared>> -> memref<80x128xf32, #tpu.memory_space<vmem_shared>>
      %dma_start3A_64 = arith.constant 0 : i32
      %dma_start3A_65 = tpu.memref_slice %arg8[%add3A_33, %dma_start3A_64] : memref<10240x128xf32, #tpu.memory_space<vmem_shared>> -> memref<80x128xf32, #tpu.memory_space<vmem_shared>>
      tpu.enqueue_dma source(%arg5 : memref<80x128xf32, #tpu.memory_space<vmem>>) target(%dma_start3A_65 : memref<80x128xf32, #tpu.memory_space<vmem_shared>>) target_semaphore(%run_scoped3A : memref<!tpu.dma_semaphore, #tpu.memory_space<semaphore_mem>>)
      %dma_wait3A_66 = arith.constant 0 : i32
      %dma_wait3A_67 = tpu.memref_slice %arg8[%add3A_33, %dma_wait3A_66] : memref<10240x128xf32, #tpu.memory_space<vmem_shared>> -> memref<80x128xf32, #tpu.memory_space<vmem_shared>>
      %dma_wait3A_68 = arith.constant 0 : i32
      %dma_wait3A_69 = tpu.memref_slice %arg8[%add3A_33, %dma_wait3A_68] : memref<10240x128xf32, #tpu.memory_space<vmem_shared>> -> memref<80x128xf32, #tpu.memory_space<vmem_shared>>
      tpu.wait_dma2 semaphore(%run_scoped3A : memref<!tpu.dma_semaphore, #tpu.memory_space<semaphore_mem>>) src(%arg5 : memref<80x128xf32, #tpu.memory_space<vmem>>) dst(%dma_wait3A_69 : memref<80x128xf32, #tpu.memory_space<vmem_shared>>)
      tpu.yield
    }) : () -> ()
    %mul3A_34 = arith.constant 640 : i32
    %mul3A_35 = arith.muli %arg1, %mul3A_34 : i32
    %add3A_36 = arith.constant 480 : i32
    %add3A_37 = arith.addi %mul3A_35, %add3A_36 : i32
    "tpu.region"() ({
      %run_scoped3A = tpu.sem_alloc : memref<!tpu.dma_semaphore, #tpu.memory_space<semaphore_mem>>
      %dma_start3A_62 = arith.constant 0 : i32
      %dma_start3A_63 = tpu.memref_slice %arg8[%add3A_37, %dma_start3A_62] : memref<10240x128xf32, #tpu.memory_space<vmem_shared>> -> memref<80x128xf32, #tpu.memory_space<vmem_shared>>
      %dma_start3A_64 = arith.constant 0 : i32
      %dma_start3A_65 = tpu.memref_slice %arg8[%add3A_37, %dma_start3A_64] : memref<10240x128xf32, #tpu.memory_space<vmem_shared>> -> memref<80x128xf32, #tpu.memory_space<vmem_shared>>
      tpu.enqueue_dma source(%arg5 : memref<80x128xf32, #tpu.memory_space<vmem>>) target(%dma_start3A_65 : memref<80x128xf32, #tpu.memory_space<vmem_shared>>) target_semaphore(%run_scoped3A : memref<!tpu.dma_semaphore, #tpu.memory_space<semaphore_mem>>)
      %dma_wait3A_66 = arith.constant 0 : i32
      %dma_wait3A_67 = tpu.memref_slice %arg8[%add3A_37, %dma_wait3A_66] : memref<10240x128xf32, #tpu.memory_space<vmem_shared>> -> memref<80x128xf32, #tpu.memory_space<vmem_shared>>
      %dma_wait3A_68 = arith.constant 0 : i32
      %dma_wait3A_69 = tpu.memref_slice %arg8[%add3A_37, %dma_wait3A_68] : memref<10240x128xf32, #tpu.memory_space<vmem_shared>> -> memref<80x128xf32, #tpu.memory_space<vmem_shared>>
      tpu.wait_dma2 semaphore(%run_scoped3A : memref<!tpu.dma_semaphore, #tpu.memory_space<semaphore_mem>>) src(%arg5 : memref<80x128xf32, #tpu.memory_space<vmem>>) dst(%dma_wait3A_69 : memref<80x128xf32, #tpu.memory_space<vmem_shared>>)
      tpu.yield
    }) : () -> ()
    %mul3A_38 = arith.constant 640 : i32
    %mul3A_39 = arith.muli %arg1, %mul3A_38 : i32
    %add3A_40 = arith.constant 560 : i32
    %add3A_41 = arith.addi %mul3A_39, %add3A_40 : i32
    "tpu.region"() ({
      %run_scoped3A = tpu.sem_alloc : memref<!tpu.dma_semaphore, #tpu.memory_space<semaphore_mem>>
      %dma_start3A_62 = arith.constant 0 : i32
      %dma_start3A_63 = tpu.memref_slice %arg8[%add3A_41, %dma_start3A_62] : memref<10240x128xf32, #tpu.memory_space<vmem_shared>> -> memref<80x128xf32, #tpu.memory_space<vmem_shared>>
      %dma_start3A_64 = arith.constant 0 : i32
      %dma_start3A_65 = tpu.memref_slice %arg8[%add3A_41, %dma_start3A_64] : memref<10240x128xf32, #tpu.memory_space<vmem_shared>> -> memref<80x128xf32, #tpu.memory_space<vmem_shared>>
      tpu.enqueue_dma source(%arg5 : memref<80x128xf32, #tpu.memory_space<vmem>>) target(%dma_start3A_65 : memref<80x128xf32, #tpu.memory_space<vmem_shared>>) target_semaphore(%run_scoped3A : memref<!tpu.dma_semaphore, #tpu.memory_space<semaphore_mem>>)
      %dma_wait3A_66 = arith.constant 0 : i32
      %dma_wait3A_67 = tpu.memref_slice %arg8[%add3A_41, %dma_wait3A_66] : memref<10240x128xf32, #tpu.memory_space<vmem_shared>> -> memref<80x128xf32, #tpu.memory_space<vmem_shared>>
      %dma_wait3A_68 = arith.constant 0 : i32
      %dma_wait3A_69 = tpu.memref_slice %arg8[%add3A_41, %dma_wait3A_68] : memref<10240x128xf32, #tpu.memory_space<vmem_shared>> -> memref<80x128xf32, #tpu.memory_space<vmem_shared>>
      tpu.wait_dma2 semaphore(%run_scoped3A : memref<!tpu.dma_semaphore, #tpu.memory_space<semaphore_mem>>) src(%arg5 : memref<80x128xf32, #tpu.memory_space<vmem>>) dst(%dma_wait3A_69 : memref<80x128xf32, #tpu.memory_space<vmem_shared>>)
      tpu.yield
    }) : () -> ()
    %scan3A_42 = arith.constant 0 : i32
    %scan3A_43 = arith.constant 0 : i32
    %scan3A_44 = arith.constant 640 : i32
    %scan3A_45 = arith.addi %scan3A_43, %scan3A_44 : i32
    %scan3A_46 = arith.constant 1 : i32
    %scan3A_47 = scf.for %scan3A_62 = %scan3A_43 to %scan3A_45 step %scan3A_46 iter_args(%scan3A_63 = %scan3A_42) -> (i32)  : i32 {
      %broadcast_in_dim3A = arith.constant 1.000000e+00 : f32
      %broadcast_in_dim3A_64 = vector.broadcast %broadcast_in_dim3A : f32 to vector<16xf32>
      %jit3A = arith.constant 8 : i32
      %div3A = arith.divsi %scan3A_62, %jit3A : i32
      %sign3A = arith.constant 0 : i32
      %sign3A_65 = arith.cmpi sgt, %scan3A_62, %sign3A : i32
      %sign3A_66 = arith.extui %sign3A_65 : i1 to i32
      %sign3A_67 = arith.constant 0 : i32
      %sign3A_68 = arith.cmpi slt, %scan3A_62, %sign3A_67 : i32
      %sign3A_69 = arith.extui %sign3A_68 : i1 to i32
      %sign3A_70 = arith.subi %sign3A_66, %sign3A_69 : i32
      %sign3A_71 = arith.constant 0 : i32
      %sign3A_72 = arith.cmpi sgt, %jit3A, %sign3A_71 : i32
      %sign3A_73 = arith.extui %sign3A_72 : i1 to i32
      %sign3A_74 = arith.constant 0 : i32
      %sign3A_75 = arith.cmpi slt, %jit3A, %sign3A_74 : i32
      %sign3A_76 = arith.extui %sign3A_75 : i1 to i32
      %sign3A_77 = arith.subi %sign3A_73, %sign3A_76 : i32
      %ne3A = arith.cmpi ne, %sign3A_70, %sign3A_77 : i32
      %rem3A = arith.remsi %scan3A_62, %jit3A : i32
      %ne3A_78 = arith.constant 0 : i32
      %ne3A_79 = arith.cmpi ne, %rem3A, %ne3A_78 : i32
      %and3A = arith.andi %ne3A, %ne3A_79 : i1
      %sub3A = arith.constant 1 : i32
      %sub3A_80 = arith.subi %div3A, %sub3A : i32
      %select_n3A = arith.select %and3A, %sub3A_80, %div3A : i32
      %jit3A_81 = arith.constant 8 : i32
      %eq3A = arith.constant 0 : i32
      %eq3A_82 = arith.cmpi eq, %jit3A_81, %eq3A : i32
      %jit3A_83 = arith.constant 1 : i32
      %select_n3A_84 = arith.select %eq3A_82, %jit3A_83, %jit3A_81 : i32
      %rem3A_85 = arith.remsi %scan3A_62, %select_n3A_84 : i32
      %ne3A_86 = arith.constant 0 : i32
      %ne3A_87 = arith.cmpi ne, %rem3A_85, %ne3A_86 : i32
      %lt3A = arith.constant 0 : i32
      %lt3A_88 = arith.cmpi slt, %rem3A_85, %lt3A : i32
      %lt3A_89 = arith.constant 0 : i32
      %lt3A_90 = arith.cmpi slt, %select_n3A_84, %lt3A_89 : i32
      %ne3A_91 = arith.xori %lt3A_88, %lt3A_90 : i1
      %and3A_92 = arith.andi %ne3A_91, %ne3A_87 : i1
      %add3A_93 = arith.addi %rem3A_85, %select_n3A_84 : i32
      %select_n3A_94 = arith.select %and3A_92, %add3A_93, %rem3A_85 : i32
      %mul3A_95 = arith.constant 16 : i32
      %mul3A_96 = arith.muli %select_n3A_94, %mul3A_95 : i32
      %swap3A = arith.index_cast %select_n3A : i32 to index
      %swap3A_97 = arith.index_cast %mul3A_96 : i32 to index
      %swap3A_98 = tpu.vector_load %arg5[%swap3A, %swap3A_97] {strides = array<i32>} : memref<80x128xf32, #tpu.memory_space<vmem>>, vector<1x16xf32>,
      %swap3A_99 = vector.shape_cast %swap3A_98 : vector<1x16xf32> to vector<16xf32>
      %swap3A_100 = vector.shape_cast %broadcast_in_dim3A_64 : vector<16xf32> to vector<1x16xf32>
      tpu.vector_store %arg5[%swap3A, %swap3A_97], %swap3A_100 {strides = array<i32>} : memref<80x128xf32, #tpu.memory_space<vmem>>, vector<1x16xf32>,
      %scan3A_101 = arith.constant 0 : i32
      scf.yield %scan3A_101 : i32
    }
    %scan3A_48 = arith.constant 640 : i32
    %dma_wait3A = tpu.memref_slice %arg2[%add3A] : memref<640000xi32, #tpu.memory_space<hbm>> -> memref<20000xi32, #tpu.memory_space<hbm>>
    %dma_wait3A_49 = tpu.memref_slice %arg2[%add3A] : memref<640000xi32, #tpu.memory_space<hbm>> -> memref<20000xi32, #tpu.memory_space<hbm>>
    tpu.wait_dma2 semaphore(%arg6 : memref<!tpu.dma_semaphore, #tpu.memory_space<semaphore_mem>>) src(%dma_wait3A_49 : memref<20000xi32, #tpu.memory_space<hbm>>) dst(%arg4 : memref<20000xi32, #tpu.memory_space<vmem>>)
    %barrier3A = arith.constant 0 : index
    tpu.barrier barrier_id(%barrier3A)
    %scan3A_50 = arith.constant 0 : i32
    %scan3A_51 = arith.constant 0 : i32
    %scan3A_52 = arith.constant 50 : i32
    %scan3A_53 = arith.addi %scan3A_51, %scan3A_52 : i32
    %scan3A_54 = arith.constant 1 : i32
    %scan3A_55 = scf.for %scan3A_62 = %scan3A_51 to %scan3A_53 step %scan3A_54 iter_args(%scan3A_63 = %scan3A_50) -> (i32)  : i32 {
      %mul3A_64 = arith.constant 5 : i32
      %mul3A_65 = arith.muli %scan3A_62, %mul3A_64 : i32
      %add3A_66 = arith.constant 0 : i32
      %add3A_67 = arith.addi %mul3A_65, %add3A_66 : i32
      %mul3A_68 = arith.constant 80 : i32
      %mul3A_69 = arith.muli %add3A_67, %mul3A_68 : i32
      %dma_start3A_70 = tpu.memref_slice %arg4[%mul3A_69] : memref<20000xi32, #tpu.memory_space<vmem>> -> memref<80xi32, #tpu.memory_space<vmem>>
      %dma_start3A_71 = arith.constant 0 : i32
      %dma_start3A_72 = arith.constant 0 : i32
      %dma_start3A_73 = tpu.memref_slice %arg8[%dma_start3A_71, %dma_start3A_72] : memref<10240x128xf32, #tpu.memory_space<vmem_shared>> -> memref<10240x128xf32, #tpu.memory_space<vmem_shared>>
      tpu.enqueue_indirect_dma source(%arg5 : memref<80x128xf32, #tpu.memory_space<vmem>>) target(%dma_start3A_73 : memref<10240x128xf32, #tpu.memory_space<vmem_shared>>) offsets(%dma_start3A_70 : memref<80xi32, #tpu.memory_space<vmem>>) semaphore(%arg7 : memref<!tpu.dma_semaphore, #tpu.memory_space<semaphore_mem>>) {add = true}
      %mul3A_74 = arith.constant 5 : i32
      %mul3A_75 = arith.muli %scan3A_62, %mul3A_74 : i32
      %add3A_76 = arith.constant 1 : i32
      %add3A_77 = arith.addi %mul3A_75, %add3A_76 : i32
      %mul3A_78 = arith.constant 80 : i32
      %mul3A_79 = arith.muli %add3A_77, %mul3A_78 : i32
      %dma_start3A_80 = tpu.memref_slice %arg4[%mul3A_79] : memref<20000xi32, #tpu.memory_space<vmem>> -> memref<80xi32, #tpu.memory_space<vmem>>
      %dma_start3A_81 = arith.constant 0 : i32
      %dma_start3A_82 = arith.constant 0 : i32
      %dma_start3A_83 = tpu.memref_slice %arg8[%dma_start3A_81, %dma_start3A_82] : memref<10240x128xf32, #tpu.memory_space<vmem_shared>> -> memref<10240x128xf32, #tpu.memory_space<vmem_shared>>
      tpu.enqueue_indirect_dma source(%arg5 : memref<80x128xf32, #tpu.memory_space<vmem>>) target(%dma_start3A_83 : memref<10240x128xf32, #tpu.memory_space<vmem_shared>>) offsets(%dma_start3A_80 : memref<80xi32, #tpu.memory_space<vmem>>) semaphore(%arg7 : memref<!tpu.dma_semaphore, #tpu.memory_space<semaphore_mem>>) {add = true}
      %mul3A_84 = arith.constant 5 : i32
      %mul3A_85 = arith.muli %scan3A_62, %mul3A_84 : i32
      %add3A_86 = arith.constant 2 : i32
      %add3A_87 = arith.addi %mul3A_85, %add3A_86 : i32
      %mul3A_88 = arith.constant 80 : i32
      %mul3A_89 = arith.muli %add3A_87, %mul3A_88 : i32
      %dma_start3A_90 = tpu.memref_slice %arg4[%mul3A_89] : memref<20000xi32, #tpu.memory_space<vmem>> -> memref<80xi32, #tpu.memory_space<vmem>>
      %dma_start3A_91 = arith.constant 0 : i32
      %dma_start3A_92 = arith.constant 0 : i32
      %dma_start3A_93 = tpu.memref_slice %arg8[%dma_start3A_91, %dma_start3A_92] : memref<10240x128xf32, #tpu.memory_space<vmem_shared>> -> memref<10240x128xf32, #tpu.memory_space<vmem_shared>>
      tpu.enqueue_indirect_dma source(%arg5 : memref<80x128xf32, #tpu.memory_space<vmem>>) target(%dma_start3A_93 : memref<10240x128xf32, #tpu.memory_space<vmem_shared>>) offsets(%dma_start3A_90 : memref<80xi32, #tpu.memory_space<vmem>>) semaphore(%arg7 : memref<!tpu.dma_semaphore, #tpu.memory_space<semaphore_mem>>) {add = true}
      %mul3A_94 = arith.constant 5 : i32
      %mul3A_95 = arith.muli %scan3A_62, %mul3A_94 : i32
      %add3A_96 = arith.constant 3 : i32
      %add3A_97 = arith.addi %mul3A_95, %add3A_96 : i32
      %mul3A_98 = arith.constant 80 : i32
      %mul3A_99 = arith.muli %add3A_97, %mul3A_98 : i32
      %dma_start3A_100 = tpu.memref_slice %arg4[%mul3A_99] : memref<20000xi32, #tpu.memory_space<vmem>> -> memref<80xi32, #tpu.memory_space<vmem>>
      %dma_start3A_101 = arith.constant 0 : i32
      %dma_start3A_102 = arith.constant 0 : i32
      %dma_start3A_103 = tpu.memref_slice %arg8[%dma_start3A_101, %dma_start3A_102] : memref<10240x128xf32, #tpu.memory_space<vmem_shared>> -> memref<10240x128xf32, #tpu.memory_space<vmem_shared>>
      tpu.enqueue_indirect_dma source(%arg5 : memref<80x128xf32, #tpu.memory_space<vmem>>) target(%dma_start3A_103 : memref<10240x128xf32, #tpu.memory_space<vmem_shared>>) offsets(%dma_start3A_100 : memref<80xi32, #tpu.memory_space<vmem>>) semaphore(%arg7 : memref<!tpu.dma_semaphore, #tpu.memory_space<semaphore_mem>>) {add = true}
      %mul3A_104 = arith.constant 5 : i32
      %mul3A_105 = arith.muli %scan3A_62, %mul3A_104 : i32
      %add3A_106 = arith.constant 4 : i32
      %add3A_107 = arith.addi %mul3A_105, %add3A_106 : i32
      %mul3A_108 = arith.constant 80 : i32
      %mul3A_109 = arith.muli %add3A_107, %mul3A_108 : i32
      %dma_start3A_110 = tpu.memref_slice %arg4[%mul3A_109] : memref<20000xi32, #tpu.memory_space<vmem>> -> memref<80xi32, #tpu.memory_space<vmem>>
      %dma_start3A_111 = arith.constant 0 : i32
      %dma_start3A_112 = arith.constant 0 : i32
      %dma_start3A_113 = tpu.memref_slice %arg8[%dma_start3A_111, %dma_start3A_112] : memref<10240x128xf32, #tpu.memory_space<vmem_shared>> -> memref<10240x128xf32, #tpu.memory_space<vmem_shared>>
      tpu.enqueue_indirect_dma source(%arg5 : memref<80x128xf32, #tpu.memory_space<vmem>>) target(%dma_start3A_113 : memref<10240x128xf32, #tpu.memory_space<vmem_shared>>) offsets(%dma_start3A_110 : memref<80xi32, #tpu.memory_space<vmem>>) semaphore(%arg7 : memref<!tpu.dma_semaphore, #tpu.memory_space<semaphore_mem>>) {add = true}
      %dma_wait3A_114 = arith.constant 0 : i32
      %dma_wait3A_115 = tpu.memref_slice %arg4[%dma_wait3A_114] : memref<20000xi32, #tpu.memory_space<vmem>> -> memref<80xi32, #tpu.memory_space<vmem>>
      %dma_wait3A_116 = arith.constant 0 : i32
      %dma_wait3A_117 = arith.constant 0 : i32
      %dma_wait3A_118 = tpu.memref_slice %arg8[%dma_wait3A_116, %dma_wait3A_117] : memref<10240x128xf32, #tpu.memory_space<vmem_shared>> -> memref<10240x128xf32, #tpu.memory_space<vmem_shared>>
      tpu.wait_indirect_dma semaphore(%arg7 : memref<!tpu.dma_semaphore, #tpu.memory_space<semaphore_mem>>) src(%arg5 : memref<80x128xf32, #tpu.memory_space<vmem>>) dst(%dma_wait3A_118 : memref<10240x128xf32, #tpu.memory_space<vmem_shared>>)
      %dma_wait3A_119 = arith.constant 0 : i32
      %dma_wait3A_120 = tpu.memref_slice %arg4[%dma_wait3A_119] : memref<20000xi32, #tpu.memory_space<vmem>> -> memref<80xi32, #tpu.memory_space<vmem>>
      %dma_wait3A_121 = arith.constant 0 : i32
      %dma_wait3A_122 = arith.constant 0 : i32
      %dma_wait3A_123 = tpu.memref_slice %arg8[%dma_wait3A_121, %dma_wait3A_122] : memref<10240x128xf32, #tpu.memory_space<vmem_shared>> -> memref<10240x128xf32, #tpu.memory_space<vmem_shared>>
      tpu.wait_indirect_dma semaphore(%arg7 : memref<!tpu.dma_semaphore, #tpu.memory_space<semaphore_mem>>) src(%arg5 : memref<80x128xf32, #tpu.memory_space<vmem>>) dst(%dma_wait3A_123 : memref<10240x128xf32, #tpu.memory_space<vmem_shared>>)
      %dma_wait3A_124 = arith.constant 0 : i32
      %dma_wait3A_125 = tpu.memref_slice %arg4[%dma_wait3A_124] : memref<20000xi32, #tpu.memory_space<vmem>> -> memref<80xi32, #tpu.memory_space<vmem>>
      %dma_wait3A_126 = arith.constant 0 : i32
      %dma_wait3A_127 = arith.constant 0 : i32
      %dma_wait3A_128 = tpu.memref_slice %arg8[%dma_wait3A_126, %dma_wait3A_127] : memref<10240x128xf32, #tpu.memory_space<vmem_shared>> -> memref<10240x128xf32, #tpu.memory_space<vmem_shared>>
      tpu.wait_indirect_dma semaphore(%arg7 : memref<!tpu.dma_semaphore, #tpu.memory_space<semaphore_mem>>) src(%arg5 : memref<80x128xf32, #tpu.memory_space<vmem>>) dst(%dma_wait3A_128 : memref<10240x128xf32, #tpu.memory_space<vmem_shared>>)
      %dma_wait3A_129 = arith.constant 0 : i32
      %dma_wait3A_130 = tpu.memref_slice %arg4[%dma_wait3A_129] : memref<20000xi32, #tpu.memory_space<vmem>> -> memref<80xi32, #tpu.memory_space<vmem>>
      %dma_wait3A_131 = arith.constant 0 : i32
      %dma_wait3A_132 = arith.constant 0 : i32
      %dma_wait3A_133 = tpu.memref_slice %arg8[%dma_wait3A_131, %dma_wait3A_132] : memref<10240x128xf32, #tpu.memory_space<vmem_shared>> -> memref<10240x128xf32, #tpu.memory_space<vmem_shared>>
      tpu.wait_indirect_dma semaphore(%arg7 : memref<!tpu.dma_semaphore, #tpu.memory_space<semaphore_mem>>) src(%arg5 : memref<80x128xf32, #tpu.memory_space<vmem>>) dst(%dma_wait3A_133 : memref<10240x128xf32, #tpu.memory_space<vmem_shared>>)
      %dma_wait3A_134 = arith.constant 0 : i32
      %dma_wait3A_135 = tpu.memref_slice %arg4[%dma_wait3A_134] : memref<20000xi32, #tpu.memory_space<vmem>> -> memref<80xi32, #tpu.memory_space<vmem>>
      %dma_wait3A_136 = arith.constant 0 : i32
      %dma_wait3A_137 = arith.constant 0 : i32
      %dma_wait3A_138 = tpu.memref_slice %arg8[%dma_wait3A_136, %dma_wait3A_137] : memref<10240x128xf32, #tpu.memory_space<vmem_shared>> -> memref<10240x128xf32, #tpu.memory_space<vmem_shared>>
      tpu.wait_indirect_dma semaphore(%arg7 : memref<!tpu.dma_semaphore, #tpu.memory_space<semaphore_mem>>) src(%arg5 : memref<80x128xf32, #tpu.memory_space<vmem>>) dst(%dma_wait3A_138 : memref<10240x128xf32, #tpu.memory_space<vmem_shared>>)
      %scan3A_139 = arith.constant 0 : i32
      scf.yield %scan3A_139 : i32
    }
    %scan3A_56 = arith.constant 50 : i32
    %barrier3A_57 = arith.constant 0 : index
    tpu.barrier barrier_id(%barrier3A_57)
    %mul3A_58 = arith.constant 640 : i32
    %mul3A_59 = arith.muli %arg1, %mul3A_58 : i32
    %mul3A_60 = arith.constant 640 : i32
    %mul3A_61 = arith.muli %arg1, %mul3A_60 : i32
    "tpu.region"() ({
      %run_scoped3A = tpu.sem_alloc : memref<!tpu.dma_semaphore, #tpu.memory_space<semaphore_mem>>
      %dma_start3A_62 = arith.constant 0 : i32
      %dma_start3A_63 = tpu.memref_slice %arg3[%arg0, %mul3A_61, %dma_start3A_62] : memref<2x10240x128xf32, #tpu.memory_space<hbm>> -> memref<1x640x128xf32, #tpu.memory_space<hbm>>
      %dma_start3A_64 = tpu.memref_squeeze %dma_start3A_63 : memref<1x640x128xf32, #tpu.memory_space<hbm>> -> memref<640x128xf32, #tpu.memory_space<hbm>>
      %dma_start3A_65 = arith.constant 0 : i32
      %dma_start3A_66 = tpu.memref_slice %arg8[%mul3A_59, %dma_start3A_65] : memref<10240x128xf32, #tpu.memory_space<vmem_shared>> -> memref<640x128xf32, #tpu.memory_space<vmem_shared>>
      tpu.enqueue_dma source(%dma_start3A_66 : memref<640x128xf32, #tpu.memory_space<vmem_shared>>) target(%dma_start3A_64 : memref<640x128xf32, #tpu.memory_space<hbm>>) target_semaphore(%run_scoped3A : memref<!tpu.dma_semaphore, #tpu.memory_space<semaphore_mem>>)
      %dma_wait3A_67 = arith.constant 0 : i32
      %dma_wait3A_68 = tpu.memref_slice %arg3[%arg0, %mul3A_61, %dma_wait3A_67] : memref<2x10240x128xf32, #tpu.memory_space<hbm>> -> memref<1x640x128xf32, #tpu.memory_space<hbm>>
      %dma_wait3A_69 = tpu.memref_squeeze %dma_wait3A_68 : memref<1x640x128xf32, #tpu.memory_space<hbm>> -> memref<640x128xf32, #tpu.memory_space<hbm>>
      %dma_wait3A_70 = arith.constant 0 : i32
      %dma_wait3A_71 = tpu.memref_slice %arg8[%mul3A_59, %dma_wait3A_70] : memref<10240x128xf32, #tpu.memory_space<vmem_shared>> -> memref<640x128xf32, #tpu.memory_space<vmem_shared>>
      tpu.wait_dma2 semaphore(%run_scoped3A : memref<!tpu.dma_semaphore, #tpu.memory_space<semaphore_mem>>) src(%dma_wait3A_71 : memref<640x128xf32, #tpu.memory_space<vmem_shared>>) dst(%dma_wait3A_69 : memref<640x128xf32, #tpu.memory_space<hbm>>)
      tpu.yield
    }) : () -> ()
    return
  }
}

module attributes {stable_mosaic.version = 14 : i64} {
  func.func @body(%arg0: memref<2x10240x128xf32, #tpu.memory_space<vmem>>, %arg1: memref<10000x128xf32, #tpu.memory_space<vmem>>, %arg2: memref<10000x1xf32, #tpu.memory_space<vmem>>, %arg3: memref<10000x1xf32, #tpu.memory_space<vmem>>, %arg4: memref<128x128xf32, #tpu.memory_space<vmem>>, %arg5: memref<128x128xf32, #tpu.memory_space<vmem>>, %arg6: memref<1x128xf32, #tpu.memory_space<vmem>>, %arg7: memref<1x128xf32, #tpu.memory_space<vmem>>, %arg8: memref<10000x128xf32, #tpu.memory_space<vmem>>, %arg9: memref<10000x128xf32, #tpu.memory_space<vmem>>) attributes {dimension_semantics = [], scalar_prefetch = 0 : i64, scratch_operands = 0 : i64, tpu.core_type = #tpu.core_type<tc>} {
    %get3A = arith.constant 0 : index
    %get3A_0 = arith.constant 0 : index
    %get3A_1 = arith.constant 0 : index
    %get3A_2 = vector.load %arg0[%get3A, %get3A_0, %get3A_1] : memref<2x10240x128xf32, #tpu.memory_space<vmem>>, vector<1x10000x128xf32>
    %get3A_3 = vector.shape_cast %get3A_2 : vector<1x10000x128xf32> to vector<10000x128xf32>
    %get3A_4 = arith.constant 1 : index
    %get3A_5 = arith.constant 0 : index
    %get3A_6 = arith.constant 0 : index
    %get3A_7 = vector.load %arg0[%get3A_4, %get3A_5, %get3A_6] : memref<2x10240x128xf32, #tpu.memory_space<vmem>>, vector<1x10000x128xf32>
    %get3A_8 = vector.shape_cast %get3A_7 : vector<1x10000x128xf32> to vector<10000x128xf32>
    %add3A = arith.addf %get3A_3, %get3A_8 : vector<10000x128xf32>
    %get3A_9 = arith.constant 0 : index
    %get3A_10 = arith.constant 0 : index
    %get3A_11 = vector.load %arg3[%get3A_9, %get3A_10] : memref<10000x1xf32, #tpu.memory_space<vmem>>, vector<10000x1xf32>
    %mul3A = vector.broadcast %get3A_11 : vector<10000x1xf32> to vector<10000x128xf32>
    %mul3A_12 = arith.mulf %add3A, %mul3A : vector<10000x128xf32>
    %get3A_13 = arith.constant 0 : index
    %get3A_14 = arith.constant 0 : index
    %get3A_15 = vector.load %arg4[%get3A_13, %get3A_14] : memref<128x128xf32, #tpu.memory_space<vmem>>, vector<128x128xf32>
    %dot_general3A = arith.constant dense<0.000000e+00> : vector<10000x128xf32>
    %dot_general3A_16 = tpu.matmul %mul3A_12, %get3A_15, %dot_general3A {dimension_numbers = #tpu.dot_dimension_numbers<[1], [0], [0], [1], [0, 0, 1, 1], [], []>, transpose_lhs_hint = false} : vector<10000x128xf32>, vector<128x128xf32>, vector<10000x128xf32> -> vector<10000x128xf32>
    %get3A_17 = arith.constant 0 : index
    %get3A_18 = arith.constant 0 : index
    %get3A_19 = vector.load %arg1[%get3A_17, %get3A_18] : memref<10000x128xf32, #tpu.memory_space<vmem>>, vector<10000x128xf32>
    %get3A_20 = arith.constant 0 : index
    %get3A_21 = arith.constant 0 : index
    %get3A_22 = vector.load %arg5[%get3A_20, %get3A_21] : memref<128x128xf32, #tpu.memory_space<vmem>>, vector<128x128xf32>
    %dot_general3A_23 = arith.constant dense<0.000000e+00> : vector<10000x128xf32>
    %dot_general3A_24 = tpu.matmul %get3A_19, %get3A_22, %dot_general3A_23 {dimension_numbers = #tpu.dot_dimension_numbers<[1], [0], [0], [1], [0, 0, 1, 1], [], []>, transpose_lhs_hint = false} : vector<10000x128xf32>, vector<128x128xf32>, vector<10000x128xf32> -> vector<10000x128xf32>
    %add3A_25 = arith.addf %dot_general3A_16, %dot_general3A_24 : vector<10000x128xf32>
    %reduce_sum3A = arith.constant dense<0.000000e+00> : vector<128xf32>
    %reduce_sum3A_26 = vector.multi_reduction <add>, %add3A_25, %reduce_sum3A [0] : vector<10000x128xf32> to vector<128xf32>
    %broadcast_in_dim3A = vector.shape_cast %reduce_sum3A_26 : vector<128xf32> to vector<1x128xf32>
    %div3A = arith.constant 1.000000e+04 : f32
    %div3A_27 = vector.broadcast %div3A : f32 to vector<1x128xf32>
    %div3A_28 = arith.divf %broadcast_in_dim3A, %div3A_27 : vector<1x128xf32>
    %sub3A = vector.broadcast %div3A_28 : vector<1x128xf32> to vector<10000x128xf32>
    %sub3A_29 = arith.subf %add3A_25, %sub3A : vector<10000x128xf32>
    %mul3A_30 = arith.mulf %sub3A_29, %sub3A_29 : vector<10000x128xf32>
    %reduce_sum3A_31 = arith.constant dense<0.000000e+00> : vector<128xf32>
    %reduce_sum3A_32 = vector.multi_reduction <add>, %mul3A_30, %reduce_sum3A_31 [0] : vector<10000x128xf32> to vector<128xf32>
    %broadcast_in_dim3A_33 = vector.shape_cast %reduce_sum3A_32 : vector<128xf32> to vector<1x128xf32>
    %div3A_34 = arith.constant 1.000000e+04 : f32
    %div3A_35 = vector.broadcast %div3A_34 : f32 to vector<1x128xf32>
    %div3A_36 = arith.divf %broadcast_in_dim3A_33, %div3A_35 : vector<1x128xf32>
    %add3A_37 = arith.constant 9.99999974E-6 : f32
    %add3A_38 = vector.broadcast %add3A_37 : f32 to vector<1x128xf32>
    %add3A_39 = arith.addf %div3A_36, %add3A_38 : vector<1x128xf32>
    %rsqrt3A = math.rsqrt %add3A_39 : vector<1x128xf32>
    %mul3A_40 = vector.broadcast %rsqrt3A : vector<1x128xf32> to vector<10000x128xf32>
    %mul3A_41 = arith.mulf %sub3A_29, %mul3A_40 : vector<10000x128xf32>
    %get3A_42 = arith.constant 0 : index
    %get3A_43 = arith.constant 0 : index
    %get3A_44 = vector.load %arg6[%get3A_42, %get3A_43] : memref<1x128xf32, #tpu.memory_space<vmem>>, vector<1x128xf32>
    %mul3A_45 = vector.broadcast %get3A_44 : vector<1x128xf32> to vector<10000x128xf32>
    %mul3A_46 = arith.mulf %mul3A_41, %mul3A_45 : vector<10000x128xf32>
    %get3A_47 = arith.constant 0 : index
    %get3A_48 = arith.constant 0 : index
    %get3A_49 = vector.load %arg7[%get3A_47, %get3A_48] : memref<1x128xf32, #tpu.memory_space<vmem>>, vector<1x128xf32>
    %add3A_50 = vector.broadcast %get3A_49 : vector<1x128xf32> to vector<10000x128xf32>
    %add3A_51 = arith.addf %mul3A_46, %add3A_50 : vector<10000x128xf32>
    %max3A = arith.constant 0.000000e+00 : f32
    %max3A_52 = vector.broadcast %max3A : f32 to vector<10000x128xf32>
    %max3A_53 = arith.maximumf %add3A_51, %max3A_52 : vector<10000x128xf32>
    %swap3A = arith.constant 0 : index
    %swap3A_54 = arith.constant 0 : index
    %swap3A_55 = vector.load %arg8[%swap3A, %swap3A_54] : memref<10000x128xf32, #tpu.memory_space<vmem>>, vector<10000x128xf32>
    tpu.vector_store %arg8[%swap3A, %swap3A_54], %max3A_53 {strides = array<i32>} : memref<10000x128xf32, #tpu.memory_space<vmem>>, vector<10000x128xf32>,
    %get3A_56 = arith.constant 0 : index
    %get3A_57 = arith.constant 0 : index
    %get3A_58 = vector.load %arg2[%get3A_56, %get3A_57] : memref<10000x1xf32, #tpu.memory_space<vmem>>, vector<10000x1xf32>
    %mul3A_59 = vector.broadcast %get3A_58 : vector<10000x1xf32> to vector<10000x128xf32>
    %mul3A_60 = arith.mulf %max3A_53, %mul3A_59 : vector<10000x128xf32>
    %swap3A_61 = arith.constant 0 : index
    %swap3A_62 = arith.constant 0 : index
    %swap3A_63 = vector.load %arg9[%swap3A_61, %swap3A_62] : memref<10000x128xf32, #tpu.memory_space<vmem>>, vector<10000x128xf32>
    tpu.vector_store %arg9[%swap3A_61, %swap3A_62], %mul3A_60 {strides = array<i32>} : memref<10000x128xf32, #tpu.memory_space<vmem>>, vector<10000x128xf32>,
    return
  }
}

module attributes {stable_mosaic.version = 14 : i64} {
  func.func @body(%arg0: memref<10000x128xf32, #tpu.memory_space<vmem>>, %arg1: memref<2x10240x128xf32, #tpu.memory_space<vmem>>, %arg2: memref<10000x128xf32, #tpu.memory_space<vmem>>, %arg3: memref<10000x1xf32, #tpu.memory_space<vmem>>, %arg4: memref<10000x1xf32, #tpu.memory_space<vmem>>) attributes {dimension_semantics = [], scalar_prefetch = 0 : i64, scratch_operands = 0 : i64, tpu.core_type = #tpu.core_type<tc>} {
    %get3A = arith.constant 0 : index
    %get3A_0 = arith.constant 0 : index
    %get3A_1 = arith.constant 0 : index
    %get3A_2 = vector.load %arg1[%get3A, %get3A_0, %get3A_1] : memref<2x10240x128xf32, #tpu.memory_space<vmem>>, vector<1x10000x1xf32>
    %get3A_3 = vector.shape_cast %get3A_2 : vector<1x10000x1xf32> to vector<10000x1xf32>
    %get3A_4 = arith.constant 1 : index
    %get3A_5 = arith.constant 0 : index
    %get3A_6 = arith.constant 0 : index
    %get3A_7 = vector.load %arg1[%get3A_4, %get3A_5, %get3A_6] : memref<2x10240x128xf32, #tpu.memory_space<vmem>>, vector<1x10000x1xf32>
    %get3A_8 = vector.shape_cast %get3A_7 : vector<1x10000x1xf32> to vector<10000x1xf32>
    %max3A = arith.constant 1.000000e+00 : f32
    %max3A_9 = vector.broadcast %max3A : f32 to vector<10000x1xf32>
    %max3A_10 = arith.maximumf %get3A_3, %max3A_9 : vector<10000x1xf32>
    %rsqrt3A = math.rsqrt %max3A_10 : vector<10000x1xf32>
    %max3A_11 = arith.constant 1.000000e+00 : f32
    %max3A_12 = vector.broadcast %max3A_11 : f32 to vector<10000x1xf32>
    %max3A_13 = arith.maximumf %get3A_8, %max3A_12 : vector<10000x1xf32>
    %rsqrt3A_14 = math.rsqrt %max3A_13 : vector<10000x1xf32>
    %swap3A = arith.constant 0 : index
    %swap3A_15 = arith.constant 0 : index
    %swap3A_16 = vector.load %arg3[%swap3A, %swap3A_15] : memref<10000x1xf32, #tpu.memory_space<vmem>>, vector<10000x1xf32>
    tpu.vector_store %arg3[%swap3A, %swap3A_15], %rsqrt3A {strides = array<i32>} : memref<10000x1xf32, #tpu.memory_space<vmem>>, vector<10000x1xf32>,
    %swap3A_17 = arith.constant 0 : index
    %swap3A_18 = arith.constant 0 : index
    %swap3A_19 = vector.load %arg4[%swap3A_17, %swap3A_18] : memref<10000x1xf32, #tpu.memory_space<vmem>>, vector<10000x1xf32>
    tpu.vector_store %arg4[%swap3A_17, %swap3A_18], %rsqrt3A_14 {strides = array<i32>} : memref<10000x1xf32, #tpu.memory_space<vmem>>, vector<10000x1xf32>,
    %get3A_20 = arith.constant 0 : index
    %get3A_21 = arith.constant 0 : index
    %get3A_22 = vector.load %arg0[%get3A_20, %get3A_21] : memref<10000x128xf32, #tpu.memory_space<vmem>>, vector<10000x128xf32>
    %mul3A = vector.broadcast %rsqrt3A : vector<10000x1xf32> to vector<10000x128xf32>
    %mul3A_23 = arith.mulf %get3A_22, %mul3A : vector<10000x128xf32>
    %swap3A_24 = arith.constant 0 : index
    %swap3A_25 = arith.constant 0 : index
    %swap3A_26 = vector.load %arg2[%swap3A_24, %swap3A_25] : memref<10000x128xf32, #tpu.memory_space<vmem>>, vector<10000x128xf32>
    tpu.vector_store %arg2[%swap3A_24, %swap3A_25], %mul3A_23 {strides = array<i32>} : memref<10000x128xf32, #tpu.memory_space<vmem>>, vector<10000x128xf32>,
    return
  }
}

module attributes {stable_mosaic.version = 14 : i64} {
  func.func @body(%arg0: memref<2x10240x128xf32, #tpu.memory_space<vmem>>, %arg1: memref<10000x128xf32, #tpu.memory_space<vmem>>, %arg2: memref<10000x1xf32, #tpu.memory_space<vmem>>, %arg3: memref<128x40xf32, #tpu.memory_space<vmem>>, %arg4: memref<1x40xf32, #tpu.memory_space<vmem>>, %arg5: memref<128x40xf32, #tpu.memory_space<vmem>>, %arg6: memref<10000x40xf32, #tpu.memory_space<vmem>>) attributes {dimension_semantics = [], scalar_prefetch = 0 : i64, scratch_operands = 0 : i64, tpu.core_type = #tpu.core_type<tc>} {
    %get3A = arith.constant 0 : index
    %get3A_0 = arith.constant 0 : index
    %get3A_1 = arith.constant 0 : index
    %get3A_2 = vector.load %arg0[%get3A, %get3A_0, %get3A_1] : memref<2x10240x128xf32, #tpu.memory_space<vmem>>, vector<1x10000x128xf32>
    %get3A_3 = vector.shape_cast %get3A_2 : vector<1x10000x128xf32> to vector<10000x128xf32>
    %get3A_4 = arith.constant 1 : index
    %get3A_5 = arith.constant 0 : index
    %get3A_6 = arith.constant 0 : index
    %get3A_7 = vector.load %arg0[%get3A_4, %get3A_5, %get3A_6] : memref<2x10240x128xf32, #tpu.memory_space<vmem>>, vector<1x10000x128xf32>
    %get3A_8 = vector.shape_cast %get3A_7 : vector<1x10000x128xf32> to vector<10000x128xf32>
    %add3A = arith.addf %get3A_3, %get3A_8 : vector<10000x128xf32>
    %get3A_9 = arith.constant 0 : index
    %get3A_10 = arith.constant 0 : index
    %get3A_11 = vector.load %arg2[%get3A_9, %get3A_10] : memref<10000x1xf32, #tpu.memory_space<vmem>>, vector<10000x1xf32>
    %mul3A = vector.broadcast %get3A_11 : vector<10000x1xf32> to vector<10000x128xf32>
    %mul3A_12 = arith.mulf %add3A, %mul3A : vector<10000x128xf32>
    %get3A_13 = arith.constant 0 : index
    %get3A_14 = arith.constant 0 : index
    %get3A_15 = vector.load %arg3[%get3A_13, %get3A_14] : memref<128x40xf32, #tpu.memory_space<vmem>>, vector<128x40xf32>
    %dot_general3A = arith.constant dense<0.000000e+00> : vector<10000x40xf32>
    %dot_general3A_16 = tpu.matmul %mul3A_12, %get3A_15, %dot_general3A {dimension_numbers = #tpu.dot_dimension_numbers<[1], [0], [0], [1], [0, 0, 1, 1], [], []>, transpose_lhs_hint = false} : vector<10000x128xf32>, vector<128x40xf32>, vector<10000x40xf32> -> vector<10000x40xf32>
    %get3A_17 = arith.constant 0 : index
    %get3A_18 = arith.constant 0 : index
    %get3A_19 = vector.load %arg1[%get3A_17, %get3A_18] : memref<10000x128xf32, #tpu.memory_space<vmem>>, vector<10000x128xf32>
    %get3A_20 = arith.constant 0 : index
    %get3A_21 = arith.constant 0 : index
    %get3A_22 = vector.load %arg5[%get3A_20, %get3A_21] : memref<128x40xf32, #tpu.memory_space<vmem>>, vector<128x40xf32>
    %dot_general3A_23 = arith.constant dense<0.000000e+00> : vector<10000x40xf32>
    %dot_general3A_24 = tpu.matmul %get3A_19, %get3A_22, %dot_general3A_23 {dimension_numbers = #tpu.dot_dimension_numbers<[1], [0], [0], [1], [0, 0, 1, 1], [], []>, transpose_lhs_hint = false} : vector<10000x128xf32>, vector<128x40xf32>, vector<10000x40xf32> -> vector<10000x40xf32>
    %add3A_25 = arith.addf %dot_general3A_16, %dot_general3A_24 : vector<10000x40xf32>
    %get3A_26 = arith.constant 0 : index
    %get3A_27 = arith.constant 0 : index
    %get3A_28 = vector.load %arg4[%get3A_26, %get3A_27] : memref<1x40xf32, #tpu.memory_space<vmem>>, vector<1x40xf32>
    %add3A_29 = vector.broadcast %get3A_28 : vector<1x40xf32> to vector<10000x40xf32>
    %add3A_30 = arith.addf %add3A_25, %add3A_29 : vector<10000x40xf32>
    %swap3A = arith.constant 0 : index
    %swap3A_31 = arith.constant 0 : index
    %swap3A_32 = vector.load %arg6[%swap3A, %swap3A_31] : memref<10000x40xf32, #tpu.memory_space<vmem>>, vector<10000x40xf32>
    tpu.vector_store %arg6[%swap3A, %swap3A_31], %add3A_30 {strides = array<i32>} : memref<10000x40xf32, #tpu.memory_space<vmem>>, vector<10000x40xf32>,
    return
  }
}

</mosaic_0001>

<sc_bundles>
// kernel: kernel.10.cloned.1.call-start
scs
__scs_entry_jumppad:
0x0: {  	(pc) =	sbr.rel $0x88, $3  }
0x1: {  	(tag) =	ssettag $0x0;
	lr =	simm.s32 $0x1  }
0x2: {  	[smem:$0x3F94] =	sst lr;
	_ =	strace $0xD0000000  }
0x3: {  	_ = 	snop  }
0x4: {  	_ = 	snop  }
0x5: {  	_ = 	snop  }
0x6: {  	_ = 	snop  }
0x7: {  	_ = 	snop  }
__scs_overlays_trampoline_lowered:
0x8: {  	[smem:$0x3FA3] =	sst s0  }
0x9: {  	[smem:$0x3FA4] =	sst s1  }
0xa: {  	[smem:$0x3FA5] =	sst s2  }
0xb: {  	[smem:$0x3FA6] =	sst s3  }
0xc: {  	[smem:$0x3FA7] =	sst s4  }
0xd: {  	[smem:$0x3FA8] =	sst s5  }
0xe: {  	[smem:$0x3FA9] =	sst s6  }
0xf: {  	[smem:$0x3FAA] =	sst s7  }
0x10: {  	[smem:$0x3FAB] =	sst s8  }
0x11: {  	[smem:$0x3FAC] =	sst s9;
	s0 =	simm.s32 @!p0 $0x0  }
0x12: {  	s1 =	sld [smem:$0x3F92];
	s0 =	simm.s32 @p0 $0x1  }
0x13: {  	[smem:$0x3FAD] =	sst s0;
	s0 =	simm.s32 @!p1 $0x0  }
0x14: {  	s2 =	sld [smem:$0x3F91];
	s0 =	simm.s32 @p1 $0x1  }
0x15: {  	[smem:$0x3FAE] =	sst s0;
	s0 =	simm.s32 @!p2 $0x0  }
0x16: {  	s3 =	sld [smem:$0x3FDB];
	s0 =	simm.s32 @p2 $0x1  }
0x17: {  	s4 =	simm.s32 $0x1BF5;
	[smem:$0x3FB0] =	sst s0  }
0x18: {  	s0 =	sld [smem:$0x3F93];
	_ =	swait.ge [sflag:s4], $0x0  }
0x19: {  	s7 =	sld [smem:$0x3F94]  }
0x1a: {  	s8 =	sadd.s32 $0xFFFFE003, lr  }
0x1b: {  	s9 =	sadd.s32 $0xFFFFFEF7, lr;
	s5 =	simm.s32 $0xFFFFFFFF;
	p2 =	slt.u32 s8, $0xFFFFF086  }
0x1c: {  	p1 =	slt.u32 s9, $0xF7A;
	s5 =	simm.s32 @!p2 $0x0  }
0x1d: {  	s5 =	simm.s32 @p1 $0x1;
	p0 =	seq.s32 s7, s2  }
0x1e: {  	s7 =	smul.u32 @!p0 $0xF7A, s2;
	p2 =	seq.s32 @!p0 s5, $0x0  }
0x1f: {  	s9 =	smul.u32 $0xF7A, s1;
	s8 =	simm.s32 @!p0 $0x1BF5;
	p2 =	por !p2, p0  }
0x20: {  	[sflag:s8] =	ssyncset.s32 @!p0 $0xFFFFF086;
	s6 =	sadd.s32 @!p0 s3, s7;
	s7 =	simm.s32 @!p0 $0x108  }
0x21: {  	s3 =	sadd.s32 s3, s9;
	s6 =	sadd.s32 @!p0 $0x88, s6;
	s7 =	simm.s32 @p2 $0x1082  }
0x22: {  	[simem:s7], [sflag:s8] =	dma.local @!p0 [hbm:s6], $0xF7A  }
0x23: {  	s9 =	sor.u32 $0xD0000000, s2;
	s6 =	simm.s32 $0x108;
	_ =	swait.ge @!p0 [sflag:s8], $0x0  }
0x24: {  	s3 =	sadd.s32 $0x88, s3;
	s6 =	simm.s32 @!p1 $0x1082;
	[sflag:s4] =	ssyncset.s32 $0xFFFFF086  }
0x25: {  	[simem:s6], [sflag:s4] =	dma.local [hbm:s3], $0xF7A  }
0x26: {  	[smem:$0x3F94] =	sst s1;
	(tag) =	ssettag s2;
	_ =	strace s9  }
0x27: {  	s1 =	sld [smem:$0x3FA4]  }
0x28: {  	s2 =	sld [smem:$0x3FA5]  }
0x29: {  	s4 =	sld [smem:$0x3FA7]  }
0x2a: {  	p0 =	seq.s32 s5, $0x0;
	s5 =	sld [smem:$0x3FA8]  }
0x2b: {  	s6 =	sld [smem:$0x3FA9]  }
0x2c: {  	s7 =	sld [smem:$0x3FAA]  }
0x2d: {  	s3 =	simm.s32 $0x108;
	s8 =	sld [smem:$0x3FAB]  }
0x2e: {  	s3 =	simm.s32 @!p0 $0x1082;
	s9 =	sld [smem:$0x3FAC]  }
0x2f: {  	lr =	sadd.s32 s0, s3;
	s0 =	sld [smem:$0x3FA3]  }
0x30: {  	s3 =	sld [smem:$0x3FA6]  }
0x31: {  	[smem:$0x3FAF] =	sst s10  }
0x32: {  	s10 =	sld [smem:$0x3FAD];
	_ =	sdelay $0x3  }
0x33: {  	p0 =	seq.s32 s10, $0x1;
	s10 =	sld [smem:$0x3FAF];
	_ =	sdelay $0x3  }
0x34: {  	[smem:$0x3FAF] =	sst s10  }
0x35: {  	s10 =	sld [smem:$0x3FAE];
	_ =	sdelay $0x3  }
0x36: {  	p1 =	seq.s32 s10, $0x1;
	s10 =	sld [smem:$0x3FAF];
	_ =	sdelay $0x3  }
0x37: {  	[smem:$0x3FAF] =	sst s10  }
0x38: {  	s10 =	sld [smem:$0x3FB0]  }
0x39: {  	_ = 	snop;
	(pc) =	sbr.ind lr, $3  }
0x3a: {  	_ = 	snop  }
0x3b: {  	_ = 	snop  }
0x3c: {  	p2 =	seq.s32 s10, $0x1;
	s10 =	sld [smem:$0x3FAF]  }
0x3d: {  	_ =	shalt  }
0x3e: {  	_ =	shalt  }
0x3f: {  	_ =	shalt  }
0x40: {  	_ =	shalt  }
0x41: {  	_ =	shalt  }
0x42: {  	_ =	shalt  }
0x43: {  	_ =	shalt  }
0x44: {  	_ =	shalt  }
0x45: {  	_ =	shalt  }
0x46: {  	_ =	shalt  }
0x47: {  	_ =	shalt  }
0x48: {  	_ =	shalt  }
0x49: {  	_ =	shalt  }
0x4a: {  	_ =	shalt  }
0x4b: {  	_ =	shalt  }
0x4c: {  	_ =	shalt  }
0x4d: {  	_ =	shalt  }
0x4e: {  	_ =	shalt  }
0x4f: {  	_ =	shalt  }
0x50: {  	_ =	shalt  }
0x51: {  	_ =	shalt  }
0x52: {  	_ =	shalt  }
0x53: {  	_ =	shalt  }
0x54: {  	_ =	shalt  }
0x55: {  	_ =	shalt  }
0x56: {  	_ =	shalt  }
0x57: {  	_ =	shalt  }
0x58: {  	_ =	shalt  }
0x59: {  	_ =	shalt  }
0x5a: {  	_ =	shalt  }
0x5b: {  	_ =	shalt  }
0x5c: {  	_ =	shalt  }
0x5d: {  	_ =	shalt  }
0x5e: {  	_ =	shalt  }
0x5f: {  	_ =	shalt  }
0x60: {  	_ =	shalt  }
0x61: {  	_ =	shalt  }
0x62: {  	_ =	shalt  }
0x63: {  	_ =	shalt  }
0x64: {  	_ =	shalt  }
0x65: {  	_ =	shalt  }
0x66: {  	_ =	shalt  }
0x67: {  	_ =	shalt  }
0x68: {  	_ =	shalt  }
0x69: {  	_ =	shalt  }
0x6a: {  	_ =	shalt  }
0x6b: {  	_ =	shalt  }
0x6c: {  	_ =	shalt  }
0x6d: {  	_ =	shalt  }
0x6e: {  	_ =	shalt  }
0x6f: {  	_ =	shalt  }
0x70: {  	_ =	shalt  }
0x71: {  	_ =	shalt  }
0x72: {  	_ =	shalt  }
0x73: {  	_ =	shalt  }
0x74: {  	_ =	shalt  }
0x75: {  	_ =	shalt  }
0x76: {  	_ =	shalt  }
0x77: {  	_ =	shalt  }
0x78: {  	_ =	shalt  }
0x79: {  	_ =	shalt  }
0x7a: {  	_ =	shalt  }
0x7b: {  	_ =	shalt  }
0x7c: {  	_ =	shalt  }
0x7d: {  	_ =	shalt  }
0x7e: {  	_ =	shalt  }
0x7f: {  	_ =	shalt  }
0x80: {  	_ =	shalt  }
0x81: {  	_ =	shalt  }
0x82: {  	_ =	shalt  }
0x83: {  	_ =	shalt  }
0x84: {  	_ =	shalt  }
0x85: {  	_ =	shalt  }
0x86: {  	_ =	shalt  }
0x87: {  	_ =	shalt  }
.Lfunc_end0:
.L_simem_size_0:
called_computation_lowered:
.L_overlay_start_0:
0x88: {  	s2 =	sld [smem:$0x3FD9]  }
0x89: {  	s3 =	sld [smem:$0x3FFE];
	_ =	sdelay $0x1  }
0x8a: {  	s1 =	srdreg.scid  }
0x8b: {  	s0 =	sand.u32 $0x1, s1  }
0x8c: {  	s16 =	sshll.u32 s0, $0xA;
	s2 =	sadd.s32 s3, s2  }
0x8d: {  	s2 =	sadd.s32 s2, s16  }
0x8e: {  	[smem:$0x3FBB] =	sst s2  }
0x8f: {  	_ = 	snop  }
0x90: {  	(tm) =	ssettm $0x1  }
0x91: {  	s17 =	sld [smem:$0x3FFB];
	_ =	sdelay $0x3  }
0x92: {  	_ =	strace s17  }
0x93: {  	s2 =	sld [smem:$0x3FFC];
	_ =	sdelay $0x3  }
0x94: {  	_ =	strace s2  }
0x95: {  	s2 =	sld [smem:$0x3FFD];
	_ =	sdelay $0x3  }
0x96: {  	_ =	strace s2  }
0x97: {  	_ =	strace $0x8FFFFFFF  }
0x98: {  	s18 =	sld [smem:$0x3FDB];
	_ =	sdelay $0x1  }
0x99: {  	s19 =	simm.s32 $_scs_section_size  }
0x9a: {  	s4 =	simm.s32 $_size__tile_overlayer_lowered;
	s5 =	simm.s32 $_tile_overlayer_lowered  }
0x9b: {  	s22 =	simm.s32 $0x1BFF;
	s21 =	sshll.u32 s5, $0x1;
	s2 =	sadd.s32 s19, s18  }
0x9c: {  	s6 =	simm.s32 $0x0;
	s20 =	sshll.u32 s4, $0x1;
	s4 =	sadd.s32 s21, s2  }
0x9d: {  	[timem:s6], [sflag:s22] =	dma.local [hbm:s4], s20  }
0x9e: {  	_ =	swait.ge [sflag:s22], s20  }
0x9f: {  	s3 =	ssub.s32 $0x0, s20;
	[sflag:s22] =	ssyncset.done $0x0  }
0xa0: {  	[sflag:s22] =	ssyncadd.s32 s3;
	_ =	sdelay $0x1  }
0xa1: {  	s23 =	simm.s32 $0x1B8B  }
0xa2: {  	_ =	swait.ge [sflag:s23], $0x1  }
0xa3: {  	[sflag:s23] =	ssyncset.done $0x0  }
0xa4: {  	s25 =	simm.s32 $0x1B8E;
	s24 =	sld [smem:$0x3FFE];
	[sflag:s23] =	ssyncadd.s32 $0xFFFFFFFF  }
0xa5: {  	s26 =	simm.s32 $execute0_lowered;
	[smem:$0x3FD2] =	sst s25  }
0xa6: {  	s4 =	sshll.u32 s26, $0x1;
	_ =	strace $0x80000046;
	[dreg:$0x1] =	wrdreg $0xFFFFFFFF  }
0xa7: {  	s28 =	simm.s32 $_size_execute0_lowered;
	s2 =	sadd.s32 s2, s4;
	[dreg:$0x0] =	wrdreg $0x0  }
0xa8: {  	s4 =	sshll.u32 s28, $0x1;
	[dreg:$0x2] =	wrdreg s2  }
0xa9: {  	[dreg:$0x3] =	wrdreg s4  }
0xaa: {  	[dreg:$0x4] =	wrdreg $0xC0  }
0xab: {  	_ =	task [dreg:s6], $0x5FFFF  }
0xac: {  	[dreg:$0x1] =	wrdreg $0xFFFFFFFF  }
0xad: {  	[dreg:$0x0] =	wrdreg $0x60  }
0xae: {  	[dreg:$0x2] =	wrdreg s24  }
0xaf: {  	[dreg:$0x3] =	wrdreg $0x76800  }
0xb0: {  	[dreg:$0x4] =	wrdreg $0x9  }
0xb1: {  	_ =	task.clear_ibuf [dreg:s6], $0x5FFFF;
	_ =	strace $0x90000046  }
0xb2: {  	s29 =	simm.s32 $0x9;
	_ =	strace $0x80000048  }
0xb3: {  	_ =	swait.ge [sflag:s29], $0x1  }
0xb4: {  	[sflag:s29] =	ssyncadd.s32 $0xFFFFFFFF  }
0xb5: {  	_ =	strace $0x90000048  }
0xb6: {  	_ =	sfence  }
0xb7: {  	s30 =	sld [smem:$0x0];
	_ =	sdelay $0x2  }
0xb8: {  	s31 =	sshll.u32 s1, $0xD;
	s1 =	sshrl.u32 s1, $0x2  }
0xb9: {  	s3 =	sand.u32 $0x4000, s31;
	s1 =	sadd.s32 s1, s30  }
0xba: {  	s0 =	sor.u32 s3, s0;
	s1 =	sshll.u32 s1, $0x11  }
0xbb: {  	s0 =	sor.u32 s1, s0  }
0xbc: {  	s0 =	sadd.s32 $0x8F2B, s0  }
0xbd: {  	[sflag:s0] =	ssyncadd.remote.s32 $0x1  }
0xbe: {  	_ =	sfence.sel $0xFFFF  }
0xbf: {  	[dreg:$0x0] =	wrdreg $0xFFFFFFFF;
	(pc) =	sbr.abs _section_cstart, $3  }
0xc0: {  	[dreg:$0x1] =	wrdreg $0xFFFFFFFF  }
0xc1: {  	_ =	task.clear_ibuf [dreg:s6], $0x2FFFF;
	_ =	strace $0x9FFFFFFF  }
0xc2: {  	(tm) =	ssettm $0x7FFFFFFF  }
0xc3: {  	_ =	shalt  }
tec
execute0_lowered:
.L_overlay_start_1:
0x0: {  	(tag) =	ssettag $0x1  }
0x1: {  	s4 =	rddreg [dreg:$0x0]  }
0x2: {  	s2 =	rddreg [dreg:$0x1]  }
0x3: {  	s0 =	srdreg.scid;
	s1 =	rddreg [dreg:$0x2]  }
0x4: {  	s3 =	simm.s32 $0x0;
	s15 =	simm.s32 $0x4E80;
	s5 =	sand.u32 $0x1, s0  }
0x5: {  	s16 =	simm.s32 $0x3;
	s0 =	stileid.u32;
	s6 =	smul.u32 $0x4E200, s5  }
0x6: {  	s17 =	simm.s32 $0x1;
	s18 =	simm.s32 $0x50;
	s7 =	smul.u32 $0x4E20, s0  }
0x7: {  	s19 =	simm.s32 $0x2;
	[smem:$0x7FF] =	sst s3;
	s8 =	smul.u32 $0x140000, s5  }
0x8: {  	s21 =	simm.s32 $0x0;
	s30 =	smul.u32 $0x14000, s0;
	_ =	strace $0x80000047  }
0x9: {  	s9 =	smul.u32 $0x50000, s0;
	s5 =	ssub.s32 $0x2, s5;
	s20 =	sshll.u32 s0, $0x6  }
0xa: {  	s31 =	sshrl.u32 s5, $0x1;
	s20 =	sor.u32 $0x1C03, s20;
	s6 =	sadd.s32 s7, s6  }
0xb: {  	s7 =	sadd.s32 s30, s8;
	s9 =	sshrl.u32 s9, $0x2;
	s14 =	ssub.s32 s5, s31  }
0xc: {  	s6 =	sshrl.u32 s6, $0x3;
	s7 =	sshrl.u32 s7, $0x3;
	s14 =	smax.u32 s14, $0x1  }
0xd: {  	s6 =	sadd.s32 s6, s4;
	s13 =	sadd.s32 s7, s4;
	s4 =	sadd.s32 s9, s2  }
0xe: {  	s5 =	sadd.s32 $0x3E00, s6;
	s6 =	sadd.s32 $0x2800, s4;
	s7 =	sadd.s32 $0x5000, s4  }
0xf: {  	s8 =	sadd.s32 $0x7800, s4;
	s9 =	sadd.s32 $0xA000, s4;
	s10 =	sadd.s32 $0xC800, s4  }
0x10: {  	v0 =	vimm.f32 $0.0e+00;
	v1 =	vimm.f32 $1.000000000e+00;
	s11 =	sadd.s32 $0xF000, s4;
	s12 =	sadd.s32 $0x11800, s4;
	s13 =	sadd.s32 $0x17800, s13  }
.LBB2_1:
0x11: {  	[tilespmem:s3], [sflag:$0x1] =	stream.linear.gather [hbm4b:s5+s3], $0x4E20, $0x38;
	[tilespmem:$0x1B680] =	vst v63  }
0x12: {  	s22 =	sand.u32 $0xFE00, s3  }
0x13: {  	s23 =	sand.u32 $0x70, s3;
	s24 =	sshrl.u32 s22, $0x2  }
0x14: {  	s22 =	simm.s32 $0x40;
	s24 =	sor.u32 s23, s24;
	s23 =	simm.s32 $0x0  }
.LBB2_2:
0x15: {  	p0 =	sne.s32 s22, $0x9FC0  }
0x16: {  	[tilespmem:s24+$0x4E80] =	vst v0;
	s23 =	sadd.s32 $0x10, s23;
	s24 =	smov.u32 s22;
	s22 =	sadd.s32 $0x40, s22  }
.Ltmp0:
0x17: {  	(pc) =	sbr.rel @p0 .LBB2_2-.Ltmp0, $4  }
0x18: {  	_ = 	snop  }
0x19: {  	s24 =	sand.u32 $0xFE00, s24  }
0x1a: {  	s25 =	sand.u32 $0x70, s23;
	s24 =	sshrl.u32 s24, $0x2  }
0x1b: {  	s24 =	sor.u32 s25, s24  }
0x1c: {  	[tilespmem:s24+$0x4E80] =	vst v0  }
0x1d: {  	[spmem:s4] =	stream.linear.scatter [tilespmem:s15], [sflag:$0x3], $0x2800, $0x38;
	[tilespmem:$0x1B680] =	vst v63  }
0x1e: {  	_ =	swait.ge [sflag:s16], $0x2800  }
0x1f: {  	[sflag:s16] =	ssyncset.done $0x0  }
0x20: {  	[sflag:s16] =	ssyncadd.s32 $0xFFFFD800  }
0x21: {  	[spmem:s6] =	stream.linear.scatter [tilespmem:s15], [sflag:$0x3], $0x2800, $0x38;
	[tilespmem:$0x1B680] =	vst v63  }
0x22: {  	_ =	swait.ge [sflag:s16], $0x2800  }
0x23: {  	[sflag:s16] =	ssyncset.done $0x0  }
0x24: {  	[sflag:s16] =	ssyncadd.s32 $0xFFFFD800  }
0x25: {  	[spmem:s7] =	stream.linear.scatter [tilespmem:s15], [sflag:$0x3], $0x2800, $0x38;
	[tilespmem:$0x1B680] =	vst v63  }
0x26: {  	_ =	swait.ge [sflag:s16], $0x2800  }
0x27: {  	[sflag:s16] =	ssyncset.done $0x0  }
0x28: {  	[sflag:s16] =	ssyncadd.s32 $0xFFFFD800  }
0x29: {  	[spmem:s8] =	stream.linear.scatter [tilespmem:s15], [sflag:$0x3], $0x2800, $0x38;
	[tilespmem:$0x1B680] =	vst v63  }
0x2a: {  	_ =	swait.ge [sflag:s16], $0x2800  }
0x2b: {  	[sflag:s16] =	ssyncset.done $0x0  }
0x2c: {  	[sflag:s16] =	ssyncadd.s32 $0xFFFFD800  }
0x2d: {  	[spmem:s9] =	stream.linear.scatter [tilespmem:s15], [sflag:$0x3], $0x2800, $0x38;
	[tilespmem:$0x1B680] =	vst v63  }
0x2e: {  	_ =	swait.ge [sflag:s16], $0x2800  }
0x2f: {  	[sflag:s16] =	ssyncset.done $0x0  }
0x30: {  	[sflag:s16] =	ssyncadd.s32 $0xFFFFD800  }
0x31: {  	[spmem:s10] =	stream.linear.scatter [tilespmem:s15], [sflag:$0x3], $0x2800, $0x38;
	[tilespmem:$0x1B680] =	vst v63  }
0x32: {  	_ =	swait.ge [sflag:s16], $0x2800  }
0x33: {  	[sflag:s16] =	ssyncset.done $0x0  }
0x34: {  	[sflag:s16] =	ssyncadd.s32 $0xFFFFD800  }
0x35: {  	[spmem:s11] =	stream.linear.scatter [tilespmem:s15], [sflag:$0x3], $0x2800, $0x38;
	[tilespmem:$0x1B680] =	vst v63  }
0x36: {  	_ =	swait.ge [sflag:s16], $0x2800  }
0x37: {  	[sflag:s16] =	ssyncset.done $0x0  }
0x38: {  	s22 =	simm.s32 $0x0;
	[sflag:s16] =	ssyncadd.s32 $0xFFFFD800  }
0x39: {  	[spmem:s12] =	stream.linear.scatter [tilespmem:s15], [sflag:$0x3], $0x2800, $0x38;
	[tilespmem:$0x1B680] =	vst v63  }
0x3a: {  	s23 =	sand.u32 $0xFE00, s22;
	_ =	swait.ge [sflag:s16], $0x2800  }
0x3b: {  	s31 =	sand.u32 $0x70, s22;
	s25 =	sshrl.u32 s23, $0x2;
	[sflag:s16] =	ssyncset.done $0x0  }
0x3c: {  	s23 =	simm.s32 $0x40;
	s24 =	sor.u32 s31, s25;
	[sflag:s16] =	ssyncadd.s32 $0xFFFFD800  }
.LBB2_4:
0x3d: {  	p0 =	sne.s32 s23, $0x9FC0  }
0x3e: {  	[tilespmem:s24+$0x4E80] =	vst v1;
	s22 =	sadd.s32 $0x10, s22;
	s24 =	smov.u32 s23;
	s23 =	sadd.s32 $0x40, s23  }
.Ltmp1:
0x3f: {  	(pc) =	sbr.rel @p0 .LBB2_4-.Ltmp1, $4  }
0x40: {  	_ = 	snop  }
0x41: {  	s24 =	sand.u32 $0xFE00, s24  }
0x42: {  	s25 =	sand.u32 $0x70, s22;
	s24 =	sshrl.u32 s24, $0x2  }
0x43: {  	s24 =	sor.u32 s25, s24  }
0x44: {  	[tilespmem:s24+$0x4E80] =	vst v1  }
0x45: {  	_ =	swait.ge [sflag:s17], $0x4E20  }
0x46: {  	[sflag:s17] =	ssyncset.done $0x0  }
0x47: {  	[sflag:s17] =	ssyncadd.s32 $0xFFFFB1E0  }
0x48: {  	s22 =	simm.s32 $0x0;
	[bflag:$0x0] =	sbarrier.arrive $0xFFFF  }
0x49: {  	[spmem:s2] =	stream.indirect.scatter.add.f32 [tilespmem:s15], [sflag:$0x2], $0x80, s22, s18, $0xb8;
	[tilespmem:$0x1B680] =	vst v63  }
0x4a: {  	s28 =	simm.s32 $0x50  }
0x4b: {  	[spmem:s2] =	stream.indirect.scatter.add.f32 [tilespmem:s15], [sflag:$0x2], $0x80, s28, s18, $0xb8;
	[tilespmem:$0x1B680] =	vst v63  }
0x4c: {  	s29 =	simm.s32 $0xA0  }
0x4d: {  	[spmem:s2] =	stream.indirect.scatter.add.f32 [tilespmem:s15], [sflag:$0x2], $0x80, s29, s18, $0xb8;
	[tilespmem:$0x1B680] =	vst v63  }
0x4e: {  	s30 =	simm.s32 $0xF0  }
0x4f: {  	[spmem:s2] =	stream.indirect.scatter.add.f32 [tilespmem:s15], [sflag:$0x2], $0x80, s30, s18, $0xb8;
	[tilespmem:$0x1B680] =	vst v63  }
0x50: {  	s31 =	simm.s32 $0x140  }
0x51: {  	[spmem:s2] =	stream.indirect.scatter.add.f32 [tilespmem:s15], [sflag:$0x2], $0x80, s31, s18, $0xb8;
	[tilespmem:$0x1B680] =	vst v63  }
0x52: {  	_ =	swait.ge [sflag:s19], $0x2800  }
0x53: {  	[sflag:s19] =	ssyncset.done $0x0  }
0x54: {  	[sflag:s19] =	ssyncadd.s32 $0xFFFFD800  }
0x55: {  	_ =	swait.ge [sflag:s19], $0x2800  }
0x56: {  	[sflag:s19] =	ssyncset.done $0x0  }
0x57: {  	[sflag:s19] =	ssyncadd.s32 $0xFFFFD800  }
0x58: {  	_ =	swait.ge [sflag:s19], $0x2800  }
0x59: {  	[sflag:s19] =	ssyncset.done $0x0  }
0x5a: {  	[sflag:s19] =	ssyncadd.s32 $0xFFFFD800  }
0x5b: {  	_ =	swait.ge [sflag:s19], $0x2800  }
0x5c: {  	[sflag:s19] =	ssyncset.done $0x0  }
0x5d: {  	[sflag:s19] =	ssyncadd.s32 $0xFFFFD800  }
0x5e: {  	_ =	swait.ge [sflag:s19], $0x2800  }
0x5f: {  	s23 =	simm.s32 $0xC80;
	s22 =	simm.s32 $0x640;
	[sflag:s19] =	ssyncset.done $0x0  }
.LBB2_6:
0x60: {  	s24 =	sshra.s32 s22, $0x2  }
0x61: {  	[sflag:s19] =	ssyncadd.s32 $0xFFFFD800;
	s22 =	smov.u32 s23;
	s25 =	sadd.s32 $0x640, s23  }
0x62: {  	[spmem:s2] =	stream.indirect.scatter.add.f32 [tilespmem:s15], [sflag:$0x2], $0x80, s24, s18, $0xb8;
	[tilespmem:$0x1B680] =	vst v63  }
0x63: {  	p0 =	sne.s32 s23, $0x13240;
	s23 =	sadd.s32 $0x50, s24  }
0x64: {  	[spmem:s2] =	stream.indirect.scatter.add.f32 [tilespmem:s15], [sflag:$0x2], $0x80, s23, s18, $0xb8;
	[tilespmem:$0x1B680] =	vst v63  }
0x65: {  	s23 =	sadd.s32 $0xA0, s24  }
0x66: {  	[spmem:s2] =	stream.indirect.scatter.add.f32 [tilespmem:s15], [sflag:$0x2], $0x80, s23, s18, $0xb8;
	[tilespmem:$0x1B680] =	vst v63  }
0x67: {  	s23 =	sadd.s32 $0xF0, s24  }
0x68: {  	[spmem:s2] =	stream.indirect.scatter.add.f32 [tilespmem:s15], [sflag:$0x2], $0x80, s23, s18, $0xb8;
	[tilespmem:$0x1B680] =	vst v63  }
0x69: {  	s23 =	sadd.s32 $0x140, s24  }
0x6a: {  	[spmem:s2] =	stream.indirect.scatter.add.f32 [tilespmem:s15], [sflag:$0x2], $0x80, s23, s18, $0xb8;
	[tilespmem:$0x1B680] =	vst v63  }
0x6b: {  	_ =	swait.ge [sflag:s19], $0x2800  }
0x6c: {  	[sflag:s19] =	ssyncset.done $0x0  }
0x6d: {  	[sflag:s19] =	ssyncadd.s32 $0xFFFFD800  }
0x6e: {  	_ =	swait.ge [sflag:s19], $0x2800  }
0x6f: {  	[sflag:s19] =	ssyncset.done $0x0  }
0x70: {  	[sflag:s19] =	ssyncadd.s32 $0xFFFFD800  }
0x71: {  	_ =	swait.ge [sflag:s19], $0x2800  }
0x72: {  	[sflag:s19] =	ssyncset.done $0x0  }
0x73: {  	[sflag:s19] =	ssyncadd.s32 $0xFFFFD800  }
.Ltmp2:
0x74: {  	_ =	swait.ge [sflag:s19], $0x2800;
	(pc) =	sbr.rel @p0 .LBB2_6-.Ltmp2, $4  }
0x75: {  	[sflag:s19] =	ssyncset.done $0x0  }
0x76: {  	[sflag:s19] =	ssyncadd.s32 $0xFFFFD800  }
0x77: {  	_ =	swait.ge [sflag:s19], $0x2800  }
0x78: {  	s23 =	smov.u32 s25;
	[sflag:s19] =	ssyncset.done $0x0  }
0x79: {  	s22 =	sshra.s32 s22, $0x2;
	[sflag:s19] =	ssyncadd.s32 $0xFFFFD800  }
0x7a: {  	[spmem:s2] =	stream.indirect.scatter.add.f32 [tilespmem:s15], [sflag:$0x2], $0x80, s22, s18, $0xb8;
	[tilespmem:$0x1B680] =	vst v63  }
0x7b: {  	s23 =	sadd.s32 $0x50, s22  }
0x7c: {  	[spmem:s2] =	stream.indirect.scatter.add.f32 [tilespmem:s15], [sflag:$0x2], $0x80, s23, s18, $0xb8;
	[tilespmem:$0x1B680] =	vst v63  }
0x7d: {  	s29 =	sadd.s32 $0xA0, s22  }
0x7e: {  	[spmem:s2] =	stream.indirect.scatter.add.f32 [tilespmem:s15], [sflag:$0x2], $0x80, s29, s18, $0xb8;
	[tilespmem:$0x1B680] =	vst v63  }
0x7f: {  	s30 =	sadd.s32 $0xF0, s22  }
0x80: {  	[spmem:s2] =	stream.indirect.scatter.add.f32 [tilespmem:s15], [sflag:$0x2], $0x80, s30, s18, $0xb8;
	[tilespmem:$0x1B680] =	vst v63  }
0x81: {  	s22 =	sadd.s32 $0x140, s22  }
0x82: {  	[spmem:s2] =	stream.indirect.scatter.add.f32 [tilespmem:s15], [sflag:$0x2], $0x80, s22, s18, $0xb8;
	[tilespmem:$0x1B680] =	vst v63  }
0x83: {  	_ =	swait.ge [sflag:s19], $0x2800  }
0x84: {  	[sflag:s19] =	ssyncset.done $0x0  }
0x85: {  	[sflag:s19] =	ssyncadd.s32 $0xFFFFD800  }
0x86: {  	_ =	swait.ge [sflag:s19], $0x2800  }
0x87: {  	[sflag:s19] =	ssyncset.done $0x0  }
0x88: {  	[sflag:s19] =	ssyncadd.s32 $0xFFFFD800  }
0x89: {  	_ =	swait.ge [sflag:s19], $0x2800  }
0x8a: {  	[sflag:s19] =	ssyncset.done $0x0  }
0x8b: {  	[sflag:s19] =	ssyncadd.s32 $0xFFFFD800  }
0x8c: {  	_ =	swait.ge [sflag:s19], $0x2800  }
0x8d: {  	[sflag:s19] =	ssyncset.done $0x0  }
0x8e: {  	[sflag:s19] =	ssyncadd.s32 $0xFFFFD800  }
0x8f: {  	_ =	swait.ge [sflag:s19], $0x2800  }
0x90: {  	s21 =	sadd.s32 $0x1, s21;
	[sflag:s19] =	ssyncset.done $0x0  }
0x91: {  	p0 =	sne.s32 s21, s14;
	[sflag:s19] =	ssyncadd.s32 $0xFFFFD800  }
.Ltmp3:
0x92: {  	s31 =	sshrl.u32 s4, $0x3;
	[bflag:$0x0] =	sbarrier.arrive $0xFFFF;
	(pc) =	sbr.rel @p0 .LBB2_1-.Ltmp3, $4  }
0x93: {  	[hbm:s13], [sflag:s20] =	dma.local [spmem:s31], $0x2800  }
0x94: {  	_ =	swait.ge [sflag:s16], $0x2800  }
0x95: {  	[sflag:s16] =	ssyncset.done $0x0  }
0x96: {  	[sflag:s16] =	ssyncadd.s32 $0xFFFFD800  }
0x97: {  	_ =	sfence.sel $0x180000  }
0x98: {  	[bflag:$0x0] =	sbarrier.arrive $0xFFFF  }
0x99: {  	p0 =	sne.s32 s0, $0x0;
	_ =	strace $0x90000047  }
0x9a: {  	s0 =	sadd.s32 @!p0 $0x100000, s1;
	[bflag:$0x2] =	sbarrier.arrive $0xFFFF  }
0x9b: {  	[sflag:s0] =	ssyncadd.tile.s32 @!p0 $0x1;
	_ =	shalt  }
.Lfunc_end2:
_tile_overlayer_lowered:
.L_overlay_start_2:
0x9c: {  	(tag) =	ssettag $0x2  }
0x9d: {  	s0 =	rddreg [dreg:$0x0];
	s2 =	stileid.u32  }
0x9e: {  	s1 =	rddreg [dreg:$0x1];
	p0 =	sne.s32 s2, $0x0  }
0x9f: {  	s3 =	rddreg [dreg:$0x2];
	[bflag:$0x3] =	sbarrier.arrive $0xFFFF;
	s2 =	simm.s32 @!p0 $0x1C03  }
0xa0: {  	[timem:s3], [sflag:s2] =	dma.local @!p0 [hbm:s0], s1  }
0xa1: {  	s0 =	simm.s32 @!p0 $0x3  }
0xa2: {  	_ =	swait.ge @!p0 [sflag:s0], s1  }
0xa3: {  	s1 =	ssub.s32 @!p0 $0x0, s1;
	[sflag:s0] =	ssyncset.done @!p0 $0x0  }
0xa4: {  	[sflag:s0] =	ssyncadd.s32 @!p0 s1  }
0xa5: {  	[bflag:$0x3] =	sbarrier.arrive $0xFFFF  }
0xa6: {  	_ =	shalt  }

// kernel: kernel.13.cloned.1.call-start
scs
__scs_entry_jumppad:
0x0: {  	(pc) =	sbr.rel $0x88, $3  }
0x1: {  	(tag) =	ssettag $0x0;
	lr =	simm.s32 $0x1  }
0x2: {  	[smem:$0x3F94] =	sst lr;
	_ =	strace $0xD0000000  }
0x3: {  	_ = 	snop  }
0x4: {  	_ = 	snop  }
0x5: {  	_ = 	snop  }
0x6: {  	_ = 	snop  }
0x7: {  	_ = 	snop  }
__scs_overlays_trampoline_lowered:
0x8: {  	[smem:$0x3FA3] =	sst s0  }
0x9: {  	[smem:$0x3FA4] =	sst s1  }
0xa: {  	[smem:$0x3FA5] =	sst s2  }
0xb: {  	[smem:$0x3FA6] =	sst s3  }
0xc: {  	[smem:$0x3FA7] =	sst s4  }
0xd: {  	[smem:$0x3FA8] =	sst s5  }
0xe: {  	[smem:$0x3FA9] =	sst s6  }
0xf: {  	[smem:$0x3FAA] =	sst s7  }
0x10: {  	[smem:$0x3FAB] =	sst s8  }
0x11: {  	[smem:$0x3FAC] =	sst s9;
	s0 =	simm.s32 @!p0 $0x0  }
0x12: {  	s1 =	sld [smem:$0x3F92];
	s0 =	simm.s32 @p0 $0x1  }
0x13: {  	[smem:$0x3FAD] =	sst s0;
	s0 =	simm.s32 @!p1 $0x0  }
0x14: {  	s2 =	sld [smem:$0x3F91];
	s0 =	simm.s32 @p1 $0x1  }
0x15: {  	[smem:$0x3FAE] =	sst s0;
	s0 =	simm.s32 @!p2 $0x0  }
0x16: {  	s3 =	sld [smem:$0x3FDB];
	s0 =	simm.s32 @p2 $0x1  }
0x17: {  	s4 =	simm.s32 $0x1BF5;
	[smem:$0x3FB0] =	sst s0  }
0x18: {  	s0 =	sld [smem:$0x3F93];
	_ =	swait.ge [sflag:s4], $0x0  }
0x19: {  	s7 =	sld [smem:$0x3F94]  }
0x1a: {  	s8 =	sadd.s32 $0xFFFFE003, lr  }
0x1b: {  	s9 =	sadd.s32 $0xFFFFFEF7, lr;
	s5 =	simm.s32 $0xFFFFFFFF;
	p2 =	slt.u32 s8, $0xFFFFF086  }
0x1c: {  	p1 =	slt.u32 s9, $0xF7A;
	s5 =	simm.s32 @!p2 $0x0  }
0x1d: {  	s5 =	simm.s32 @p1 $0x1;
	p0 =	seq.s32 s7, s2  }
0x1e: {  	s7 =	smul.u32 @!p0 $0xF7A, s2;
	p2 =	seq.s32 @!p0 s5, $0x0  }
0x1f: {  	s9 =	smul.u32 $0xF7A, s1;
	s8 =	simm.s32 @!p0 $0x1BF5;
	p2 =	por !p2, p0  }
0x20: {  	[sflag:s8] =	ssyncset.s32 @!p0 $0xFFFFF086;
	s6 =	sadd.s32 @!p0 s3, s7;
	s7 =	simm.s32 @!p0 $0x108  }
0x21: {  	s3 =	sadd.s32 s3, s9;
	s6 =	sadd.s32 @!p0 $0x88, s6;
	s7 =	simm.s32 @p2 $0x1082  }
0x22: {  	[simem:s7], [sflag:s8] =	dma.local @!p0 [hbm:s6], $0xF7A  }
0x23: {  	s9 =	sor.u32 $0xD0000000, s2;
	s6 =	simm.s32 $0x108;
	_ =	swait.ge @!p0 [sflag:s8], $0x0  }
0x24: {  	s3 =	sadd.s32 $0x88, s3;
	s6 =	simm.s32 @!p1 $0x1082;
	[sflag:s4] =	ssyncset.s32 $0xFFFFF086  }
0x25: {  	[simem:s6], [sflag:s4] =	dma.local [hbm:s3], $0xF7A  }
0x26: {  	[smem:$0x3F94] =	sst s1;
	(tag) =	ssettag s2;
	_ =	strace s9  }
0x27: {  	s1 =	sld [smem:$0x3FA4]  }
0x28: {  	s2 =	sld [smem:$0x3FA5]  }
0x29: {  	s4 =	sld [smem:$0x3FA7]  }
0x2a: {  	p0 =	seq.s32 s5, $0x0;
	s5 =	sld [smem:$0x3FA8]  }
0x2b: {  	s6 =	sld [smem:$0x3FA9]  }
0x2c: {  	s7 =	sld [smem:$0x3FAA]  }
0x2d: {  	s3 =	simm.s32 $0x108;
	s8 =	sld [smem:$0x3FAB]  }
0x2e: {  	s3 =	simm.s32 @!p0 $0x1082;
	s9 =	sld [smem:$0x3FAC]  }
0x2f: {  	lr =	sadd.s32 s0, s3;
	s0 =	sld [smem:$0x3FA3]  }
0x30: {  	s3 =	sld [smem:$0x3FA6]  }
0x31: {  	[smem:$0x3FAF] =	sst s10  }
0x32: {  	s10 =	sld [smem:$0x3FAD];
	_ =	sdelay $0x3  }
0x33: {  	p0 =	seq.s32 s10, $0x1;
	s10 =	sld [smem:$0x3FAF];
	_ =	sdelay $0x3  }
0x34: {  	[smem:$0x3FAF] =	sst s10  }
0x35: {  	s10 =	sld [smem:$0x3FAE];
	_ =	sdelay $0x3  }
0x36: {  	p1 =	seq.s32 s10, $0x1;
	s10 =	sld [smem:$0x3FAF];
	_ =	sdelay $0x3  }
0x37: {  	[smem:$0x3FAF] =	sst s10  }
0x38: {  	s10 =	sld [smem:$0x3FB0]  }
0x39: {  	_ = 	snop;
	(pc) =	sbr.ind lr, $3  }
0x3a: {  	_ = 	snop  }
0x3b: {  	_ = 	snop  }
0x3c: {  	p2 =	seq.s32 s10, $0x1;
	s10 =	sld [smem:$0x3FAF]  }
0x3d: {  	_ =	shalt  }
0x3e: {  	_ =	shalt  }
0x3f: {  	_ =	shalt  }
0x40: {  	_ =	shalt  }
0x41: {  	_ =	shalt  }
0x42: {  	_ =	shalt  }
0x43: {  	_ =	shalt  }
0x44: {  	_ =	shalt  }
0x45: {  	_ =	shalt  }
0x46: {  	_ =	shalt  }
0x47: {  	_ =	shalt  }
0x48: {  	_ =	shalt  }
0x49: {  	_ =	shalt  }
0x4a: {  	_ =	shalt  }
0x4b: {  	_ =	shalt  }
0x4c: {  	_ =	shalt  }
0x4d: {  	_ =	shalt  }
0x4e: {  	_ =	shalt  }
0x4f: {  	_ =	shalt  }
0x50: {  	_ =	shalt  }
0x51: {  	_ =	shalt  }
0x52: {  	_ =	shalt  }
0x53: {  	_ =	shalt  }
0x54: {  	_ =	shalt  }
0x55: {  	_ =	shalt  }
0x56: {  	_ =	shalt  }
0x57: {  	_ =	shalt  }
0x58: {  	_ =	shalt  }
0x59: {  	_ =	shalt  }
0x5a: {  	_ =	shalt  }
0x5b: {  	_ =	shalt  }
0x5c: {  	_ =	shalt  }
0x5d: {  	_ =	shalt  }
0x5e: {  	_ =	shalt  }
0x5f: {  	_ =	shalt  }
0x60: {  	_ =	shalt  }
0x61: {  	_ =	shalt  }
0x62: {  	_ =	shalt  }
0x63: {  	_ =	shalt  }
0x64: {  	_ =	shalt  }
0x65: {  	_ =	shalt  }
0x66: {  	_ =	shalt  }
0x67: {  	_ =	shalt  }
0x68: {  	_ =	shalt  }
0x69: {  	_ =	shalt  }
0x6a: {  	_ =	shalt  }
0x6b: {  	_ =	shalt  }
0x6c: {  	_ =	shalt  }
0x6d: {  	_ =	shalt  }
0x6e: {  	_ =	shalt  }
0x6f: {  	_ =	shalt  }
0x70: {  	_ =	shalt  }
0x71: {  	_ =	shalt  }
0x72: {  	_ =	shalt  }
0x73: {  	_ =	shalt  }
0x74: {  	_ =	shalt  }
0x75: {  	_ =	shalt  }
0x76: {  	_ =	shalt  }
0x77: {  	_ =	shalt  }
0x78: {  	_ =	shalt  }
0x79: {  	_ =	shalt  }
0x7a: {  	_ =	shalt  }
0x7b: {  	_ =	shalt  }
0x7c: {  	_ =	shalt  }
0x7d: {  	_ =	shalt  }
0x7e: {  	_ =	shalt  }
0x7f: {  	_ =	shalt  }
0x80: {  	_ =	shalt  }
0x81: {  	_ =	shalt  }
0x82: {  	_ =	shalt  }
0x83: {  	_ =	shalt  }
0x84: {  	_ =	shalt  }
0x85: {  	_ =	shalt  }
0x86: {  	_ =	shalt  }
0x87: {  	_ =	shalt  }
.Lfunc_end0:
.L_simem_size_0:
called_computation.1_lowered:
.L_overlay_start_0:
0x88: {  	s2 =	sld [smem:$0x3FD9]  }
0x89: {  	s3 =	sld [smem:$0x3FFE];
	_ =	sdelay $0x1  }
0x8a: {  	s1 =	srdreg.scid  }
0x8b: {  	s0 =	sand.u32 $0x1, s1  }
0x8c: {  	s17 =	sshll.u32 s0, $0xA;
	s2 =	sadd.s32 s3, s2  }
0x8d: {  	s2 =	sadd.s32 s2, s17  }
0x8e: {  	[smem:$0x3FBB] =	sst s2  }
0x8f: {  	_ = 	snop  }
0x90: {  	s2 =	sld [smem:$0x3FD0];
	(tm) =	ssettm $0x1  }
0x91: {  	s18 =	sld [smem:$0x3FFB];
	_ =	sdelay $0x3  }
0x92: {  	_ =	strace s18  }
0x93: {  	s3 =	sld [smem:$0x3FFC];
	_ =	sdelay $0x3  }
0x94: {  	_ =	strace s3  }
0x95: {  	s3 =	sld [smem:$0x3FFD];
	_ =	sdelay $0x3  }
0x96: {  	_ =	strace s3  }
0x97: {  	_ =	strace $0x8FFFFFFF  }
0x98: {  	s19 =	sld [smem:$0x3FDB];
	_ =	sdelay $0x1  }
0x99: {  	s4 =	simm.s32 $_scs_section_size  }
0x9a: {  	s5 =	simm.s32 $_size__tile_overlayer_lowered;
	s6 =	simm.s32 $_tile_overlayer_lowered  }
0x9b: {  	s22 =	simm.s32 $0x1BFF;
	s21 =	sshll.u32 s6, $0x1;
	s3 =	sadd.s32 s4, s19  }
0x9c: {  	s7 =	simm.s32 $0x0;
	s20 =	sshll.u32 s5, $0x1;
	s5 =	sadd.s32 s21, s3  }
0x9d: {  	[timem:s7], [sflag:s22] =	dma.local [hbm:s5], s20  }
0x9e: {  	_ =	swait.ge [sflag:s22], s20  }
0x9f: {  	s4 =	ssub.s32 $0x0, s20;
	[sflag:s22] =	ssyncset.done $0x0  }
0xa0: {  	[sflag:s22] =	ssyncadd.s32 s4;
	_ =	sdelay $0x1  }
0xa1: {  	s23 =	simm.s32 $0x1B8B  }
0xa2: {  	_ =	swait.ge [sflag:s23], $0x1  }
0xa3: {  	[sflag:s23] =	ssyncset.done $0x0  }
0xa4: {  	s25 =	simm.s32 $0x1B8E;
	s24 =	sld [smem:$0x3FFE];
	[sflag:s23] =	ssyncadd.s32 $0xFFFFFFFF  }
0xa5: {  	s26 =	simm.s32 $execute0_lowered;
	[smem:$0x3FD2] =	sst s25  }
0xa6: {  	s5 =	sshll.u32 s26, $0x1;
	_ =	strace $0x80000049;
	[dreg:$0x1] =	wrdreg $0xFFFFFFFF  }
0xa7: {  	s28 =	simm.s32 $_size_execute0_lowered;
	s3 =	sadd.s32 s3, s5;
	[dreg:$0x0] =	wrdreg $0x0  }
0xa8: {  	s5 =	sshll.u32 s28, $0x1;
	[dreg:$0x2] =	wrdreg s3  }
0xa9: {  	[dreg:$0x3] =	wrdreg s5  }
0xaa: {  	[dreg:$0x4] =	wrdreg $0xC0  }
0xab: {  	_ =	task [dreg:s7], $0x5FFFF  }
0xac: {  	[dreg:$0x1] =	wrdreg $0xFFFFFFFF  }
0xad: {  	[dreg:$0x0] =	wrdreg $0x60  }
0xae: {  	[dreg:$0x2] =	wrdreg s24  }
0xaf: {  	[dreg:$0x3] =	wrdreg s2  }
0xb0: {  	[dreg:$0x4] =	wrdreg $0xB3000  }
0xb1: {  	[dreg:$0x5] =	wrdreg $0x9  }
0xb2: {  	_ =	task.clear_ibuf [dreg:s7], $0x6FFFF;
	_ =	strace $0x90000049  }
0xb3: {  	s29 =	simm.s32 $0x9;
	_ =	strace $0x8000004B  }
0xb4: {  	_ =	swait.ge [sflag:s29], $0x1  }
0xb5: {  	[sflag:s29] =	ssyncadd.s32 $0xFFFFFFFF  }
0xb6: {  	_ =	strace $0x9000004B  }
0xb7: {  	_ =	sfence  }
0xb8: {  	s30 =	sld [smem:$0x0];
	_ =	sdelay $0x2  }
0xb9: {  	s31 =	sshll.u32 s1, $0xD;
	s1 =	sshrl.u32 s1, $0x2  }
0xba: {  	s3 =	sand.u32 $0x4000, s31;
	s1 =	sadd.s32 s1, s30  }
0xbb: {  	s0 =	sor.u32 s3, s0;
	s1 =	sshll.u32 s1, $0x11  }
0xbc: {  	s0 =	sor.u32 s1, s0  }
0xbd: {  	s0 =	sadd.s32 $0x8F2B, s0  }
0xbe: {  	[sflag:s0] =	ssyncadd.remote.s32 $0x1  }
0xbf: {  	_ =	sfence.sel $0xFFFF  }
0xc0: {  	[dreg:$0x0] =	wrdreg $0xFFFFFFFF;
	(pc) =	sbr.abs _section_cstart, $3  }
0xc1: {  	[dreg:$0x1] =	wrdreg $0xFFFFFFFF  }
0xc2: {  	_ =	task.clear_ibuf [dreg:s7], $0x2FFFF;
	_ =	strace $0x9FFFFFFF  }
0xc3: {  	(tm) =	ssettm $0x7FFFFFFF  }
tec
execute0_lowered:
.L_overlay_start_1:
0x0: {  	(tag) =	ssettag $0x1  }
0x1: {  	s0 =	rddreg [dreg:$0x0];
	s1 =	srdreg.scid  }
0x2: {  	s5 =	rddreg [dreg:$0x1];
	s9 =	stileid.u32  }
0x3: {  	s2 =	rddreg [dreg:$0x2];
	s3 =	simm.s32 $0x0;
	s6 =	smul.u32 $0x2710, s9  }
0x4: {  	s28 =	simm.s32 $0x6;
	s29 =	simm.s32 $0x1;
	s8 =	smul.u32 $0x14000, s9  }
0x5: {  	s30 =	simm.s32 $0x2;
	s1 =	sand.u32 $0x1, s1;
	s16 =	smul.u32 $0x50000, s9  }
0x6: {  	s31 =	simm.s32 $0x28;
	[smem:$0x7FF] =	sst s3;
	s4 =	smul.u32 $0x27100, s1  }
0x7: {  	s9 =	simm.s32 $0x5;
	s7 =	smul.u32 $0x140000, s1;
	s1 =	ssub.s32 $0x2, s1  }
0x8: {  	_ =	strace $0x8000004A;
	s10 =	sshrl.u32 s1, $0x1;
	s18 =	sshrl.u32 s16, $0x2  }
0x9: {  	s6 =	sadd.s32 s6, s4;
	s4 =	sadd.s32 $0x3E00, s0;
	s7 =	sadd.s32 s8, s7  }
0xa: {  	s1 =	ssub.s32 s1, s10;
	s6 =	sshrl.u32 s6, $0x3;
	s7 =	sshrl.u32 s7, $0x3  }
0xb: {  	s17 =	sadd.s32 s6, s0;
	s0 =	sadd.s32 s7, s0;
	s5 =	sadd.s32 s5, s6  }
0xc: {  	s7 =	sadd.s32 s18, s2;
	s19 =	sadd.s32 $0x67800, s17;
	[dreg:$0x5] =	wrdreg s5  }
0xd: {  	s8 =	simm.s32 $0x4;
	s20 =	sadd.s32 $0x1400, s7;
	[dreg:$0x4] =	wrdreg s19  }
0xe: {  	s10 =	simm.s32 $0x0;
	s21 =	sadd.s32 $0x2800, s7;
	[dreg:$0x6] =	wrdreg s20  }
0xf: {  	s6 =	simm.s32 $0x3;
	s22 =	sadd.s32 $0x3C00, s7;
	[dreg:$0x7] =	wrdreg s21  }
0x10: {  	s23 =	sadd.s32 $0x5000, s7;
	s24 =	sadd.s32 $0x6400, s7;
	[dreg:$0x8] =	wrdreg s22  }
0x11: {  	s25 =	sadd.s32 $0x7800, s7;
	s26 =	sadd.s32 $0x8C00, s7;
	[dreg:$0x9] =	wrdreg s23  }
0x12: {  	s15 =	sadd.s32 $0xA000, s7;
	s16 =	sadd.s32 $0xB400, s7;
	[dreg:$0xa] =	wrdreg s24  }
0x13: {  	s17 =	sadd.s32 $0xC800, s7;
	s18 =	sadd.s32 $0xDC00, s7;
	[dreg:$0xb] =	wrdreg s25  }
0x14: {  	s5 =	simm.s32 $0x9F00;
	[dreg:$0xc] =	wrdreg s26;
	s19 =	sadd.s32 $0xF000, s7  }
0x15: {  	s20 =	sadd.s32 $0x10400, s7;
	s21 =	sadd.s32 $0x11800, s7;
	s22 =	sadd.s32 $0x12C00, s7  }
0x16: {  	s23 =	sadd.s32 $0x71600, s0;
	s24 =	smax.u32 s1, $0x1;
	s26 =	simm.s32 $0x4F00  }
0x17: {  	v0 =	vimm.f32 $0.0e+00;
	s1 =	simm.s32 $0x6300;
	s25 =	simm.s32 $0x7700;
	s0 =	simm.s32 $0x8B00  }
.LBB2_1:
0x18: {  	s11 =	rddreg [dreg:$0x4]  }
0x19: {  	[tilespmem:s3], [sflag:$0x1] =	stream.linear.gather [hbm4b:s11+s3], $0x2710, $0x38;
	[tilespmem:$0x1F300] =	vst v63  }
0x1a: {  	s14 =	rddreg [dreg:$0x5];
	s12 =	simm.s32 $0x2780;
	s13 =	sand.u32 $0x7E00, s3  }
0x1b: {  	[tilespmem:s12], [sflag:$0x2] =	stream.linear.gather [hbm4b:s14+s3], $0x2710, $0x38;
	[tilespmem:$0x1F300] =	vst v63  }
0x1c: {  	s13 =	sshrl.u32 s13, $0x2;
	s14 =	sand.u32 $0x70, s3  }
0x1d: {  	s11 =	simm.s32 $0x40;
	s12 =	simm.s32 $0x0;
	s13 =	sor.u32 s14, s13  }
.LBB2_2:
0x1e: {  	p0 =	sne.s32 s11, $0x4FC0  }
0x1f: {  	[tilespmem:s13+$0x4F00] =	vst v0;
	s12 =	sadd.s32 $0x10, s12;
	s13 =	smov.u32 s11;
	s11 =	sadd.s32 $0x40, s11  }
.Ltmp0:
0x20: {  	(pc) =	sbr.rel @p0 .LBB2_2-.Ltmp0, $4  }
0x21: {  	_ = 	snop  }
0x22: {  	s13 =	sand.u32 $0x7E00, s13  }
0x23: {  	s14 =	sand.u32 $0x70, s12;
	s13 =	sshrl.u32 s13, $0x2  }
0x24: {  	s13 =	sor.u32 s14, s13  }
0x25: {  	[tilespmem:s13+$0x4F00] =	vst v0  }
0x26: {  	[spmem:s7] =	stream.linear.scatter [tilespmem:s26], [sflag:$0x6], $0x1400, $0x38;
	[tilespmem:$0x1F300] =	vst v63  }
0x27: {  	_ =	swait.ge [sflag:s28], $0x1400  }
0x28: {  	[sflag:s28] =	ssyncset.done $0x0  }
0x29: {  	s11 =	rddreg [dreg:$0x6];
	[sflag:s28] =	ssyncadd.s32 $0xFFFFEC00  }
0x2a: {  	[spmem:s11] =	stream.linear.scatter [tilespmem:s26], [sflag:$0x6], $0x1400, $0x38;
	[tilespmem:$0x1F300] =	vst v63  }
0x2b: {  	_ =	swait.ge [sflag:s28], $0x1400  }
0x2c: {  	[sflag:s28] =	ssyncset.done $0x0  }
0x2d: {  	s14 =	rddreg [dreg:$0x7];
	[sflag:s28] =	ssyncadd.s32 $0xFFFFEC00  }
0x2e: {  	[spmem:s14] =	stream.linear.scatter [tilespmem:s26], [sflag:$0x6], $0x1400, $0x38;
	[tilespmem:$0x1F300] =	vst v63  }
0x2f: {  	_ =	swait.ge [sflag:s28], $0x1400  }
0x30: {  	[sflag:s28] =	ssyncset.done $0x0  }
0x31: {  	s12 =	rddreg [dreg:$0x8];
	[sflag:s28] =	ssyncadd.s32 $0xFFFFEC00  }
0x32: {  	[spmem:s12] =	stream.linear.scatter [tilespmem:s26], [sflag:$0x6], $0x1400, $0x38;
	[tilespmem:$0x1F300] =	vst v63  }
0x33: {  	_ =	swait.ge [sflag:s28], $0x1400  }
0x34: {  	[sflag:s28] =	ssyncset.done $0x0  }
0x35: {  	s13 =	rddreg [dreg:$0x9];
	[sflag:s28] =	ssyncadd.s32 $0xFFFFEC00  }
0x36: {  	[spmem:s13] =	stream.linear.scatter [tilespmem:s26], [sflag:$0x6], $0x1400, $0x38;
	[tilespmem:$0x1F300] =	vst v63  }
0x37: {  	_ =	swait.ge [sflag:s28], $0x1400  }
0x38: {  	[sflag:s28] =	ssyncset.done $0x0  }
0x39: {  	s14 =	rddreg [dreg:$0xa];
	[sflag:s28] =	ssyncadd.s32 $0xFFFFEC00  }
0x3a: {  	[spmem:s14] =	stream.linear.scatter [tilespmem:s26], [sflag:$0x6], $0x1400, $0x38;
	[tilespmem:$0x1F300] =	vst v63  }
0x3b: {  	_ =	swait.ge [sflag:s28], $0x1400  }
0x3c: {  	[sflag:s28] =	ssyncset.done $0x0  }
0x3d: {  	s12 =	rddreg [dreg:$0xb];
	[sflag:s28] =	ssyncadd.s32 $0xFFFFEC00  }
0x3e: {  	[spmem:s12] =	stream.linear.scatter [tilespmem:s26], [sflag:$0x6], $0x1400, $0x38;
	[tilespmem:$0x1F300] =	vst v63  }
0x3f: {  	_ =	swait.ge [sflag:s28], $0x1400  }
0x40: {  	[sflag:s28] =	ssyncset.done $0x0  }
0x41: {  	s13 =	rddreg [dreg:$0xc];
	[sflag:s28] =	ssyncadd.s32 $0xFFFFEC00  }
0x42: {  	[spmem:s13] =	stream.linear.scatter [tilespmem:s26], [sflag:$0x6], $0x1400, $0x38;
	[tilespmem:$0x1F300] =	vst v63  }
0x43: {  	_ =	swait.ge [sflag:s28], $0x1400  }
0x44: {  	[sflag:s28] =	ssyncset.done $0x0  }
0x45: {  	[sflag:s28] =	ssyncadd.s32 $0xFFFFEC00  }
0x46: {  	[spmem:s15] =	stream.linear.scatter [tilespmem:s26], [sflag:$0x6], $0x1400, $0x38;
	[tilespmem:$0x1F300] =	vst v63  }
0x47: {  	_ =	swait.ge [sflag:s28], $0x1400  }
0x48: {  	[sflag:s28] =	ssyncset.done $0x0  }
0x49: {  	[sflag:s28] =	ssyncadd.s32 $0xFFFFEC00  }
0x4a: {  	[spmem:s16] =	stream.linear.scatter [tilespmem:s26], [sflag:$0x6], $0x1400, $0x38;
	[tilespmem:$0x1F300] =	vst v63  }
0x4b: {  	_ =	swait.ge [sflag:s28], $0x1400  }
0x4c: {  	[sflag:s28] =	ssyncset.done $0x0  }
0x4d: {  	[sflag:s28] =	ssyncadd.s32 $0xFFFFEC00  }
0x4e: {  	[spmem:s17] =	stream.linear.scatter [tilespmem:s26], [sflag:$0x6], $0x1400, $0x38;
	[tilespmem:$0x1F300] =	vst v63  }
0x4f: {  	_ =	swait.ge [sflag:s28], $0x1400  }
0x50: {  	[sflag:s28] =	ssyncset.done $0x0  }
0x51: {  	[sflag:s28] =	ssyncadd.s32 $0xFFFFEC00  }
0x52: {  	[spmem:s18] =	stream.linear.scatter [tilespmem:s26], [sflag:$0x6], $0x1400, $0x38;
	[tilespmem:$0x1F300] =	vst v63  }
0x53: {  	_ =	swait.ge [sflag:s28], $0x1400  }
0x54: {  	[sflag:s28] =	ssyncset.done $0x0  }
0x55: {  	[sflag:s28] =	ssyncadd.s32 $0xFFFFEC00  }
0x56: {  	[spmem:s19] =	stream.linear.scatter [tilespmem:s26], [sflag:$0x6], $0x1400, $0x38;
	[tilespmem:$0x1F300] =	vst v63  }
0x57: {  	_ =	swait.ge [sflag:s28], $0x1400  }
0x58: {  	[sflag:s28] =	ssyncset.done $0x0  }
0x59: {  	[sflag:s28] =	ssyncadd.s32 $0xFFFFEC00  }
0x5a: {  	[spmem:s20] =	stream.linear.scatter [tilespmem:s26], [sflag:$0x6], $0x1400, $0x38;
	[tilespmem:$0x1F300] =	vst v63  }
0x5b: {  	_ =	swait.ge [sflag:s28], $0x1400  }
0x5c: {  	[sflag:s28] =	ssyncset.done $0x0  }
0x5d: {  	[sflag:s28] =	ssyncadd.s32 $0xFFFFEC00  }
0x5e: {  	[spmem:s21] =	stream.linear.scatter [tilespmem:s26], [sflag:$0x6], $0x1400, $0x38;
	[tilespmem:$0x1F300] =	vst v63  }
0x5f: {  	_ =	swait.ge [sflag:s28], $0x1400  }
0x60: {  	[sflag:s28] =	ssyncset.done $0x0  }
0x61: {  	[sflag:s28] =	ssyncadd.s32 $0xFFFFEC00  }
0x62: {  	[spmem:s22] =	stream.linear.scatter [tilespmem:s26], [sflag:$0x6], $0x1400, $0x38;
	[tilespmem:$0x1F300] =	vst v63  }
0x63: {  	_ =	swait.ge [sflag:s28], $0x1400  }
0x64: {  	[sflag:s28] =	ssyncset.done $0x0  }
0x65: {  	[sflag:s28] =	ssyncadd.s32 $0xFFFFEC00  }
0x66: {  	_ =	swait.ge [sflag:s29], $0x2710  }
0x67: {  	[sflag:s29] =	ssyncset.done $0x0  }
0x68: {  	[sflag:s29] =	ssyncadd.s32 $0xFFFFD8F0  }
0x69: {  	_ =	swait.ge [sflag:s30], $0x2710  }
0x6a: {  	[sflag:s30] =	ssyncset.done $0x0  }
0x6b: {  	[sflag:s30] =	ssyncadd.s32 $0xFFFFD8F0  }
0x6c: {  	s14 =	simm.s32 $0x0;
	[bflag:$0x0] =	sbarrier.arrive $0xFFFF  }
0x6d: {  	[tilespmem:s26], [sflag:$0x1] =	stream.indirect.gather [hbm4b:s4+s31], $0x80, s14, s31, $0xb8;
	[tilespmem:$0x1F300] =	vst v63  }
0x6e: {  	_ = 	snop  }
0x6f: {  	[tilespmem:s1], [sflag:$0x2] =	stream.indirect.gather [hbm4b:s4+s31], $0x80, s31, s31, $0xb8;
	[tilespmem:$0x1F300] =	vst v63  }
0x70: {  	s12 =	simm.s32 $0x50  }
0x71: {  	[tilespmem:s25], [sflag:$0x3] =	stream.indirect.gather [hbm4b:s4+s31], $0x80, s12, s31, $0xb8;
	[tilespmem:$0x1F300] =	vst v63  }
0x72: {  	s13 =	simm.s32 $0x78  }
0x73: {  	[tilespmem:s0], [sflag:$0x4] =	stream.indirect.gather [hbm4b:s4+s31], $0x80, s13, s31, $0xb8;
	[tilespmem:$0x1F300] =	vst v63  }
0x74: {  	s14 =	simm.s32 $0xA0  }
0x75: {  	[tilespmem:s5], [sflag:$0x5] =	stream.indirect.gather [hbm4b:s4+s31], $0x80, s14, s31, $0xb8;
	[tilespmem:$0x1F300] =	vst v63  }
0x76: {  	_ =	swait.ge [sflag:s29], $0x1400  }
0x77: {  	[sflag:s29] =	ssyncset.done $0x0  }
0x78: {  	s12 =	simm.s32 $0x2780;
	[sflag:s29] =	ssyncadd.s32 $0xFFFFEC00  }
0x79: {  	[spmem:s2] =	stream.indirect.scatter.add.f32 [tilespmem:s26], [sflag:$0x6], $0x80, s12, s31, $0xb8;
	[tilespmem:$0x1F300] =	vst v63  }
0x7a: {  	_ =	swait.ge [sflag:s28], $0x1400  }
0x7b: {  	[sflag:s28] =	ssyncset.done $0x0  }
0x7c: {  	s13 =	simm.s32 $0xC8;
	[sflag:s28] =	ssyncadd.s32 $0xFFFFEC00  }
0x7d: {  	[tilespmem:s26], [sflag:$0x1] =	stream.indirect.gather [hbm4b:s4+s31], $0x80, s13, s31, $0xb8;
	[tilespmem:$0x1F300] =	vst v63  }
0x7e: {  	_ =	swait.ge [sflag:s30], $0x1400  }
0x7f: {  	[sflag:s30] =	ssyncset.done $0x0  }
0x80: {  	s14 =	simm.s32 $0x27A8;
	[sflag:s30] =	ssyncadd.s32 $0xFFFFEC00  }
0x81: {  	[spmem:s2] =	stream.indirect.scatter.add.f32 [tilespmem:s1], [sflag:$0x6], $0x80, s14, s31, $0xb8;
	[tilespmem:$0x1F300] =	vst v63  }
0x82: {  	_ =	swait.ge [sflag:s28], $0x1400  }
0x83: {  	[sflag:s28] =	ssyncset.done $0x0  }
0x84: {  	s12 =	simm.s32 $0xF0;
	[sflag:s28] =	ssyncadd.s32 $0xFFFFEC00  }
0x85: {  	[tilespmem:s1], [sflag:$0x2] =	stream.indirect.gather [hbm4b:s4+s31], $0x80, s12, s31, $0xb8;
	[tilespmem:$0x1F300] =	vst v63  }
0x86: {  	_ =	swait.ge [sflag:s6], $0x1400  }
0x87: {  	[sflag:s6] =	ssyncset.done $0x0  }
0x88: {  	s13 =	simm.s32 $0x27D0;
	[sflag:s6] =	ssyncadd.s32 $0xFFFFEC00  }
0x89: {  	[spmem:s2] =	stream.indirect.scatter.add.f32 [tilespmem:s25], [sflag:$0x6], $0x80, s13, s31, $0xb8;
	[tilespmem:$0x1F300] =	vst v63  }
0x8a: {  	_ =	swait.ge [sflag:s28], $0x1400  }
0x8b: {  	[sflag:s28] =	ssyncset.done $0x0  }
0x8c: {  	s14 =	simm.s32 $0x118;
	[sflag:s28] =	ssyncadd.s32 $0xFFFFEC00  }
0x8d: {  	[tilespmem:s25], [sflag:$0x3] =	stream.indirect.gather [hbm4b:s4+s31], $0x80, s14, s31, $0xb8;
	[tilespmem:$0x1F300] =	vst v63  }
0x8e: {  	_ =	swait.ge [sflag:s8], $0x1400  }
0x8f: {  	[sflag:s8] =	ssyncset.done $0x0  }
0x90: {  	s12 =	simm.s32 $0x27F8;
	[sflag:s8] =	ssyncadd.s32 $0xFFFFEC00  }
0x91: {  	[spmem:s2] =	stream.indirect.scatter.add.f32 [tilespmem:s0], [sflag:$0x6], $0x80, s12, s31, $0xb8;
	[tilespmem:$0x1F300] =	vst v63  }
0x92: {  	_ =	swait.ge [sflag:s28], $0x1400  }
0x93: {  	[sflag:s28] =	ssyncset.done $0x0  }
0x94: {  	s13 =	simm.s32 $0x140;
	[sflag:s28] =	ssyncadd.s32 $0xFFFFEC00  }
0x95: {  	[tilespmem:s0], [sflag:$0x4] =	stream.indirect.gather [hbm4b:s4+s31], $0x80, s13, s31, $0xb8;
	[tilespmem:$0x1F300] =	vst v63  }
0x96: {  	_ =	swait.ge [sflag:s9], $0x1400  }
0x97: {  	[sflag:s9] =	ssyncset.done $0x0  }
0x98: {  	s14 =	simm.s32 $0x2820;
	[sflag:s9] =	ssyncadd.s32 $0xFFFFEC00  }
0x99: {  	[spmem:s2] =	stream.indirect.scatter.add.f32 [tilespmem:s5], [sflag:$0x6], $0x80, s14, s31, $0xb8;
	[tilespmem:$0x1F300] =	vst v63  }
0x9a: {  	_ =	swait.ge [sflag:s28], $0x1400  }
0x9b: {  	[sflag:s28] =	ssyncset.done $0x0  }
0x9c: {  	s11 =	simm.s32 $0x320;
	s12 =	simm.s32 $0x168;
	[sflag:s28] =	ssyncadd.s32 $0xFFFFEC00  }
.LBB2_4:
0x9d: {  	[tilespmem:s5], [sflag:$0x5] =	stream.indirect.gather [hbm4b:s4+s31], $0x80, s12, s31, $0xb8;
	[tilespmem:$0x1F300] =	vst v63  }
0x9e: {  	s12 =	smov.u32 s11  }
0x9f: {  	p0 =	sne.s32 s11, $0x9600;
	s11 =	sadd.s32 $0x320, s11;
	_ =	swait.ge [sflag:s29], $0x1400  }
0xa0: {  	s12 =	sshra.s32 s12, $0x2;
	[sflag:s29] =	ssyncset.done $0x0  }
0xa1: {  	s13 =	sadd.s32 $0x2780, s12;
	[sflag:s29] =	ssyncadd.s32 $0xFFFFEC00  }
0xa2: {  	[spmem:s2] =	stream.indirect.scatter.add.f32 [tilespmem:s26], [sflag:$0x6], $0x80, s13, s31, $0xb8;
	[tilespmem:$0x1F300] =	vst v63  }
0xa3: {  	_ =	swait.ge [sflag:s28], $0x1400  }
0xa4: {  	[sflag:s28] =	ssyncset.done $0x0  }
0xa5: {  	s13 =	sadd.s32 $0xC8, s12;
	[sflag:s28] =	ssyncadd.s32 $0xFFFFEC00  }
0xa6: {  	[tilespmem:s26], [sflag:$0x1] =	stream.indirect.gather [hbm4b:s4+s31], $0x80, s13, s31, $0xb8;
	[tilespmem:$0x1F300] =	vst v63  }
0xa7: {  	_ =	swait.ge [sflag:s30], $0x1400  }
0xa8: {  	[sflag:s30] =	ssyncset.done $0x0  }
0xa9: {  	s13 =	sadd.s32 $0x27A8, s12;
	[sflag:s30] =	ssyncadd.s32 $0xFFFFEC00  }
0xaa: {  	[spmem:s2] =	stream.indirect.scatter.add.f32 [tilespmem:s1], [sflag:$0x6], $0x80, s13, s31, $0xb8;
	[tilespmem:$0x1F300] =	vst v63  }
0xab: {  	_ =	swait.ge [sflag:s28], $0x1400  }
0xac: {  	[sflag:s28] =	ssyncset.done $0x0  }
0xad: {  	s13 =	sadd.s32 $0xF0, s12;
	[sflag:s28] =	ssyncadd.s32 $0xFFFFEC00  }
0xae: {  	[tilespmem:s1], [sflag:$0x2] =	stream.indirect.gather [hbm4b:s4+s31], $0x80, s13, s31, $0xb8;
	[tilespmem:$0x1F300] =	vst v63  }
0xaf: {  	_ =	swait.ge [sflag:s6], $0x1400  }
0xb0: {  	[sflag:s6] =	ssyncset.done $0x0  }
0xb1: {  	s13 =	sadd.s32 $0x27D0, s12;
	[sflag:s6] =	ssyncadd.s32 $0xFFFFEC00  }
0xb2: {  	[spmem:s2] =	stream.indirect.scatter.add.f32 [tilespmem:s25], [sflag:$0x6], $0x80, s13, s31, $0xb8;
	[tilespmem:$0x1F300] =	vst v63  }
0xb3: {  	_ =	swait.ge [sflag:s28], $0x1400  }
0xb4: {  	[sflag:s28] =	ssyncset.done $0x0  }
0xb5: {  	s13 =	sadd.s32 $0x118, s12;
	[sflag:s28] =	ssyncadd.s32 $0xFFFFEC00  }
0xb6: {  	[tilespmem:s25], [sflag:$0x3] =	stream.indirect.gather [hbm4b:s4+s31], $0x80, s13, s31, $0xb8;
	[tilespmem:$0x1F300] =	vst v63  }
0xb7: {  	_ =	swait.ge [sflag:s8], $0x1400  }
0xb8: {  	[sflag:s8] =	ssyncset.done $0x0  }
0xb9: {  	s13 =	sadd.s32 $0x27F8, s12;
	[sflag:s8] =	ssyncadd.s32 $0xFFFFEC00  }
0xba: {  	[spmem:s2] =	stream.indirect.scatter.add.f32 [tilespmem:s0], [sflag:$0x6], $0x80, s13, s31, $0xb8;
	[tilespmem:$0x1F300] =	vst v63  }
0xbb: {  	_ =	swait.ge [sflag:s28], $0x1400  }
0xbc: {  	[sflag:s28] =	ssyncset.done $0x0  }
0xbd: {  	s13 =	sadd.s32 $0x140, s12;
	[sflag:s28] =	ssyncadd.s32 $0xFFFFEC00  }
0xbe: {  	[tilespmem:s0], [sflag:$0x4] =	stream.indirect.gather [hbm4b:s4+s31], $0x80, s13, s31, $0xb8;
	[tilespmem:$0x1F300] =	vst v63  }
0xbf: {  	_ =	swait.ge [sflag:s9], $0x1400  }
0xc0: {  	[sflag:s9] =	ssyncset.done $0x0  }
.Ltmp1:
0xc1: {  	s13 =	sadd.s32 $0x2820, s12;
	[sflag:s9] =	ssyncadd.s32 $0xFFFFEC00;
	(pc) =	sbr.rel @p0 .LBB2_4-.Ltmp1, $4  }
0xc2: {  	[spmem:s2] =	stream.indirect.scatter.add.f32 [tilespmem:s5], [sflag:$0x6], $0x80, s13, s31, $0xb8;
	[tilespmem:$0x1F300] =	vst v63  }
0xc3: {  	_ =	swait.ge [sflag:s28], $0x1400  }
0xc4: {  	[sflag:s28] =	ssyncset.done $0x0  }
0xc5: {  	s12 =	sadd.s32 $0x168, s12;
	[sflag:s28] =	ssyncadd.s32 $0xFFFFEC00  }
0xc6: {  	[tilespmem:s5], [sflag:$0x5] =	stream.indirect.gather [hbm4b:s4+s31], $0x80, s12, s31, $0xb8;
	[tilespmem:$0x1F300] =	vst v63  }
0xc7: {  	_ =	swait.ge [sflag:s29], $0x1400  }
0xc8: {  	[sflag:s29] =	ssyncset.done $0x0  }
0xc9: {  	s11 =	simm.s32 $0x4DC8;
	[sflag:s29] =	ssyncadd.s32 $0xFFFFEC00  }
0xca: {  	[spmem:s2] =	stream.indirect.scatter.add.f32 [tilespmem:s26], [sflag:$0x6], $0x80, s11, s31, $0xb8;
	[tilespmem:$0x1F300] =	vst v63  }
0xcb: {  	_ =	swait.ge [sflag:s28], $0x1400  }
0xcc: {  	[sflag:s28] =	ssyncset.done $0x0  }
0xcd: {  	[sflag:s28] =	ssyncadd.s32 $0xFFFFEC00  }
0xce: {  	_ =	swait.ge [sflag:s30], $0x1400  }
0xcf: {  	[sflag:s30] =	ssyncset.done $0x0  }
0xd0: {  	s12 =	simm.s32 $0x4DF0;
	[sflag:s30] =	ssyncadd.s32 $0xFFFFEC00  }
0xd1: {  	[spmem:s2] =	stream.indirect.scatter.add.f32 [tilespmem:s1], [sflag:$0x6], $0x80, s12, s31, $0xb8;
	[tilespmem:$0x1F300] =	vst v63  }
0xd2: {  	_ =	swait.ge [sflag:s28], $0x1400  }
0xd3: {  	[sflag:s28] =	ssyncset.done $0x0  }
0xd4: {  	[sflag:s28] =	ssyncadd.s32 $0xFFFFEC00  }
0xd5: {  	_ =	swait.ge [sflag:s6], $0x1400  }
0xd6: {  	[sflag:s6] =	ssyncset.done $0x0  }
0xd7: {  	s13 =	simm.s32 $0x4E18;
	[sflag:s6] =	ssyncadd.s32 $0xFFFFEC00  }
0xd8: {  	[spmem:s2] =	stream.indirect.scatter.add.f32 [tilespmem:s25], [sflag:$0x6], $0x80, s13, s31, $0xb8;
	[tilespmem:$0x1F300] =	vst v63  }
0xd9: {  	_ =	swait.ge [sflag:s28], $0x1400  }
0xda: {  	[sflag:s28] =	ssyncset.done $0x0  }
0xdb: {  	[sflag:s28] =	ssyncadd.s32 $0xFFFFEC00  }
0xdc: {  	_ =	swait.ge [sflag:s8], $0x1400  }
0xdd: {  	[sflag:s8] =	ssyncset.done $0x0  }
0xde: {  	s14 =	simm.s32 $0x4E40;
	[sflag:s8] =	ssyncadd.s32 $0xFFFFEC00  }
0xdf: {  	[spmem:s2] =	stream.indirect.scatter.add.f32 [tilespmem:s0], [sflag:$0x6], $0x80, s14, s31, $0xb8;
	[tilespmem:$0x1F300] =	vst v63  }
0xe0: {  	_ =	swait.ge [sflag:s28], $0x1400  }
0xe1: {  	[sflag:s28] =	ssyncset.done $0x0  }
0xe2: {  	[sflag:s28] =	ssyncadd.s32 $0xFFFFEC00  }
0xe3: {  	_ =	swait.ge [sflag:s9], $0x1400  }
0xe4: {  	[sflag:s9] =	ssyncset.done $0x0  }
0xe5: {  	s12 =	simm.s32 $0x4E68;
	[sflag:s9] =	ssyncadd.s32 $0xFFFFEC00  }
0xe6: {  	[spmem:s2] =	stream.indirect.scatter.add.f32 [tilespmem:s5], [sflag:$0x6], $0x80, s12, s31, $0xb8;
	[tilespmem:$0x1F300] =	vst v63  }
0xe7: {  	s13 =	stileid.u32;
	_ =	swait.ge [sflag:s28], $0x1400  }
0xe8: {  	s10 =	sadd.s32 $0x1, s10;
	s11 =	sshll.u32 s13, $0x6;
	[sflag:s28] =	ssyncset.done $0x0  }
0xe9: {  	p0 =	sne.s32 s10, s24;
	s11 =	sor.u32 $0x1C06, s11;
	[sflag:s28] =	ssyncadd.s32 $0xFFFFEC00  }
.Ltmp2:
0xea: {  	s14 =	sshrl.u32 s7, $0x3;
	[bflag:$0x0] =	sbarrier.arrive $0xFFFF;
	(pc) =	sbr.rel @p0 .LBB2_1-.Ltmp2, $4  }
0xeb: {  	[hbm:s23], [sflag:s11] =	dma.local [spmem:s14], $0x2800  }
0xec: {  	_ =	swait.ge [sflag:s28], $0x2800  }
0xed: {  	[sflag:s28] =	ssyncset.done $0x0  }
0xee: {  	[sflag:s28] =	ssyncadd.s32 $0xFFFFD800  }
0xef: {  	_ =	sfence.sel $0x180000  }
0xf0: {  	[bflag:$0x0] =	sbarrier.arrive $0xFFFF  }
0xf1: {  	_ =	strace $0x9000004A  }
0xf2: {  	s0 =	stileid.u32;
	[bflag:$0x2] =	sbarrier.arrive $0xFFFF  }
0xf3: {  	p0 =	sne.s32 s0, $0x0;
	s0 =	rddreg [dreg:$0x3]  }
0xf4: {  	s0 =	sadd.s32 @!p0 $0x100000, s0  }
0xf5: {  	[sflag:s0] =	ssyncadd.tile.s32 @!p0 $0x1;
	_ =	shalt  }
.Lfunc_end2:
_tile_overlayer_lowered:
.L_overlay_start_2:
0xf6: {  	(tag) =	ssettag $0x2  }
0xf7: {  	s0 =	rddreg [dreg:$0x0];
	s2 =	stileid.u32  }
0xf8: {  	s1 =	rddreg [dreg:$0x1];
	p0 =	sne.s32 s2, $0x0  }
0xf9: {  	s3 =	rddreg [dreg:$0x2];
	[bflag:$0x3] =	sbarrier.arrive $0xFFFF;
	s2 =	simm.s32 @!p0 $0x1C06  }
0xfa: {  	[timem:s3], [sflag:s2] =	dma.local @!p0 [hbm:s0], s1  }
0xfb: {  	s0 =	simm.s32 @!p0 $0x6  }
0xfc: {  	_ =	swait.ge @!p0 [sflag:s0], s1  }
0xfd: {  	s1 =	ssub.s32 @!p0 $0x0, s1;
	[sflag:s0] =	ssyncset.done @!p0 $0x0  }
0xfe: {  	[sflag:s0] =	ssyncadd.s32 @!p0 s1  }
0xff: {  	[bflag:$0x3] =	sbarrier.arrive $0xFFFF  }
0x100: {  	_ =	shalt  }

// kernel: kernel.16.cloned.1.call-start
scs
__scs_entry_jumppad:
0x0: {  	(pc) =	sbr.rel $0x88, $3  }
0x1: {  	(tag) =	ssettag $0x0;
	lr =	simm.s32 $0x1  }
0x2: {  	[smem:$0x3F94] =	sst lr;
	_ =	strace $0xD0000000  }
0x3: {  	_ = 	snop  }
0x4: {  	_ = 	snop  }
0x5: {  	_ = 	snop  }
0x6: {  	_ = 	snop  }
0x7: {  	_ = 	snop  }
__scs_overlays_trampoline_lowered:
0x8: {  	[smem:$0x3FA3] =	sst s0  }
0x9: {  	[smem:$0x3FA4] =	sst s1  }
0xa: {  	[smem:$0x3FA5] =	sst s2  }
0xb: {  	[smem:$0x3FA6] =	sst s3  }
0xc: {  	[smem:$0x3FA7] =	sst s4  }
0xd: {  	[smem:$0x3FA8] =	sst s5  }
0xe: {  	[smem:$0x3FA9] =	sst s6  }
0xf: {  	[smem:$0x3FAA] =	sst s7  }
0x10: {  	[smem:$0x3FAB] =	sst s8  }
0x11: {  	[smem:$0x3FAC] =	sst s9;
	s0 =	simm.s32 @!p0 $0x0  }
0x12: {  	s1 =	sld [smem:$0x3F92];
	s0 =	simm.s32 @p0 $0x1  }
0x13: {  	[smem:$0x3FAD] =	sst s0;
	s0 =	simm.s32 @!p1 $0x0  }
0x14: {  	s2 =	sld [smem:$0x3F91];
	s0 =	simm.s32 @p1 $0x1  }
0x15: {  	[smem:$0x3FAE] =	sst s0;
	s0 =	simm.s32 @!p2 $0x0  }
0x16: {  	s3 =	sld [smem:$0x3FDB];
	s0 =	simm.s32 @p2 $0x1  }
0x17: {  	s4 =	simm.s32 $0x1BF5;
	[smem:$0x3FB0] =	sst s0  }
0x18: {  	s0 =	sld [smem:$0x3F93];
	_ =	swait.ge [sflag:s4], $0x0  }
0x19: {  	s7 =	sld [smem:$0x3F94]  }
0x1a: {  	s8 =	sadd.s32 $0xFFFFE003, lr  }
0x1b: {  	s9 =	sadd.s32 $0xFFFFFEF7, lr;
	s5 =	simm.s32 $0xFFFFFFFF;
	p2 =	slt.u32 s8, $0xFFFFF086  }
0x1c: {  	p1 =	slt.u32 s9, $0xF7A;
	s5 =	simm.s32 @!p2 $0x0  }
0x1d: {  	s5 =	simm.s32 @p1 $0x1;
	p0 =	seq.s32 s7, s2  }
0x1e: {  	s7 =	smul.u32 @!p0 $0xF7A, s2;
	p2 =	seq.s32 @!p0 s5, $0x0  }
0x1f: {  	s9 =	smul.u32 $0xF7A, s1;
	s8 =	simm.s32 @!p0 $0x1BF5;
	p2 =	por !p2, p0  }
0x20: {  	[sflag:s8] =	ssyncset.s32 @!p0 $0xFFFFF086;
	s6 =	sadd.s32 @!p0 s3, s7;
	s7 =	simm.s32 @!p0 $0x108  }
0x21: {  	s3 =	sadd.s32 s3, s9;
	s6 =	sadd.s32 @!p0 $0x88, s6;
	s7 =	simm.s32 @p2 $0x1082  }
0x22: {  	[simem:s7], [sflag:s8] =	dma.local @!p0 [hbm:s6], $0xF7A  }
0x23: {  	s9 =	sor.u32 $0xD0000000, s2;
	s6 =	simm.s32 $0x108;
	_ =	swait.ge @!p0 [sflag:s8], $0x0  }
0x24: {  	s3 =	sadd.s32 $0x88, s3;
	s6 =	simm.s32 @!p1 $0x1082;
	[sflag:s4] =	ssyncset.s32 $0xFFFFF086  }
0x25: {  	[simem:s6], [sflag:s4] =	dma.local [hbm:s3], $0xF7A  }
0x26: {  	[smem:$0x3F94] =	sst s1;
	(tag) =	ssettag s2;
	_ =	strace s9  }
0x27: {  	s1 =	sld [smem:$0x3FA4]  }
0x28: {  	s2 =	sld [smem:$0x3FA5]  }
0x29: {  	s4 =	sld [smem:$0x3FA7]  }
0x2a: {  	p0 =	seq.s32 s5, $0x0;
	s5 =	sld [smem:$0x3FA8]  }
0x2b: {  	s6 =	sld [smem:$0x3FA9]  }
0x2c: {  	s7 =	sld [smem:$0x3FAA]  }
0x2d: {  	s3 =	simm.s32 $0x108;
	s8 =	sld [smem:$0x3FAB]  }
0x2e: {  	s3 =	simm.s32 @!p0 $0x1082;
	s9 =	sld [smem:$0x3FAC]  }
0x2f: {  	lr =	sadd.s32 s0, s3;
	s0 =	sld [smem:$0x3FA3]  }
0x30: {  	s3 =	sld [smem:$0x3FA6]  }
0x31: {  	[smem:$0x3FAF] =	sst s10  }
0x32: {  	s10 =	sld [smem:$0x3FAD];
	_ =	sdelay $0x3  }
0x33: {  	p0 =	seq.s32 s10, $0x1;
	s10 =	sld [smem:$0x3FAF];
	_ =	sdelay $0x3  }
0x34: {  	[smem:$0x3FAF] =	sst s10  }
0x35: {  	s10 =	sld [smem:$0x3FAE];
	_ =	sdelay $0x3  }
0x36: {  	p1 =	seq.s32 s10, $0x1;
	s10 =	sld [smem:$0x3FAF];
	_ =	sdelay $0x3  }
0x37: {  	[smem:$0x3FAF] =	sst s10  }
0x38: {  	s10 =	sld [smem:$0x3FB0]  }
0x39: {  	_ = 	snop;
	(pc) =	sbr.ind lr, $3  }
0x3a: {  	_ = 	snop  }
0x3b: {  	_ = 	snop  }
0x3c: {  	p2 =	seq.s32 s10, $0x1;
	s10 =	sld [smem:$0x3FAF]  }
0x3d: {  	_ =	shalt  }
0x3e: {  	_ =	shalt  }
0x3f: {  	_ =	shalt  }
0x40: {  	_ =	shalt  }
0x41: {  	_ =	shalt  }
0x42: {  	_ =	shalt  }
0x43: {  	_ =	shalt  }
0x44: {  	_ =	shalt  }
0x45: {  	_ =	shalt  }
0x46: {  	_ =	shalt  }
0x47: {  	_ =	shalt  }
0x48: {  	_ =	shalt  }
0x49: {  	_ =	shalt  }
0x4a: {  	_ =	shalt  }
0x4b: {  	_ =	shalt  }
0x4c: {  	_ =	shalt  }
0x4d: {  	_ =	shalt  }
0x4e: {  	_ =	shalt  }
0x4f: {  	_ =	shalt  }
0x50: {  	_ =	shalt  }
0x51: {  	_ =	shalt  }
0x52: {  	_ =	shalt  }
0x53: {  	_ =	shalt  }
0x54: {  	_ =	shalt  }
0x55: {  	_ =	shalt  }
0x56: {  	_ =	shalt  }
0x57: {  	_ =	shalt  }
0x58: {  	_ =	shalt  }
0x59: {  	_ =	shalt  }
0x5a: {  	_ =	shalt  }
0x5b: {  	_ =	shalt  }
0x5c: {  	_ =	shalt  }
0x5d: {  	_ =	shalt  }
0x5e: {  	_ =	shalt  }
0x5f: {  	_ =	shalt  }
0x60: {  	_ =	shalt  }
0x61: {  	_ =	shalt  }
0x62: {  	_ =	shalt  }
0x63: {  	_ =	shalt  }
0x64: {  	_ =	shalt  }
0x65: {  	_ =	shalt  }
0x66: {  	_ =	shalt  }
0x67: {  	_ =	shalt  }
0x68: {  	_ =	shalt  }
0x69: {  	_ =	shalt  }
0x6a: {  	_ =	shalt  }
0x6b: {  	_ =	shalt  }
0x6c: {  	_ =	shalt  }
0x6d: {  	_ =	shalt  }
0x6e: {  	_ =	shalt  }
0x6f: {  	_ =	shalt  }
0x70: {  	_ =	shalt  }
0x71: {  	_ =	shalt  }
0x72: {  	_ =	shalt  }
0x73: {  	_ =	shalt  }
0x74: {  	_ =	shalt  }
0x75: {  	_ =	shalt  }
0x76: {  	_ =	shalt  }
0x77: {  	_ =	shalt  }
0x78: {  	_ =	shalt  }
0x79: {  	_ =	shalt  }
0x7a: {  	_ =	shalt  }
0x7b: {  	_ =	shalt  }
0x7c: {  	_ =	shalt  }
0x7d: {  	_ =	shalt  }
0x7e: {  	_ =	shalt  }
0x7f: {  	_ =	shalt  }
0x80: {  	_ =	shalt  }
0x81: {  	_ =	shalt  }
0x82: {  	_ =	shalt  }
0x83: {  	_ =	shalt  }
0x84: {  	_ =	shalt  }
0x85: {  	_ =	shalt  }
0x86: {  	_ =	shalt  }
0x87: {  	_ =	shalt  }
.Lfunc_end0:
.L_simem_size_0:
called_computation.2_lowered:
.L_overlay_start_0:
0x88: {  	s2 =	sld [smem:$0x3FD9]  }
0x89: {  	s3 =	sld [smem:$0x3FFE];
	_ =	sdelay $0x1  }
0x8a: {  	s1 =	srdreg.scid  }
0x8b: {  	s0 =	sand.u32 $0x1, s1  }
0x8c: {  	s17 =	sshll.u32 s0, $0xA;
	s2 =	sadd.s32 s3, s2  }
0x8d: {  	s2 =	sadd.s32 s2, s17  }
0x8e: {  	[smem:$0x3FBB] =	sst s2  }
0x8f: {  	_ = 	snop  }
0x90: {  	s2 =	sld [smem:$0x3FD0];
	(tm) =	ssettm $0x1  }
0x91: {  	s18 =	sld [smem:$0x3FFB];
	_ =	sdelay $0x3  }
0x92: {  	_ =	strace s18  }
0x93: {  	s3 =	sld [smem:$0x3FFC];
	_ =	sdelay $0x3  }
0x94: {  	_ =	strace s3  }
0x95: {  	s3 =	sld [smem:$0x3FFD];
	_ =	sdelay $0x3  }
0x96: {  	_ =	strace s3  }
0x97: {  	_ =	strace $0x8FFFFFFF  }
0x98: {  	s19 =	sld [smem:$0x3FDB];
	_ =	sdelay $0x1  }
0x99: {  	s4 =	simm.s32 $_scs_section_size  }
0x9a: {  	s5 =	simm.s32 $_size__tile_overlayer_lowered;
	s6 =	simm.s32 $_tile_overlayer_lowered  }
0x9b: {  	s22 =	simm.s32 $0x1BFF;
	s21 =	sshll.u32 s6, $0x1;
	s3 =	sadd.s32 s4, s19  }
0x9c: {  	s7 =	simm.s32 $0x0;
	s20 =	sshll.u32 s5, $0x1;
	s5 =	sadd.s32 s21, s3  }
0x9d: {  	[timem:s7], [sflag:s22] =	dma.local [hbm:s5], s20  }
0x9e: {  	_ =	swait.ge [sflag:s22], s20  }
0x9f: {  	s4 =	ssub.s32 $0x0, s20;
	[sflag:s22] =	ssyncset.done $0x0  }
0xa0: {  	[sflag:s22] =	ssyncadd.s32 s4;
	_ =	sdelay $0x1  }
0xa1: {  	s23 =	simm.s32 $0x1B8B  }
0xa2: {  	_ =	swait.ge [sflag:s23], $0x1  }
0xa3: {  	[sflag:s23] =	ssyncset.done $0x0  }
0xa4: {  	s25 =	simm.s32 $0x1B8E;
	s24 =	sld [smem:$0x3FFE];
	[sflag:s23] =	ssyncadd.s32 $0xFFFFFFFF  }
0xa5: {  	s26 =	simm.s32 $execute0_lowered;
	[smem:$0x3FD2] =	sst s25  }
0xa6: {  	s5 =	sshll.u32 s26, $0x1;
	_ =	strace $0x8000004C;
	[dreg:$0x1] =	wrdreg $0xFFFFFFFF  }
0xa7: {  	s28 =	simm.s32 $_size_execute0_lowered;
	s3 =	sadd.s32 s3, s5;
	[dreg:$0x0] =	wrdreg $0x0  }
0xa8: {  	s5 =	sshll.u32 s28, $0x1;
	[dreg:$0x2] =	wrdreg s3  }
0xa9: {  	[dreg:$0x3] =	wrdreg s5  }
0xaa: {  	[dreg:$0x4] =	wrdreg $0xC0  }
0xab: {  	_ =	task [dreg:s7], $0x5FFFF  }
0xac: {  	[dreg:$0x1] =	wrdreg $0xFFFFFFFF  }
0xad: {  	[dreg:$0x0] =	wrdreg $0x60  }
0xae: {  	[dreg:$0x2] =	wrdreg s24  }
0xaf: {  	[dreg:$0x3] =	wrdreg s2  }
0xb0: {  	[dreg:$0x4] =	wrdreg $0xB3000  }
0xb1: {  	[dreg:$0x5] =	wrdreg $0x9  }
0xb2: {  	_ =	task.clear_ibuf [dreg:s7], $0x6FFFF;
	_ =	strace $0x9000004C  }
0xb3: {  	s29 =	simm.s32 $0x9;
	_ =	strace $0x8000004E  }
0xb4: {  	_ =	swait.ge [sflag:s29], $0x1  }
0xb5: {  	[sflag:s29] =	ssyncadd.s32 $0xFFFFFFFF  }
0xb6: {  	_ =	strace $0x9000004E  }
0xb7: {  	_ =	sfence  }
0xb8: {  	s30 =	sld [smem:$0x0];
	_ =	sdelay $0x2  }
0xb9: {  	s31 =	sshll.u32 s1, $0xD;
	s1 =	sshrl.u32 s1, $0x2  }
0xba: {  	s3 =	sand.u32 $0x4000, s31;
	s1 =	sadd.s32 s1, s30  }
0xbb: {  	s0 =	sor.u32 s3, s0;
	s1 =	sshll.u32 s1, $0x11  }
0xbc: {  	s0 =	sor.u32 s1, s0  }
0xbd: {  	s0 =	sadd.s32 $0x8F2B, s0  }
0xbe: {  	[sflag:s0] =	ssyncadd.remote.s32 $0x1  }
0xbf: {  	_ =	sfence.sel $0xFFFF  }
0xc0: {  	[dreg:$0x0] =	wrdreg $0xFFFFFFFF;
	(pc) =	sbr.abs _section_cstart, $3  }
0xc1: {  	[dreg:$0x1] =	wrdreg $0xFFFFFFFF  }
0xc2: {  	_ =	task.clear_ibuf [dreg:s7], $0x2FFFF;
	_ =	strace $0x9FFFFFFF  }
0xc3: {  	(tm) =	ssettm $0x7FFFFFFF  }
tec
execute0_lowered:
.L_overlay_start_1:
0x0: {  	(tag) =	ssettag $0x1  }
0x1: {  	s0 =	rddreg [dreg:$0x0];
	s1 =	srdreg.scid  }
0x2: {  	s5 =	rddreg [dreg:$0x1];
	s9 =	stileid.u32  }
0x3: {  	s2 =	rddreg [dreg:$0x2];
	s3 =	simm.s32 $0x0;
	s6 =	smul.u32 $0x2710, s9  }
0x4: {  	s28 =	simm.s32 $0x6;
	s29 =	simm.s32 $0x1;
	s8 =	smul.u32 $0x14000, s9  }
0x5: {  	s30 =	simm.s32 $0x2;
	s1 =	sand.u32 $0x1, s1;
	s16 =	smul.u32 $0x50000, s9  }
0x6: {  	s31 =	simm.s32 $0x28;
	[smem:$0x7FF] =	sst s3;
	s4 =	smul.u32 $0x27100, s1  }
0x7: {  	s9 =	simm.s32 $0x5;
	s7 =	smul.u32 $0x140000, s1;
	s1 =	ssub.s32 $0x2, s1  }
0x8: {  	_ =	strace $0x8000004D;
	s10 =	sshrl.u32 s1, $0x1;
	s18 =	sshrl.u32 s16, $0x2  }
0x9: {  	s6 =	sadd.s32 s6, s4;
	s4 =	sadd.s32 $0x3E00, s0;
	s7 =	sadd.s32 s8, s7  }
0xa: {  	s1 =	ssub.s32 s1, s10;
	s6 =	sshrl.u32 s6, $0x3;
	s7 =	sshrl.u32 s7, $0x3  }
0xb: {  	s17 =	sadd.s32 s6, s0;
	s0 =	sadd.s32 s7, s0;
	s5 =	sadd.s32 s5, s6  }
0xc: {  	s7 =	sadd.s32 s18, s2;
	s19 =	sadd.s32 $0x67800, s17;
	[dreg:$0x5] =	wrdreg s5  }
0xd: {  	s8 =	simm.s32 $0x4;
	s20 =	sadd.s32 $0x1400, s7;
	[dreg:$0x4] =	wrdreg s19  }
0xe: {  	s10 =	simm.s32 $0x0;
	s21 =	sadd.s32 $0x2800, s7;
	[dreg:$0x6] =	wrdreg s20  }
0xf: {  	s6 =	simm.s32 $0x3;
	s22 =	sadd.s32 $0x3C00, s7;
	[dreg:$0x7] =	wrdreg s21  }
0x10: {  	s23 =	sadd.s32 $0x5000, s7;
	s24 =	sadd.s32 $0x6400, s7;
	[dreg:$0x8] =	wrdreg s22  }
0x11: {  	s25 =	sadd.s32 $0x7800, s7;
	s26 =	sadd.s32 $0x8C00, s7;
	[dreg:$0x9] =	wrdreg s23  }
0x12: {  	s15 =	sadd.s32 $0xA000, s7;
	s16 =	sadd.s32 $0xB400, s7;
	[dreg:$0xa] =	wrdreg s24  }
0x13: {  	s17 =	sadd.s32 $0xC800, s7;
	s18 =	sadd.s32 $0xDC00, s7;
	[dreg:$0xb] =	wrdreg s25  }
0x14: {  	s5 =	simm.s32 $0x9F00;
	[dreg:$0xc] =	wrdreg s26;
	s19 =	sadd.s32 $0xF000, s7  }
0x15: {  	s20 =	sadd.s32 $0x10400, s7;
	s21 =	sadd.s32 $0x11800, s7;
	s22 =	sadd.s32 $0x12C00, s7  }
0x16: {  	s23 =	sadd.s32 $0x71600, s0;
	s24 =	smax.u32 s1, $0x1;
	s26 =	simm.s32 $0x4F00  }
0x17: {  	v0 =	vimm.f32 $0.0e+00;
	s1 =	simm.s32 $0x6300;
	s25 =	simm.s32 $0x7700;
	s0 =	simm.s32 $0x8B00  }
.LBB2_1:
0x18: {  	s11 =	rddreg [dreg:$0x4]  }
0x19: {  	[tilespmem:s3], [sflag:$0x1] =	stream.linear.gather [hbm4b:s11+s3], $0x2710, $0x38;
	[tilespmem:$0x1F300] =	vst v63  }
0x1a: {  	s14 =	rddreg [dreg:$0x5];
	s12 =	simm.s32 $0x2780;
	s13 =	sand.u32 $0x7E00, s3  }
0x1b: {  	[tilespmem:s12], [sflag:$0x2] =	stream.linear.gather [hbm4b:s14+s3], $0x2710, $0x38;
	[tilespmem:$0x1F300] =	vst v63  }
0x1c: {  	s13 =	sshrl.u32 s13, $0x2;
	s14 =	sand.u32 $0x70, s3  }
0x1d: {  	s11 =	simm.s32 $0x40;
	s12 =	simm.s32 $0x0;
	s13 =	sor.u32 s14, s13  }
.LBB2_2:
0x1e: {  	p0 =	sne.s32 s11, $0x4FC0  }
0x1f: {  	[tilespmem:s13+$0x4F00] =	vst v0;
	s12 =	sadd.s32 $0x10, s12;
	s13 =	smov.u32 s11;
	s11 =	sadd.s32 $0x40, s11  }
.Ltmp0:
0x20: {  	(pc) =	sbr.rel @p0 .LBB2_2-.Ltmp0, $4  }
0x21: {  	_ = 	snop  }
0x22: {  	s13 =	sand.u32 $0x7E00, s13  }
0x23: {  	s14 =	sand.u32 $0x70, s12;
	s13 =	sshrl.u32 s13, $0x2  }
0x24: {  	s13 =	sor.u32 s14, s13  }
0x25: {  	[tilespmem:s13+$0x4F00] =	vst v0  }
0x26: {  	[spmem:s7] =	stream.linear.scatter [tilespmem:s26], [sflag:$0x6], $0x1400, $0x38;
	[tilespmem:$0x1F300] =	vst v63  }
0x27: {  	_ =	swait.ge [sflag:s28], $0x1400  }
0x28: {  	[sflag:s28] =	ssyncset.done $0x0  }
0x29: {  	s11 =	rddreg [dreg:$0x6];
	[sflag:s28] =	ssyncadd.s32 $0xFFFFEC00  }
0x2a: {  	[spmem:s11] =	stream.linear.scatter [tilespmem:s26], [sflag:$0x6], $0x1400, $0x38;
	[tilespmem:$0x1F300] =	vst v63  }
0x2b: {  	_ =	swait.ge [sflag:s28], $0x1400  }
0x2c: {  	[sflag:s28] =	ssyncset.done $0x0  }
0x2d: {  	s14 =	rddreg [dreg:$0x7];
	[sflag:s28] =	ssyncadd.s32 $0xFFFFEC00  }
0x2e: {  	[spmem:s14] =	stream.linear.scatter [tilespmem:s26], [sflag:$0x6], $0x1400, $0x38;
	[tilespmem:$0x1F300] =	vst v63  }
0x2f: {  	_ =	swait.ge [sflag:s28], $0x1400  }
0x30: {  	[sflag:s28] =	ssyncset.done $0x0  }
0x31: {  	s12 =	rddreg [dreg:$0x8];
	[sflag:s28] =	ssyncadd.s32 $0xFFFFEC00  }
0x32: {  	[spmem:s12] =	stream.linear.scatter [tilespmem:s26], [sflag:$0x6], $0x1400, $0x38;
	[tilespmem:$0x1F300] =	vst v63  }
0x33: {  	_ =	swait.ge [sflag:s28], $0x1400  }
0x34: {  	[sflag:s28] =	ssyncset.done $0x0  }
0x35: {  	s13 =	rddreg [dreg:$0x9];
	[sflag:s28] =	ssyncadd.s32 $0xFFFFEC00  }
0x36: {  	[spmem:s13] =	stream.linear.scatter [tilespmem:s26], [sflag:$0x6], $0x1400, $0x38;
	[tilespmem:$0x1F300] =	vst v63  }
0x37: {  	_ =	swait.ge [sflag:s28], $0x1400  }
0x38: {  	[sflag:s28] =	ssyncset.done $0x0  }
0x39: {  	s14 =	rddreg [dreg:$0xa];
	[sflag:s28] =	ssyncadd.s32 $0xFFFFEC00  }
0x3a: {  	[spmem:s14] =	stream.linear.scatter [tilespmem:s26], [sflag:$0x6], $0x1400, $0x38;
	[tilespmem:$0x1F300] =	vst v63  }
0x3b: {  	_ =	swait.ge [sflag:s28], $0x1400  }
0x3c: {  	[sflag:s28] =	ssyncset.done $0x0  }
0x3d: {  	s12 =	rddreg [dreg:$0xb];
	[sflag:s28] =	ssyncadd.s32 $0xFFFFEC00  }
0x3e: {  	[spmem:s12] =	stream.linear.scatter [tilespmem:s26], [sflag:$0x6], $0x1400, $0x38;
	[tilespmem:$0x1F300] =	vst v63  }
0x3f: {  	_ =	swait.ge [sflag:s28], $0x1400  }
0x40: {  	[sflag:s28] =	ssyncset.done $0x0  }
0x41: {  	s13 =	rddreg [dreg:$0xc];
	[sflag:s28] =	ssyncadd.s32 $0xFFFFEC00  }
0x42: {  	[spmem:s13] =	stream.linear.scatter [tilespmem:s26], [sflag:$0x6], $0x1400, $0x38;
	[tilespmem:$0x1F300] =	vst v63  }
0x43: {  	_ =	swait.ge [sflag:s28], $0x1400  }
0x44: {  	[sflag:s28] =	ssyncset.done $0x0  }
0x45: {  	[sflag:s28] =	ssyncadd.s32 $0xFFFFEC00  }
0x46: {  	[spmem:s15] =	stream.linear.scatter [tilespmem:s26], [sflag:$0x6], $0x1400, $0x38;
	[tilespmem:$0x1F300] =	vst v63  }
0x47: {  	_ =	swait.ge [sflag:s28], $0x1400  }
0x48: {  	[sflag:s28] =	ssyncset.done $0x0  }
0x49: {  	[sflag:s28] =	ssyncadd.s32 $0xFFFFEC00  }
0x4a: {  	[spmem:s16] =	stream.linear.scatter [tilespmem:s26], [sflag:$0x6], $0x1400, $0x38;
	[tilespmem:$0x1F300] =	vst v63  }
0x4b: {  	_ =	swait.ge [sflag:s28], $0x1400  }
0x4c: {  	[sflag:s28] =	ssyncset.done $0x0  }
0x4d: {  	[sflag:s28] =	ssyncadd.s32 $0xFFFFEC00  }
0x4e: {  	[spmem:s17] =	stream.linear.scatter [tilespmem:s26], [sflag:$0x6], $0x1400, $0x38;
	[tilespmem:$0x1F300] =	vst v63  }
0x4f: {  	_ =	swait.ge [sflag:s28], $0x1400  }
0x50: {  	[sflag:s28] =	ssyncset.done $0x0  }
0x51: {  	[sflag:s28] =	ssyncadd.s32 $0xFFFFEC00  }
0x52: {  	[spmem:s18] =	stream.linear.scatter [tilespmem:s26], [sflag:$0x6], $0x1400, $0x38;
	[tilespmem:$0x1F300] =	vst v63  }
0x53: {  	_ =	swait.ge [sflag:s28], $0x1400  }
0x54: {  	[sflag:s28] =	ssyncset.done $0x0  }
0x55: {  	[sflag:s28] =	ssyncadd.s32 $0xFFFFEC00  }
0x56: {  	[spmem:s19] =	stream.linear.scatter [tilespmem:s26], [sflag:$0x6], $0x1400, $0x38;
	[tilespmem:$0x1F300] =	vst v63  }
0x57: {  	_ =	swait.ge [sflag:s28], $0x1400  }
0x58: {  	[sflag:s28] =	ssyncset.done $0x0  }
0x59: {  	[sflag:s28] =	ssyncadd.s32 $0xFFFFEC00  }
0x5a: {  	[spmem:s20] =	stream.linear.scatter [tilespmem:s26], [sflag:$0x6], $0x1400, $0x38;
	[tilespmem:$0x1F300] =	vst v63  }
0x5b: {  	_ =	swait.ge [sflag:s28], $0x1400  }
0x5c: {  	[sflag:s28] =	ssyncset.done $0x0  }
0x5d: {  	[sflag:s28] =	ssyncadd.s32 $0xFFFFEC00  }
0x5e: {  	[spmem:s21] =	stream.linear.scatter [tilespmem:s26], [sflag:$0x6], $0x1400, $0x38;
	[tilespmem:$0x1F300] =	vst v63  }
0x5f: {  	_ =	swait.ge [sflag:s28], $0x1400  }
0x60: {  	[sflag:s28] =	ssyncset.done $0x0  }
0x61: {  	[sflag:s28] =	ssyncadd.s32 $0xFFFFEC00  }
0x62: {  	[spmem:s22] =	stream.linear.scatter [tilespmem:s26], [sflag:$0x6], $0x1400, $0x38;
	[tilespmem:$0x1F300] =	vst v63  }
0x63: {  	_ =	swait.ge [sflag:s28], $0x1400  }
0x64: {  	[sflag:s28] =	ssyncset.done $0x0  }
0x65: {  	[sflag:s28] =	ssyncadd.s32 $0xFFFFEC00  }
0x66: {  	_ =	swait.ge [sflag:s29], $0x2710  }
0x67: {  	[sflag:s29] =	ssyncset.done $0x0  }
0x68: {  	[sflag:s29] =	ssyncadd.s32 $0xFFFFD8F0  }
0x69: {  	_ =	swait.ge [sflag:s30], $0x2710  }
0x6a: {  	[sflag:s30] =	ssyncset.done $0x0  }
0x6b: {  	[sflag:s30] =	ssyncadd.s32 $0xFFFFD8F0  }
0x6c: {  	s14 =	simm.s32 $0x0;
	[bflag:$0x0] =	sbarrier.arrive $0xFFFF  }
0x6d: {  	[tilespmem:s26], [sflag:$0x1] =	stream.indirect.gather [hbm4b:s4+s31], $0x80, s14, s31, $0xb8;
	[tilespmem:$0x1F300] =	vst v63  }
0x6e: {  	_ = 	snop  }
0x6f: {  	[tilespmem:s1], [sflag:$0x2] =	stream.indirect.gather [hbm4b:s4+s31], $0x80, s31, s31, $0xb8;
	[tilespmem:$0x1F300] =	vst v63  }
0x70: {  	s12 =	simm.s32 $0x50  }
0x71: {  	[tilespmem:s25], [sflag:$0x3] =	stream.indirect.gather [hbm4b:s4+s31], $0x80, s12, s31, $0xb8;
	[tilespmem:$0x1F300] =	vst v63  }
0x72: {  	s13 =	simm.s32 $0x78  }
0x73: {  	[tilespmem:s0], [sflag:$0x4] =	stream.indirect.gather [hbm4b:s4+s31], $0x80, s13, s31, $0xb8;
	[tilespmem:$0x1F300] =	vst v63  }
0x74: {  	s14 =	simm.s32 $0xA0  }
0x75: {  	[tilespmem:s5], [sflag:$0x5] =	stream.indirect.gather [hbm4b:s4+s31], $0x80, s14, s31, $0xb8;
	[tilespmem:$0x1F300] =	vst v63  }
0x76: {  	_ =	swait.ge [sflag:s29], $0x1400  }
0x77: {  	[sflag:s29] =	ssyncset.done $0x0  }
0x78: {  	s12 =	simm.s32 $0x2780;
	[sflag:s29] =	ssyncadd.s32 $0xFFFFEC00  }
0x79: {  	[spmem:s2] =	stream.indirect.scatter.add.f32 [tilespmem:s26], [sflag:$0x6], $0x80, s12, s31, $0xb8;
	[tilespmem:$0x1F300] =	vst v63  }
0x7a: {  	_ =	swait.ge [sflag:s28], $0x1400  }
0x7b: {  	[sflag:s28] =	ssyncset.done $0x0  }
0x7c: {  	s13 =	simm.s32 $0xC8;
	[sflag:s28] =	ssyncadd.s32 $0xFFFFEC00  }
0x7d: {  	[tilespmem:s26], [sflag:$0x1] =	stream.indirect.gather [hbm4b:s4+s31], $0x80, s13, s31, $0xb8;
	[tilespmem:$0x1F300] =	vst v63  }
0x7e: {  	_ =	swait.ge [sflag:s30], $0x1400  }
0x7f: {  	[sflag:s30] =	ssyncset.done $0x0  }
0x80: {  	s14 =	simm.s32 $0x27A8;
	[sflag:s30] =	ssyncadd.s32 $0xFFFFEC00  }
0x81: {  	[spmem:s2] =	stream.indirect.scatter.add.f32 [tilespmem:s1], [sflag:$0x6], $0x80, s14, s31, $0xb8;
	[tilespmem:$0x1F300] =	vst v63  }
0x82: {  	_ =	swait.ge [sflag:s28], $0x1400  }
0x83: {  	[sflag:s28] =	ssyncset.done $0x0  }
0x84: {  	s12 =	simm.s32 $0xF0;
	[sflag:s28] =	ssyncadd.s32 $0xFFFFEC00  }
0x85: {  	[tilespmem:s1], [sflag:$0x2] =	stream.indirect.gather [hbm4b:s4+s31], $0x80, s12, s31, $0xb8;
	[tilespmem:$0x1F300] =	vst v63  }
0x86: {  	_ =	swait.ge [sflag:s6], $0x1400  }
0x87: {  	[sflag:s6] =	ssyncset.done $0x0  }
0x88: {  	s13 =	simm.s32 $0x27D0;
	[sflag:s6] =	ssyncadd.s32 $0xFFFFEC00  }
0x89: {  	[spmem:s2] =	stream.indirect.scatter.add.f32 [tilespmem:s25], [sflag:$0x6], $0x80, s13, s31, $0xb8;
	[tilespmem:$0x1F300] =	vst v63  }
0x8a: {  	_ =	swait.ge [sflag:s28], $0x1400  }
0x8b: {  	[sflag:s28] =	ssyncset.done $0x0  }
0x8c: {  	s14 =	simm.s32 $0x118;
	[sflag:s28] =	ssyncadd.s32 $0xFFFFEC00  }
0x8d: {  	[tilespmem:s25], [sflag:$0x3] =	stream.indirect.gather [hbm4b:s4+s31], $0x80, s14, s31, $0xb8;
	[tilespmem:$0x1F300] =	vst v63  }
0x8e: {  	_ =	swait.ge [sflag:s8], $0x1400  }
0x8f: {  	[sflag:s8] =	ssyncset.done $0x0  }
0x90: {  	s12 =	simm.s32 $0x27F8;
	[sflag:s8] =	ssyncadd.s32 $0xFFFFEC00  }
0x91: {  	[spmem:s2] =	stream.indirect.scatter.add.f32 [tilespmem:s0], [sflag:$0x6], $0x80, s12, s31, $0xb8;
	[tilespmem:$0x1F300] =	vst v63  }
0x92: {  	_ =	swait.ge [sflag:s28], $0x1400  }
0x93: {  	[sflag:s28] =	ssyncset.done $0x0  }
0x94: {  	s13 =	simm.s32 $0x140;
	[sflag:s28] =	ssyncadd.s32 $0xFFFFEC00  }
0x95: {  	[tilespmem:s0], [sflag:$0x4] =	stream.indirect.gather [hbm4b:s4+s31], $0x80, s13, s31, $0xb8;
	[tilespmem:$0x1F300] =	vst v63  }
0x96: {  	_ =	swait.ge [sflag:s9], $0x1400  }
0x97: {  	[sflag:s9] =	ssyncset.done $0x0  }
0x98: {  	s14 =	simm.s32 $0x2820;
	[sflag:s9] =	ssyncadd.s32 $0xFFFFEC00  }
0x99: {  	[spmem:s2] =	stream.indirect.scatter.add.f32 [tilespmem:s5], [sflag:$0x6], $0x80, s14, s31, $0xb8;
	[tilespmem:$0x1F300] =	vst v63  }
0x9a: {  	_ =	swait.ge [sflag:s28], $0x1400  }
0x9b: {  	[sflag:s28] =	ssyncset.done $0x0  }
0x9c: {  	s11 =	simm.s32 $0x320;
	s12 =	simm.s32 $0x168;
	[sflag:s28] =	ssyncadd.s32 $0xFFFFEC00  }
.LBB2_4:
0x9d: {  	[tilespmem:s5], [sflag:$0x5] =	stream.indirect.gather [hbm4b:s4+s31], $0x80, s12, s31, $0xb8;
	[tilespmem:$0x1F300] =	vst v63  }
0x9e: {  	s12 =	smov.u32 s11  }
0x9f: {  	p0 =	sne.s32 s11, $0x9600;
	s11 =	sadd.s32 $0x320, s11;
	_ =	swait.ge [sflag:s29], $0x1400  }
0xa0: {  	s12 =	sshra.s32 s12, $0x2;
	[sflag:s29] =	ssyncset.done $0x0  }
0xa1: {  	s13 =	sadd.s32 $0x2780, s12;
	[sflag:s29] =	ssyncadd.s32 $0xFFFFEC00  }
0xa2: {  	[spmem:s2] =	stream.indirect.scatter.add.f32 [tilespmem:s26], [sflag:$0x6], $0x80, s13, s31, $0xb8;
	[tilespmem:$0x1F300] =	vst v63  }
0xa3: {  	_ =	swait.ge [sflag:s28], $0x1400  }
0xa4: {  	[sflag:s28] =	ssyncset.done $0x0  }
0xa5: {  	s13 =	sadd.s32 $0xC8, s12;
	[sflag:s28] =	ssyncadd.s32 $0xFFFFEC00  }
0xa6: {  	[tilespmem:s26], [sflag:$0x1] =	stream.indirect.gather [hbm4b:s4+s31], $0x80, s13, s31, $0xb8;
	[tilespmem:$0x1F300] =	vst v63  }
0xa7: {  	_ =	swait.ge [sflag:s30], $0x1400  }
0xa8: {  	[sflag:s30] =	ssyncset.done $0x0  }
0xa9: {  	s13 =	sadd.s32 $0x27A8, s12;
	[sflag:s30] =	ssyncadd.s32 $0xFFFFEC00  }
0xaa: {  	[spmem:s2] =	stream.indirect.scatter.add.f32 [tilespmem:s1], [sflag:$0x6], $0x80, s13, s31, $0xb8;
	[tilespmem:$0x1F300] =	vst v63  }
0xab: {  	_ =	swait.ge [sflag:s28], $0x1400  }
0xac: {  	[sflag:s28] =	ssyncset.done $0x0  }
0xad: {  	s13 =	sadd.s32 $0xF0, s12;
	[sflag:s28] =	ssyncadd.s32 $0xFFFFEC00  }
0xae: {  	[tilespmem:s1], [sflag:$0x2] =	stream.indirect.gather [hbm4b:s4+s31], $0x80, s13, s31, $0xb8;
	[tilespmem:$0x1F300] =	vst v63  }
0xaf: {  	_ =	swait.ge [sflag:s6], $0x1400  }
0xb0: {  	[sflag:s6] =	ssyncset.done $0x0  }
0xb1: {  	s13 =	sadd.s32 $0x27D0, s12;
	[sflag:s6] =	ssyncadd.s32 $0xFFFFEC00  }
0xb2: {  	[spmem:s2] =	stream.indirect.scatter.add.f32 [tilespmem:s25], [sflag:$0x6], $0x80, s13, s31, $0xb8;
	[tilespmem:$0x1F300] =	vst v63  }
0xb3: {  	_ =	swait.ge [sflag:s28], $0x1400  }
0xb4: {  	[sflag:s28] =	ssyncset.done $0x0  }
0xb5: {  	s13 =	sadd.s32 $0x118, s12;
	[sflag:s28] =	ssyncadd.s32 $0xFFFFEC00  }
0xb6: {  	[tilespmem:s25], [sflag:$0x3] =	stream.indirect.gather [hbm4b:s4+s31], $0x80, s13, s31, $0xb8;
	[tilespmem:$0x1F300] =	vst v63  }
0xb7: {  	_ =	swait.ge [sflag:s8], $0x1400  }
0xb8: {  	[sflag:s8] =	ssyncset.done $0x0  }
0xb9: {  	s13 =	sadd.s32 $0x27F8, s12;
	[sflag:s8] =	ssyncadd.s32 $0xFFFFEC00  }
0xba: {  	[spmem:s2] =	stream.indirect.scatter.add.f32 [tilespmem:s0], [sflag:$0x6], $0x80, s13, s31, $0xb8;
	[tilespmem:$0x1F300] =	vst v63  }
0xbb: {  	_ =	swait.ge [sflag:s28], $0x1400  }
0xbc: {  	[sflag:s28] =	ssyncset.done $0x0  }
0xbd: {  	s13 =	sadd.s32 $0x140, s12;
	[sflag:s28] =	ssyncadd.s32 $0xFFFFEC00  }
0xbe: {  	[tilespmem:s0], [sflag:$0x4] =	stream.indirect.gather [hbm4b:s4+s31], $0x80, s13, s31, $0xb8;
	[tilespmem:$0x1F300] =	vst v63  }
0xbf: {  	_ =	swait.ge [sflag:s9], $0x1400  }
0xc0: {  	[sflag:s9] =	ssyncset.done $0x0  }
.Ltmp1:
0xc1: {  	s13 =	sadd.s32 $0x2820, s12;
	[sflag:s9] =	ssyncadd.s32 $0xFFFFEC00;
	(pc) =	sbr.rel @p0 .LBB2_4-.Ltmp1, $4  }
0xc2: {  	[spmem:s2] =	stream.indirect.scatter.add.f32 [tilespmem:s5], [sflag:$0x6], $0x80, s13, s31, $0xb8;
	[tilespmem:$0x1F300] =	vst v63  }
0xc3: {  	_ =	swait.ge [sflag:s28], $0x1400  }
0xc4: {  	[sflag:s28] =	ssyncset.done $0x0  }
0xc5: {  	s12 =	sadd.s32 $0x168, s12;
	[sflag:s28] =	ssyncadd.s32 $0xFFFFEC00  }
0xc6: {  	[tilespmem:s5], [sflag:$0x5] =	stream.indirect.gather [hbm4b:s4+s31], $0x80, s12, s31, $0xb8;
	[tilespmem:$0x1F300] =	vst v63  }
0xc7: {  	_ =	swait.ge [sflag:s29], $0x1400  }
0xc8: {  	[sflag:s29] =	ssyncset.done $0x0  }
0xc9: {  	s11 =	simm.s32 $0x4DC8;
	[sflag:s29] =	ssyncadd.s32 $0xFFFFEC00  }
0xca: {  	[spmem:s2] =	stream.indirect.scatter.add.f32 [tilespmem:s26], [sflag:$0x6], $0x80, s11, s31, $0xb8;
	[tilespmem:$0x1F300] =	vst v63  }
0xcb: {  	_ =	swait.ge [sflag:s28], $0x1400  }
0xcc: {  	[sflag:s28] =	ssyncset.done $0x0  }
0xcd: {  	[sflag:s28] =	ssyncadd.s32 $0xFFFFEC00  }
0xce: {  	_ =	swait.ge [sflag:s30], $0x1400  }
0xcf: {  	[sflag:s30] =	ssyncset.done $0x0  }
0xd0: {  	s12 =	simm.s32 $0x4DF0;
	[sflag:s30] =	ssyncadd.s32 $0xFFFFEC00  }
0xd1: {  	[spmem:s2] =	stream.indirect.scatter.add.f32 [tilespmem:s1], [sflag:$0x6], $0x80, s12, s31, $0xb8;
	[tilespmem:$0x1F300] =	vst v63  }
0xd2: {  	_ =	swait.ge [sflag:s28], $0x1400  }
0xd3: {  	[sflag:s28] =	ssyncset.done $0x0  }
0xd4: {  	[sflag:s28] =	ssyncadd.s32 $0xFFFFEC00  }
0xd5: {  	_ =	swait.ge [sflag:s6], $0x1400  }
0xd6: {  	[sflag:s6] =	ssyncset.done $0x0  }
0xd7: {  	s13 =	simm.s32 $0x4E18;
	[sflag:s6] =	ssyncadd.s32 $0xFFFFEC00  }
0xd8: {  	[spmem:s2] =	stream.indirect.scatter.add.f32 [tilespmem:s25], [sflag:$0x6], $0x80, s13, s31, $0xb8;
	[tilespmem:$0x1F300] =	vst v63  }
0xd9: {  	_ =	swait.ge [sflag:s28], $0x1400  }
0xda: {  	[sflag:s28] =	ssyncset.done $0x0  }
0xdb: {  	[sflag:s28] =	ssyncadd.s32 $0xFFFFEC00  }
0xdc: {  	_ =	swait.ge [sflag:s8], $0x1400  }
0xdd: {  	[sflag:s8] =	ssyncset.done $0x0  }
0xde: {  	s14 =	simm.s32 $0x4E40;
	[sflag:s8] =	ssyncadd.s32 $0xFFFFEC00  }
0xdf: {  	[spmem:s2] =	stream.indirect.scatter.add.f32 [tilespmem:s0], [sflag:$0x6], $0x80, s14, s31, $0xb8;
	[tilespmem:$0x1F300] =	vst v63  }
0xe0: {  	_ =	swait.ge [sflag:s28], $0x1400  }
0xe1: {  	[sflag:s28] =	ssyncset.done $0x0  }
0xe2: {  	[sflag:s28] =	ssyncadd.s32 $0xFFFFEC00  }
0xe3: {  	_ =	swait.ge [sflag:s9], $0x1400  }
0xe4: {  	[sflag:s9] =	ssyncset.done $0x0  }
0xe5: {  	s12 =	simm.s32 $0x4E68;
	[sflag:s9] =	ssyncadd.s32 $0xFFFFEC00  }
0xe6: {  	[spmem:s2] =	stream.indirect.scatter.add.f32 [tilespmem:s5], [sflag:$0x6], $0x80, s12, s31, $0xb8;
	[tilespmem:$0x1F300] =	vst v63  }
0xe7: {  	s13 =	stileid.u32;
	_ =	swait.ge [sflag:s28], $0x1400  }
0xe8: {  	s10 =	sadd.s32 $0x1, s10;
	s11 =	sshll.u32 s13, $0x6;
	[sflag:s28] =	ssyncset.done $0x0  }
0xe9: {  	p0 =	sne.s32 s10, s24;
	s11 =	sor.u32 $0x1C06, s11;
	[sflag:s28] =	ssyncadd.s32 $0xFFFFEC00  }
.Ltmp2:
0xea: {  	s14 =	sshrl.u32 s7, $0x3;
	[bflag:$0x0] =	sbarrier.arrive $0xFFFF;
	(pc) =	sbr.rel @p0 .LBB2_1-.Ltmp2, $4  }
0xeb: {  	[hbm:s23], [sflag:s11] =	dma.local [spmem:s14], $0x2800  }
0xec: {  	_ =	swait.ge [sflag:s28], $0x2800  }
0xed: {  	[sflag:s28] =	ssyncset.done $0x0  }
0xee: {  	[sflag:s28] =	ssyncadd.s32 $0xFFFFD800  }
0xef: {  	_ =	sfence.sel $0x180000  }
0xf0: {  	[bflag:$0x0] =	sbarrier.arrive $0xFFFF  }
0xf1: {  	_ =	strace $0x9000004D  }
0xf2: {  	s0 =	stileid.u32;
	[bflag:$0x2] =	sbarrier.arrive $0xFFFF  }
0xf3: {  	p0 =	sne.s32 s0, $0x0;
	s0 =	rddreg [dreg:$0x3]  }
0xf4: {  	s0 =	sadd.s32 @!p0 $0x100000, s0  }
0xf5: {  	[sflag:s0] =	ssyncadd.tile.s32 @!p0 $0x1;
	_ =	shalt  }
.Lfunc_end2:
_tile_overlayer_lowered:
.L_overlay_start_2:
0xf6: {  	(tag) =	ssettag $0x2  }
0xf7: {  	s0 =	rddreg [dreg:$0x0];
	s2 =	stileid.u32  }
0xf8: {  	s1 =	rddreg [dreg:$0x1];
	p0 =	sne.s32 s2, $0x0  }
0xf9: {  	s3 =	rddreg [dreg:$0x2];
	[bflag:$0x3] =	sbarrier.arrive $0xFFFF;
	s2 =	simm.s32 @!p0 $0x1C06  }
0xfa: {  	[timem:s3], [sflag:s2] =	dma.local @!p0 [hbm:s0], s1  }
0xfb: {  	s0 =	simm.s32 @!p0 $0x6  }
0xfc: {  	_ =	swait.ge @!p0 [sflag:s0], s1  }
0xfd: {  	s1 =	ssub.s32 @!p0 $0x0, s1;
	[sflag:s0] =	ssyncset.done @!p0 $0x0  }
0xfe: {  	[sflag:s0] =	ssyncadd.s32 @!p0 s1  }
0xff: {  	[bflag:$0x3] =	sbarrier.arrive $0xFFFF  }
0x100: {  	_ =	shalt  }

// kernel: kernel.19.cloned.1.call-start
scs
__scs_entry_jumppad:
0x0: {  	(pc) =	sbr.rel $0x88, $3  }
0x1: {  	(tag) =	ssettag $0x0;
	lr =	simm.s32 $0x1  }
0x2: {  	[smem:$0x3F94] =	sst lr;
	_ =	strace $0xD0000000  }
0x3: {  	_ = 	snop  }
0x4: {  	_ = 	snop  }
0x5: {  	_ = 	snop  }
0x6: {  	_ = 	snop  }
0x7: {  	_ = 	snop  }
__scs_overlays_trampoline_lowered:
0x8: {  	[smem:$0x3FA3] =	sst s0  }
0x9: {  	[smem:$0x3FA4] =	sst s1  }
0xa: {  	[smem:$0x3FA5] =	sst s2  }
0xb: {  	[smem:$0x3FA6] =	sst s3  }
0xc: {  	[smem:$0x3FA7] =	sst s4  }
0xd: {  	[smem:$0x3FA8] =	sst s5  }
0xe: {  	[smem:$0x3FA9] =	sst s6  }
0xf: {  	[smem:$0x3FAA] =	sst s7  }
0x10: {  	[smem:$0x3FAB] =	sst s8  }
0x11: {  	[smem:$0x3FAC] =	sst s9;
	s0 =	simm.s32 @!p0 $0x0  }
0x12: {  	s1 =	sld [smem:$0x3F92];
	s0 =	simm.s32 @p0 $0x1  }
0x13: {  	[smem:$0x3FAD] =	sst s0;
	s0 =	simm.s32 @!p1 $0x0  }
0x14: {  	s2 =	sld [smem:$0x3F91];
	s0 =	simm.s32 @p1 $0x1  }
0x15: {  	[smem:$0x3FAE] =	sst s0;
	s0 =	simm.s32 @!p2 $0x0  }
0x16: {  	s3 =	sld [smem:$0x3FDB];
	s0 =	simm.s32 @p2 $0x1  }
0x17: {  	s4 =	simm.s32 $0x1BF5;
	[smem:$0x3FB0] =	sst s0  }
0x18: {  	s0 =	sld [smem:$0x3F93];
	_ =	swait.ge [sflag:s4], $0x0  }
0x19: {  	s7 =	sld [smem:$0x3F94]  }
0x1a: {  	s8 =	sadd.s32 $0xFFFFE003, lr  }
0x1b: {  	s9 =	sadd.s32 $0xFFFFFEF7, lr;
	s5 =	simm.s32 $0xFFFFFFFF;
	p2 =	slt.u32 s8, $0xFFFFF086  }
0x1c: {  	p1 =	slt.u32 s9, $0xF7A;
	s5 =	simm.s32 @!p2 $0x0  }
0x1d: {  	s5 =	simm.s32 @p1 $0x1;
	p0 =	seq.s32 s7, s2  }
0x1e: {  	s7 =	smul.u32 @!p0 $0xF7A, s2;
	p2 =	seq.s32 @!p0 s5, $0x0  }
0x1f: {  	s9 =	smul.u32 $0xF7A, s1;
	s8 =	simm.s32 @!p0 $0x1BF5;
	p2 =	por !p2, p0  }
0x20: {  	[sflag:s8] =	ssyncset.s32 @!p0 $0xFFFFF086;
	s6 =	sadd.s32 @!p0 s3, s7;
	s7 =	simm.s32 @!p0 $0x108  }
0x21: {  	s3 =	sadd.s32 s3, s9;
	s6 =	sadd.s32 @!p0 $0x88, s6;
	s7 =	simm.s32 @p2 $0x1082  }
0x22: {  	[simem:s7], [sflag:s8] =	dma.local @!p0 [hbm:s6], $0xF7A  }
0x23: {  	s9 =	sor.u32 $0xD0000000, s2;
	s6 =	simm.s32 $0x108;
	_ =	swait.ge @!p0 [sflag:s8], $0x0  }
0x24: {  	s3 =	sadd.s32 $0x88, s3;
	s6 =	simm.s32 @!p1 $0x1082;
	[sflag:s4] =	ssyncset.s32 $0xFFFFF086  }
0x25: {  	[simem:s6], [sflag:s4] =	dma.local [hbm:s3], $0xF7A  }
0x26: {  	[smem:$0x3F94] =	sst s1;
	(tag) =	ssettag s2;
	_ =	strace s9  }
0x27: {  	s1 =	sld [smem:$0x3FA4]  }
0x28: {  	s2 =	sld [smem:$0x3FA5]  }
0x29: {  	s4 =	sld [smem:$0x3FA7]  }
0x2a: {  	p0 =	seq.s32 s5, $0x0;
	s5 =	sld [smem:$0x3FA8]  }
0x2b: {  	s6 =	sld [smem:$0x3FA9]  }
0x2c: {  	s7 =	sld [smem:$0x3FAA]  }
0x2d: {  	s3 =	simm.s32 $0x108;
	s8 =	sld [smem:$0x3FAB]  }
0x2e: {  	s3 =	simm.s32 @!p0 $0x1082;
	s9 =	sld [smem:$0x3FAC]  }
0x2f: {  	lr =	sadd.s32 s0, s3;
	s0 =	sld [smem:$0x3FA3]  }
0x30: {  	s3 =	sld [smem:$0x3FA6]  }
0x31: {  	[smem:$0x3FAF] =	sst s10  }
0x32: {  	s10 =	sld [smem:$0x3FAD];
	_ =	sdelay $0x3  }
0x33: {  	p0 =	seq.s32 s10, $0x1;
	s10 =	sld [smem:$0x3FAF];
	_ =	sdelay $0x3  }
0x34: {  	[smem:$0x3FAF] =	sst s10  }
0x35: {  	s10 =	sld [smem:$0x3FAE];
	_ =	sdelay $0x3  }
0x36: {  	p1 =	seq.s32 s10, $0x1;
	s10 =	sld [smem:$0x3FAF];
	_ =	sdelay $0x3  }
0x37: {  	[smem:$0x3FAF] =	sst s10  }
0x38: {  	s10 =	sld [smem:$0x3FB0]  }
0x39: {  	_ = 	snop;
	(pc) =	sbr.ind lr, $3  }
0x3a: {  	_ = 	snop  }
0x3b: {  	_ = 	snop  }
0x3c: {  	p2 =	seq.s32 s10, $0x1;
	s10 =	sld [smem:$0x3FAF]  }
0x3d: {  	_ =	shalt  }
0x3e: {  	_ =	shalt  }
0x3f: {  	_ =	shalt  }
0x40: {  	_ =	shalt  }
0x41: {  	_ =	shalt  }
0x42: {  	_ =	shalt  }
0x43: {  	_ =	shalt  }
0x44: {  	_ =	shalt  }
0x45: {  	_ =	shalt  }
0x46: {  	_ =	shalt  }
0x47: {  	_ =	shalt  }
0x48: {  	_ =	shalt  }
0x49: {  	_ =	shalt  }
0x4a: {  	_ =	shalt  }
0x4b: {  	_ =	shalt  }
0x4c: {  	_ =	shalt  }
0x4d: {  	_ =	shalt  }
0x4e: {  	_ =	shalt  }
0x4f: {  	_ =	shalt  }
0x50: {  	_ =	shalt  }
0x51: {  	_ =	shalt  }
0x52: {  	_ =	shalt  }
0x53: {  	_ =	shalt  }
0x54: {  	_ =	shalt  }
0x55: {  	_ =	shalt  }
0x56: {  	_ =	shalt  }
0x57: {  	_ =	shalt  }
0x58: {  	_ =	shalt  }
0x59: {  	_ =	shalt  }
0x5a: {  	_ =	shalt  }
0x5b: {  	_ =	shalt  }
0x5c: {  	_ =	shalt  }
0x5d: {  	_ =	shalt  }
0x5e: {  	_ =	shalt  }
0x5f: {  	_ =	shalt  }
0x60: {  	_ =	shalt  }
0x61: {  	_ =	shalt  }
0x62: {  	_ =	shalt  }
0x63: {  	_ =	shalt  }
0x64: {  	_ =	shalt  }
0x65: {  	_ =	shalt  }
0x66: {  	_ =	shalt  }
0x67: {  	_ =	shalt  }
0x68: {  	_ =	shalt  }
0x69: {  	_ =	shalt  }
0x6a: {  	_ =	shalt  }
0x6b: {  	_ =	shalt  }
0x6c: {  	_ =	shalt  }
0x6d: {  	_ =	shalt  }
0x6e: {  	_ =	shalt  }
0x6f: {  	_ =	shalt  }
0x70: {  	_ =	shalt  }
0x71: {  	_ =	shalt  }
0x72: {  	_ =	shalt  }
0x73: {  	_ =	shalt  }
0x74: {  	_ =	shalt  }
0x75: {  	_ =	shalt  }
0x76: {  	_ =	shalt  }
0x77: {  	_ =	shalt  }
0x78: {  	_ =	shalt  }
0x79: {  	_ =	shalt  }
0x7a: {  	_ =	shalt  }
0x7b: {  	_ =	shalt  }
0x7c: {  	_ =	shalt  }
0x7d: {  	_ =	shalt  }
0x7e: {  	_ =	shalt  }
0x7f: {  	_ =	shalt  }
0x80: {  	_ =	shalt  }
0x81: {  	_ =	shalt  }
0x82: {  	_ =	shalt  }
0x83: {  	_ =	shalt  }
0x84: {  	_ =	shalt  }
0x85: {  	_ =	shalt  }
0x86: {  	_ =	shalt  }
0x87: {  	_ =	shalt  }
.Lfunc_end0:
.L_simem_size_0:
called_computation.3_lowered:
.L_overlay_start_0:
0x88: {  	s2 =	sld [smem:$0x3FD9]  }
0x89: {  	s3 =	sld [smem:$0x3FFE];
	_ =	sdelay $0x1  }
0x8a: {  	s1 =	srdreg.scid  }
0x8b: {  	s0 =	sand.u32 $0x1, s1  }
0x8c: {  	s17 =	sshll.u32 s0, $0xA;
	s2 =	sadd.s32 s3, s2  }
0x8d: {  	s2 =	sadd.s32 s2, s17  }
0x8e: {  	[smem:$0x3FBB] =	sst s2  }
0x8f: {  	_ = 	snop  }
0x90: {  	s2 =	sld [smem:$0x3FD0];
	(tm) =	ssettm $0x1  }
0x91: {  	s18 =	sld [smem:$0x3FFB];
	_ =	sdelay $0x3  }
0x92: {  	_ =	strace s18  }
0x93: {  	s3 =	sld [smem:$0x3FFC];
	_ =	sdelay $0x3  }
0x94: {  	_ =	strace s3  }
0x95: {  	s3 =	sld [smem:$0x3FFD];
	_ =	sdelay $0x3  }
0x96: {  	_ =	strace s3  }
0x97: {  	_ =	strace $0x8FFFFFFF  }
0x98: {  	s19 =	sld [smem:$0x3FDB];
	_ =	sdelay $0x1  }
0x99: {  	s4 =	simm.s32 $_scs_section_size  }
0x9a: {  	s5 =	simm.s32 $_size__tile_overlayer_lowered;
	s6 =	simm.s32 $_tile_overlayer_lowered  }
0x9b: {  	s22 =	simm.s32 $0x1BFF;
	s21 =	sshll.u32 s6, $0x1;
	s3 =	sadd.s32 s4, s19  }
0x9c: {  	s7 =	simm.s32 $0x0;
	s20 =	sshll.u32 s5, $0x1;
	s5 =	sadd.s32 s21, s3  }
0x9d: {  	[timem:s7], [sflag:s22] =	dma.local [hbm:s5], s20  }
0x9e: {  	_ =	swait.ge [sflag:s22], s20  }
0x9f: {  	s4 =	ssub.s32 $0x0, s20;
	[sflag:s22] =	ssyncset.done $0x0  }
0xa0: {  	[sflag:s22] =	ssyncadd.s32 s4;
	_ =	sdelay $0x1  }
0xa1: {  	s23 =	simm.s32 $0x1B8B  }
0xa2: {  	_ =	swait.ge [sflag:s23], $0x1  }
0xa3: {  	[sflag:s23] =	ssyncset.done $0x0  }
0xa4: {  	s25 =	simm.s32 $0x1B8E;
	s24 =	sld [smem:$0x3FFE];
	[sflag:s23] =	ssyncadd.s32 $0xFFFFFFFF  }
0xa5: {  	s26 =	simm.s32 $execute0_lowered;
	[smem:$0x3FD2] =	sst s25  }
0xa6: {  	s5 =	sshll.u32 s26, $0x1;
	_ =	strace $0x8000004F;
	[dreg:$0x1] =	wrdreg $0xFFFFFFFF  }
0xa7: {  	s28 =	simm.s32 $_size_execute0_lowered;
	s3 =	sadd.s32 s3, s5;
	[dreg:$0x0] =	wrdreg $0x0  }
0xa8: {  	s5 =	sshll.u32 s28, $0x1;
	[dreg:$0x2] =	wrdreg s3  }
0xa9: {  	[dreg:$0x3] =	wrdreg s5  }
0xaa: {  	[dreg:$0x4] =	wrdreg $0xC0  }
0xab: {  	_ =	task [dreg:s7], $0x5FFFF  }
0xac: {  	[dreg:$0x1] =	wrdreg $0xFFFFFFFF  }
0xad: {  	[dreg:$0x0] =	wrdreg $0x60  }
0xae: {  	[dreg:$0x2] =	wrdreg s24  }
0xaf: {  	[dreg:$0x3] =	wrdreg s2  }
0xb0: {  	[dreg:$0x4] =	wrdreg $0xB3000  }
0xb1: {  	[dreg:$0x5] =	wrdreg $0x9  }
0xb2: {  	_ =	task.clear_ibuf [dreg:s7], $0x6FFFF;
	_ =	strace $0x9000004F  }
0xb3: {  	s29 =	simm.s32 $0x9;
	_ =	strace $0x80000051  }
0xb4: {  	_ =	swait.ge [sflag:s29], $0x1  }
0xb5: {  	[sflag:s29] =	ssyncadd.s32 $0xFFFFFFFF  }
0xb6: {  	_ =	strace $0x90000051  }
0xb7: {  	_ =	sfence  }
0xb8: {  	s30 =	sld [smem:$0x0];
	_ =	sdelay $0x2  }
0xb9: {  	s31 =	sshll.u32 s1, $0xD;
	s1 =	sshrl.u32 s1, $0x2  }
0xba: {  	s3 =	sand.u32 $0x4000, s31;
	s1 =	sadd.s32 s1, s30  }
0xbb: {  	s0 =	sor.u32 s3, s0;
	s1 =	sshll.u32 s1, $0x11  }
0xbc: {  	s0 =	sor.u32 s1, s0  }
0xbd: {  	s0 =	sadd.s32 $0x8F2B, s0  }
0xbe: {  	[sflag:s0] =	ssyncadd.remote.s32 $0x1  }
0xbf: {  	_ =	sfence.sel $0xFFFF  }
0xc0: {  	[dreg:$0x0] =	wrdreg $0xFFFFFFFF;
	(pc) =	sbr.abs _section_cstart, $3  }
0xc1: {  	[dreg:$0x1] =	wrdreg $0xFFFFFFFF  }
0xc2: {  	_ =	task.clear_ibuf [dreg:s7], $0x2FFFF;
	_ =	strace $0x9FFFFFFF  }
0xc3: {  	(tm) =	ssettm $0x7FFFFFFF  }
tec
execute0_lowered:
.L_overlay_start_1:
0x0: {  	(tag) =	ssettag $0x1  }
0x1: {  	s0 =	rddreg [dreg:$0x0];
	s1 =	srdreg.scid  }
0x2: {  	s5 =	rddreg [dreg:$0x1];
	s9 =	stileid.u32  }
0x3: {  	s2 =	rddreg [dreg:$0x2];
	s3 =	simm.s32 $0x0;
	s6 =	smul.u32 $0x2710, s9  }
0x4: {  	s28 =	simm.s32 $0x6;
	s29 =	simm.s32 $0x1;
	s8 =	smul.u32 $0x14000, s9  }
0x5: {  	s30 =	simm.s32 $0x2;
	s1 =	sand.u32 $0x1, s1;
	s16 =	smul.u32 $0x50000, s9  }
0x6: {  	s31 =	simm.s32 $0x28;
	[smem:$0x7FF] =	sst s3;
	s4 =	smul.u32 $0x27100, s1  }
0x7: {  	s9 =	simm.s32 $0x5;
	s7 =	smul.u32 $0x140000, s1;
	s1 =	ssub.s32 $0x2, s1  }
0x8: {  	_ =	strace $0x80000050;
	s10 =	sshrl.u32 s1, $0x1;
	s18 =	sshrl.u32 s16, $0x2  }
0x9: {  	s6 =	sadd.s32 s6, s4;
	s4 =	sadd.s32 $0x3E00, s0;
	s7 =	sadd.s32 s8, s7  }
0xa: {  	s1 =	ssub.s32 s1, s10;
	s6 =	sshrl.u32 s6, $0x3;
	s7 =	sshrl.u32 s7, $0x3  }
0xb: {  	s17 =	sadd.s32 s6, s0;
	s0 =	sadd.s32 s7, s0;
	s5 =	sadd.s32 s5, s6  }
0xc: {  	s7 =	sadd.s32 s18, s2;
	s19 =	sadd.s32 $0x67800, s17;
	[dreg:$0x5] =	wrdreg s5  }
0xd: {  	s8 =	simm.s32 $0x4;
	s20 =	sadd.s32 $0x1400, s7;
	[dreg:$0x4] =	wrdreg s19  }
0xe: {  	s10 =	simm.s32 $0x0;
	s21 =	sadd.s32 $0x2800, s7;
	[dreg:$0x6] =	wrdreg s20  }
0xf: {  	s6 =	simm.s32 $0x3;
	s22 =	sadd.s32 $0x3C00, s7;
	[dreg:$0x7] =	wrdreg s21  }
0x10: {  	s23 =	sadd.s32 $0x5000, s7;
	s24 =	sadd.s32 $0x6400, s7;
	[dreg:$0x8] =	wrdreg s22  }
0x11: {  	s25 =	sadd.s32 $0x7800, s7;
	s26 =	sadd.s32 $0x8C00, s7;
	[dreg:$0x9] =	wrdreg s23  }
0x12: {  	s15 =	sadd.s32 $0xA000, s7;
	s16 =	sadd.s32 $0xB400, s7;
	[dreg:$0xa] =	wrdreg s24  }
0x13: {  	s17 =	sadd.s32 $0xC800, s7;
	s18 =	sadd.s32 $0xDC00, s7;
	[dreg:$0xb] =	wrdreg s25  }
0x14: {  	s5 =	simm.s32 $0x9F00;
	[dreg:$0xc] =	wrdreg s26;
	s19 =	sadd.s32 $0xF000, s7  }
0x15: {  	s20 =	sadd.s32 $0x10400, s7;
	s21 =	sadd.s32 $0x11800, s7;
	s22 =	sadd.s32 $0x12C00, s7  }
0x16: {  	s23 =	sadd.s32 $0x71600, s0;
	s24 =	smax.u32 s1, $0x1;
	s26 =	simm.s32 $0x4F00  }
0x17: {  	v0 =	vimm.f32 $0.0e+00;
	s1 =	simm.s32 $0x6300;
	s25 =	simm.s32 $0x7700;
	s0 =	simm.s32 $0x8B00  }
.LBB2_1:
0x18: {  	s11 =	rddreg [dreg:$0x4]  }
0x19: {  	[tilespmem:s3], [sflag:$0x1] =	stream.linear.gather [hbm4b:s11+s3], $0x2710, $0x38;
	[tilespmem:$0x1F300] =	vst v63  }
0x1a: {  	s14 =	rddreg [dreg:$0x5];
	s12 =	simm.s32 $0x2780;
	s13 =	sand.u32 $0x7E00, s3  }
0x1b: {  	[tilespmem:s12], [sflag:$0x2] =	stream.linear.gather [hbm4b:s14+s3], $0x2710, $0x38;
	[tilespmem:$0x1F300] =	vst v63  }
0x1c: {  	s13 =	sshrl.u32 s13, $0x2;
	s14 =	sand.u32 $0x70, s3  }
0x1d: {  	s11 =	simm.s32 $0x40;
	s12 =	simm.s32 $0x0;
	s13 =	sor.u32 s14, s13  }
.LBB2_2:
0x1e: {  	p0 =	sne.s32 s11, $0x4FC0  }
0x1f: {  	[tilespmem:s13+$0x4F00] =	vst v0;
	s12 =	sadd.s32 $0x10, s12;
	s13 =	smov.u32 s11;
	s11 =	sadd.s32 $0x40, s11  }
.Ltmp0:
0x20: {  	(pc) =	sbr.rel @p0 .LBB2_2-.Ltmp0, $4  }
0x21: {  	_ = 	snop  }
0x22: {  	s13 =	sand.u32 $0x7E00, s13  }
0x23: {  	s14 =	sand.u32 $0x70, s12;
	s13 =	sshrl.u32 s13, $0x2  }
0x24: {  	s13 =	sor.u32 s14, s13  }
0x25: {  	[tilespmem:s13+$0x4F00] =	vst v0  }
0x26: {  	[spmem:s7] =	stream.linear.scatter [tilespmem:s26], [sflag:$0x6], $0x1400, $0x38;
	[tilespmem:$0x1F300] =	vst v63  }
0x27: {  	_ =	swait.ge [sflag:s28], $0x1400  }
0x28: {  	[sflag:s28] =	ssyncset.done $0x0  }
0x29: {  	s11 =	rddreg [dreg:$0x6];
	[sflag:s28] =	ssyncadd.s32 $0xFFFFEC00  }
0x2a: {  	[spmem:s11] =	stream.linear.scatter [tilespmem:s26], [sflag:$0x6], $0x1400, $0x38;
	[tilespmem:$0x1F300] =	vst v63  }
0x2b: {  	_ =	swait.ge [sflag:s28], $0x1400  }
0x2c: {  	[sflag:s28] =	ssyncset.done $0x0  }
0x2d: {  	s14 =	rddreg [dreg:$0x7];
	[sflag:s28] =	ssyncadd.s32 $0xFFFFEC00  }
0x2e: {  	[spmem:s14] =	stream.linear.scatter [tilespmem:s26], [sflag:$0x6], $0x1400, $0x38;
	[tilespmem:$0x1F300] =	vst v63  }
0x2f: {  	_ =	swait.ge [sflag:s28], $0x1400  }
0x30: {  	[sflag:s28] =	ssyncset.done $0x0  }
0x31: {  	s12 =	rddreg [dreg:$0x8];
	[sflag:s28] =	ssyncadd.s32 $0xFFFFEC00  }
0x32: {  	[spmem:s12] =	stream.linear.scatter [tilespmem:s26], [sflag:$0x6], $0x1400, $0x38;
	[tilespmem:$0x1F300] =	vst v63  }
0x33: {  	_ =	swait.ge [sflag:s28], $0x1400  }
0x34: {  	[sflag:s28] =	ssyncset.done $0x0  }
0x35: {  	s13 =	rddreg [dreg:$0x9];
	[sflag:s28] =	ssyncadd.s32 $0xFFFFEC00  }
0x36: {  	[spmem:s13] =	stream.linear.scatter [tilespmem:s26], [sflag:$0x6], $0x1400, $0x38;
	[tilespmem:$0x1F300] =	vst v63  }
0x37: {  	_ =	swait.ge [sflag:s28], $0x1400  }
0x38: {  	[sflag:s28] =	ssyncset.done $0x0  }
0x39: {  	s14 =	rddreg [dreg:$0xa];
	[sflag:s28] =	ssyncadd.s32 $0xFFFFEC00  }
0x3a: {  	[spmem:s14] =	stream.linear.scatter [tilespmem:s26], [sflag:$0x6], $0x1400, $0x38;
	[tilespmem:$0x1F300] =	vst v63  }
0x3b: {  	_ =	swait.ge [sflag:s28], $0x1400  }
0x3c: {  	[sflag:s28] =	ssyncset.done $0x0  }
0x3d: {  	s12 =	rddreg [dreg:$0xb];
	[sflag:s28] =	ssyncadd.s32 $0xFFFFEC00  }
0x3e: {  	[spmem:s12] =	stream.linear.scatter [tilespmem:s26], [sflag:$0x6], $0x1400, $0x38;
	[tilespmem:$0x1F300] =	vst v63  }
0x3f: {  	_ =	swait.ge [sflag:s28], $0x1400  }
0x40: {  	[sflag:s28] =	ssyncset.done $0x0  }
0x41: {  	s13 =	rddreg [dreg:$0xc];
	[sflag:s28] =	ssyncadd.s32 $0xFFFFEC00  }
0x42: {  	[spmem:s13] =	stream.linear.scatter [tilespmem:s26], [sflag:$0x6], $0x1400, $0x38;
	[tilespmem:$0x1F300] =	vst v63  }
0x43: {  	_ =	swait.ge [sflag:s28], $0x1400  }
0x44: {  	[sflag:s28] =	ssyncset.done $0x0  }
0x45: {  	[sflag:s28] =	ssyncadd.s32 $0xFFFFEC00  }
0x46: {  	[spmem:s15] =	stream.linear.scatter [tilespmem:s26], [sflag:$0x6], $0x1400, $0x38;
	[tilespmem:$0x1F300] =	vst v63  }
0x47: {  	_ =	swait.ge [sflag:s28], $0x1400  }
0x48: {  	[sflag:s28] =	ssyncset.done $0x0  }
0x49: {  	[sflag:s28] =	ssyncadd.s32 $0xFFFFEC00  }
0x4a: {  	[spmem:s16] =	stream.linear.scatter [tilespmem:s26], [sflag:$0x6], $0x1400, $0x38;
	[tilespmem:$0x1F300] =	vst v63  }
0x4b: {  	_ =	swait.ge [sflag:s28], $0x1400  }
0x4c: {  	[sflag:s28] =	ssyncset.done $0x0  }
0x4d: {  	[sflag:s28] =	ssyncadd.s32 $0xFFFFEC00  }
0x4e: {  	[spmem:s17] =	stream.linear.scatter [tilespmem:s26], [sflag:$0x6], $0x1400, $0x38;
	[tilespmem:$0x1F300] =	vst v63  }
0x4f: {  	_ =	swait.ge [sflag:s28], $0x1400  }
0x50: {  	[sflag:s28] =	ssyncset.done $0x0  }
0x51: {  	[sflag:s28] =	ssyncadd.s32 $0xFFFFEC00  }
0x52: {  	[spmem:s18] =	stream.linear.scatter [tilespmem:s26], [sflag:$0x6], $0x1400, $0x38;
	[tilespmem:$0x1F300] =	vst v63  }
0x53: {  	_ =	swait.ge [sflag:s28], $0x1400  }
0x54: {  	[sflag:s28] =	ssyncset.done $0x0  }
0x55: {  	[sflag:s28] =	ssyncadd.s32 $0xFFFFEC00  }
0x56: {  	[spmem:s19] =	stream.linear.scatter [tilespmem:s26], [sflag:$0x6], $0x1400, $0x38;
	[tilespmem:$0x1F300] =	vst v63  }
0x57: {  	_ =	swait.ge [sflag:s28], $0x1400  }
0x58: {  	[sflag:s28] =	ssyncset.done $0x0  }
0x59: {  	[sflag:s28] =	ssyncadd.s32 $0xFFFFEC00  }
0x5a: {  	[spmem:s20] =	stream.linear.scatter [tilespmem:s26], [sflag:$0x6], $0x1400, $0x38;
	[tilespmem:$0x1F300] =	vst v63  }
0x5b: {  	_ =	swait.ge [sflag:s28], $0x1400  }
0x5c: {  	[sflag:s28] =	ssyncset.done $0x0  }
0x5d: {  	[sflag:s28] =	ssyncadd.s32 $0xFFFFEC00  }
0x5e: {  	[spmem:s21] =	stream.linear.scatter [tilespmem:s26], [sflag:$0x6], $0x1400, $0x38;
	[tilespmem:$0x1F300] =	vst v63  }
0x5f: {  	_ =	swait.ge [sflag:s28], $0x1400  }
0x60: {  	[sflag:s28] =	ssyncset.done $0x0  }
0x61: {  	[sflag:s28] =	ssyncadd.s32 $0xFFFFEC00  }
0x62: {  	[spmem:s22] =	stream.linear.scatter [tilespmem:s26], [sflag:$0x6], $0x1400, $0x38;
	[tilespmem:$0x1F300] =	vst v63  }
0x63: {  	_ =	swait.ge [sflag:s28], $0x1400  }
0x64: {  	[sflag:s28] =	ssyncset.done $0x0  }
0x65: {  	[sflag:s28] =	ssyncadd.s32 $0xFFFFEC00  }
0x66: {  	_ =	swait.ge [sflag:s29], $0x2710  }
0x67: {  	[sflag:s29] =	ssyncset.done $0x0  }
0x68: {  	[sflag:s29] =	ssyncadd.s32 $0xFFFFD8F0  }
0x69: {  	_ =	swait.ge [sflag:s30], $0x2710  }
0x6a: {  	[sflag:s30] =	ssyncset.done $0x0  }
0x6b: {  	[sflag:s30] =	ssyncadd.s32 $0xFFFFD8F0  }
0x6c: {  	s14 =	simm.s32 $0x0;
	[bflag:$0x0] =	sbarrier.arrive $0xFFFF  }
0x6d: {  	[tilespmem:s26], [sflag:$0x1] =	stream.indirect.gather [hbm4b:s4+s31], $0x80, s14, s31, $0xb8;
	[tilespmem:$0x1F300] =	vst v63  }
0x6e: {  	_ = 	snop  }
0x6f: {  	[tilespmem:s1], [sflag:$0x2] =	stream.indirect.gather [hbm4b:s4+s31], $0x80, s31, s31, $0xb8;
	[tilespmem:$0x1F300] =	vst v63  }
0x70: {  	s12 =	simm.s32 $0x50  }
0x71: {  	[tilespmem:s25], [sflag:$0x3] =	stream.indirect.gather [hbm4b:s4+s31], $0x80, s12, s31, $0xb8;
	[tilespmem:$0x1F300] =	vst v63  }
0x72: {  	s13 =	simm.s32 $0x78  }
0x73: {  	[tilespmem:s0], [sflag:$0x4] =	stream.indirect.gather [hbm4b:s4+s31], $0x80, s13, s31, $0xb8;
	[tilespmem:$0x1F300] =	vst v63  }
0x74: {  	s14 =	simm.s32 $0xA0  }
0x75: {  	[tilespmem:s5], [sflag:$0x5] =	stream.indirect.gather [hbm4b:s4+s31], $0x80, s14, s31, $0xb8;
	[tilespmem:$0x1F300] =	vst v63  }
0x76: {  	_ =	swait.ge [sflag:s29], $0x1400  }
0x77: {  	[sflag:s29] =	ssyncset.done $0x0  }
0x78: {  	s12 =	simm.s32 $0x2780;
	[sflag:s29] =	ssyncadd.s32 $0xFFFFEC00  }
0x79: {  	[spmem:s2] =	stream.indirect.scatter.add.f32 [tilespmem:s26], [sflag:$0x6], $0x80, s12, s31, $0xb8;
	[tilespmem:$0x1F300] =	vst v63  }
0x7a: {  	_ =	swait.ge [sflag:s28], $0x1400  }
0x7b: {  	[sflag:s28] =	ssyncset.done $0x0  }
0x7c: {  	s13 =	simm.s32 $0xC8;
	[sflag:s28] =	ssyncadd.s32 $0xFFFFEC00  }
0x7d: {  	[tilespmem:s26], [sflag:$0x1] =	stream.indirect.gather [hbm4b:s4+s31], $0x80, s13, s31, $0xb8;
	[tilespmem:$0x1F300] =	vst v63  }
0x7e: {  	_ =	swait.ge [sflag:s30], $0x1400  }
0x7f: {  	[sflag:s30] =	ssyncset.done $0x0  }
0x80: {  	s14 =	simm.s32 $0x27A8;
	[sflag:s30] =	ssyncadd.s32 $0xFFFFEC00  }
0x81: {  	[spmem:s2] =	stream.indirect.scatter.add.f32 [tilespmem:s1], [sflag:$0x6], $0x80, s14, s31, $0xb8;
	[tilespmem:$0x1F300] =	vst v63  }
0x82: {  	_ =	swait.ge [sflag:s28], $0x1400  }
0x83: {  	[sflag:s28] =	ssyncset.done $0x0  }
0x84: {  	s12 =	simm.s32 $0xF0;
	[sflag:s28] =	ssyncadd.s32 $0xFFFFEC00  }
0x85: {  	[tilespmem:s1], [sflag:$0x2] =	stream.indirect.gather [hbm4b:s4+s31], $0x80, s12, s31, $0xb8;
	[tilespmem:$0x1F300] =	vst v63  }
0x86: {  	_ =	swait.ge [sflag:s6], $0x1400  }
0x87: {  	[sflag:s6] =	ssyncset.done $0x0  }
0x88: {  	s13 =	simm.s32 $0x27D0;
	[sflag:s6] =	ssyncadd.s32 $0xFFFFEC00  }
0x89: {  	[spmem:s2] =	stream.indirect.scatter.add.f32 [tilespmem:s25], [sflag:$0x6], $0x80, s13, s31, $0xb8;
	[tilespmem:$0x1F300] =	vst v63  }
0x8a: {  	_ =	swait.ge [sflag:s28], $0x1400  }
0x8b: {  	[sflag:s28] =	ssyncset.done $0x0  }
0x8c: {  	s14 =	simm.s32 $0x118;
	[sflag:s28] =	ssyncadd.s32 $0xFFFFEC00  }
0x8d: {  	[tilespmem:s25], [sflag:$0x3] =	stream.indirect.gather [hbm4b:s4+s31], $0x80, s14, s31, $0xb8;
	[tilespmem:$0x1F300] =	vst v63  }
0x8e: {  	_ =	swait.ge [sflag:s8], $0x1400  }
0x8f: {  	[sflag:s8] =	ssyncset.done $0x0  }
0x90: {  	s12 =	simm.s32 $0x27F8;
	[sflag:s8] =	ssyncadd.s32 $0xFFFFEC00  }
0x91: {  	[spmem:s2] =	stream.indirect.scatter.add.f32 [tilespmem:s0], [sflag:$0x6], $0x80, s12, s31, $0xb8;
	[tilespmem:$0x1F300] =	vst v63  }
0x92: {  	_ =	swait.ge [sflag:s28], $0x1400  }
0x93: {  	[sflag:s28] =	ssyncset.done $0x0  }
0x94: {  	s13 =	simm.s32 $0x140;
	[sflag:s28] =	ssyncadd.s32 $0xFFFFEC00  }
0x95: {  	[tilespmem:s0], [sflag:$0x4] =	stream.indirect.gather [hbm4b:s4+s31], $0x80, s13, s31, $0xb8;
	[tilespmem:$0x1F300] =	vst v63  }
0x96: {  	_ =	swait.ge [sflag:s9], $0x1400  }
0x97: {  	[sflag:s9] =	ssyncset.done $0x0  }
0x98: {  	s14 =	simm.s32 $0x2820;
	[sflag:s9] =	ssyncadd.s32 $0xFFFFEC00  }
0x99: {  	[spmem:s2] =	stream.indirect.scatter.add.f32 [tilespmem:s5], [sflag:$0x6], $0x80, s14, s31, $0xb8;
	[tilespmem:$0x1F300] =	vst v63  }
0x9a: {  	_ =	swait.ge [sflag:s28], $0x1400  }
0x9b: {  	[sflag:s28] =	ssyncset.done $0x0  }
0x9c: {  	s11 =	simm.s32 $0x320;
	s12 =	simm.s32 $0x168;
	[sflag:s28] =	ssyncadd.s32 $0xFFFFEC00  }
.LBB2_4:
0x9d: {  	[tilespmem:s5], [sflag:$0x5] =	stream.indirect.gather [hbm4b:s4+s31], $0x80, s12, s31, $0xb8;
	[tilespmem:$0x1F300] =	vst v63  }
0x9e: {  	s12 =	smov.u32 s11  }
0x9f: {  	p0 =	sne.s32 s11, $0x9600;
	s11 =	sadd.s32 $0x320, s11;
	_ =	swait.ge [sflag:s29], $0x1400  }
0xa0: {  	s12 =	sshra.s32 s12, $0x2;
	[sflag:s29] =	ssyncset.done $0x0  }
0xa1: {  	s13 =	sadd.s32 $0x2780, s12;
	[sflag:s29] =	ssyncadd.s32 $0xFFFFEC00  }
0xa2: {  	[spmem:s2] =	stream.indirect.scatter.add.f32 [tilespmem:s26], [sflag:$0x6], $0x80, s13, s31, $0xb8;
	[tilespmem:$0x1F300] =	vst v63  }
0xa3: {  	_ =	swait.ge [sflag:s28], $0x1400  }
0xa4: {  	[sflag:s28] =	ssyncset.done $0x0  }
0xa5: {  	s13 =	sadd.s32 $0xC8, s12;
	[sflag:s28] =	ssyncadd.s32 $0xFFFFEC00  }
0xa6: {  	[tilespmem:s26], [sflag:$0x1] =	stream.indirect.gather [hbm4b:s4+s31], $0x80, s13, s31, $0xb8;
	[tilespmem:$0x1F300] =	vst v63  }
0xa7: {  	_ =	swait.ge [sflag:s30], $0x1400  }
0xa8: {  	[sflag:s30] =	ssyncset.done $0x0  }
0xa9: {  	s13 =	sadd.s32 $0x27A8, s12;
	[sflag:s30] =	ssyncadd.s32 $0xFFFFEC00  }
0xaa: {  	[spmem:s2] =	stream.indirect.scatter.add.f32 [tilespmem:s1], [sflag:$0x6], $0x80, s13, s31, $0xb8;
	[tilespmem:$0x1F300] =	vst v63  }
0xab: {  	_ =	swait.ge [sflag:s28], $0x1400  }
0xac: {  	[sflag:s28] =	ssyncset.done $0x0  }
0xad: {  	s13 =	sadd.s32 $0xF0, s12;
	[sflag:s28] =	ssyncadd.s32 $0xFFFFEC00  }
0xae: {  	[tilespmem:s1], [sflag:$0x2] =	stream.indirect.gather [hbm4b:s4+s31], $0x80, s13, s31, $0xb8;
	[tilespmem:$0x1F300] =	vst v63  }
0xaf: {  	_ =	swait.ge [sflag:s6], $0x1400  }
0xb0: {  	[sflag:s6] =	ssyncset.done $0x0  }
0xb1: {  	s13 =	sadd.s32 $0x27D0, s12;
	[sflag:s6] =	ssyncadd.s32 $0xFFFFEC00  }
0xb2: {  	[spmem:s2] =	stream.indirect.scatter.add.f32 [tilespmem:s25], [sflag:$0x6], $0x80, s13, s31, $0xb8;
	[tilespmem:$0x1F300] =	vst v63  }
0xb3: {  	_ =	swait.ge [sflag:s28], $0x1400  }
0xb4: {  	[sflag:s28] =	ssyncset.done $0x0  }
0xb5: {  	s13 =	sadd.s32 $0x118, s12;
	[sflag:s28] =	ssyncadd.s32 $0xFFFFEC00  }
0xb6: {  	[tilespmem:s25], [sflag:$0x3] =	stream.indirect.gather [hbm4b:s4+s31], $0x80, s13, s31, $0xb8;
	[tilespmem:$0x1F300] =	vst v63  }
0xb7: {  	_ =	swait.ge [sflag:s8], $0x1400  }
0xb8: {  	[sflag:s8] =	ssyncset.done $0x0  }
0xb9: {  	s13 =	sadd.s32 $0x27F8, s12;
	[sflag:s8] =	ssyncadd.s32 $0xFFFFEC00  }
0xba: {  	[spmem:s2] =	stream.indirect.scatter.add.f32 [tilespmem:s0], [sflag:$0x6], $0x80, s13, s31, $0xb8;
	[tilespmem:$0x1F300] =	vst v63  }
0xbb: {  	_ =	swait.ge [sflag:s28], $0x1400  }
0xbc: {  	[sflag:s28] =	ssyncset.done $0x0  }
0xbd: {  	s13 =	sadd.s32 $0x140, s12;
	[sflag:s28] =	ssyncadd.s32 $0xFFFFEC00  }
0xbe: {  	[tilespmem:s0], [sflag:$0x4] =	stream.indirect.gather [hbm4b:s4+s31], $0x80, s13, s31, $0xb8;
	[tilespmem:$0x1F300] =	vst v63  }
0xbf: {  	_ =	swait.ge [sflag:s9], $0x1400  }
0xc0: {  	[sflag:s9] =	ssyncset.done $0x0  }
.Ltmp1:
0xc1: {  	s13 =	sadd.s32 $0x2820, s12;
	[sflag:s9] =	ssyncadd.s32 $0xFFFFEC00;
	(pc) =	sbr.rel @p0 .LBB2_4-.Ltmp1, $4  }
0xc2: {  	[spmem:s2] =	stream.indirect.scatter.add.f32 [tilespmem:s5], [sflag:$0x6], $0x80, s13, s31, $0xb8;
	[tilespmem:$0x1F300] =	vst v63  }
0xc3: {  	_ =	swait.ge [sflag:s28], $0x1400  }
0xc4: {  	[sflag:s28] =	ssyncset.done $0x0  }
0xc5: {  	s12 =	sadd.s32 $0x168, s12;
	[sflag:s28] =	ssyncadd.s32 $0xFFFFEC00  }
0xc6: {  	[tilespmem:s5], [sflag:$0x5] =	stream.indirect.gather [hbm4b:s4+s31], $0x80, s12, s31, $0xb8;
	[tilespmem:$0x1F300] =	vst v63  }
0xc7: {  	_ =	swait.ge [sflag:s29], $0x1400  }
0xc8: {  	[sflag:s29] =	ssyncset.done $0x0  }
0xc9: {  	s11 =	simm.s32 $0x4DC8;
	[sflag:s29] =	ssyncadd.s32 $0xFFFFEC00  }
0xca: {  	[spmem:s2] =	stream.indirect.scatter.add.f32 [tilespmem:s26], [sflag:$0x6], $0x80, s11, s31, $0xb8;
	[tilespmem:$0x1F300] =	vst v63  }
0xcb: {  	_ =	swait.ge [sflag:s28], $0x1400  }
0xcc: {  	[sflag:s28] =	ssyncset.done $0x0  }
0xcd: {  	[sflag:s28] =	ssyncadd.s32 $0xFFFFEC00  }
0xce: {  	_ =	swait.ge [sflag:s30], $0x1400  }
0xcf: {  	[sflag:s30] =	ssyncset.done $0x0  }
0xd0: {  	s12 =	simm.s32 $0x4DF0;
	[sflag:s30] =	ssyncadd.s32 $0xFFFFEC00  }
0xd1: {  	[spmem:s2] =	stream.indirect.scatter.add.f32 [tilespmem:s1], [sflag:$0x6], $0x80, s12, s31, $0xb8;
	[tilespmem:$0x1F300] =	vst v63  }
0xd2: {  	_ =	swait.ge [sflag:s28], $0x1400  }
0xd3: {  	[sflag:s28] =	ssyncset.done $0x0  }
0xd4: {  	[sflag:s28] =	ssyncadd.s32 $0xFFFFEC00  }
0xd5: {  	_ =	swait.ge [sflag:s6], $0x1400  }
0xd6: {  	[sflag:s6] =	ssyncset.done $0x0  }
0xd7: {  	s13 =	simm.s32 $0x4E18;
	[sflag:s6] =	ssyncadd.s32 $0xFFFFEC00  }
0xd8: {  	[spmem:s2] =	stream.indirect.scatter.add.f32 [tilespmem:s25], [sflag:$0x6], $0x80, s13, s31, $0xb8;
	[tilespmem:$0x1F300] =	vst v63  }
0xd9: {  	_ =	swait.ge [sflag:s28], $0x1400  }
0xda: {  	[sflag:s28] =	ssyncset.done $0x0  }
0xdb: {  	[sflag:s28] =	ssyncadd.s32 $0xFFFFEC00  }
0xdc: {  	_ =	swait.ge [sflag:s8], $0x1400  }
0xdd: {  	[sflag:s8] =	ssyncset.done $0x0  }
0xde: {  	s14 =	simm.s32 $0x4E40;
	[sflag:s8] =	ssyncadd.s32 $0xFFFFEC00  }
0xdf: {  	[spmem:s2] =	stream.indirect.scatter.add.f32 [tilespmem:s0], [sflag:$0x6], $0x80, s14, s31, $0xb8;
	[tilespmem:$0x1F300] =	vst v63  }
0xe0: {  	_ =	swait.ge [sflag:s28], $0x1400  }
0xe1: {  	[sflag:s28] =	ssyncset.done $0x0  }
0xe2: {  	[sflag:s28] =	ssyncadd.s32 $0xFFFFEC00  }
0xe3: {  	_ =	swait.ge [sflag:s9], $0x1400  }
0xe4: {  	[sflag:s9] =	ssyncset.done $0x0  }
0xe5: {  	s12 =	simm.s32 $0x4E68;
	[sflag:s9] =	ssyncadd.s32 $0xFFFFEC00  }
0xe6: {  	[spmem:s2] =	stream.indirect.scatter.add.f32 [tilespmem:s5], [sflag:$0x6], $0x80, s12, s31, $0xb8;
	[tilespmem:$0x1F300] =	vst v63  }
0xe7: {  	s13 =	stileid.u32;
	_ =	swait.ge [sflag:s28], $0x1400  }
0xe8: {  	s10 =	sadd.s32 $0x1, s10;
	s11 =	sshll.u32 s13, $0x6;
	[sflag:s28] =	ssyncset.done $0x0  }
0xe9: {  	p0 =	sne.s32 s10, s24;
	s11 =	sor.u32 $0x1C06, s11;
	[sflag:s28] =	ssyncadd.s32 $0xFFFFEC00  }
.Ltmp2:
0xea: {  	s14 =	sshrl.u32 s7, $0x3;
	[bflag:$0x0] =	sbarrier.arrive $0xFFFF;
	(pc) =	sbr.rel @p0 .LBB2_1-.Ltmp2, $4  }
0xeb: {  	[hbm:s23], [sflag:s11] =	dma.local [spmem:s14], $0x2800  }
0xec: {  	_ =	swait.ge [sflag:s28], $0x2800  }
0xed: {  	[sflag:s28] =	ssyncset.done $0x0  }
0xee: {  	[sflag:s28] =	ssyncadd.s32 $0xFFFFD800  }
0xef: {  	_ =	sfence.sel $0x180000  }
0xf0: {  	[bflag:$0x0] =	sbarrier.arrive $0xFFFF  }
0xf1: {  	_ =	strace $0x90000050  }
0xf2: {  	s0 =	stileid.u32;
	[bflag:$0x2] =	sbarrier.arrive $0xFFFF  }
0xf3: {  	p0 =	sne.s32 s0, $0x0;
	s0 =	rddreg [dreg:$0x3]  }
0xf4: {  	s0 =	sadd.s32 @!p0 $0x100000, s0  }
0xf5: {  	[sflag:s0] =	ssyncadd.tile.s32 @!p0 $0x1;
	_ =	shalt  }
.Lfunc_end2:
_tile_overlayer_lowered:
.L_overlay_start_2:
0xf6: {  	(tag) =	ssettag $0x2  }
0xf7: {  	s0 =	rddreg [dreg:$0x0];
	s2 =	stileid.u32  }
0xf8: {  	s1 =	rddreg [dreg:$0x1];
	p0 =	sne.s32 s2, $0x0  }
0xf9: {  	s3 =	rddreg [dreg:$0x2];
	[bflag:$0x3] =	sbarrier.arrive $0xFFFF;
	s2 =	simm.s32 @!p0 $0x1C06  }
0xfa: {  	[timem:s3], [sflag:s2] =	dma.local @!p0 [hbm:s0], s1  }
0xfb: {  	s0 =	simm.s32 @!p0 $0x6  }
0xfc: {  	_ =	swait.ge @!p0 [sflag:s0], s1  }
0xfd: {  	s1 =	ssub.s32 @!p0 $0x0, s1;
	[sflag:s0] =	ssyncset.done @!p0 $0x0  }
0xfe: {  	[sflag:s0] =	ssyncadd.s32 @!p0 s1  }
0xff: {  	[bflag:$0x3] =	sbarrier.arrive $0xFFFF  }
0x100: {  	_ =	shalt  }

</sc_bundles>
